<compile_context>
chip_gen: v7x
topology: tpu7x:2x2x1
jax: 0.10.2.dev20260603
libtpu: 0.0.44.dev20260713+nightly
codegen_flags: <defaults>
</compile_context>

<pallas_src>
import dataclasses
import functools

import jax
import jax.numpy as jnp
import numpy as np
from jax import lax
from jax.experimental import pallas as pl
from jax.experimental.pallas import tpu as pltpu
from jax.experimental.pallas import tpu_sc as plsc

N = 10000
D = 128
H = 4
C = 24
HC = H * C
E = 320000
AW = 128
QW = 128
KVW = 256

NC = 2
NS = 16
L = 16
NW = NC * NS
EPW = E // NW
B = 80
NCHUNK = EPW // B
DR = 624

NB = 1000
GRID = N // NB

_PREC = jax.lax.Precision.HIGHEST



def _edge_body(q_hbm, kv_hbm, dst_hbm, src_hbm, out_hbm,
               dstbuf, srcbuf, qbuf, kvbuf, wbuf, sbuf, sbufi, flagbuf,
               idxg, idxp, acc, sem0, sem1, sems):
    core = lax.axis_index("c")
    sub = lax.axis_index("s")
    wid = core * NS + sub

    @pl.loop(0, B)
    def _zw(i):
        for j in range(AW // L):
            wbuf[i, pl.ds(j * L, L)] = jnp.zeros((L,), jnp.float32)

    base_r = sub * DR
    for t in range(DR // B):
        pltpu.sync_copy(wbuf, acc.at[pl.ds(base_r + t * B, B)])
    pltpu.sync_copy(wbuf.at[pl.ds(0, DR - (DR // B) * B)],
                    acc.at[pl.ds(base_r + (DR // B) * B, DR - (DR // B) * B)])

    @pl.when(sub == NS - 1)
    def _ztail():
        pltpu.sync_copy(wbuf.at[pl.ds(0, N - NS * DR)],
                        acc.at[pl.ds(NS * DR, N - NS * DR)])

    plsc.subcore_barrier()

    ji = lax.iota(jnp.int32, L)
    idx8 = lax.bitwise_and(ji + 8, 15)
    idx4 = lax.bitwise_and(ji + 4, 15)

    @pl.loop(0, NCHUNK)
    def _chunk(ci):
        base = wid * EPW + ci * B
        pltpu.sync_copy(dst_hbm.at[pl.ds(base, B)], dstbuf)
        pltpu.sync_copy(src_hbm.at[pl.ds(base, B)], srcbuf)
        cq = pltpu.async_copy(q_hbm.at[dstbuf], qbuf, sem0)
        ckv = pltpu.async_copy(kv_hbm.at[srcbuf], kvbuf, sem1)
        cq.wait()
        ckv.wait()

        @pl.loop(0, B)
        def _edge(e):
            s = qbuf[e, pl.ds(0, L)] * kvbuf[e, pl.ds(0, L)]
            for j in range(1, HC // L):
                s = s + qbuf[e, pl.ds(j * L, L)] * kvbuf[e, pl.ds(j * L, L)]
            sbuf[...] = s
            s = s + plsc.load_gather(sbuf, [idx8])
            sbuf[...] = s
            s = s + plsc.load_gather(sbuf, [idx4])
            ex = jnp.exp(s)
            for j in range(HC // L):
                wbuf[e, pl.ds(j * L, L)] = kvbuf[e, pl.ds(HC + j * L, L)] * ex
            wbuf[e, pl.ds(HC, L)] = ex
            wbuf[e, pl.ds(HC + L, L)] = jnp.zeros((L,), jnp.float32)

        ji2 = lax.iota(jnp.int32, L)
        idxm1 = lax.bitwise_and(ji2 + 15, 15)
        one = jnp.full((L,), 1, jnp.int32)
        zero = jnp.full((L,), 0, jnp.int32)

        def _dup_of_earlier(keys):
            dk, pv = plsc.sort_key_val(keys, ji2)
            sbufi[...] = dk
            prev = plsc.load_gather(sbufi, [idxm1])
            adj = jnp.where((dk == prev) & (ji2 > 0), one, zero)
            plsc.store_scatter(flagbuf, [pv], adj)
            return flagbuf[...] == 1

        cps = []
        for g in range(B // L):
            d = dstbuf[pl.ds(g * L, L)]
            dup = _dup_of_earlier(d)
            idxg[g, pl.ds(0, L)] = jnp.where(dup, N + ji2, d)
            cps.append(pltpu.async_copy(wbuf.at[pl.ds(g * L, L)],
                                        acc.at[idxg.at[g]], sems, add=True))
            def _patch_pass(rem_i32):
                rem = rem_i32 == 1
                keys = jnp.where(rem, d, N + L + ji2)
                dup2 = _dup_of_earlier(keys)
                resolved = rem & jnp.logical_not(dup2)
                idxp[...] = jnp.where(resolved, d, N + ji2)
                pltpu.sync_copy(wbuf.at[pl.ds(g * L, L)],
                                acc.at[idxp], add=True)
                return jnp.where(rem & dup2, one, zero)

            lax.while_loop(lambda r: jnp.any(r == 1), _patch_pass,
                           jnp.where(dup, one, zero))
        for cp in cps:
            cp.wait()

    plsc.subcore_barrier()
    for t in range(DR // B):
        r0 = base_r + t * B
        pltpu.sync_copy(acc.at[pl.ds(r0, B)], out_hbm.at[core, pl.ds(r0, B)])
    r0 = base_r + (DR // B) * B
    pltpu.sync_copy(acc.at[pl.ds(r0, DR - (DR // B) * B)],
                    out_hbm.at[core, pl.ds(r0, DR - (DR // B) * B)])

    @pl.when(sub == NS - 1)
    def _dtail():
        pltpu.sync_copy(acc.at[pl.ds(NS * DR, N - NS * DR)],
                        out_hbm.at[core, pl.ds(NS * DR, N - NS * DR)])


@functools.lru_cache(maxsize=None)
def _build_edge_pass():
    cp = pltpu.CompilerParams()
    if "needs_layout_passes" in pltpu.CompilerParams.__dataclass_fields__:
        cp = dataclasses.replace(cp, needs_layout_passes=False)
    return pl.kernel(
        _edge_body,
        out_type=jax.ShapeDtypeStruct((NC, N, AW), jnp.float32),
        compiler_params=cp,
        mesh=plsc.VectorSubcoreMesh(core_axis_name="c", subcore_axis_name="s",
                                    num_cores=NC, num_subcores=NS),
        scratch_types=[
            pltpu.VMEM((B,), jnp.int32),
            pltpu.VMEM((B,), jnp.int32),
            pltpu.VMEM((B, QW), jnp.float32),
            pltpu.VMEM((B, KVW), jnp.float32),
            pltpu.VMEM((B, AW), jnp.float32),
            pltpu.VMEM((L,), jnp.float32),
            pltpu.VMEM((L,), jnp.int32),
            pltpu.VMEM((L,), jnp.int32),
            pltpu.VMEM((B // L, L), jnp.int32),
            pltpu.VMEM((L,), jnp.int32),
            pltpu.VMEM_SHARED((N + L, AW), jnp.float32),
            pltpu.SemaphoreType.DMA,
            pltpu.SemaphoreType.DMA,
            pltpu.SemaphoreType.DMA,
        ],
    )


def _edge_pass(q, kv, dst, src):
    return _build_edge_pass()(q, kv, dst, src)



def _store_padded(q_ref, kv_ref, y):
    zq = jnp.zeros((y.shape[0], QW - HC), jnp.float32)
    zkv = jnp.zeros((y.shape[0], KVW - 2 * HC), jnp.float32)
    q_ref[...] = jnp.concatenate([y[:, :HC], zq], axis=1)
    kv_ref[...] = jnp.concatenate([y[:, HC:], zkv], axis=1)


def _proj1_body(x_ref, w_ref, b_ref, q_ref, kv_ref):
    y = jnp.dot(x_ref[...], w_ref[...], preferred_element_type=jnp.float32,
                precision=_PREC) + b_ref[...]
    _store_padded(q_ref, kv_ref, y)


def _combine(acc_ref, xin_ref, texp_ref, ws_ref, bs_ref, wba_ref, wbb_ref):
    a = acc_ref[0] + acc_ref[1]
    den = jnp.dot(a[:, HC:HC + 16], texp_ref[...],
                  preferred_element_type=jnp.float32, precision=_PREC) + 1e-16
    out = a[:, :HC] / den
    xr = jnp.dot(xin_ref[...], ws_ref[...], preferred_element_type=jnp.float32,
                 precision=_PREC) + bs_ref[...]
    g = (jnp.sum(out * wba_ref[...], axis=1, keepdims=True)
         + jnp.sum(xr * wbb_ref[...], axis=1, keepdims=True))
    beta = jax.nn.sigmoid(g)
    return beta * xr + (1.0 - beta) * out


def _mid_body(acc_ref, x_ref, texp_ref, ws_ref, bs_ref, wba_ref, wbb_ref,
              w2_ref, b2_ref, h_ref, q2_ref, kv2_ref):
    hp = _combine(acc_ref, x_ref, texp_ref, ws_ref, bs_ref, wba_ref, wbb_ref)
    h = 0.5 * hp * (1.0 + lax.erf(hp * np.float32(1.0 / np.sqrt(2.0))))
    h_ref[...] = h
    y2 = jnp.dot(h, w2_ref[...], preferred_element_type=jnp.float32,
                 precision=_PREC) + b2_ref[...]
    _store_padded(q2_ref, kv2_ref, y2)


def _fin_body(acc_ref, h_ref, texp_ref, ws_ref, bs_ref, wba_ref, wbb_ref,
              g_ref, bln_ref, o_ref):
    hp = _combine(acc_ref, h_ref, texp_ref, ws_ref, bs_ref, wba_ref, wbb_ref)
    mu = jnp.mean(hp, axis=1, keepdims=True)
    var = jnp.mean((hp - mu) ** 2, axis=1, keepdims=True)
    o_ref[...] = (hp - mu) / jnp.sqrt(var + 1e-5) * g_ref[...] + bln_ref[...]


def _full(shape):
    return pl.BlockSpec(shape, lambda i: (0,) * len(shape))


@functools.lru_cache(maxsize=None)
def _build_tc_kernels(interpret=False):
    proj1 = pl.pallas_call(
        _proj1_body,
        grid=(GRID,),
        in_specs=[
            pl.BlockSpec((NB, D), lambda i: (i, 0)),
            _full((D, 3 * HC)),
            _full((1, 3 * HC)),
        ],
        out_specs=[
            pl.BlockSpec((NB, QW), lambda i: (i, 0)),
            pl.BlockSpec((NB, KVW), lambda i: (i, 0)),
        ],
        out_shape=[
            jax.ShapeDtypeStruct((N, QW), jnp.float32),
            jax.ShapeDtypeStruct((N, KVW), jnp.float32),
        ],
        interpret=interpret,
    )

    mid = pl.pallas_call(
        _mid_body,
        grid=(GRID,),
        in_specs=[
            pl.BlockSpec((NC, NB, AW), lambda i: (0, i, 0)),
            pl.BlockSpec((NB, D), lambda i: (i, 0)),
            _full((16, HC)),
            _full((D, HC)),
            _full((1, HC)),
            _full((1, HC)),
            _full((1, HC)),
            _full((HC, 3 * HC)),
            _full((1, 3 * HC)),
        ],
        out_specs=[
            pl.BlockSpec((NB, HC), lambda i: (i, 0)),
            pl.BlockSpec((NB, QW), lambda i: (i, 0)),
            pl.BlockSpec((NB, KVW), lambda i: (i, 0)),
        ],
        out_shape=[
            jax.ShapeDtypeStruct((N, HC), jnp.float32),
            jax.ShapeDtypeStruct((N, QW), jnp.float32),
            jax.ShapeDtypeStruct((N, KVW), jnp.float32),
        ],
        interpret=interpret,
    )

    fin = pl.pallas_call(
        _fin_body,
        grid=(GRID,),
        in_specs=[
            pl.BlockSpec((NC, NB, AW), lambda i: (0, i, 0)),
            pl.BlockSpec((NB, HC), lambda i: (i, 0)),
            _full((16, HC)),
            _full((HC, HC)),
            _full((1, HC)),
            _full((1, HC)),
            _full((1, HC)),
            _full((1, HC)),
            _full((1, HC)),
        ],
        out_specs=pl.BlockSpec((NB, HC), lambda i: (i, 0)),
        out_shape=jax.ShapeDtypeStruct((N, HC), jnp.float32),
        interpret=interpret,
    )
    return proj1, mid, fin



def _pcol(w):
    return w.reshape(-1, H, C).transpose(0, 2, 1).reshape(w.shape[0], HC)


def _pvec(b):
    return b.reshape(H, C).T.reshape(HC)


def _prow(w):
    return w.reshape(H, C, -1).transpose(1, 0, 2).reshape(HC, w.shape[1])


def kernel(x, edge_index, Wq1, bq1, Wk1, bk1, Wv1, bv1, Ws1, bs1, Wb1,
           Wq2, bq2, Wk2, bk2, Wv2, bv2, Ws2, bs2, Wb2, ln_g, ln_b):
    src = edge_index[0]
    dst = edge_index[1]
    sc = np.float32(1.0 / np.sqrt(C))

    w1 = jnp.concatenate([_pcol(Wq1) * sc, _pcol(Wk1), _pcol(Wv1)], axis=1)
    b1 = jnp.concatenate([_pvec(bq1) * sc, _pvec(bk1), _pvec(bv1)])[None, :]
    ws1, bs1p = _pcol(Ws1), _pvec(bs1)[None, :]
    wba1 = _pvec(Wb1[:HC, 0] + Wb1[2 * HC:, 0])[None, :]
    wbb1 = _pvec(Wb1[HC:2 * HC, 0] - Wb1[2 * HC:, 0])[None, :]

    w2 = jnp.concatenate([_pcol(_prow(Wq2)) * sc, _pcol(_prow(Wk2)),
                          _pcol(_prow(Wv2))], axis=1)
    b2 = jnp.concatenate([_pvec(bq2) * sc, _pvec(bk2), _pvec(bv2)])[None, :]
    ws2, bs2p = _pcol(_prow(Ws2)), _pvec(bs2)[None, :]
    wba2 = _pvec(Wb2[:HC, 0] + Wb2[2 * HC:, 0])[None, :]
    wbb2 = _pvec(Wb2[HC:2 * HC, 0] - Wb2[2 * HC:, 0])[None, :]

    lg, lb = _pvec(ln_g)[None, :], _pvec(ln_b)[None, :]

    li = np.arange(16)[:, None]
    ci = np.arange(HC)[None, :]
    texp = jnp.asarray((li % 4 == ci % 4) * 0.25, dtype=jnp.float32)

    _proj1, _mid, _fin = _build_tc_kernels()

    q1, kv1 = _proj1(x, w1, b1)
    acc1 = _edge_pass(q1, kv1, dst, src)
    h, q2, kv2 = _mid(acc1, x, texp, ws1, bs1p, wba1, wbb1, w2, b2)
    acc2 = _edge_pass(q2, kv2, dst, src)
    yp = _fin(acc2, h, texp, ws2, bs2p, wba2, wbb2, lg, lb)
    return yp.reshape(N, C, H).transpose(0, 2, 1).reshape(N, HC)

# --- scband reference (transcript-rebuilt; emitter-appended) ---
"""Pipeline reference for scband-graph-transformer-7567732375848 (READ-ONLY COPY).

The authoritative reference and input builder live on the scoring server;
editing this copy changes nothing except your own understanding.
"""

import jax, jax.numpy as jnp
import numpy as np

H = 4
C = 24


def _tconv(x, src, dst, Wq, bq, Wk, bk, Wv, bv, Ws, bs, Wb):
    N = x.shape[0]
    q = (x @ Wq + bq).reshape(N, H, C)
    k = (x @ Wk + bk).reshape(N, H, C)
    v = (x @ Wv + bv).reshape(N, H, C)
    # per-edge attention logits, softmax over edges sharing the same dst
    logits = (q[dst] * k[src]).sum(-1) / jnp.sqrt(float(C))  # [E, H]
    m = jax.ops.segment_max(logits, dst, num_segments=N)
    m = jnp.where(jnp.isfinite(m), m, 0.0)
    ex = jnp.exp(logits - m[dst])
    den = jax.ops.segment_sum(ex, dst, num_segments=N)
    alpha = ex / (den[dst] + 1e-16)
    out = jax.ops.segment_sum(v[src] * alpha[:, :, None], dst, num_segments=N)
    out = out.reshape(N, H * C)
    # beta-gated skip connection (beta=True, root_weight=True)
    xr = x @ Ws + bs
    beta = jax.nn.sigmoid(jnp.concatenate([out, xr, out - xr], axis=-1) @ Wb)
    return beta * xr + (1.0 - beta) * out


def setup_inputs(seed: int = 0) -> dict:
    key = jax.random.key(seed)
    ks = jax.random.split(key, 24)
    N, E, D = 10000, 320000, 128
    HC = H * C  # 96
    x = jax.random.normal(ks[0], (N, D), dtype=jnp.float32)
    edge_index = jax.random.randint(ks[1], (2, E), 0, N, dtype=jnp.int32)
    s1 = 1.0 / np.sqrt(D)
    s2 = 1.0 / np.sqrt(HC)
    sb = 1.0 / np.sqrt(3 * HC)
    inp = {"x": x, "edge_index": edge_index}
    # conv1 params (in=128 -> 4 heads x 24)
    inp["Wq1"] = jax.random.normal(ks[2], (D, HC), jnp.float32) * s1
    inp["bq1"] = jnp.zeros((HC,), jnp.float32)
    inp["Wk1"] = jax.random.normal(ks[3], (D, HC), jnp.float32) * s1
    inp["bk1"] = jnp.zeros((HC,), jnp.float32)
    inp["Wv1"] = jax.random.normal(ks[4], (D, HC), jnp.float32) * s1
    inp["bv1"] = jnp.zeros((HC,), jnp.float32)
    inp["Ws1"] = jax.random.normal(ks[5], (D, HC), jnp.float32) * s1
    inp["bs1"] = jnp.zeros((HC,), jnp.float32)
    inp["Wb1"] = jax.random.normal(ks[6], (3 * HC, 1), jnp.float32) * sb
    # conv2 params (in=96 -> 4 heads x 24)
    inp["Wq2"] = jax.random.normal(ks[7], (HC, HC), jnp.float32) * s2
    inp["bq2"] = jnp.zeros((HC,), jnp.float32)
    inp["Wk2"] = jax.random.normal(ks[8], (HC, HC), jnp.float32) * s2
    inp["bk2"] = jnp.zeros((HC,), jnp.float32)
    inp["Wv2"] = jax.random.normal(ks[9], (HC, HC), jnp.float32) * s2
    inp["bv2"] = jnp.zeros((HC,), jnp.float32)
    inp["Ws2"] = jax.random.normal(ks[10], (HC, HC), jnp.float32) * s2
    inp["bs2"] = jnp.zeros((HC,), jnp.float32)
    inp["Wb2"] = jax.random.normal(ks[11], (3 * HC, 1), jnp.float32) * sb
    # final LayerNorm(96)
    inp["ln_g"] = jnp.ones((HC,), jnp.float32)
    inp["ln_b"] = jnp.zeros((HC,), jnp.float32)
    return inp


def reference(x, edge_index, Wq1, bq1, Wk1, bk1, Wv1, bv1, Ws1, bs1, Wb1,
              Wq2, bq2, Wk2, bk2, Wv2, bv2, Ws2, bs2, Wb2, ln_g, ln_b):
    src, dst = edge_index[0], edge_index[1]
    h = _tconv(x, src, dst, Wq1, bq1, Wk1, bk1, Wv1, bv1, Ws1, bs1, Wb1)
    h = jax.nn.gelu(h, approximate=False)
    h = _tconv(h, src, dst, Wq2, bq2, Wk2, bk2, Wv2, bv2, Ws2, bs2, Wb2)
    mu = h.mean(-1, keepdims=True)
    var = ((h - mu) ** 2).mean(-1, keepdims=True)
    h = (h - mu) / jnp.sqrt(var + 1e-5)
    return h * ln_g + ln_b

if __name__ == "__main__":
    import jax
    _d = setup_inputs()
    print(jax.jit(kernel)(*tuple(_d.values())))

</pallas_src>

<mosaic_0001>
#map = affine_map<(d0, d1) -> (0, 0)>
#map1 = affine_map<(d0, d1) -> (0)>
#map2 = affine_map<(d0, d1) -> (0, 0, 0)>
module attributes {stable_mosaic.version = 14 : i64} {
  func.func @_edge_body(%arg0: i32, %arg1: i32, %arg2: memref<10000x128xf32, #tpu.memory_space<hbm>>, %arg3: memref<10000x256xf32, #tpu.memory_space<hbm>>, %arg4: memref<320000xi32, #tpu.memory_space<hbm>>, %arg5: memref<320000xi32, #tpu.memory_space<hbm>>, %arg6: memref<2x10000x128xf32, #tpu.memory_space<hbm>>, %arg7: memref<80xi32, #tpu.memory_space<vmem>>, %arg8: memref<80xi32, #tpu.memory_space<vmem>>, %arg9: memref<80x128xf32, #tpu.memory_space<vmem>>, %arg10: memref<80x256xf32, #tpu.memory_space<vmem>>, %arg11: memref<80x128xf32, #tpu.memory_space<vmem>>, %arg12: memref<16xf32, #tpu.memory_space<vmem>>, %arg13: memref<16xi32, #tpu.memory_space<vmem>>, %arg14: memref<16xi32, #tpu.memory_space<vmem>>, %arg15: memref<5x16xi32, #tpu.memory_space<vmem>>, %arg16: memref<16xi32, #tpu.memory_space<vmem>>, %arg17: memref<10016x128xf32, #tpu.memory_space<vmem_shared>>, %arg18: memref<!tpu.dma_semaphore, #tpu.memory_space<semaphore_mem>>, %arg19: memref<!tpu.dma_semaphore, #tpu.memory_space<semaphore_mem>>, %arg20: memref<!tpu.dma_semaphore, #tpu.memory_space<semaphore_mem>>) attributes {dimension_semantics = [#tpu.dimension_semantics<core_parallel>, #tpu.dimension_semantics<subcore_parallel>], iteration_bounds = array<i64: 2, 16>, scalar_prefetch = 0 : i64, scratch_operands = 14 : i64, tpu.core_type = #tpu.core_type<sc_vector_subcore>, window_params = [{transform_indices = #map}, {transform_indices = #map}, {transform_indices = #map1}, {transform_indices = #map1}, {transform_indices = #map2}]} {
    %mul3A = arith.constant 16 : i32
    %mul3A_0 = arith.muli %arg0, %mul3A : i32
    %add3A = arith.addi %mul3A_0, %arg1 : i32
    %scan3A = arith.constant 0 : i32
    %scan3A_1 = arith.constant 80 : i32
    %scan3A_2 = arith.addi %scan3A, %scan3A_1 : i32
    %scan3A_3 = arith.constant 1 : i32
    scf.for %scan3A_63 = %scan3A to %scan3A_2 step %scan3A_3  : i32 {
      %mul3A_64 = arith.constant 1 : i32
      %mul3A_65 = arith.muli %scan3A_63, %mul3A_64 : i32
      %add3A_66 = arith.constant 0 : i32
      %add3A_67 = arith.addi %add3A_66, %mul3A_65 : i32
      %broadcast_in_dim3A = arith.constant 0.000000e+00 : f32
      %broadcast_in_dim3A_68 = vector.broadcast %broadcast_in_dim3A : f32 to vector<16xf32>
      %swap3A = arith.index_cast %add3A_67 : i32 to index
      %swap3A_69 = arith.constant 0 : index
      %swap3A_70 = tpu.vector_load %arg11[%swap3A, %swap3A_69] {strides = array<i32>} : memref<80x128xf32, #tpu.memory_space<vmem>>, vector<16xf32>,
      tpu.vector_store %arg11[%swap3A, %swap3A_69], %broadcast_in_dim3A_68 {strides = array<i32>} : memref<80x128xf32, #tpu.memory_space<vmem>>, vector<16xf32>,
      %broadcast_in_dim3A_71 = arith.constant 0.000000e+00 : f32
      %broadcast_in_dim3A_72 = vector.broadcast %broadcast_in_dim3A_71 : f32 to vector<16xf32>
      %swap3A_73 = arith.index_cast %add3A_67 : i32 to index
      %swap3A_74 = arith.constant 16 : index
      %swap3A_75 = tpu.vector_load %arg11[%swap3A_73, %swap3A_74] {strides = array<i32>} : memref<80x128xf32, #tpu.memory_space<vmem>>, vector<16xf32>,
      tpu.vector_store %arg11[%swap3A_73, %swap3A_74], %broadcast_in_dim3A_72 {strides = array<i32>} : memref<80x128xf32, #tpu.memory_space<vmem>>, vector<16xf32>,
      %broadcast_in_dim3A_76 = arith.constant 0.000000e+00 : f32
      %broadcast_in_dim3A_77 = vector.broadcast %broadcast_in_dim3A_76 : f32 to vector<16xf32>
      %swap3A_78 = arith.index_cast %add3A_67 : i32 to index
      %swap3A_79 = arith.constant 32 : index
      %swap3A_80 = tpu.vector_load %arg11[%swap3A_78, %swap3A_79] {strides = array<i32>} : memref<80x128xf32, #tpu.memory_space<vmem>>, vector<16xf32>,
      tpu.vector_store %arg11[%swap3A_78, %swap3A_79], %broadcast_in_dim3A_77 {strides = array<i32>} : memref<80x128xf32, #tpu.memory_space<vmem>>, vector<16xf32>,
      %broadcast_in_dim3A_81 = arith.constant 0.000000e+00 : f32
      %broadcast_in_dim3A_82 = vector.broadcast %broadcast_in_dim3A_81 : f32 to vector<16xf32>
      %swap3A_83 = arith.index_cast %add3A_67 : i32 to index
      %swap3A_84 = arith.constant 48 : index
      %swap3A_85 = tpu.vector_load %arg11[%swap3A_83, %swap3A_84] {strides = array<i32>} : memref<80x128xf32, #tpu.memory_space<vmem>>, vector<16xf32>,
      tpu.vector_store %arg11[%swap3A_83, %swap3A_84], %broadcast_in_dim3A_82 {strides = array<i32>} : memref<80x128xf32, #tpu.memory_space<vmem>>, vector<16xf32>,
      %broadcast_in_dim3A_86 = arith.constant 0.000000e+00 : f32
      %broadcast_in_dim3A_87 = vector.broadcast %broadcast_in_dim3A_86 : f32 to vector<16xf32>
      %swap3A_88 = arith.index_cast %add3A_67 : i32 to index
      %swap3A_89 = arith.constant 64 : index
      %swap3A_90 = tpu.vector_load %arg11[%swap3A_88, %swap3A_89] {strides = array<i32>} : memref<80x128xf32, #tpu.memory_space<vmem>>, vector<16xf32>,
      tpu.vector_store %arg11[%swap3A_88, %swap3A_89], %broadcast_in_dim3A_87 {strides = array<i32>} : memref<80x128xf32, #tpu.memory_space<vmem>>, vector<16xf32>,
      %broadcast_in_dim3A_91 = arith.constant 0.000000e+00 : f32
      %broadcast_in_dim3A_92 = vector.broadcast %broadcast_in_dim3A_91 : f32 to vector<16xf32>
      %swap3A_93 = arith.index_cast %add3A_67 : i32 to index
      %swap3A_94 = arith.constant 80 : index
      %swap3A_95 = tpu.vector_load %arg11[%swap3A_93, %swap3A_94] {strides = array<i32>} : memref<80x128xf32, #tpu.memory_space<vmem>>, vector<16xf32>,
      tpu.vector_store %arg11[%swap3A_93, %swap3A_94], %broadcast_in_dim3A_92 {strides = array<i32>} : memref<80x128xf32, #tpu.memory_space<vmem>>, vector<16xf32>,
      %broadcast_in_dim3A_96 = arith.constant 0.000000e+00 : f32
      %broadcast_in_dim3A_97 = vector.broadcast %broadcast_in_dim3A_96 : f32 to vector<16xf32>
      %swap3A_98 = arith.index_cast %add3A_67 : i32 to index
      %swap3A_99 = arith.constant 96 : index
      %swap3A_100 = tpu.vector_load %arg11[%swap3A_98, %swap3A_99] {strides = array<i32>} : memref<80x128xf32, #tpu.memory_space<vmem>>, vector<16xf32>,
      tpu.vector_store %arg11[%swap3A_98, %swap3A_99], %broadcast_in_dim3A_97 {strides = array<i32>} : memref<80x128xf32, #tpu.memory_space<vmem>>, vector<16xf32>,
      %broadcast_in_dim3A_101 = arith.constant 0.000000e+00 : f32
      %broadcast_in_dim3A_102 = vector.broadcast %broadcast_in_dim3A_101 : f32 to vector<16xf32>
      %swap3A_103 = arith.index_cast %add3A_67 : i32 to index
      %swap3A_104 = arith.constant 112 : index
      %swap3A_105 = tpu.vector_load %arg11[%swap3A_103, %swap3A_104] {strides = array<i32>} : memref<80x128xf32, #tpu.memory_space<vmem>>, vector<16xf32>,
      tpu.vector_store %arg11[%swap3A_103, %swap3A_104], %broadcast_in_dim3A_102 {strides = array<i32>} : memref<80x128xf32, #tpu.memory_space<vmem>>, vector<16xf32>,
    }
    %scan3A_4 = arith.constant 80 : i32
    %mul3A_5 = arith.constant 624 : i32
    %mul3A_6 = arith.muli %arg1, %mul3A_5 : i32
    %add3A_7 = arith.constant 0 : i32
    %add3A_8 = arith.addi %mul3A_6, %add3A_7 : i32
    "tpu.region"() ({
      %run_scoped3A = tpu.sem_alloc : memref<!tpu.dma_semaphore, #tpu.memory_space<semaphore_mem>>
      %dma_start3A = arith.constant 0 : i32
      %dma_start3A_63 = tpu.memref_slice %arg17[%add3A_8, %dma_start3A] : memref<10016x128xf32, #tpu.memory_space<vmem_shared>> -> memref<80x128xf32, #tpu.memory_space<vmem_shared>>
      %dma_start3A_64 = arith.constant 0 : i32
      %dma_start3A_65 = tpu.memref_slice %arg17[%add3A_8, %dma_start3A_64] : memref<10016x128xf32, #tpu.memory_space<vmem_shared>> -> memref<80x128xf32, #tpu.memory_space<vmem_shared>>
      tpu.enqueue_dma source(%arg11 : memref<80x128xf32, #tpu.memory_space<vmem>>) target(%dma_start3A_65 : memref<80x128xf32, #tpu.memory_space<vmem_shared>>) target_semaphore(%run_scoped3A : memref<!tpu.dma_semaphore, #tpu.memory_space<semaphore_mem>>)
      %dma_wait3A = arith.constant 0 : i32
      %dma_wait3A_66 = tpu.memref_slice %arg17[%add3A_8, %dma_wait3A] : memref<10016x128xf32, #tpu.memory_space<vmem_shared>> -> memref<80x128xf32, #tpu.memory_space<vmem_shared>>
      %dma_wait3A_67 = arith.constant 0 : i32
      %dma_wait3A_68 = tpu.memref_slice %arg17[%add3A_8, %dma_wait3A_67] : memref<10016x128xf32, #tpu.memory_space<vmem_shared>> -> memref<80x128xf32, #tpu.memory_space<vmem_shared>>
      tpu.wait_dma2 semaphore(%run_scoped3A : memref<!tpu.dma_semaphore, #tpu.memory_space<semaphore_mem>>) src(%arg11 : memref<80x128xf32, #tpu.memory_space<vmem>>) dst(%dma_wait3A_68 : memref<80x128xf32, #tpu.memory_space<vmem_shared>>)
      tpu.yield
    }) : () -> ()
    %add3A_9 = arith.constant 80 : i32
    %add3A_10 = arith.addi %mul3A_6, %add3A_9 : i32
    "tpu.region"() ({
      %run_scoped3A = tpu.sem_alloc : memref<!tpu.dma_semaphore, #tpu.memory_space<semaphore_mem>>
      %dma_start3A = arith.constant 0 : i32
      %dma_start3A_63 = tpu.memref_slice %arg17[%add3A_10, %dma_start3A] : memref<10016x128xf32, #tpu.memory_space<vmem_shared>> -> memref<80x128xf32, #tpu.memory_space<vmem_shared>>
      %dma_start3A_64 = arith.constant 0 : i32
      %dma_start3A_65 = tpu.memref_slice %arg17[%add3A_10, %dma_start3A_64] : memref<10016x128xf32, #tpu.memory_space<vmem_shared>> -> memref<80x128xf32, #tpu.memory_space<vmem_shared>>
      tpu.enqueue_dma source(%arg11 : memref<80x128xf32, #tpu.memory_space<vmem>>) target(%dma_start3A_65 : memref<80x128xf32, #tpu.memory_space<vmem_shared>>) target_semaphore(%run_scoped3A : memref<!tpu.dma_semaphore, #tpu.memory_space<semaphore_mem>>)
      %dma_wait3A = arith.constant 0 : i32
      %dma_wait3A_66 = tpu.memref_slice %arg17[%add3A_10, %dma_wait3A] : memref<10016x128xf32, #tpu.memory_space<vmem_shared>> -> memref<80x128xf32, #tpu.memory_space<vmem_shared>>
      %dma_wait3A_67 = arith.constant 0 : i32
      %dma_wait3A_68 = tpu.memref_slice %arg17[%add3A_10, %dma_wait3A_67] : memref<10016x128xf32, #tpu.memory_space<vmem_shared>> -> memref<80x128xf32, #tpu.memory_space<vmem_shared>>
      tpu.wait_dma2 semaphore(%run_scoped3A : memref<!tpu.dma_semaphore, #tpu.memory_space<semaphore_mem>>) src(%arg11 : memref<80x128xf32, #tpu.memory_space<vmem>>) dst(%dma_wait3A_68 : memref<80x128xf32, #tpu.memory_space<vmem_shared>>)
      tpu.yield
    }) : () -> ()
    %add3A_11 = arith.constant 160 : i32
    %add3A_12 = arith.addi %mul3A_6, %add3A_11 : i32
    "tpu.region"() ({
      %run_scoped3A = tpu.sem_alloc : memref<!tpu.dma_semaphore, #tpu.memory_space<semaphore_mem>>
      %dma_start3A = arith.constant 0 : i32
      %dma_start3A_63 = tpu.memref_slice %arg17[%add3A_12, %dma_start3A] : memref<10016x128xf32, #tpu.memory_space<vmem_shared>> -> memref<80x128xf32, #tpu.memory_space<vmem_shared>>
      %dma_start3A_64 = arith.constant 0 : i32
      %dma_start3A_65 = tpu.memref_slice %arg17[%add3A_12, %dma_start3A_64] : memref<10016x128xf32, #tpu.memory_space<vmem_shared>> -> memref<80x128xf32, #tpu.memory_space<vmem_shared>>
      tpu.enqueue_dma source(%arg11 : memref<80x128xf32, #tpu.memory_space<vmem>>) target(%dma_start3A_65 : memref<80x128xf32, #tpu.memory_space<vmem_shared>>) target_semaphore(%run_scoped3A : memref<!tpu.dma_semaphore, #tpu.memory_space<semaphore_mem>>)
      %dma_wait3A = arith.constant 0 : i32
      %dma_wait3A_66 = tpu.memref_slice %arg17[%add3A_12, %dma_wait3A] : memref<10016x128xf32, #tpu.memory_space<vmem_shared>> -> memref<80x128xf32, #tpu.memory_space<vmem_shared>>
      %dma_wait3A_67 = arith.constant 0 : i32
      %dma_wait3A_68 = tpu.memref_slice %arg17[%add3A_12, %dma_wait3A_67] : memref<10016x128xf32, #tpu.memory_space<vmem_shared>> -> memref<80x128xf32, #tpu.memory_space<vmem_shared>>
      tpu.wait_dma2 semaphore(%run_scoped3A : memref<!tpu.dma_semaphore, #tpu.memory_space<semaphore_mem>>) src(%arg11 : memref<80x128xf32, #tpu.memory_space<vmem>>) dst(%dma_wait3A_68 : memref<80x128xf32, #tpu.memory_space<vmem_shared>>)
      tpu.yield
    }) : () -> ()
    %add3A_13 = arith.constant 240 : i32
    %add3A_14 = arith.addi %mul3A_6, %add3A_13 : i32
    "tpu.region"() ({
      %run_scoped3A = tpu.sem_alloc : memref<!tpu.dma_semaphore, #tpu.memory_space<semaphore_mem>>
      %dma_start3A = arith.constant 0 : i32
      %dma_start3A_63 = tpu.memref_slice %arg17[%add3A_14, %dma_start3A] : memref<10016x128xf32, #tpu.memory_space<vmem_shared>> -> memref<80x128xf32, #tpu.memory_space<vmem_shared>>
      %dma_start3A_64 = arith.constant 0 : i32
      %dma_start3A_65 = tpu.memref_slice %arg17[%add3A_14, %dma_start3A_64] : memref<10016x128xf32, #tpu.memory_space<vmem_shared>> -> memref<80x128xf32, #tpu.memory_space<vmem_shared>>
      tpu.enqueue_dma source(%arg11 : memref<80x128xf32, #tpu.memory_space<vmem>>) target(%dma_start3A_65 : memref<80x128xf32, #tpu.memory_space<vmem_shared>>) target_semaphore(%run_scoped3A : memref<!tpu.dma_semaphore, #tpu.memory_space<semaphore_mem>>)
      %dma_wait3A = arith.constant 0 : i32
      %dma_wait3A_66 = tpu.memref_slice %arg17[%add3A_14, %dma_wait3A] : memref<10016x128xf32, #tpu.memory_space<vmem_shared>> -> memref<80x128xf32, #tpu.memory_space<vmem_shared>>
      %dma_wait3A_67 = arith.constant 0 : i32
      %dma_wait3A_68 = tpu.memref_slice %arg17[%add3A_14, %dma_wait3A_67] : memref<10016x128xf32, #tpu.memory_space<vmem_shared>> -> memref<80x128xf32, #tpu.memory_space<vmem_shared>>
      tpu.wait_dma2 semaphore(%run_scoped3A : memref<!tpu.dma_semaphore, #tpu.memory_space<semaphore_mem>>) src(%arg11 : memref<80x128xf32, #tpu.memory_space<vmem>>) dst(%dma_wait3A_68 : memref<80x128xf32, #tpu.memory_space<vmem_shared>>)
      tpu.yield
    }) : () -> ()
    %add3A_15 = arith.constant 320 : i32
    %add3A_16 = arith.addi %mul3A_6, %add3A_15 : i32
    "tpu.region"() ({
      %run_scoped3A = tpu.sem_alloc : memref<!tpu.dma_semaphore, #tpu.memory_space<semaphore_mem>>
      %dma_start3A = arith.constant 0 : i32
      %dma_start3A_63 = tpu.memref_slice %arg17[%add3A_16, %dma_start3A] : memref<10016x128xf32, #tpu.memory_space<vmem_shared>> -> memref<80x128xf32, #tpu.memory_space<vmem_shared>>
      %dma_start3A_64 = arith.constant 0 : i32
      %dma_start3A_65 = tpu.memref_slice %arg17[%add3A_16, %dma_start3A_64] : memref<10016x128xf32, #tpu.memory_space<vmem_shared>> -> memref<80x128xf32, #tpu.memory_space<vmem_shared>>
      tpu.enqueue_dma source(%arg11 : memref<80x128xf32, #tpu.memory_space<vmem>>) target(%dma_start3A_65 : memref<80x128xf32, #tpu.memory_space<vmem_shared>>) target_semaphore(%run_scoped3A : memref<!tpu.dma_semaphore, #tpu.memory_space<semaphore_mem>>)
      %dma_wait3A = arith.constant 0 : i32
      %dma_wait3A_66 = tpu.memref_slice %arg17[%add3A_16, %dma_wait3A] : memref<10016x128xf32, #tpu.memory_space<vmem_shared>> -> memref<80x128xf32, #tpu.memory_space<vmem_shared>>
      %dma_wait3A_67 = arith.constant 0 : i32
      %dma_wait3A_68 = tpu.memref_slice %arg17[%add3A_16, %dma_wait3A_67] : memref<10016x128xf32, #tpu.memory_space<vmem_shared>> -> memref<80x128xf32, #tpu.memory_space<vmem_shared>>
      tpu.wait_dma2 semaphore(%run_scoped3A : memref<!tpu.dma_semaphore, #tpu.memory_space<semaphore_mem>>) src(%arg11 : memref<80x128xf32, #tpu.memory_space<vmem>>) dst(%dma_wait3A_68 : memref<80x128xf32, #tpu.memory_space<vmem_shared>>)
      tpu.yield
    }) : () -> ()
    %add3A_17 = arith.constant 400 : i32
    %add3A_18 = arith.addi %mul3A_6, %add3A_17 : i32
    "tpu.region"() ({
      %run_scoped3A = tpu.sem_alloc : memref<!tpu.dma_semaphore, #tpu.memory_space<semaphore_mem>>
      %dma_start3A = arith.constant 0 : i32
      %dma_start3A_63 = tpu.memref_slice %arg17[%add3A_18, %dma_start3A] : memref<10016x128xf32, #tpu.memory_space<vmem_shared>> -> memref<80x128xf32, #tpu.memory_space<vmem_shared>>
      %dma_start3A_64 = arith.constant 0 : i32
      %dma_start3A_65 = tpu.memref_slice %arg17[%add3A_18, %dma_start3A_64] : memref<10016x128xf32, #tpu.memory_space<vmem_shared>> -> memref<80x128xf32, #tpu.memory_space<vmem_shared>>
      tpu.enqueue_dma source(%arg11 : memref<80x128xf32, #tpu.memory_space<vmem>>) target(%dma_start3A_65 : memref<80x128xf32, #tpu.memory_space<vmem_shared>>) target_semaphore(%run_scoped3A : memref<!tpu.dma_semaphore, #tpu.memory_space<semaphore_mem>>)
      %dma_wait3A = arith.constant 0 : i32
      %dma_wait3A_66 = tpu.memref_slice %arg17[%add3A_18, %dma_wait3A] : memref<10016x128xf32, #tpu.memory_space<vmem_shared>> -> memref<80x128xf32, #tpu.memory_space<vmem_shared>>
      %dma_wait3A_67 = arith.constant 0 : i32
      %dma_wait3A_68 = tpu.memref_slice %arg17[%add3A_18, %dma_wait3A_67] : memref<10016x128xf32, #tpu.memory_space<vmem_shared>> -> memref<80x128xf32, #tpu.memory_space<vmem_shared>>
      tpu.wait_dma2 semaphore(%run_scoped3A : memref<!tpu.dma_semaphore, #tpu.memory_space<semaphore_mem>>) src(%arg11 : memref<80x128xf32, #tpu.memory_space<vmem>>) dst(%dma_wait3A_68 : memref<80x128xf32, #tpu.memory_space<vmem_shared>>)
      tpu.yield
    }) : () -> ()
    %add3A_19 = arith.constant 480 : i32
    %add3A_20 = arith.addi %mul3A_6, %add3A_19 : i32
    "tpu.region"() ({
      %run_scoped3A = tpu.sem_alloc : memref<!tpu.dma_semaphore, #tpu.memory_space<semaphore_mem>>
      %dma_start3A = arith.constant 0 : i32
      %dma_start3A_63 = tpu.memref_slice %arg17[%add3A_20, %dma_start3A] : memref<10016x128xf32, #tpu.memory_space<vmem_shared>> -> memref<80x128xf32, #tpu.memory_space<vmem_shared>>
      %dma_start3A_64 = arith.constant 0 : i32
      %dma_start3A_65 = tpu.memref_slice %arg17[%add3A_20, %dma_start3A_64] : memref<10016x128xf32, #tpu.memory_space<vmem_shared>> -> memref<80x128xf32, #tpu.memory_space<vmem_shared>>
      tpu.enqueue_dma source(%arg11 : memref<80x128xf32, #tpu.memory_space<vmem>>) target(%dma_start3A_65 : memref<80x128xf32, #tpu.memory_space<vmem_shared>>) target_semaphore(%run_scoped3A : memref<!tpu.dma_semaphore, #tpu.memory_space<semaphore_mem>>)
      %dma_wait3A = arith.constant 0 : i32
      %dma_wait3A_66 = tpu.memref_slice %arg17[%add3A_20, %dma_wait3A] : memref<10016x128xf32, #tpu.memory_space<vmem_shared>> -> memref<80x128xf32, #tpu.memory_space<vmem_shared>>
      %dma_wait3A_67 = arith.constant 0 : i32
      %dma_wait3A_68 = tpu.memref_slice %arg17[%add3A_20, %dma_wait3A_67] : memref<10016x128xf32, #tpu.memory_space<vmem_shared>> -> memref<80x128xf32, #tpu.memory_space<vmem_shared>>
      tpu.wait_dma2 semaphore(%run_scoped3A : memref<!tpu.dma_semaphore, #tpu.memory_space<semaphore_mem>>) src(%arg11 : memref<80x128xf32, #tpu.memory_space<vmem>>) dst(%dma_wait3A_68 : memref<80x128xf32, #tpu.memory_space<vmem_shared>>)
      tpu.yield
    }) : () -> ()
    %add3A_21 = arith.constant 560 : i32
    %add3A_22 = arith.addi %mul3A_6, %add3A_21 : i32
    "tpu.region"() ({
      %run_scoped3A = tpu.sem_alloc : memref<!tpu.dma_semaphore, #tpu.memory_space<semaphore_mem>>
      %dma_start3A = arith.constant 0 : i32
      %dma_start3A_63 = arith.constant 0 : i32
      %dma_start3A_64 = tpu.memref_slice %arg11[%dma_start3A, %dma_start3A_63] : memref<80x128xf32, #tpu.memory_space<vmem>> -> memref<64x128xf32, #tpu.memory_space<vmem>>
      %dma_start3A_65 = arith.constant 0 : i32
      %dma_start3A_66 = tpu.memref_slice %arg17[%add3A_22, %dma_start3A_65] : memref<10016x128xf32, #tpu.memory_space<vmem_shared>> -> memref<64x128xf32, #tpu.memory_space<vmem_shared>>
      %dma_start3A_67 = arith.constant 0 : i32
      %dma_start3A_68 = tpu.memref_slice %arg17[%add3A_22, %dma_start3A_67] : memref<10016x128xf32, #tpu.memory_space<vmem_shared>> -> memref<64x128xf32, #tpu.memory_space<vmem_shared>>
      %dma_start3A_69 = arith.constant 0 : i32
      %dma_start3A_70 = arith.constant 0 : i32
      %dma_start3A_71 = tpu.memref_slice %arg11[%dma_start3A_69, %dma_start3A_70] : memref<80x128xf32, #tpu.memory_space<vmem>> -> memref<64x128xf32, #tpu.memory_space<vmem>>
      tpu.enqueue_dma source(%dma_start3A_71 : memref<64x128xf32, #tpu.memory_space<vmem>>) target(%dma_start3A_68 : memref<64x128xf32, #tpu.memory_space<vmem_shared>>) target_semaphore(%run_scoped3A : memref<!tpu.dma_semaphore, #tpu.memory_space<semaphore_mem>>)
      %dma_wait3A = arith.constant 0 : i32
      %dma_wait3A_72 = arith.constant 0 : i32
      %dma_wait3A_73 = tpu.memref_slice %arg11[%dma_wait3A, %dma_wait3A_72] : memref<80x128xf32, #tpu.memory_space<vmem>> -> memref<64x128xf32, #tpu.memory_space<vmem>>
      %dma_wait3A_74 = arith.constant 0 : i32
      %dma_wait3A_75 = tpu.memref_slice %arg17[%add3A_22, %dma_wait3A_74] : memref<10016x128xf32, #tpu.memory_space<vmem_shared>> -> memref<64x128xf32, #tpu.memory_space<vmem_shared>>
      %dma_wait3A_76 = arith.constant 0 : i32
      %dma_wait3A_77 = tpu.memref_slice %arg17[%add3A_22, %dma_wait3A_76] : memref<10016x128xf32, #tpu.memory_space<vmem_shared>> -> memref<64x128xf32, #tpu.memory_space<vmem_shared>>
      %dma_wait3A_78 = arith.constant 0 : i32
      %dma_wait3A_79 = arith.constant 0 : i32
      %dma_wait3A_80 = tpu.memref_slice %arg11[%dma_wait3A_78, %dma_wait3A_79] : memref<80x128xf32, #tpu.memory_space<vmem>> -> memref<64x128xf32, #tpu.memory_space<vmem>>
      tpu.wait_dma2 semaphore(%run_scoped3A : memref<!tpu.dma_semaphore, #tpu.memory_space<semaphore_mem>>) src(%dma_wait3A_80 : memref<64x128xf32, #tpu.memory_space<vmem>>) dst(%dma_wait3A_77 : memref<64x128xf32, #tpu.memory_space<vmem_shared>>)
      tpu.yield
    }) : () -> ()
    %eq3A = arith.constant 15 : i32
    %eq3A_23 = arith.cmpi eq, %arg1, %eq3A : i32
    %convert_element_type3A = arith.extui %eq3A_23 : i1 to i32
    %cond3A = arith.constant 0 : i32
    %cond3A_24 = arith.cmpi ne, %convert_element_type3A, %cond3A : i32
    scf.if %cond3A_24 {
      "tpu.region"() ({
        %run_scoped3A = tpu.sem_alloc : memref<!tpu.dma_semaphore, #tpu.memory_space<semaphore_mem>>
        %dma_start3A = arith.constant 0 : i32
        %dma_start3A_63 = arith.constant 0 : i32
        %dma_start3A_64 = tpu.memref_slice %arg11[%dma_start3A, %dma_start3A_63] : memref<80x128xf32, #tpu.memory_space<vmem>> -> memref<16x128xf32, #tpu.memory_space<vmem>>
        %dma_start3A_65 = arith.constant 9984 : i32
        %dma_start3A_66 = arith.constant 0 : i32
        %dma_start3A_67 = tpu.memref_slice %arg17[%dma_start3A_65, %dma_start3A_66] : memref<10016x128xf32, #tpu.memory_space<vmem_shared>> -> memref<16x128xf32, #tpu.memory_space<vmem_shared>>
        %dma_start3A_68 = arith.constant 9984 : i32
        %dma_start3A_69 = arith.constant 0 : i32
        %dma_start3A_70 = tpu.memref_slice %arg17[%dma_start3A_68, %dma_start3A_69] : memref<10016x128xf32, #tpu.memory_space<vmem_shared>> -> memref<16x128xf32, #tpu.memory_space<vmem_shared>>
        %dma_start3A_71 = arith.constant 0 : i32
        %dma_start3A_72 = arith.constant 0 : i32
        %dma_start3A_73 = tpu.memref_slice %arg11[%dma_start3A_71, %dma_start3A_72] : memref<80x128xf32, #tpu.memory_space<vmem>> -> memref<16x128xf32, #tpu.memory_space<vmem>>
        tpu.enqueue_dma source(%dma_start3A_73 : memref<16x128xf32, #tpu.memory_space<vmem>>) target(%dma_start3A_70 : memref<16x128xf32, #tpu.memory_space<vmem_shared>>) target_semaphore(%run_scoped3A : memref<!tpu.dma_semaphore, #tpu.memory_space<semaphore_mem>>)
        %dma_wait3A = arith.constant 0 : i32
        %dma_wait3A_74 = arith.constant 0 : i32
        %dma_wait3A_75 = tpu.memref_slice %arg11[%dma_wait3A, %dma_wait3A_74] : memref<80x128xf32, #tpu.memory_space<vmem>> -> memref<16x128xf32, #tpu.memory_space<vmem>>
        %dma_wait3A_76 = arith.constant 9984 : i32
        %dma_wait3A_77 = arith.constant 0 : i32
        %dma_wait3A_78 = tpu.memref_slice %arg17[%dma_wait3A_76, %dma_wait3A_77] : memref<10016x128xf32, #tpu.memory_space<vmem_shared>> -> memref<16x128xf32, #tpu.memory_space<vmem_shared>>
        %dma_wait3A_79 = arith.constant 9984 : i32
        %dma_wait3A_80 = arith.constant 0 : i32
        %dma_wait3A_81 = tpu.memref_slice %arg17[%dma_wait3A_79, %dma_wait3A_80] : memref<10016x128xf32, #tpu.memory_space<vmem_shared>> -> memref<16x128xf32, #tpu.memory_space<vmem_shared>>
        %dma_wait3A_82 = arith.constant 0 : i32
        %dma_wait3A_83 = arith.constant 0 : i32
        %dma_wait3A_84 = tpu.memref_slice %arg11[%dma_wait3A_82, %dma_wait3A_83] : memref<80x128xf32, #tpu.memory_space<vmem>> -> memref<16x128xf32, #tpu.memory_space<vmem>>
        tpu.wait_dma2 semaphore(%run_scoped3A : memref<!tpu.dma_semaphore, #tpu.memory_space<semaphore_mem>>) src(%dma_wait3A_84 : memref<16x128xf32, #tpu.memory_space<vmem>>) dst(%dma_wait3A_81 : memref<16x128xf32, #tpu.memory_space<vmem_shared>>)
        tpu.yield
      }) : () -> ()
    } else {
    }
    %barrier3A = arith.constant 0 : index
    tpu.barrier barrier_id(%barrier3A)
    %iota3A = tpu.iota {dimensions = array<i32: 0>} : vector<16xi32>
    %add3A_25 = arith.constant 8 : i32
    %add3A_26 = vector.broadcast %add3A_25 : i32 to vector<16xi32>
    %add3A_27 = arith.addi %iota3A, %add3A_26 : vector<16xi32>
    %and3A = arith.constant 15 : i32
    %and3A_28 = vector.broadcast %and3A : i32 to vector<16xi32>
    %and3A_29 = arith.andi %add3A_27, %and3A_28 : vector<16xi32>
    %add3A_30 = arith.constant 4 : i32
    %add3A_31 = vector.broadcast %add3A_30 : i32 to vector<16xi32>
    %add3A_32 = arith.addi %iota3A, %add3A_31 : vector<16xi32>
    %and3A_33 = arith.constant 15 : i32
    %and3A_34 = vector.broadcast %and3A_33 : i32 to vector<16xi32>
    %and3A_35 = arith.andi %add3A_32, %and3A_34 : vector<16xi32>
    %scan3A_36 = arith.constant 0 : i32
    %scan3A_37 = arith.constant 125 : i32
    %scan3A_38 = arith.addi %scan3A_36, %scan3A_37 : i32
    %scan3A_39 = arith.constant 1 : i32
    scf.for %scan3A_63 = %scan3A_36 to %scan3A_38 step %scan3A_39  : i32 {
      %mul3A_64 = arith.constant 1 : i32
      %mul3A_65 = arith.muli %scan3A_63, %mul3A_64 : i32
      %add3A_66 = arith.constant 0 : i32
      %add3A_67 = arith.addi %add3A_66, %mul3A_65 : i32
      %mul3A_68 = arith.constant 10000 : i32
      %mul3A_69 = arith.muli %add3A, %mul3A_68 : i32
      %mul3A_70 = arith.constant 80 : i32
      %mul3A_71 = arith.muli %add3A_67, %mul3A_70 : i32
      %add3A_72 = arith.addi %mul3A_69, %mul3A_71 : i32
      "tpu.region"() ({
        %run_scoped3A = tpu.sem_alloc : memref<!tpu.dma_semaphore, #tpu.memory_space<semaphore_mem>>
        %dma_start3A_361 = tpu.memref_slice %arg4[%add3A_72] : memref<320000xi32, #tpu.memory_space<hbm>> -> memref<80xi32, #tpu.memory_space<hbm>>
        %dma_start3A_362 = tpu.memref_slice %arg4[%add3A_72] : memref<320000xi32, #tpu.memory_space<hbm>> -> memref<80xi32, #tpu.memory_space<hbm>>
        tpu.enqueue_dma source(%dma_start3A_362 : memref<80xi32, #tpu.memory_space<hbm>>) target(%arg7 : memref<80xi32, #tpu.memory_space<vmem>>) target_semaphore(%run_scoped3A : memref<!tpu.dma_semaphore, #tpu.memory_space<semaphore_mem>>)
        %dma_wait3A_363 = tpu.memref_slice %arg4[%add3A_72] : memref<320000xi32, #tpu.memory_space<hbm>> -> memref<80xi32, #tpu.memory_space<hbm>>
        %dma_wait3A_364 = tpu.memref_slice %arg4[%add3A_72] : memref<320000xi32, #tpu.memory_space<hbm>> -> memref<80xi32, #tpu.memory_space<hbm>>
        tpu.wait_dma2 semaphore(%run_scoped3A : memref<!tpu.dma_semaphore, #tpu.memory_space<semaphore_mem>>) src(%dma_wait3A_364 : memref<80xi32, #tpu.memory_space<hbm>>) dst(%arg7 : memref<80xi32, #tpu.memory_space<vmem>>)
        tpu.yield
      }) : () -> ()
      "tpu.region"() ({
        %run_scoped3A = tpu.sem_alloc : memref<!tpu.dma_semaphore, #tpu.memory_space<semaphore_mem>>
        %dma_start3A_361 = tpu.memref_slice %arg5[%add3A_72] : memref<320000xi32, #tpu.memory_space<hbm>> -> memref<80xi32, #tpu.memory_space<hbm>>
        %dma_start3A_362 = tpu.memref_slice %arg5[%add3A_72] : memref<320000xi32, #tpu.memory_space<hbm>> -> memref<80xi32, #tpu.memory_space<hbm>>
        tpu.enqueue_dma source(%dma_start3A_362 : memref<80xi32, #tpu.memory_space<hbm>>) target(%arg8 : memref<80xi32, #tpu.memory_space<vmem>>) target_semaphore(%run_scoped3A : memref<!tpu.dma_semaphore, #tpu.memory_space<semaphore_mem>>)
        %dma_wait3A_363 = tpu.memref_slice %arg5[%add3A_72] : memref<320000xi32, #tpu.memory_space<hbm>> -> memref<80xi32, #tpu.memory_space<hbm>>
        %dma_wait3A_364 = tpu.memref_slice %arg5[%add3A_72] : memref<320000xi32, #tpu.memory_space<hbm>> -> memref<80xi32, #tpu.memory_space<hbm>>
        tpu.wait_dma2 semaphore(%run_scoped3A : memref<!tpu.dma_semaphore, #tpu.memory_space<semaphore_mem>>) src(%dma_wait3A_364 : memref<80xi32, #tpu.memory_space<hbm>>) dst(%arg8 : memref<80xi32, #tpu.memory_space<vmem>>)
        tpu.yield
      }) : () -> ()
      %dma_start3A = arith.constant 0 : i32
      %dma_start3A_73 = arith.constant 0 : i32
      %dma_start3A_74 = tpu.memref_slice %arg2[%dma_start3A, %dma_start3A_73] : memref<10000x128xf32, #tpu.memory_space<hbm>> -> memref<10000x128xf32, #tpu.memory_space<hbm>>
      tpu.enqueue_indirect_dma source(%dma_start3A_74 : memref<10000x128xf32, #tpu.memory_space<hbm>>) target(%arg9 : memref<80x128xf32, #tpu.memory_space<vmem>>) offsets(%arg7 : memref<80xi32, #tpu.memory_space<vmem>>) semaphore(%arg18 : memref<!tpu.dma_semaphore, #tpu.memory_space<semaphore_mem>>)
      %dma_start3A_75 = arith.constant 0 : i32
      %dma_start3A_76 = arith.constant 0 : i32
      %dma_start3A_77 = tpu.memref_slice %arg3[%dma_start3A_75, %dma_start3A_76] : memref<10000x256xf32, #tpu.memory_space<hbm>> -> memref<10000x256xf32, #tpu.memory_space<hbm>>
      tpu.enqueue_indirect_dma source(%dma_start3A_77 : memref<10000x256xf32, #tpu.memory_space<hbm>>) target(%arg10 : memref<80x256xf32, #tpu.memory_space<vmem>>) offsets(%arg8 : memref<80xi32, #tpu.memory_space<vmem>>) semaphore(%arg19 : memref<!tpu.dma_semaphore, #tpu.memory_space<semaphore_mem>>)
      %dma_wait3A = arith.constant 0 : i32
      %dma_wait3A_78 = arith.constant 0 : i32
      %dma_wait3A_79 = tpu.memref_slice %arg2[%dma_wait3A, %dma_wait3A_78] : memref<10000x128xf32, #tpu.memory_space<hbm>> -> memref<10000x128xf32, #tpu.memory_space<hbm>>
      tpu.wait_indirect_dma semaphore(%arg18 : memref<!tpu.dma_semaphore, #tpu.memory_space<semaphore_mem>>) src(%dma_wait3A_79 : memref<10000x128xf32, #tpu.memory_space<hbm>>) dst(%arg9 : memref<80x128xf32, #tpu.memory_space<vmem>>)
      %dma_wait3A_80 = arith.constant 0 : i32
      %dma_wait3A_81 = arith.constant 0 : i32
      %dma_wait3A_82 = tpu.memref_slice %arg3[%dma_wait3A_80, %dma_wait3A_81] : memref<10000x256xf32, #tpu.memory_space<hbm>> -> memref<10000x256xf32, #tpu.memory_space<hbm>>
      tpu.wait_indirect_dma semaphore(%arg19 : memref<!tpu.dma_semaphore, #tpu.memory_space<semaphore_mem>>) src(%dma_wait3A_82 : memref<10000x256xf32, #tpu.memory_space<hbm>>) dst(%arg10 : memref<80x256xf32, #tpu.memory_space<vmem>>)
      %scan3A_83 = arith.constant 0 : i32
      %scan3A_84 = arith.constant 80 : i32
      %scan3A_85 = arith.addi %scan3A_83, %scan3A_84 : i32
      %scan3A_86 = arith.constant 1 : i32
      scf.for %scan3A_361 = %scan3A_83 to %scan3A_85 step %scan3A_86  : i32 {
        %mul3A_362 = arith.constant 1 : i32
        %mul3A_363 = arith.muli %scan3A_361, %mul3A_362 : i32
        %add3A_364 = arith.constant 0 : i32
        %add3A_365 = arith.addi %add3A_364, %mul3A_363 : i32
        %get3A_366 = arith.index_cast %add3A_365 : i32 to index
        %get3A_367 = arith.constant 0 : index
        %get3A_368 = tpu.vector_load %arg9[%get3A_366, %get3A_367] {strides = array<i32>} : memref<80x128xf32, #tpu.memory_space<vmem>>, vector<16xf32>,
        %get3A_369 = arith.index_cast %add3A_365 : i32 to index
        %get3A_370 = arith.constant 0 : index
        %get3A_371 = tpu.vector_load %arg10[%get3A_369, %get3A_370] {strides = array<i32>} : memref<80x256xf32, #tpu.memory_space<vmem>>, vector<16xf32>,
        %mul3A_372 = arith.mulf %get3A_368, %get3A_371 : vector<16xf32>
        %get3A_373 = arith.index_cast %add3A_365 : i32 to index
        %get3A_374 = arith.constant 16 : index
        %get3A_375 = tpu.vector_load %arg9[%get3A_373, %get3A_374] {strides = array<i32>} : memref<80x128xf32, #tpu.memory_space<vmem>>, vector<16xf32>,
        %get3A_376 = arith.index_cast %add3A_365 : i32 to index
        %get3A_377 = arith.constant 16 : index
        %get3A_378 = tpu.vector_load %arg10[%get3A_376, %get3A_377] {strides = array<i32>} : memref<80x256xf32, #tpu.memory_space<vmem>>, vector<16xf32>,
        %mul3A_379 = arith.mulf %get3A_375, %get3A_378 : vector<16xf32>
        %add3A_380 = arith.addf %mul3A_372, %mul3A_379 : vector<16xf32>
        %get3A_381 = arith.index_cast %add3A_365 : i32 to index
        %get3A_382 = arith.constant 32 : index
        %get3A_383 = tpu.vector_load %arg9[%get3A_381, %get3A_382] {strides = array<i32>} : memref<80x128xf32, #tpu.memory_space<vmem>>, vector<16xf32>,
        %get3A_384 = arith.index_cast %add3A_365 : i32 to index
        %get3A_385 = arith.constant 32 : index
        %get3A_386 = tpu.vector_load %arg10[%get3A_384, %get3A_385] {strides = array<i32>} : memref<80x256xf32, #tpu.memory_space<vmem>>, vector<16xf32>,
        %mul3A_387 = arith.mulf %get3A_383, %get3A_386 : vector<16xf32>
        %add3A_388 = arith.addf %add3A_380, %mul3A_387 : vector<16xf32>
        %get3A_389 = arith.index_cast %add3A_365 : i32 to index
        %get3A_390 = arith.constant 48 : index
        %get3A_391 = tpu.vector_load %arg9[%get3A_389, %get3A_390] {strides = array<i32>} : memref<80x128xf32, #tpu.memory_space<vmem>>, vector<16xf32>,
        %get3A_392 = arith.index_cast %add3A_365 : i32 to index
        %get3A_393 = arith.constant 48 : index
        %get3A_394 = tpu.vector_load %arg10[%get3A_392, %get3A_393] {strides = array<i32>} : memref<80x256xf32, #tpu.memory_space<vmem>>, vector<16xf32>,
        %mul3A_395 = arith.mulf %get3A_391, %get3A_394 : vector<16xf32>
        %add3A_396 = arith.addf %add3A_388, %mul3A_395 : vector<16xf32>
        %get3A_397 = arith.index_cast %add3A_365 : i32 to index
        %get3A_398 = arith.constant 64 : index
        %get3A_399 = tpu.vector_load %arg9[%get3A_397, %get3A_398] {strides = array<i32>} : memref<80x128xf32, #tpu.memory_space<vmem>>, vector<16xf32>,
        %get3A_400 = arith.index_cast %add3A_365 : i32 to index
        %get3A_401 = arith.constant 64 : index
        %get3A_402 = tpu.vector_load %arg10[%get3A_400, %get3A_401] {strides = array<i32>} : memref<80x256xf32, #tpu.memory_space<vmem>>, vector<16xf32>,
        %mul3A_403 = arith.mulf %get3A_399, %get3A_402 : vector<16xf32>
        %add3A_404 = arith.addf %add3A_396, %mul3A_403 : vector<16xf32>
        %get3A_405 = arith.index_cast %add3A_365 : i32 to index
        %get3A_406 = arith.constant 80 : index
        %get3A_407 = tpu.vector_load %arg9[%get3A_405, %get3A_406] {strides = array<i32>} : memref<80x128xf32, #tpu.memory_space<vmem>>, vector<16xf32>,
        %get3A_408 = arith.index_cast %add3A_365 : i32 to index
        %get3A_409 = arith.constant 80 : index
        %get3A_410 = tpu.vector_load %arg10[%get3A_408, %get3A_409] {strides = array<i32>} : memref<80x256xf32, #tpu.memory_space<vmem>>, vector<16xf32>,
        %mul3A_411 = arith.mulf %get3A_407, %get3A_410 : vector<16xf32>
        %add3A_412 = arith.addf %add3A_404, %mul3A_411 : vector<16xf32>
        %swap3A_413 = arith.constant 0 : index
        %swap3A_414 = tpu.vector_load %arg12[%swap3A_413] {strides = array<i32>} : memref<16xf32, #tpu.memory_space<vmem>>, vector<16xf32>,
        tpu.vector_store %arg12[%swap3A_413], %add3A_412 {strides = array<i32>} : memref<16xf32, #tpu.memory_space<vmem>>, vector<16xf32>,
        %gather3A_415 = tpu.vector_load_idx %arg12[%and3A_29] : memref<16xf32, #tpu.memory_space<vmem>>[vector<16xi32>], vector<16xf32>,
        %add3A_416 = arith.addf %add3A_412, %gather3A_415 : vector<16xf32>
        %swap3A_417 = arith.constant 0 : index
        %swap3A_418 = tpu.vector_load %arg12[%swap3A_417] {strides = array<i32>} : memref<16xf32, #tpu.memory_space<vmem>>, vector<16xf32>,
        tpu.vector_store %arg12[%swap3A_417], %add3A_416 {strides = array<i32>} : memref<16xf32, #tpu.memory_space<vmem>>, vector<16xf32>,
        %gather3A_419 = tpu.vector_load_idx %arg12[%and3A_35] : memref<16xf32, #tpu.memory_space<vmem>>[vector<16xi32>], vector<16xf32>,
        %add3A_420 = arith.addf %add3A_416, %gather3A_419 : vector<16xf32>
        %exp3A = math.exp %add3A_420 : vector<16xf32>
        %get3A_421 = arith.index_cast %add3A_365 : i32 to index
        %get3A_422 = arith.constant 96 : index
        %get3A_423 = tpu.vector_load %arg10[%get3A_421, %get3A_422] {strides = array<i32>} : memref<80x256xf32, #tpu.memory_space<vmem>>, vector<16xf32>,
        %mul3A_424 = arith.mulf %get3A_423, %exp3A : vector<16xf32>
        %swap3A_425 = arith.index_cast %add3A_365 : i32 to index
        %swap3A_426 = arith.constant 0 : index
        %swap3A_427 = tpu.vector_load %arg11[%swap3A_425, %swap3A_426] {strides = array<i32>} : memref<80x128xf32, #tpu.memory_space<vmem>>, vector<16xf32>,
        tpu.vector_store %arg11[%swap3A_425, %swap3A_426], %mul3A_424 {strides = array<i32>} : memref<80x128xf32, #tpu.memory_space<vmem>>, vector<16xf32>,
        %get3A_428 = arith.index_cast %add3A_365 : i32 to index
        %get3A_429 = arith.constant 112 : index
        %get3A_430 = tpu.vector_load %arg10[%get3A_428, %get3A_429] {strides = array<i32>} : memref<80x256xf32, #tpu.memory_space<vmem>>, vector<16xf32>,
        %mul3A_431 = arith.mulf %get3A_430, %exp3A : vector<16xf32>
        %swap3A_432 = arith.index_cast %add3A_365 : i32 to index
        %swap3A_433 = arith.constant 16 : index
        %swap3A_434 = tpu.vector_load %arg11[%swap3A_432, %swap3A_433] {strides = array<i32>} : memref<80x128xf32, #tpu.memory_space<vmem>>, vector<16xf32>,
        tpu.vector_store %arg11[%swap3A_432, %swap3A_433], %mul3A_431 {strides = array<i32>} : memref<80x128xf32, #tpu.memory_space<vmem>>, vector<16xf32>,
        %get3A_435 = arith.index_cast %add3A_365 : i32 to index
        %get3A_436 = arith.constant 128 : index
        %get3A_437 = tpu.vector_load %arg10[%get3A_435, %get3A_436] {strides = array<i32>} : memref<80x256xf32, #tpu.memory_space<vmem>>, vector<16xf32>,
        %mul3A_438 = arith.mulf %get3A_437, %exp3A : vector<16xf32>
        %swap3A_439 = arith.index_cast %add3A_365 : i32 to index
        %swap3A_440 = arith.constant 32 : index
        %swap3A_441 = tpu.vector_load %arg11[%swap3A_439, %swap3A_440] {strides = array<i32>} : memref<80x128xf32, #tpu.memory_space<vmem>>, vector<16xf32>,
        tpu.vector_store %arg11[%swap3A_439, %swap3A_440], %mul3A_438 {strides = array<i32>} : memref<80x128xf32, #tpu.memory_space<vmem>>, vector<16xf32>,
        %get3A_442 = arith.index_cast %add3A_365 : i32 to index
        %get3A_443 = arith.constant 144 : index
        %get3A_444 = tpu.vector_load %arg10[%get3A_442, %get3A_443] {strides = array<i32>} : memref<80x256xf32, #tpu.memory_space<vmem>>, vector<16xf32>,
        %mul3A_445 = arith.mulf %get3A_444, %exp3A : vector<16xf32>
        %swap3A_446 = arith.index_cast %add3A_365 : i32 to index
        %swap3A_447 = arith.constant 48 : index
        %swap3A_448 = tpu.vector_load %arg11[%swap3A_446, %swap3A_447] {strides = array<i32>} : memref<80x128xf32, #tpu.memory_space<vmem>>, vector<16xf32>,
        tpu.vector_store %arg11[%swap3A_446, %swap3A_447], %mul3A_445 {strides = array<i32>} : memref<80x128xf32, #tpu.memory_space<vmem>>, vector<16xf32>,
        %get3A_449 = arith.index_cast %add3A_365 : i32 to index
        %get3A_450 = arith.constant 160 : index
        %get3A_451 = tpu.vector_load %arg10[%get3A_449, %get3A_450] {strides = array<i32>} : memref<80x256xf32, #tpu.memory_space<vmem>>, vector<16xf32>,
        %mul3A_452 = arith.mulf %get3A_451, %exp3A : vector<16xf32>
        %swap3A_453 = arith.index_cast %add3A_365 : i32 to index
        %swap3A_454 = arith.constant 64 : index
        %swap3A_455 = tpu.vector_load %arg11[%swap3A_453, %swap3A_454] {strides = array<i32>} : memref<80x128xf32, #tpu.memory_space<vmem>>, vector<16xf32>,
        tpu.vector_store %arg11[%swap3A_453, %swap3A_454], %mul3A_452 {strides = array<i32>} : memref<80x128xf32, #tpu.memory_space<vmem>>, vector<16xf32>,
        %get3A_456 = arith.index_cast %add3A_365 : i32 to index
        %get3A_457 = arith.constant 176 : index
        %get3A_458 = tpu.vector_load %arg10[%get3A_456, %get3A_457] {strides = array<i32>} : memref<80x256xf32, #tpu.memory_space<vmem>>, vector<16xf32>,
        %mul3A_459 = arith.mulf %get3A_458, %exp3A : vector<16xf32>
        %swap3A_460 = arith.index_cast %add3A_365 : i32 to index
        %swap3A_461 = arith.constant 80 : index
        %swap3A_462 = tpu.vector_load %arg11[%swap3A_460, %swap3A_461] {strides = array<i32>} : memref<80x128xf32, #tpu.memory_space<vmem>>, vector<16xf32>,
        tpu.vector_store %arg11[%swap3A_460, %swap3A_461], %mul3A_459 {strides = array<i32>} : memref<80x128xf32, #tpu.memory_space<vmem>>, vector<16xf32>,
        %swap3A_463 = arith.index_cast %add3A_365 : i32 to index
        %swap3A_464 = arith.constant 96 : index
        %swap3A_465 = tpu.vector_load %arg11[%swap3A_463, %swap3A_464] {strides = array<i32>} : memref<80x128xf32, #tpu.memory_space<vmem>>, vector<16xf32>,
        tpu.vector_store %arg11[%swap3A_463, %swap3A_464], %exp3A {strides = array<i32>} : memref<80x128xf32, #tpu.memory_space<vmem>>, vector<16xf32>,
        %broadcast_in_dim3A_466 = arith.constant 0.000000e+00 : f32
        %broadcast_in_dim3A_467 = vector.broadcast %broadcast_in_dim3A_466 : f32 to vector<16xf32>
        %swap3A_468 = arith.index_cast %add3A_365 : i32 to index
        %swap3A_469 = arith.constant 112 : index
        %swap3A_470 = tpu.vector_load %arg11[%swap3A_468, %swap3A_469] {strides = array<i32>} : memref<80x128xf32, #tpu.memory_space<vmem>>, vector<16xf32>,
        tpu.vector_store %arg11[%swap3A_468, %swap3A_469], %broadcast_in_dim3A_467 {strides = array<i32>} : memref<80x128xf32, #tpu.memory_space<vmem>>, vector<16xf32>,
      }
      %scan3A_87 = arith.constant 80 : i32
      %iota3A_88 = tpu.iota {dimensions = array<i32: 0>} : vector<16xi32>
      %add3A_89 = arith.constant 15 : i32
      %add3A_90 = vector.broadcast %add3A_89 : i32 to vector<16xi32>
      %add3A_91 = arith.addi %iota3A_88, %add3A_90 : vector<16xi32>
      %and3A_92 = arith.constant 15 : i32
      %and3A_93 = vector.broadcast %and3A_92 : i32 to vector<16xi32>
      %and3A_94 = arith.andi %add3A_91, %and3A_93 : vector<16xi32>
      %broadcast_in_dim3A = arith.constant 1 : i32
      %broadcast_in_dim3A_95 = vector.broadcast %broadcast_in_dim3A : i32 to vector<16xi32>
      %broadcast_in_dim3A_96 = arith.constant 0 : i32
      %broadcast_in_dim3A_97 = vector.broadcast %broadcast_in_dim3A_96 : i32 to vector<16xi32>
      %get3A = arith.constant 0 : index
      %get3A_98 = tpu.vector_load %arg7[%get3A] {strides = array<i32>} : memref<80xi32, #tpu.memory_space<vmem>>, vector<16xi32>,
      %masked_sort3A = arith.constant dense<true> : vector<16xi1>
      %masked_sort3A_99 = arith.constant -2147483648 : i32
      %masked_sort3A_100 = vector.broadcast %masked_sort3A_99 : i32 to vector<16xi32>
      %masked_sort3A_101 = arith.xori %get3A_98, %masked_sort3A_100 : vector<16xi32>
      %masked_sort3A_102, %masked_sort3A_103, %masked_sort3A_104 = tpu.sort %masked_sort3A_101, %iota3A_88 masked %masked_sort3A : (vector<16xi32>, vector<16xi32>, vector<16xi1>) -> (vector<16xi1>, vector<16xi32>, vector<16xi32>)
      %masked_sort3A_105 = arith.xori %masked_sort3A_103, %masked_sort3A_100 : vector<16xi32>
      %swap3A = arith.constant 0 : index
      %swap3A_106 = tpu.vector_load %arg13[%swap3A] {strides = array<i32>} : memref<16xi32, #tpu.memory_space<vmem>>, vector<16xi32>,
      tpu.vector_store %arg13[%swap3A], %masked_sort3A_105 {strides = array<i32>} : memref<16xi32, #tpu.memory_space<vmem>>, vector<16xi32>,
      %gather3A = tpu.vector_load_idx %arg13[%and3A_94] : memref<16xi32, #tpu.memory_space<vmem>>[vector<16xi32>], vector<16xi32>,
      %eq3A_107 = arith.cmpi eq, %masked_sort3A_105, %gather3A : vector<16xi32>
      %gt3A = arith.constant 0 : i32
      %gt3A_108 = vector.broadcast %gt3A : i32 to vector<16xi32>
      %gt3A_109 = arith.cmpi sgt, %iota3A_88, %gt3A_108 : vector<16xi32>
      %and3A_110 = arith.andi %eq3A_107, %gt3A_109 : vector<16xi1>
      %select_n3A = arith.select %and3A_110, %broadcast_in_dim3A_95, %broadcast_in_dim3A_97 : vector<16xi1>, vector<16xi32>
      tpu.vector_store_idx %arg14[%masked_sort3A_104], %select_n3A : memref<16xi32, #tpu.memory_space<vmem>>[vector<16xi32>], vector<16xi32>,
      %get3A_111 = arith.constant 0 : index
      %get3A_112 = tpu.vector_load %arg14[%get3A_111] {strides = array<i32>} : memref<16xi32, #tpu.memory_space<vmem>>, vector<16xi32>,
      %eq3A_113 = arith.constant 1 : i32
      %eq3A_114 = vector.broadcast %eq3A_113 : i32 to vector<16xi32>
      %eq3A_115 = arith.cmpi eq, %get3A_112, %eq3A_114 : vector<16xi32>
      %add3A_116 = arith.constant 10000 : i32
      %add3A_117 = vector.broadcast %add3A_116 : i32 to vector<16xi32>
      %add3A_118 = arith.addi %add3A_117, %iota3A_88 : vector<16xi32>
      %select_n3A_119 = arith.select %eq3A_115, %add3A_118, %get3A_98 : vector<16xi1>, vector<16xi32>
      %swap3A_120 = arith.constant 0 : i32
      %swap3A_121 = arith.index_cast %swap3A_120 : i32 to index
      %swap3A_122 = arith.constant 0 : index
      %swap3A_123 = tpu.vector_load %arg15[%swap3A_121, %swap3A_122] {strides = array<i32>} : memref<5x16xi32, #tpu.memory_space<vmem>>, vector<16xi32>,
      tpu.vector_store %arg15[%swap3A_121, %swap3A_122], %select_n3A_119 {strides = array<i32>} : memref<5x16xi32, #tpu.memory_space<vmem>>, vector<16xi32>,
      %dma_start3A_124 = arith.constant 0 : i32
      %dma_start3A_125 = arith.constant 0 : i32
      %dma_start3A_126 = arith.constant 0 : i32
      %dma_start3A_127 = tpu.memref_slice %arg11[%dma_start3A_125, %dma_start3A_126] : memref<80x128xf32, #tpu.memory_space<vmem>> -> memref<16x128xf32, #tpu.memory_space<vmem>>
      %dma_start3A_128 = arith.constant 0 : i32
      %dma_start3A_129 = tpu.memref_slice %arg15[%dma_start3A_124, %dma_start3A_128] : memref<5x16xi32, #tpu.memory_space<vmem>> -> memref<1x16xi32, #tpu.memory_space<vmem>>
      %dma_start3A_130 = tpu.memref_squeeze %dma_start3A_129 : memref<1x16xi32, #tpu.memory_space<vmem>> -> memref<16xi32, #tpu.memory_space<vmem>>
      %dma_start3A_131 = arith.constant 0 : i32
      %dma_start3A_132 = arith.constant 0 : i32
      %dma_start3A_133 = tpu.memref_slice %arg17[%dma_start3A_131, %dma_start3A_132] : memref<10016x128xf32, #tpu.memory_space<vmem_shared>> -> memref<10016x128xf32, #tpu.memory_space<vmem_shared>>
      tpu.enqueue_indirect_dma source(%dma_start3A_127 : memref<16x128xf32, #tpu.memory_space<vmem>>) target(%dma_start3A_133 : memref<10016x128xf32, #tpu.memory_space<vmem_shared>>) offsets(%dma_start3A_130 : memref<16xi32, #tpu.memory_space<vmem>>) semaphore(%arg20 : memref<!tpu.dma_semaphore, #tpu.memory_space<semaphore_mem>>) {add = true}
      %select_n3A_134 = arith.select %eq3A_115, %broadcast_in_dim3A_95, %broadcast_in_dim3A_97 : vector<16xi1>, vector<16xi32>
      %while3A = scf.while (%while3A_361 = %select_n3A_134) : (vector<16xi32>) -> vector<16xi32> {
        %eq3A_362 = arith.constant 1 : i32
        %eq3A_363 = vector.broadcast %eq3A_362 : i32 to vector<16xi32>
        %eq3A_364 = arith.cmpi eq, %while3A_361, %eq3A_363 : vector<16xi32>
        %reduce_or3A = arith.constant 1.000000e+00 : f32
        %reduce_or3A_365 = arith.constant 0.000000e+00 : f32
        %reduce_or3A_366 = vector.broadcast %reduce_or3A : f32 to vector<16xf32>
        %reduce_or3A_367 = vector.broadcast %reduce_or3A_365 : f32 to vector<16xf32>
        %reduce_or3A_368 = arith.select %eq3A_364, %reduce_or3A_366, %reduce_or3A_367 : vector<16xi1>, vector<16xf32>
        %reduce_or3A_369 = arith.constant true
        %reduce_or3A_370 = vector.broadcast %reduce_or3A_369 : i1 to vector<16xi1>
        %reduce_or3A_371 = tpu.scan <max>, %reduce_or3A_368 masked %reduce_or3A_370 : vector<16xf32>, vector<16xi1> -> vector<16xf32>
        %reduce_or3A_372 = vector.extract %reduce_or3A_371[15] : f32 from vector<16xf32>
        %reduce_or3A_373 = arith.constant 0.000000e+00 : f32
        %reduce_or3A_374 = arith.cmpf ogt, %reduce_or3A_372, %reduce_or3A_373 : f32
        scf.condition(%reduce_or3A_374) %while3A_361 : vector<16xi32>
      } do {
      ^bb0(%while3A_361: vector<16xi32>):
        %eq3A_362 = arith.constant 1 : i32
        %eq3A_363 = vector.broadcast %eq3A_362 : i32 to vector<16xi32>
        %eq3A_364 = arith.cmpi eq, %while3A_361, %eq3A_363 : vector<16xi32>
        %add3A_365 = arith.constant 10016 : i32
        %add3A_366 = vector.broadcast %add3A_365 : i32 to vector<16xi32>
        %add3A_367 = arith.addi %add3A_366, %iota3A_88 : vector<16xi32>
        %select_n3A_368 = arith.select %eq3A_364, %get3A_98, %add3A_367 : vector<16xi1>, vector<16xi32>
        %masked_sort3A_369 = arith.constant dense<true> : vector<16xi1>
        %masked_sort3A_370 = arith.constant -2147483648 : i32
        %masked_sort3A_371 = vector.broadcast %masked_sort3A_370 : i32 to vector<16xi32>
        %masked_sort3A_372 = arith.xori %select_n3A_368, %masked_sort3A_371 : vector<16xi32>
        %masked_sort3A_373, %masked_sort3A_374, %masked_sort3A_375 = tpu.sort %masked_sort3A_372, %iota3A_88 masked %masked_sort3A_369 : (vector<16xi32>, vector<16xi32>, vector<16xi1>) -> (vector<16xi1>, vector<16xi32>, vector<16xi32>)
        %masked_sort3A_376 = arith.xori %masked_sort3A_374, %masked_sort3A_371 : vector<16xi32>
        %swap3A_377 = arith.constant 0 : index
        %swap3A_378 = tpu.vector_load %arg13[%swap3A_377] {strides = array<i32>} : memref<16xi32, #tpu.memory_space<vmem>>, vector<16xi32>,
        tpu.vector_store %arg13[%swap3A_377], %masked_sort3A_376 {strides = array<i32>} : memref<16xi32, #tpu.memory_space<vmem>>, vector<16xi32>,
        %gather3A_379 = tpu.vector_load_idx %arg13[%and3A_94] : memref<16xi32, #tpu.memory_space<vmem>>[vector<16xi32>], vector<16xi32>,
        %eq3A_380 = arith.cmpi eq, %masked_sort3A_376, %gather3A_379 : vector<16xi32>
        %gt3A_381 = arith.constant 0 : i32
        %gt3A_382 = vector.broadcast %gt3A_381 : i32 to vector<16xi32>
        %gt3A_383 = arith.cmpi sgt, %iota3A_88, %gt3A_382 : vector<16xi32>
        %and3A_384 = arith.andi %eq3A_380, %gt3A_383 : vector<16xi1>
        %select_n3A_385 = arith.select %and3A_384, %broadcast_in_dim3A_95, %broadcast_in_dim3A_97 : vector<16xi1>, vector<16xi32>
        tpu.vector_store_idx %arg14[%masked_sort3A_375], %select_n3A_385 : memref<16xi32, #tpu.memory_space<vmem>>[vector<16xi32>], vector<16xi32>,
        %get3A_386 = arith.constant 0 : index
        %get3A_387 = tpu.vector_load %arg14[%get3A_386] {strides = array<i32>} : memref<16xi32, #tpu.memory_space<vmem>>, vector<16xi32>,
        %eq3A_388 = arith.constant 1 : i32
        %eq3A_389 = vector.broadcast %eq3A_388 : i32 to vector<16xi32>
        %eq3A_390 = arith.cmpi eq, %get3A_387, %eq3A_389 : vector<16xi32>
        %not3A = arith.constant dense<true> : vector<16xi1>
        %not3A_391 = arith.xori %eq3A_390, %not3A : vector<16xi1>
        %and3A_392 = arith.andi %eq3A_364, %not3A_391 : vector<16xi1>
        %add3A_393 = arith.constant 10000 : i32
        %add3A_394 = vector.broadcast %add3A_393 : i32 to vector<16xi32>
        %add3A_395 = arith.addi %add3A_394, %iota3A_88 : vector<16xi32>
        %select_n3A_396 = arith.select %and3A_392, %get3A_98, %add3A_395 : vector<16xi1>, vector<16xi32>
        %swap3A_397 = arith.constant 0 : index
        %swap3A_398 = tpu.vector_load %arg16[%swap3A_397] {strides = array<i32>} : memref<16xi32, #tpu.memory_space<vmem>>, vector<16xi32>,
        tpu.vector_store %arg16[%swap3A_397], %select_n3A_396 {strides = array<i32>} : memref<16xi32, #tpu.memory_space<vmem>>, vector<16xi32>,
        "tpu.region"() ({
          %run_scoped3A = tpu.sem_alloc : memref<!tpu.dma_semaphore, #tpu.memory_space<semaphore_mem>>
          %dma_start3A_401 = arith.constant 0 : i32
          %dma_start3A_402 = arith.constant 0 : i32
          %dma_start3A_403 = tpu.memref_slice %arg11[%dma_start3A_401, %dma_start3A_402] : memref<80x128xf32, #tpu.memory_space<vmem>> -> memref<16x128xf32, #tpu.memory_space<vmem>>
          %dma_start3A_404 = arith.constant 0 : i32
          %dma_start3A_405 = arith.constant 0 : i32
          %dma_start3A_406 = tpu.memref_slice %arg17[%dma_start3A_404, %dma_start3A_405] : memref<10016x128xf32, #tpu.memory_space<vmem_shared>> -> memref<10016x128xf32, #tpu.memory_space<vmem_shared>>
          tpu.enqueue_indirect_dma source(%dma_start3A_403 : memref<16x128xf32, #tpu.memory_space<vmem>>) target(%dma_start3A_406 : memref<10016x128xf32, #tpu.memory_space<vmem_shared>>) offsets(%arg16 : memref<16xi32, #tpu.memory_space<vmem>>) semaphore(%run_scoped3A : memref<!tpu.dma_semaphore, #tpu.memory_space<semaphore_mem>>) {add = true}
          %dma_wait3A_407 = arith.constant 0 : i32
          %dma_wait3A_408 = arith.constant 0 : i32
          %dma_wait3A_409 = tpu.memref_slice %arg11[%dma_wait3A_407, %dma_wait3A_408] : memref<80x128xf32, #tpu.memory_space<vmem>> -> memref<16x128xf32, #tpu.memory_space<vmem>>
          %dma_wait3A_410 = arith.constant 0 : i32
          %dma_wait3A_411 = arith.constant 0 : i32
          %dma_wait3A_412 = tpu.memref_slice %arg17[%dma_wait3A_410, %dma_wait3A_411] : memref<10016x128xf32, #tpu.memory_space<vmem_shared>> -> memref<10016x128xf32, #tpu.memory_space<vmem_shared>>
          tpu.wait_indirect_dma semaphore(%run_scoped3A : memref<!tpu.dma_semaphore, #tpu.memory_space<semaphore_mem>>) src(%dma_wait3A_409 : memref<16x128xf32, #tpu.memory_space<vmem>>) dst(%dma_wait3A_412 : memref<10016x128xf32, #tpu.memory_space<vmem_shared>>)
          tpu.yield
        }) : () -> ()
        %and3A_399 = arith.andi %eq3A_364, %eq3A_390 : vector<16xi1>
        %select_n3A_400 = arith.select %and3A_399, %broadcast_in_dim3A_95, %broadcast_in_dim3A_97 : vector<16xi1>, vector<16xi32>
        scf.yield %select_n3A_400 : vector<16xi32>
      }
      %get3A_135 = arith.constant 16 : index
      %get3A_136 = tpu.vector_load %arg7[%get3A_135] {strides = array<i32>} : memref<80xi32, #tpu.memory_space<vmem>>, vector<16xi32>,
      %masked_sort3A_137 = arith.constant dense<true> : vector<16xi1>
      %masked_sort3A_138 = arith.constant -2147483648 : i32
      %masked_sort3A_139 = vector.broadcast %masked_sort3A_138 : i32 to vector<16xi32>
      %masked_sort3A_140 = arith.xori %get3A_136, %masked_sort3A_139 : vector<16xi32>
      %masked_sort3A_141, %masked_sort3A_142, %masked_sort3A_143 = tpu.sort %masked_sort3A_140, %iota3A_88 masked %masked_sort3A_137 : (vector<16xi32>, vector<16xi32>, vector<16xi1>) -> (vector<16xi1>, vector<16xi32>, vector<16xi32>)
      %masked_sort3A_144 = arith.xori %masked_sort3A_142, %masked_sort3A_139 : vector<16xi32>
      %swap3A_145 = arith.constant 0 : index
      %swap3A_146 = tpu.vector_load %arg13[%swap3A_145] {strides = array<i32>} : memref<16xi32, #tpu.memory_space<vmem>>, vector<16xi32>,
      tpu.vector_store %arg13[%swap3A_145], %masked_sort3A_144 {strides = array<i32>} : memref<16xi32, #tpu.memory_space<vmem>>, vector<16xi32>,
      %gather3A_147 = tpu.vector_load_idx %arg13[%and3A_94] : memref<16xi32, #tpu.memory_space<vmem>>[vector<16xi32>], vector<16xi32>,
      %eq3A_148 = arith.cmpi eq, %masked_sort3A_144, %gather3A_147 : vector<16xi32>
      %gt3A_149 = arith.constant 0 : i32
      %gt3A_150 = vector.broadcast %gt3A_149 : i32 to vector<16xi32>
      %gt3A_151 = arith.cmpi sgt, %iota3A_88, %gt3A_150 : vector<16xi32>
      %and3A_152 = arith.andi %eq3A_148, %gt3A_151 : vector<16xi1>
      %select_n3A_153 = arith.select %and3A_152, %broadcast_in_dim3A_95, %broadcast_in_dim3A_97 : vector<16xi1>, vector<16xi32>
      tpu.vector_store_idx %arg14[%masked_sort3A_143], %select_n3A_153 : memref<16xi32, #tpu.memory_space<vmem>>[vector<16xi32>], vector<16xi32>,
      %get3A_154 = arith.constant 0 : index
      %get3A_155 = tpu.vector_load %arg14[%get3A_154] {strides = array<i32>} : memref<16xi32, #tpu.memory_space<vmem>>, vector<16xi32>,
      %eq3A_156 = arith.constant 1 : i32
      %eq3A_157 = vector.broadcast %eq3A_156 : i32 to vector<16xi32>
      %eq3A_158 = arith.cmpi eq, %get3A_155, %eq3A_157 : vector<16xi32>
      %add3A_159 = arith.constant 10000 : i32
      %add3A_160 = vector.broadcast %add3A_159 : i32 to vector<16xi32>
      %add3A_161 = arith.addi %add3A_160, %iota3A_88 : vector<16xi32>
      %select_n3A_162 = arith.select %eq3A_158, %add3A_161, %get3A_136 : vector<16xi1>, vector<16xi32>
      %swap3A_163 = arith.constant 1 : i32
      %swap3A_164 = arith.index_cast %swap3A_163 : i32 to index
      %swap3A_165 = arith.constant 0 : index
      %swap3A_166 = tpu.vector_load %arg15[%swap3A_164, %swap3A_165] {strides = array<i32>} : memref<5x16xi32, #tpu.memory_space<vmem>>, vector<16xi32>,
      tpu.vector_store %arg15[%swap3A_164, %swap3A_165], %select_n3A_162 {strides = array<i32>} : memref<5x16xi32, #tpu.memory_space<vmem>>, vector<16xi32>,
      %dma_start3A_167 = arith.constant 1 : i32
      %dma_start3A_168 = arith.constant 16 : i32
      %dma_start3A_169 = arith.constant 0 : i32
      %dma_start3A_170 = tpu.memref_slice %arg11[%dma_start3A_168, %dma_start3A_169] : memref<80x128xf32, #tpu.memory_space<vmem>> -> memref<16x128xf32, #tpu.memory_space<vmem>>
      %dma_start3A_171 = arith.constant 0 : i32
      %dma_start3A_172 = tpu.memref_slice %arg15[%dma_start3A_167, %dma_start3A_171] : memref<5x16xi32, #tpu.memory_space<vmem>> -> memref<1x16xi32, #tpu.memory_space<vmem>>
      %dma_start3A_173 = tpu.memref_squeeze %dma_start3A_172 : memref<1x16xi32, #tpu.memory_space<vmem>> -> memref<16xi32, #tpu.memory_space<vmem>>
      %dma_start3A_174 = arith.constant 0 : i32
      %dma_start3A_175 = arith.constant 0 : i32
      %dma_start3A_176 = tpu.memref_slice %arg17[%dma_start3A_174, %dma_start3A_175] : memref<10016x128xf32, #tpu.memory_space<vmem_shared>> -> memref<10016x128xf32, #tpu.memory_space<vmem_shared>>
      tpu.enqueue_indirect_dma source(%dma_start3A_170 : memref<16x128xf32, #tpu.memory_space<vmem>>) target(%dma_start3A_176 : memref<10016x128xf32, #tpu.memory_space<vmem_shared>>) offsets(%dma_start3A_173 : memref<16xi32, #tpu.memory_space<vmem>>) semaphore(%arg20 : memref<!tpu.dma_semaphore, #tpu.memory_space<semaphore_mem>>) {add = true}
      %select_n3A_177 = arith.select %eq3A_158, %broadcast_in_dim3A_95, %broadcast_in_dim3A_97 : vector<16xi1>, vector<16xi32>
      %while3A_178 = scf.while (%while3A_361 = %select_n3A_177) : (vector<16xi32>) -> vector<16xi32> {
        %eq3A_362 = arith.constant 1 : i32
        %eq3A_363 = vector.broadcast %eq3A_362 : i32 to vector<16xi32>
        %eq3A_364 = arith.cmpi eq, %while3A_361, %eq3A_363 : vector<16xi32>
        %reduce_or3A = arith.constant 1.000000e+00 : f32
        %reduce_or3A_365 = arith.constant 0.000000e+00 : f32
        %reduce_or3A_366 = vector.broadcast %reduce_or3A : f32 to vector<16xf32>
        %reduce_or3A_367 = vector.broadcast %reduce_or3A_365 : f32 to vector<16xf32>
        %reduce_or3A_368 = arith.select %eq3A_364, %reduce_or3A_366, %reduce_or3A_367 : vector<16xi1>, vector<16xf32>
        %reduce_or3A_369 = arith.constant true
        %reduce_or3A_370 = vector.broadcast %reduce_or3A_369 : i1 to vector<16xi1>
        %reduce_or3A_371 = tpu.scan <max>, %reduce_or3A_368 masked %reduce_or3A_370 : vector<16xf32>, vector<16xi1> -> vector<16xf32>
        %reduce_or3A_372 = vector.extract %reduce_or3A_371[15] : f32 from vector<16xf32>
        %reduce_or3A_373 = arith.constant 0.000000e+00 : f32
        %reduce_or3A_374 = arith.cmpf ogt, %reduce_or3A_372, %reduce_or3A_373 : f32
        scf.condition(%reduce_or3A_374) %while3A_361 : vector<16xi32>
      } do {
      ^bb0(%while3A_361: vector<16xi32>):
        %eq3A_362 = arith.constant 1 : i32
        %eq3A_363 = vector.broadcast %eq3A_362 : i32 to vector<16xi32>
        %eq3A_364 = arith.cmpi eq, %while3A_361, %eq3A_363 : vector<16xi32>
        %add3A_365 = arith.constant 10016 : i32
        %add3A_366 = vector.broadcast %add3A_365 : i32 to vector<16xi32>
        %add3A_367 = arith.addi %add3A_366, %iota3A_88 : vector<16xi32>
        %select_n3A_368 = arith.select %eq3A_364, %get3A_136, %add3A_367 : vector<16xi1>, vector<16xi32>
        %masked_sort3A_369 = arith.constant dense<true> : vector<16xi1>
        %masked_sort3A_370 = arith.constant -2147483648 : i32
        %masked_sort3A_371 = vector.broadcast %masked_sort3A_370 : i32 to vector<16xi32>
        %masked_sort3A_372 = arith.xori %select_n3A_368, %masked_sort3A_371 : vector<16xi32>
        %masked_sort3A_373, %masked_sort3A_374, %masked_sort3A_375 = tpu.sort %masked_sort3A_372, %iota3A_88 masked %masked_sort3A_369 : (vector<16xi32>, vector<16xi32>, vector<16xi1>) -> (vector<16xi1>, vector<16xi32>, vector<16xi32>)
        %masked_sort3A_376 = arith.xori %masked_sort3A_374, %masked_sort3A_371 : vector<16xi32>
        %swap3A_377 = arith.constant 0 : index
        %swap3A_378 = tpu.vector_load %arg13[%swap3A_377] {strides = array<i32>} : memref<16xi32, #tpu.memory_space<vmem>>, vector<16xi32>,
        tpu.vector_store %arg13[%swap3A_377], %masked_sort3A_376 {strides = array<i32>} : memref<16xi32, #tpu.memory_space<vmem>>, vector<16xi32>,
        %gather3A_379 = tpu.vector_load_idx %arg13[%and3A_94] : memref<16xi32, #tpu.memory_space<vmem>>[vector<16xi32>], vector<16xi32>,
        %eq3A_380 = arith.cmpi eq, %masked_sort3A_376, %gather3A_379 : vector<16xi32>
        %gt3A_381 = arith.constant 0 : i32
        %gt3A_382 = vector.broadcast %gt3A_381 : i32 to vector<16xi32>
        %gt3A_383 = arith.cmpi sgt, %iota3A_88, %gt3A_382 : vector<16xi32>
        %and3A_384 = arith.andi %eq3A_380, %gt3A_383 : vector<16xi1>
        %select_n3A_385 = arith.select %and3A_384, %broadcast_in_dim3A_95, %broadcast_in_dim3A_97 : vector<16xi1>, vector<16xi32>
        tpu.vector_store_idx %arg14[%masked_sort3A_375], %select_n3A_385 : memref<16xi32, #tpu.memory_space<vmem>>[vector<16xi32>], vector<16xi32>,
        %get3A_386 = arith.constant 0 : index
        %get3A_387 = tpu.vector_load %arg14[%get3A_386] {strides = array<i32>} : memref<16xi32, #tpu.memory_space<vmem>>, vector<16xi32>,
        %eq3A_388 = arith.constant 1 : i32
        %eq3A_389 = vector.broadcast %eq3A_388 : i32 to vector<16xi32>
        %eq3A_390 = arith.cmpi eq, %get3A_387, %eq3A_389 : vector<16xi32>
        %not3A = arith.constant dense<true> : vector<16xi1>
        %not3A_391 = arith.xori %eq3A_390, %not3A : vector<16xi1>
        %and3A_392 = arith.andi %eq3A_364, %not3A_391 : vector<16xi1>
        %add3A_393 = arith.constant 10000 : i32
        %add3A_394 = vector.broadcast %add3A_393 : i32 to vector<16xi32>
        %add3A_395 = arith.addi %add3A_394, %iota3A_88 : vector<16xi32>
        %select_n3A_396 = arith.select %and3A_392, %get3A_136, %add3A_395 : vector<16xi1>, vector<16xi32>
        %swap3A_397 = arith.constant 0 : index
        %swap3A_398 = tpu.vector_load %arg16[%swap3A_397] {strides = array<i32>} : memref<16xi32, #tpu.memory_space<vmem>>, vector<16xi32>,
        tpu.vector_store %arg16[%swap3A_397], %select_n3A_396 {strides = array<i32>} : memref<16xi32, #tpu.memory_space<vmem>>, vector<16xi32>,
        "tpu.region"() ({
          %run_scoped3A = tpu.sem_alloc : memref<!tpu.dma_semaphore, #tpu.memory_space<semaphore_mem>>
          %dma_start3A_401 = arith.constant 16 : i32
          %dma_start3A_402 = arith.constant 0 : i32
          %dma_start3A_403 = tpu.memref_slice %arg11[%dma_start3A_401, %dma_start3A_402] : memref<80x128xf32, #tpu.memory_space<vmem>> -> memref<16x128xf32, #tpu.memory_space<vmem>>
          %dma_start3A_404 = arith.constant 0 : i32
          %dma_start3A_405 = arith.constant 0 : i32
          %dma_start3A_406 = tpu.memref_slice %arg17[%dma_start3A_404, %dma_start3A_405] : memref<10016x128xf32, #tpu.memory_space<vmem_shared>> -> memref<10016x128xf32, #tpu.memory_space<vmem_shared>>
          tpu.enqueue_indirect_dma source(%dma_start3A_403 : memref<16x128xf32, #tpu.memory_space<vmem>>) target(%dma_start3A_406 : memref<10016x128xf32, #tpu.memory_space<vmem_shared>>) offsets(%arg16 : memref<16xi32, #tpu.memory_space<vmem>>) semaphore(%run_scoped3A : memref<!tpu.dma_semaphore, #tpu.memory_space<semaphore_mem>>) {add = true}
          %dma_wait3A_407 = arith.constant 16 : i32
          %dma_wait3A_408 = arith.constant 0 : i32
          %dma_wait3A_409 = tpu.memref_slice %arg11[%dma_wait3A_407, %dma_wait3A_408] : memref<80x128xf32, #tpu.memory_space<vmem>> -> memref<16x128xf32, #tpu.memory_space<vmem>>
          %dma_wait3A_410 = arith.constant 0 : i32
          %dma_wait3A_411 = arith.constant 0 : i32
          %dma_wait3A_412 = tpu.memref_slice %arg17[%dma_wait3A_410, %dma_wait3A_411] : memref<10016x128xf32, #tpu.memory_space<vmem_shared>> -> memref<10016x128xf32, #tpu.memory_space<vmem_shared>>
          tpu.wait_indirect_dma semaphore(%run_scoped3A : memref<!tpu.dma_semaphore, #tpu.memory_space<semaphore_mem>>) src(%dma_wait3A_409 : memref<16x128xf32, #tpu.memory_space<vmem>>) dst(%dma_wait3A_412 : memref<10016x128xf32, #tpu.memory_space<vmem_shared>>)
          tpu.yield
        }) : () -> ()
        %and3A_399 = arith.andi %eq3A_364, %eq3A_390 : vector<16xi1>
        %select_n3A_400 = arith.select %and3A_399, %broadcast_in_dim3A_95, %broadcast_in_dim3A_97 : vector<16xi1>, vector<16xi32>
        scf.yield %select_n3A_400 : vector<16xi32>
      }
      %get3A_179 = arith.constant 32 : index
      %get3A_180 = tpu.vector_load %arg7[%get3A_179] {strides = array<i32>} : memref<80xi32, #tpu.memory_space<vmem>>, vector<16xi32>,
      %masked_sort3A_181 = arith.constant dense<true> : vector<16xi1>
      %masked_sort3A_182 = arith.constant -2147483648 : i32
      %masked_sort3A_183 = vector.broadcast %masked_sort3A_182 : i32 to vector<16xi32>
      %masked_sort3A_184 = arith.xori %get3A_180, %masked_sort3A_183 : vector<16xi32>
      %masked_sort3A_185, %masked_sort3A_186, %masked_sort3A_187 = tpu.sort %masked_sort3A_184, %iota3A_88 masked %masked_sort3A_181 : (vector<16xi32>, vector<16xi32>, vector<16xi1>) -> (vector<16xi1>, vector<16xi32>, vector<16xi32>)
      %masked_sort3A_188 = arith.xori %masked_sort3A_186, %masked_sort3A_183 : vector<16xi32>
      %swap3A_189 = arith.constant 0 : index
      %swap3A_190 = tpu.vector_load %arg13[%swap3A_189] {strides = array<i32>} : memref<16xi32, #tpu.memory_space<vmem>>, vector<16xi32>,
      tpu.vector_store %arg13[%swap3A_189], %masked_sort3A_188 {strides = array<i32>} : memref<16xi32, #tpu.memory_space<vmem>>, vector<16xi32>,
      %gather3A_191 = tpu.vector_load_idx %arg13[%and3A_94] : memref<16xi32, #tpu.memory_space<vmem>>[vector<16xi32>], vector<16xi32>,
      %eq3A_192 = arith.cmpi eq, %masked_sort3A_188, %gather3A_191 : vector<16xi32>
      %gt3A_193 = arith.constant 0 : i32
      %gt3A_194 = vector.broadcast %gt3A_193 : i32 to vector<16xi32>
      %gt3A_195 = arith.cmpi sgt, %iota3A_88, %gt3A_194 : vector<16xi32>
      %and3A_196 = arith.andi %eq3A_192, %gt3A_195 : vector<16xi1>
      %select_n3A_197 = arith.select %and3A_196, %broadcast_in_dim3A_95, %broadcast_in_dim3A_97 : vector<16xi1>, vector<16xi32>
      tpu.vector_store_idx %arg14[%masked_sort3A_187], %select_n3A_197 : memref<16xi32, #tpu.memory_space<vmem>>[vector<16xi32>], vector<16xi32>,
      %get3A_198 = arith.constant 0 : index
      %get3A_199 = tpu.vector_load %arg14[%get3A_198] {strides = array<i32>} : memref<16xi32, #tpu.memory_space<vmem>>, vector<16xi32>,
      %eq3A_200 = arith.constant 1 : i32
      %eq3A_201 = vector.broadcast %eq3A_200 : i32 to vector<16xi32>
      %eq3A_202 = arith.cmpi eq, %get3A_199, %eq3A_201 : vector<16xi32>
      %add3A_203 = arith.constant 10000 : i32
      %add3A_204 = vector.broadcast %add3A_203 : i32 to vector<16xi32>
      %add3A_205 = arith.addi %add3A_204, %iota3A_88 : vector<16xi32>
      %select_n3A_206 = arith.select %eq3A_202, %add3A_205, %get3A_180 : vector<16xi1>, vector<16xi32>
      %swap3A_207 = arith.constant 2 : i32
      %swap3A_208 = arith.index_cast %swap3A_207 : i32 to index
      %swap3A_209 = arith.constant 0 : index
      %swap3A_210 = tpu.vector_load %arg15[%swap3A_208, %swap3A_209] {strides = array<i32>} : memref<5x16xi32, #tpu.memory_space<vmem>>, vector<16xi32>,
      tpu.vector_store %arg15[%swap3A_208, %swap3A_209], %select_n3A_206 {strides = array<i32>} : memref<5x16xi32, #tpu.memory_space<vmem>>, vector<16xi32>,
      %dma_start3A_211 = arith.constant 2 : i32
      %dma_start3A_212 = arith.constant 32 : i32
      %dma_start3A_213 = arith.constant 0 : i32
      %dma_start3A_214 = tpu.memref_slice %arg11[%dma_start3A_212, %dma_start3A_213] : memref<80x128xf32, #tpu.memory_space<vmem>> -> memref<16x128xf32, #tpu.memory_space<vmem>>
      %dma_start3A_215 = arith.constant 0 : i32
      %dma_start3A_216 = tpu.memref_slice %arg15[%dma_start3A_211, %dma_start3A_215] : memref<5x16xi32, #tpu.memory_space<vmem>> -> memref<1x16xi32, #tpu.memory_space<vmem>>
      %dma_start3A_217 = tpu.memref_squeeze %dma_start3A_216 : memref<1x16xi32, #tpu.memory_space<vmem>> -> memref<16xi32, #tpu.memory_space<vmem>>
      %dma_start3A_218 = arith.constant 0 : i32
      %dma_start3A_219 = arith.constant 0 : i32
      %dma_start3A_220 = tpu.memref_slice %arg17[%dma_start3A_218, %dma_start3A_219] : memref<10016x128xf32, #tpu.memory_space<vmem_shared>> -> memref<10016x128xf32, #tpu.memory_space<vmem_shared>>
      tpu.enqueue_indirect_dma source(%dma_start3A_214 : memref<16x128xf32, #tpu.memory_space<vmem>>) target(%dma_start3A_220 : memref<10016x128xf32, #tpu.memory_space<vmem_shared>>) offsets(%dma_start3A_217 : memref<16xi32, #tpu.memory_space<vmem>>) semaphore(%arg20 : memref<!tpu.dma_semaphore, #tpu.memory_space<semaphore_mem>>) {add = true}
      %select_n3A_221 = arith.select %eq3A_202, %broadcast_in_dim3A_95, %broadcast_in_dim3A_97 : vector<16xi1>, vector<16xi32>
      %while3A_222 = scf.while (%while3A_361 = %select_n3A_221) : (vector<16xi32>) -> vector<16xi32> {
        %eq3A_362 = arith.constant 1 : i32
        %eq3A_363 = vector.broadcast %eq3A_362 : i32 to vector<16xi32>
        %eq3A_364 = arith.cmpi eq, %while3A_361, %eq3A_363 : vector<16xi32>
        %reduce_or3A = arith.constant 1.000000e+00 : f32
        %reduce_or3A_365 = arith.constant 0.000000e+00 : f32
        %reduce_or3A_366 = vector.broadcast %reduce_or3A : f32 to vector<16xf32>
        %reduce_or3A_367 = vector.broadcast %reduce_or3A_365 : f32 to vector<16xf32>
        %reduce_or3A_368 = arith.select %eq3A_364, %reduce_or3A_366, %reduce_or3A_367 : vector<16xi1>, vector<16xf32>
        %reduce_or3A_369 = arith.constant true
        %reduce_or3A_370 = vector.broadcast %reduce_or3A_369 : i1 to vector<16xi1>
        %reduce_or3A_371 = tpu.scan <max>, %reduce_or3A_368 masked %reduce_or3A_370 : vector<16xf32>, vector<16xi1> -> vector<16xf32>
        %reduce_or3A_372 = vector.extract %reduce_or3A_371[15] : f32 from vector<16xf32>
        %reduce_or3A_373 = arith.constant 0.000000e+00 : f32
        %reduce_or3A_374 = arith.cmpf ogt, %reduce_or3A_372, %reduce_or3A_373 : f32
        scf.condition(%reduce_or3A_374) %while3A_361 : vector<16xi32>
      } do {
      ^bb0(%while3A_361: vector<16xi32>):
        %eq3A_362 = arith.constant 1 : i32
        %eq3A_363 = vector.broadcast %eq3A_362 : i32 to vector<16xi32>
        %eq3A_364 = arith.cmpi eq, %while3A_361, %eq3A_363 : vector<16xi32>
        %add3A_365 = arith.constant 10016 : i32
        %add3A_366 = vector.broadcast %add3A_365 : i32 to vector<16xi32>
        %add3A_367 = arith.addi %add3A_366, %iota3A_88 : vector<16xi32>
        %select_n3A_368 = arith.select %eq3A_364, %get3A_180, %add3A_367 : vector<16xi1>, vector<16xi32>
        %masked_sort3A_369 = arith.constant dense<true> : vector<16xi1>
        %masked_sort3A_370 = arith.constant -2147483648 : i32
        %masked_sort3A_371 = vector.broadcast %masked_sort3A_370 : i32 to vector<16xi32>
        %masked_sort3A_372 = arith.xori %select_n3A_368, %masked_sort3A_371 : vector<16xi32>
        %masked_sort3A_373, %masked_sort3A_374, %masked_sort3A_375 = tpu.sort %masked_sort3A_372, %iota3A_88 masked %masked_sort3A_369 : (vector<16xi32>, vector<16xi32>, vector<16xi1>) -> (vector<16xi1>, vector<16xi32>, vector<16xi32>)
        %masked_sort3A_376 = arith.xori %masked_sort3A_374, %masked_sort3A_371 : vector<16xi32>
        %swap3A_377 = arith.constant 0 : index
        %swap3A_378 = tpu.vector_load %arg13[%swap3A_377] {strides = array<i32>} : memref<16xi32, #tpu.memory_space<vmem>>, vector<16xi32>,
        tpu.vector_store %arg13[%swap3A_377], %masked_sort3A_376 {strides = array<i32>} : memref<16xi32, #tpu.memory_space<vmem>>, vector<16xi32>,
        %gather3A_379 = tpu.vector_load_idx %arg13[%and3A_94] : memref<16xi32, #tpu.memory_space<vmem>>[vector<16xi32>], vector<16xi32>,
        %eq3A_380 = arith.cmpi eq, %masked_sort3A_376, %gather3A_379 : vector<16xi32>
        %gt3A_381 = arith.constant 0 : i32
        %gt3A_382 = vector.broadcast %gt3A_381 : i32 to vector<16xi32>
        %gt3A_383 = arith.cmpi sgt, %iota3A_88, %gt3A_382 : vector<16xi32>
        %and3A_384 = arith.andi %eq3A_380, %gt3A_383 : vector<16xi1>
        %select_n3A_385 = arith.select %and3A_384, %broadcast_in_dim3A_95, %broadcast_in_dim3A_97 : vector<16xi1>, vector<16xi32>
        tpu.vector_store_idx %arg14[%masked_sort3A_375], %select_n3A_385 : memref<16xi32, #tpu.memory_space<vmem>>[vector<16xi32>], vector<16xi32>,
        %get3A_386 = arith.constant 0 : index
        %get3A_387 = tpu.vector_load %arg14[%get3A_386] {strides = array<i32>} : memref<16xi32, #tpu.memory_space<vmem>>, vector<16xi32>,
        %eq3A_388 = arith.constant 1 : i32
        %eq3A_389 = vector.broadcast %eq3A_388 : i32 to vector<16xi32>
        %eq3A_390 = arith.cmpi eq, %get3A_387, %eq3A_389 : vector<16xi32>
        %not3A = arith.constant dense<true> : vector<16xi1>
        %not3A_391 = arith.xori %eq3A_390, %not3A : vector<16xi1>
        %and3A_392 = arith.andi %eq3A_364, %not3A_391 : vector<16xi1>
        %add3A_393 = arith.constant 10000 : i32
        %add3A_394 = vector.broadcast %add3A_393 : i32 to vector<16xi32>
        %add3A_395 = arith.addi %add3A_394, %iota3A_88 : vector<16xi32>
        %select_n3A_396 = arith.select %and3A_392, %get3A_180, %add3A_395 : vector<16xi1>, vector<16xi32>
        %swap3A_397 = arith.constant 0 : index
        %swap3A_398 = tpu.vector_load %arg16[%swap3A_397] {strides = array<i32>} : memref<16xi32, #tpu.memory_space<vmem>>, vector<16xi32>,
        tpu.vector_store %arg16[%swap3A_397], %select_n3A_396 {strides = array<i32>} : memref<16xi32, #tpu.memory_space<vmem>>, vector<16xi32>,
        "tpu.region"() ({
          %run_scoped3A = tpu.sem_alloc : memref<!tpu.dma_semaphore, #tpu.memory_space<semaphore_mem>>
          %dma_start3A_401 = arith.constant 32 : i32
          %dma_start3A_402 = arith.constant 0 : i32
          %dma_start3A_403 = tpu.memref_slice %arg11[%dma_start3A_401, %dma_start3A_402] : memref<80x128xf32, #tpu.memory_space<vmem>> -> memref<16x128xf32, #tpu.memory_space<vmem>>
          %dma_start3A_404 = arith.constant 0 : i32
          %dma_start3A_405 = arith.constant 0 : i32
          %dma_start3A_406 = tpu.memref_slice %arg17[%dma_start3A_404, %dma_start3A_405] : memref<10016x128xf32, #tpu.memory_space<vmem_shared>> -> memref<10016x128xf32, #tpu.memory_space<vmem_shared>>
          tpu.enqueue_indirect_dma source(%dma_start3A_403 : memref<16x128xf32, #tpu.memory_space<vmem>>) target(%dma_start3A_406 : memref<10016x128xf32, #tpu.memory_space<vmem_shared>>) offsets(%arg16 : memref<16xi32, #tpu.memory_space<vmem>>) semaphore(%run_scoped3A : memref<!tpu.dma_semaphore, #tpu.memory_space<semaphore_mem>>) {add = true}
          %dma_wait3A_407 = arith.constant 32 : i32
          %dma_wait3A_408 = arith.constant 0 : i32
          %dma_wait3A_409 = tpu.memref_slice %arg11[%dma_wait3A_407, %dma_wait3A_408] : memref<80x128xf32, #tpu.memory_space<vmem>> -> memref<16x128xf32, #tpu.memory_space<vmem>>
          %dma_wait3A_410 = arith.constant 0 : i32
          %dma_wait3A_411 = arith.constant 0 : i32
          %dma_wait3A_412 = tpu.memref_slice %arg17[%dma_wait3A_410, %dma_wait3A_411] : memref<10016x128xf32, #tpu.memory_space<vmem_shared>> -> memref<10016x128xf32, #tpu.memory_space<vmem_shared>>
          tpu.wait_indirect_dma semaphore(%run_scoped3A : memref<!tpu.dma_semaphore, #tpu.memory_space<semaphore_mem>>) src(%dma_wait3A_409 : memref<16x128xf32, #tpu.memory_space<vmem>>) dst(%dma_wait3A_412 : memref<10016x128xf32, #tpu.memory_space<vmem_shared>>)
          tpu.yield
        }) : () -> ()
        %and3A_399 = arith.andi %eq3A_364, %eq3A_390 : vector<16xi1>
        %select_n3A_400 = arith.select %and3A_399, %broadcast_in_dim3A_95, %broadcast_in_dim3A_97 : vector<16xi1>, vector<16xi32>
        scf.yield %select_n3A_400 : vector<16xi32>
      }
      %get3A_223 = arith.constant 48 : index
      %get3A_224 = tpu.vector_load %arg7[%get3A_223] {strides = array<i32>} : memref<80xi32, #tpu.memory_space<vmem>>, vector<16xi32>,
      %masked_sort3A_225 = arith.constant dense<true> : vector<16xi1>
      %masked_sort3A_226 = arith.constant -2147483648 : i32
      %masked_sort3A_227 = vector.broadcast %masked_sort3A_226 : i32 to vector<16xi32>
      %masked_sort3A_228 = arith.xori %get3A_224, %masked_sort3A_227 : vector<16xi32>
      %masked_sort3A_229, %masked_sort3A_230, %masked_sort3A_231 = tpu.sort %masked_sort3A_228, %iota3A_88 masked %masked_sort3A_225 : (vector<16xi32>, vector<16xi32>, vector<16xi1>) -> (vector<16xi1>, vector<16xi32>, vector<16xi32>)
      %masked_sort3A_232 = arith.xori %masked_sort3A_230, %masked_sort3A_227 : vector<16xi32>
      %swap3A_233 = arith.constant 0 : index
      %swap3A_234 = tpu.vector_load %arg13[%swap3A_233] {strides = array<i32>} : memref<16xi32, #tpu.memory_space<vmem>>, vector<16xi32>,
      tpu.vector_store %arg13[%swap3A_233], %masked_sort3A_232 {strides = array<i32>} : memref<16xi32, #tpu.memory_space<vmem>>, vector<16xi32>,
      %gather3A_235 = tpu.vector_load_idx %arg13[%and3A_94] : memref<16xi32, #tpu.memory_space<vmem>>[vector<16xi32>], vector<16xi32>,
      %eq3A_236 = arith.cmpi eq, %masked_sort3A_232, %gather3A_235 : vector<16xi32>
      %gt3A_237 = arith.constant 0 : i32
      %gt3A_238 = vector.broadcast %gt3A_237 : i32 to vector<16xi32>
      %gt3A_239 = arith.cmpi sgt, %iota3A_88, %gt3A_238 : vector<16xi32>
      %and3A_240 = arith.andi %eq3A_236, %gt3A_239 : vector<16xi1>
      %select_n3A_241 = arith.select %and3A_240, %broadcast_in_dim3A_95, %broadcast_in_dim3A_97 : vector<16xi1>, vector<16xi32>
      tpu.vector_store_idx %arg14[%masked_sort3A_231], %select_n3A_241 : memref<16xi32, #tpu.memory_space<vmem>>[vector<16xi32>], vector<16xi32>,
      %get3A_242 = arith.constant 0 : index
      %get3A_243 = tpu.vector_load %arg14[%get3A_242] {strides = array<i32>} : memref<16xi32, #tpu.memory_space<vmem>>, vector<16xi32>,
      %eq3A_244 = arith.constant 1 : i32
      %eq3A_245 = vector.broadcast %eq3A_244 : i32 to vector<16xi32>
      %eq3A_246 = arith.cmpi eq, %get3A_243, %eq3A_245 : vector<16xi32>
      %add3A_247 = arith.constant 10000 : i32
      %add3A_248 = vector.broadcast %add3A_247 : i32 to vector<16xi32>
      %add3A_249 = arith.addi %add3A_248, %iota3A_88 : vector<16xi32>
      %select_n3A_250 = arith.select %eq3A_246, %add3A_249, %get3A_224 : vector<16xi1>, vector<16xi32>
      %swap3A_251 = arith.constant 3 : i32
      %swap3A_252 = arith.index_cast %swap3A_251 : i32 to index
      %swap3A_253 = arith.constant 0 : index
      %swap3A_254 = tpu.vector_load %arg15[%swap3A_252, %swap3A_253] {strides = array<i32>} : memref<5x16xi32, #tpu.memory_space<vmem>>, vector<16xi32>,
      tpu.vector_store %arg15[%swap3A_252, %swap3A_253], %select_n3A_250 {strides = array<i32>} : memref<5x16xi32, #tpu.memory_space<vmem>>, vector<16xi32>,
      %dma_start3A_255 = arith.constant 3 : i32
      %dma_start3A_256 = arith.constant 48 : i32
      %dma_start3A_257 = arith.constant 0 : i32
      %dma_start3A_258 = tpu.memref_slice %arg11[%dma_start3A_256, %dma_start3A_257] : memref<80x128xf32, #tpu.memory_space<vmem>> -> memref<16x128xf32, #tpu.memory_space<vmem>>
      %dma_start3A_259 = arith.constant 0 : i32
      %dma_start3A_260 = tpu.memref_slice %arg15[%dma_start3A_255, %dma_start3A_259] : memref<5x16xi32, #tpu.memory_space<vmem>> -> memref<1x16xi32, #tpu.memory_space<vmem>>
      %dma_start3A_261 = tpu.memref_squeeze %dma_start3A_260 : memref<1x16xi32, #tpu.memory_space<vmem>> -> memref<16xi32, #tpu.memory_space<vmem>>
      %dma_start3A_262 = arith.constant 0 : i32
      %dma_start3A_263 = arith.constant 0 : i32
      %dma_start3A_264 = tpu.memref_slice %arg17[%dma_start3A_262, %dma_start3A_263] : memref<10016x128xf32, #tpu.memory_space<vmem_shared>> -> memref<10016x128xf32, #tpu.memory_space<vmem_shared>>
      tpu.enqueue_indirect_dma source(%dma_start3A_258 : memref<16x128xf32, #tpu.memory_space<vmem>>) target(%dma_start3A_264 : memref<10016x128xf32, #tpu.memory_space<vmem_shared>>) offsets(%dma_start3A_261 : memref<16xi32, #tpu.memory_space<vmem>>) semaphore(%arg20 : memref<!tpu.dma_semaphore, #tpu.memory_space<semaphore_mem>>) {add = true}
      %select_n3A_265 = arith.select %eq3A_246, %broadcast_in_dim3A_95, %broadcast_in_dim3A_97 : vector<16xi1>, vector<16xi32>
      %while3A_266 = scf.while (%while3A_361 = %select_n3A_265) : (vector<16xi32>) -> vector<16xi32> {
        %eq3A_362 = arith.constant 1 : i32
        %eq3A_363 = vector.broadcast %eq3A_362 : i32 to vector<16xi32>
        %eq3A_364 = arith.cmpi eq, %while3A_361, %eq3A_363 : vector<16xi32>
        %reduce_or3A = arith.constant 1.000000e+00 : f32
        %reduce_or3A_365 = arith.constant 0.000000e+00 : f32
        %reduce_or3A_366 = vector.broadcast %reduce_or3A : f32 to vector<16xf32>
        %reduce_or3A_367 = vector.broadcast %reduce_or3A_365 : f32 to vector<16xf32>
        %reduce_or3A_368 = arith.select %eq3A_364, %reduce_or3A_366, %reduce_or3A_367 : vector<16xi1>, vector<16xf32>
        %reduce_or3A_369 = arith.constant true
        %reduce_or3A_370 = vector.broadcast %reduce_or3A_369 : i1 to vector<16xi1>
        %reduce_or3A_371 = tpu.scan <max>, %reduce_or3A_368 masked %reduce_or3A_370 : vector<16xf32>, vector<16xi1> -> vector<16xf32>
        %reduce_or3A_372 = vector.extract %reduce_or3A_371[15] : f32 from vector<16xf32>
        %reduce_or3A_373 = arith.constant 0.000000e+00 : f32
        %reduce_or3A_374 = arith.cmpf ogt, %reduce_or3A_372, %reduce_or3A_373 : f32
        scf.condition(%reduce_or3A_374) %while3A_361 : vector<16xi32>
      } do {
      ^bb0(%while3A_361: vector<16xi32>):
        %eq3A_362 = arith.constant 1 : i32
        %eq3A_363 = vector.broadcast %eq3A_362 : i32 to vector<16xi32>
        %eq3A_364 = arith.cmpi eq, %while3A_361, %eq3A_363 : vector<16xi32>
        %add3A_365 = arith.constant 10016 : i32
        %add3A_366 = vector.broadcast %add3A_365 : i32 to vector<16xi32>
        %add3A_367 = arith.addi %add3A_366, %iota3A_88 : vector<16xi32>
        %select_n3A_368 = arith.select %eq3A_364, %get3A_224, %add3A_367 : vector<16xi1>, vector<16xi32>
        %masked_sort3A_369 = arith.constant dense<true> : vector<16xi1>
        %masked_sort3A_370 = arith.constant -2147483648 : i32
        %masked_sort3A_371 = vector.broadcast %masked_sort3A_370 : i32 to vector<16xi32>
        %masked_sort3A_372 = arith.xori %select_n3A_368, %masked_sort3A_371 : vector<16xi32>
        %masked_sort3A_373, %masked_sort3A_374, %masked_sort3A_375 = tpu.sort %masked_sort3A_372, %iota3A_88 masked %masked_sort3A_369 : (vector<16xi32>, vector<16xi32>, vector<16xi1>) -> (vector<16xi1>, vector<16xi32>, vector<16xi32>)
        %masked_sort3A_376 = arith.xori %masked_sort3A_374, %masked_sort3A_371 : vector<16xi32>
        %swap3A_377 = arith.constant 0 : index
        %swap3A_378 = tpu.vector_load %arg13[%swap3A_377] {strides = array<i32>} : memref<16xi32, #tpu.memory_space<vmem>>, vector<16xi32>,
        tpu.vector_store %arg13[%swap3A_377], %masked_sort3A_376 {strides = array<i32>} : memref<16xi32, #tpu.memory_space<vmem>>, vector<16xi32>,
        %gather3A_379 = tpu.vector_load_idx %arg13[%and3A_94] : memref<16xi32, #tpu.memory_space<vmem>>[vector<16xi32>], vector<16xi32>,
        %eq3A_380 = arith.cmpi eq, %masked_sort3A_376, %gather3A_379 : vector<16xi32>
        %gt3A_381 = arith.constant 0 : i32
        %gt3A_382 = vector.broadcast %gt3A_381 : i32 to vector<16xi32>
        %gt3A_383 = arith.cmpi sgt, %iota3A_88, %gt3A_382 : vector<16xi32>
        %and3A_384 = arith.andi %eq3A_380, %gt3A_383 : vector<16xi1>
        %select_n3A_385 = arith.select %and3A_384, %broadcast_in_dim3A_95, %broadcast_in_dim3A_97 : vector<16xi1>, vector<16xi32>
        tpu.vector_store_idx %arg14[%masked_sort3A_375], %select_n3A_385 : memref<16xi32, #tpu.memory_space<vmem>>[vector<16xi32>], vector<16xi32>,
        %get3A_386 = arith.constant 0 : index
        %get3A_387 = tpu.vector_load %arg14[%get3A_386] {strides = array<i32>} : memref<16xi32, #tpu.memory_space<vmem>>, vector<16xi32>,
        %eq3A_388 = arith.constant 1 : i32
        %eq3A_389 = vector.broadcast %eq3A_388 : i32 to vector<16xi32>
        %eq3A_390 = arith.cmpi eq, %get3A_387, %eq3A_389 : vector<16xi32>
        %not3A = arith.constant dense<true> : vector<16xi1>
        %not3A_391 = arith.xori %eq3A_390, %not3A : vector<16xi1>
        %and3A_392 = arith.andi %eq3A_364, %not3A_391 : vector<16xi1>
        %add3A_393 = arith.constant 10000 : i32
        %add3A_394 = vector.broadcast %add3A_393 : i32 to vector<16xi32>
        %add3A_395 = arith.addi %add3A_394, %iota3A_88 : vector<16xi32>
        %select_n3A_396 = arith.select %and3A_392, %get3A_224, %add3A_395 : vector<16xi1>, vector<16xi32>
        %swap3A_397 = arith.constant 0 : index
        %swap3A_398 = tpu.vector_load %arg16[%swap3A_397] {strides = array<i32>} : memref<16xi32, #tpu.memory_space<vmem>>, vector<16xi32>,
        tpu.vector_store %arg16[%swap3A_397], %select_n3A_396 {strides = array<i32>} : memref<16xi32, #tpu.memory_space<vmem>>, vector<16xi32>,
        "tpu.region"() ({
          %run_scoped3A = tpu.sem_alloc : memref<!tpu.dma_semaphore, #tpu.memory_space<semaphore_mem>>
          %dma_start3A_401 = arith.constant 48 : i32
          %dma_start3A_402 = arith.constant 0 : i32
          %dma_start3A_403 = tpu.memref_slice %arg11[%dma_start3A_401, %dma_start3A_402] : memref<80x128xf32, #tpu.memory_space<vmem>> -> memref<16x128xf32, #tpu.memory_space<vmem>>
          %dma_start3A_404 = arith.constant 0 : i32
          %dma_start3A_405 = arith.constant 0 : i32
          %dma_start3A_406 = tpu.memref_slice %arg17[%dma_start3A_404, %dma_start3A_405] : memref<10016x128xf32, #tpu.memory_space<vmem_shared>> -> memref<10016x128xf32, #tpu.memory_space<vmem_shared>>
          tpu.enqueue_indirect_dma source(%dma_start3A_403 : memref<16x128xf32, #tpu.memory_space<vmem>>) target(%dma_start3A_406 : memref<10016x128xf32, #tpu.memory_space<vmem_shared>>) offsets(%arg16 : memref<16xi32, #tpu.memory_space<vmem>>) semaphore(%run_scoped3A : memref<!tpu.dma_semaphore, #tpu.memory_space<semaphore_mem>>) {add = true}
          %dma_wait3A_407 = arith.constant 48 : i32
          %dma_wait3A_408 = arith.constant 0 : i32
          %dma_wait3A_409 = tpu.memref_slice %arg11[%dma_wait3A_407, %dma_wait3A_408] : memref<80x128xf32, #tpu.memory_space<vmem>> -> memref<16x128xf32, #tpu.memory_space<vmem>>
          %dma_wait3A_410 = arith.constant 0 : i32
          %dma_wait3A_411 = arith.constant 0 : i32
          %dma_wait3A_412 = tpu.memref_slice %arg17[%dma_wait3A_410, %dma_wait3A_411] : memref<10016x128xf32, #tpu.memory_space<vmem_shared>> -> memref<10016x128xf32, #tpu.memory_space<vmem_shared>>
          tpu.wait_indirect_dma semaphore(%run_scoped3A : memref<!tpu.dma_semaphore, #tpu.memory_space<semaphore_mem>>) src(%dma_wait3A_409 : memref<16x128xf32, #tpu.memory_space<vmem>>) dst(%dma_wait3A_412 : memref<10016x128xf32, #tpu.memory_space<vmem_shared>>)
          tpu.yield
        }) : () -> ()
        %and3A_399 = arith.andi %eq3A_364, %eq3A_390 : vector<16xi1>
        %select_n3A_400 = arith.select %and3A_399, %broadcast_in_dim3A_95, %broadcast_in_dim3A_97 : vector<16xi1>, vector<16xi32>
        scf.yield %select_n3A_400 : vector<16xi32>
      }
      %get3A_267 = arith.constant 64 : index
      %get3A_268 = tpu.vector_load %arg7[%get3A_267] {strides = array<i32>} : memref<80xi32, #tpu.memory_space<vmem>>, vector<16xi32>,
      %masked_sort3A_269 = arith.constant dense<true> : vector<16xi1>
      %masked_sort3A_270 = arith.constant -2147483648 : i32
      %masked_sort3A_271 = vector.broadcast %masked_sort3A_270 : i32 to vector<16xi32>
      %masked_sort3A_272 = arith.xori %get3A_268, %masked_sort3A_271 : vector<16xi32>
      %masked_sort3A_273, %masked_sort3A_274, %masked_sort3A_275 = tpu.sort %masked_sort3A_272, %iota3A_88 masked %masked_sort3A_269 : (vector<16xi32>, vector<16xi32>, vector<16xi1>) -> (vector<16xi1>, vector<16xi32>, vector<16xi32>)
      %masked_sort3A_276 = arith.xori %masked_sort3A_274, %masked_sort3A_271 : vector<16xi32>
      %swap3A_277 = arith.constant 0 : index
      %swap3A_278 = tpu.vector_load %arg13[%swap3A_277] {strides = array<i32>} : memref<16xi32, #tpu.memory_space<vmem>>, vector<16xi32>,
      tpu.vector_store %arg13[%swap3A_277], %masked_sort3A_276 {strides = array<i32>} : memref<16xi32, #tpu.memory_space<vmem>>, vector<16xi32>,
      %gather3A_279 = tpu.vector_load_idx %arg13[%and3A_94] : memref<16xi32, #tpu.memory_space<vmem>>[vector<16xi32>], vector<16xi32>,
      %eq3A_280 = arith.cmpi eq, %masked_sort3A_276, %gather3A_279 : vector<16xi32>
      %gt3A_281 = arith.constant 0 : i32
      %gt3A_282 = vector.broadcast %gt3A_281 : i32 to vector<16xi32>
      %gt3A_283 = arith.cmpi sgt, %iota3A_88, %gt3A_282 : vector<16xi32>
      %and3A_284 = arith.andi %eq3A_280, %gt3A_283 : vector<16xi1>
      %select_n3A_285 = arith.select %and3A_284, %broadcast_in_dim3A_95, %broadcast_in_dim3A_97 : vector<16xi1>, vector<16xi32>
      tpu.vector_store_idx %arg14[%masked_sort3A_275], %select_n3A_285 : memref<16xi32, #tpu.memory_space<vmem>>[vector<16xi32>], vector<16xi32>,
      %get3A_286 = arith.constant 0 : index
      %get3A_287 = tpu.vector_load %arg14[%get3A_286] {strides = array<i32>} : memref<16xi32, #tpu.memory_space<vmem>>, vector<16xi32>,
      %eq3A_288 = arith.constant 1 : i32
      %eq3A_289 = vector.broadcast %eq3A_288 : i32 to vector<16xi32>
      %eq3A_290 = arith.cmpi eq, %get3A_287, %eq3A_289 : vector<16xi32>
      %add3A_291 = arith.constant 10000 : i32
      %add3A_292 = vector.broadcast %add3A_291 : i32 to vector<16xi32>
      %add3A_293 = arith.addi %add3A_292, %iota3A_88 : vector<16xi32>
      %select_n3A_294 = arith.select %eq3A_290, %add3A_293, %get3A_268 : vector<16xi1>, vector<16xi32>
      %swap3A_295 = arith.constant 4 : i32
      %swap3A_296 = arith.index_cast %swap3A_295 : i32 to index
      %swap3A_297 = arith.constant 0 : index
      %swap3A_298 = tpu.vector_load %arg15[%swap3A_296, %swap3A_297] {strides = array<i32>} : memref<5x16xi32, #tpu.memory_space<vmem>>, vector<16xi32>,
      tpu.vector_store %arg15[%swap3A_296, %swap3A_297], %select_n3A_294 {strides = array<i32>} : memref<5x16xi32, #tpu.memory_space<vmem>>, vector<16xi32>,
      %dma_start3A_299 = arith.constant 4 : i32
      %dma_start3A_300 = arith.constant 64 : i32
      %dma_start3A_301 = arith.constant 0 : i32
      %dma_start3A_302 = tpu.memref_slice %arg11[%dma_start3A_300, %dma_start3A_301] : memref<80x128xf32, #tpu.memory_space<vmem>> -> memref<16x128xf32, #tpu.memory_space<vmem>>
      %dma_start3A_303 = arith.constant 0 : i32
      %dma_start3A_304 = tpu.memref_slice %arg15[%dma_start3A_299, %dma_start3A_303] : memref<5x16xi32, #tpu.memory_space<vmem>> -> memref<1x16xi32, #tpu.memory_space<vmem>>
      %dma_start3A_305 = tpu.memref_squeeze %dma_start3A_304 : memref<1x16xi32, #tpu.memory_space<vmem>> -> memref<16xi32, #tpu.memory_space<vmem>>
      %dma_start3A_306 = arith.constant 0 : i32
      %dma_start3A_307 = arith.constant 0 : i32
      %dma_start3A_308 = tpu.memref_slice %arg17[%dma_start3A_306, %dma_start3A_307] : memref<10016x128xf32, #tpu.memory_space<vmem_shared>> -> memref<10016x128xf32, #tpu.memory_space<vmem_shared>>
      tpu.enqueue_indirect_dma source(%dma_start3A_302 : memref<16x128xf32, #tpu.memory_space<vmem>>) target(%dma_start3A_308 : memref<10016x128xf32, #tpu.memory_space<vmem_shared>>) offsets(%dma_start3A_305 : memref<16xi32, #tpu.memory_space<vmem>>) semaphore(%arg20 : memref<!tpu.dma_semaphore, #tpu.memory_space<semaphore_mem>>) {add = true}
      %select_n3A_309 = arith.select %eq3A_290, %broadcast_in_dim3A_95, %broadcast_in_dim3A_97 : vector<16xi1>, vector<16xi32>
      %while3A_310 = scf.while (%while3A_361 = %select_n3A_309) : (vector<16xi32>) -> vector<16xi32> {
        %eq3A_362 = arith.constant 1 : i32
        %eq3A_363 = vector.broadcast %eq3A_362 : i32 to vector<16xi32>
        %eq3A_364 = arith.cmpi eq, %while3A_361, %eq3A_363 : vector<16xi32>
        %reduce_or3A = arith.constant 1.000000e+00 : f32
        %reduce_or3A_365 = arith.constant 0.000000e+00 : f32
        %reduce_or3A_366 = vector.broadcast %reduce_or3A : f32 to vector<16xf32>
        %reduce_or3A_367 = vector.broadcast %reduce_or3A_365 : f32 to vector<16xf32>
        %reduce_or3A_368 = arith.select %eq3A_364, %reduce_or3A_366, %reduce_or3A_367 : vector<16xi1>, vector<16xf32>
        %reduce_or3A_369 = arith.constant true
        %reduce_or3A_370 = vector.broadcast %reduce_or3A_369 : i1 to vector<16xi1>
        %reduce_or3A_371 = tpu.scan <max>, %reduce_or3A_368 masked %reduce_or3A_370 : vector<16xf32>, vector<16xi1> -> vector<16xf32>
        %reduce_or3A_372 = vector.extract %reduce_or3A_371[15] : f32 from vector<16xf32>
        %reduce_or3A_373 = arith.constant 0.000000e+00 : f32
        %reduce_or3A_374 = arith.cmpf ogt, %reduce_or3A_372, %reduce_or3A_373 : f32
        scf.condition(%reduce_or3A_374) %while3A_361 : vector<16xi32>
      } do {
      ^bb0(%while3A_361: vector<16xi32>):
        %eq3A_362 = arith.constant 1 : i32
        %eq3A_363 = vector.broadcast %eq3A_362 : i32 to vector<16xi32>
        %eq3A_364 = arith.cmpi eq, %while3A_361, %eq3A_363 : vector<16xi32>
        %add3A_365 = arith.constant 10016 : i32
        %add3A_366 = vector.broadcast %add3A_365 : i32 to vector<16xi32>
        %add3A_367 = arith.addi %add3A_366, %iota3A_88 : vector<16xi32>
        %select_n3A_368 = arith.select %eq3A_364, %get3A_268, %add3A_367 : vector<16xi1>, vector<16xi32>
        %masked_sort3A_369 = arith.constant dense<true> : vector<16xi1>
        %masked_sort3A_370 = arith.constant -2147483648 : i32
        %masked_sort3A_371 = vector.broadcast %masked_sort3A_370 : i32 to vector<16xi32>
        %masked_sort3A_372 = arith.xori %select_n3A_368, %masked_sort3A_371 : vector<16xi32>
        %masked_sort3A_373, %masked_sort3A_374, %masked_sort3A_375 = tpu.sort %masked_sort3A_372, %iota3A_88 masked %masked_sort3A_369 : (vector<16xi32>, vector<16xi32>, vector<16xi1>) -> (vector<16xi1>, vector<16xi32>, vector<16xi32>)
        %masked_sort3A_376 = arith.xori %masked_sort3A_374, %masked_sort3A_371 : vector<16xi32>
        %swap3A_377 = arith.constant 0 : index
        %swap3A_378 = tpu.vector_load %arg13[%swap3A_377] {strides = array<i32>} : memref<16xi32, #tpu.memory_space<vmem>>, vector<16xi32>,
        tpu.vector_store %arg13[%swap3A_377], %masked_sort3A_376 {strides = array<i32>} : memref<16xi32, #tpu.memory_space<vmem>>, vector<16xi32>,
        %gather3A_379 = tpu.vector_load_idx %arg13[%and3A_94] : memref<16xi32, #tpu.memory_space<vmem>>[vector<16xi32>], vector<16xi32>,
        %eq3A_380 = arith.cmpi eq, %masked_sort3A_376, %gather3A_379 : vector<16xi32>
        %gt3A_381 = arith.constant 0 : i32
        %gt3A_382 = vector.broadcast %gt3A_381 : i32 to vector<16xi32>
        %gt3A_383 = arith.cmpi sgt, %iota3A_88, %gt3A_382 : vector<16xi32>
        %and3A_384 = arith.andi %eq3A_380, %gt3A_383 : vector<16xi1>
        %select_n3A_385 = arith.select %and3A_384, %broadcast_in_dim3A_95, %broadcast_in_dim3A_97 : vector<16xi1>, vector<16xi32>
        tpu.vector_store_idx %arg14[%masked_sort3A_375], %select_n3A_385 : memref<16xi32, #tpu.memory_space<vmem>>[vector<16xi32>], vector<16xi32>,
        %get3A_386 = arith.constant 0 : index
        %get3A_387 = tpu.vector_load %arg14[%get3A_386] {strides = array<i32>} : memref<16xi32, #tpu.memory_space<vmem>>, vector<16xi32>,
        %eq3A_388 = arith.constant 1 : i32
        %eq3A_389 = vector.broadcast %eq3A_388 : i32 to vector<16xi32>
        %eq3A_390 = arith.cmpi eq, %get3A_387, %eq3A_389 : vector<16xi32>
        %not3A = arith.constant dense<true> : vector<16xi1>
        %not3A_391 = arith.xori %eq3A_390, %not3A : vector<16xi1>
        %and3A_392 = arith.andi %eq3A_364, %not3A_391 : vector<16xi1>
        %add3A_393 = arith.constant 10000 : i32
        %add3A_394 = vector.broadcast %add3A_393 : i32 to vector<16xi32>
        %add3A_395 = arith.addi %add3A_394, %iota3A_88 : vector<16xi32>
        %select_n3A_396 = arith.select %and3A_392, %get3A_268, %add3A_395 : vector<16xi1>, vector<16xi32>
        %swap3A_397 = arith.constant 0 : index
        %swap3A_398 = tpu.vector_load %arg16[%swap3A_397] {strides = array<i32>} : memref<16xi32, #tpu.memory_space<vmem>>, vector<16xi32>,
        tpu.vector_store %arg16[%swap3A_397], %select_n3A_396 {strides = array<i32>} : memref<16xi32, #tpu.memory_space<vmem>>, vector<16xi32>,
        "tpu.region"() ({
          %run_scoped3A = tpu.sem_alloc : memref<!tpu.dma_semaphore, #tpu.memory_space<semaphore_mem>>
          %dma_start3A_401 = arith.constant 64 : i32
          %dma_start3A_402 = arith.constant 0 : i32
          %dma_start3A_403 = tpu.memref_slice %arg11[%dma_start3A_401, %dma_start3A_402] : memref<80x128xf32, #tpu.memory_space<vmem>> -> memref<16x128xf32, #tpu.memory_space<vmem>>
          %dma_start3A_404 = arith.constant 0 : i32
          %dma_start3A_405 = arith.constant 0 : i32
          %dma_start3A_406 = tpu.memref_slice %arg17[%dma_start3A_404, %dma_start3A_405] : memref<10016x128xf32, #tpu.memory_space<vmem_shared>> -> memref<10016x128xf32, #tpu.memory_space<vmem_shared>>
          tpu.enqueue_indirect_dma source(%dma_start3A_403 : memref<16x128xf32, #tpu.memory_space<vmem>>) target(%dma_start3A_406 : memref<10016x128xf32, #tpu.memory_space<vmem_shared>>) offsets(%arg16 : memref<16xi32, #tpu.memory_space<vmem>>) semaphore(%run_scoped3A : memref<!tpu.dma_semaphore, #tpu.memory_space<semaphore_mem>>) {add = true}
          %dma_wait3A_407 = arith.constant 64 : i32
          %dma_wait3A_408 = arith.constant 0 : i32
          %dma_wait3A_409 = tpu.memref_slice %arg11[%dma_wait3A_407, %dma_wait3A_408] : memref<80x128xf32, #tpu.memory_space<vmem>> -> memref<16x128xf32, #tpu.memory_space<vmem>>
          %dma_wait3A_410 = arith.constant 0 : i32
          %dma_wait3A_411 = arith.constant 0 : i32
          %dma_wait3A_412 = tpu.memref_slice %arg17[%dma_wait3A_410, %dma_wait3A_411] : memref<10016x128xf32, #tpu.memory_space<vmem_shared>> -> memref<10016x128xf32, #tpu.memory_space<vmem_shared>>
          tpu.wait_indirect_dma semaphore(%run_scoped3A : memref<!tpu.dma_semaphore, #tpu.memory_space<semaphore_mem>>) src(%dma_wait3A_409 : memref<16x128xf32, #tpu.memory_space<vmem>>) dst(%dma_wait3A_412 : memref<10016x128xf32, #tpu.memory_space<vmem_shared>>)
          tpu.yield
        }) : () -> ()
        %and3A_399 = arith.andi %eq3A_364, %eq3A_390 : vector<16xi1>
        %select_n3A_400 = arith.select %and3A_399, %broadcast_in_dim3A_95, %broadcast_in_dim3A_97 : vector<16xi1>, vector<16xi32>
        scf.yield %select_n3A_400 : vector<16xi32>
      }
      %dma_wait3A_311 = arith.constant 0 : i32
      %dma_wait3A_312 = arith.constant 0 : i32
      %dma_wait3A_313 = arith.constant 0 : i32
      %dma_wait3A_314 = tpu.memref_slice %arg11[%dma_wait3A_312, %dma_wait3A_313] : memref<80x128xf32, #tpu.memory_space<vmem>> -> memref<16x128xf32, #tpu.memory_space<vmem>>
      %dma_wait3A_315 = arith.constant 0 : i32
      %dma_wait3A_316 = tpu.memref_slice %arg15[%dma_wait3A_311, %dma_wait3A_315] : memref<5x16xi32, #tpu.memory_space<vmem>> -> memref<1x16xi32, #tpu.memory_space<vmem>>
      %dma_wait3A_317 = tpu.memref_squeeze %dma_wait3A_316 : memref<1x16xi32, #tpu.memory_space<vmem>> -> memref<16xi32, #tpu.memory_space<vmem>>
      %dma_wait3A_318 = arith.constant 0 : i32
      %dma_wait3A_319 = arith.constant 0 : i32
      %dma_wait3A_320 = tpu.memref_slice %arg17[%dma_wait3A_318, %dma_wait3A_319] : memref<10016x128xf32, #tpu.memory_space<vmem_shared>> -> memref<10016x128xf32, #tpu.memory_space<vmem_shared>>
      tpu.wait_indirect_dma semaphore(%arg20 : memref<!tpu.dma_semaphore, #tpu.memory_space<semaphore_mem>>) src(%dma_wait3A_314 : memref<16x128xf32, #tpu.memory_space<vmem>>) dst(%dma_wait3A_320 : memref<10016x128xf32, #tpu.memory_space<vmem_shared>>)
      %dma_wait3A_321 = arith.constant 1 : i32
      %dma_wait3A_322 = arith.constant 16 : i32
      %dma_wait3A_323 = arith.constant 0 : i32
      %dma_wait3A_324 = tpu.memref_slice %arg11[%dma_wait3A_322, %dma_wait3A_323] : memref<80x128xf32, #tpu.memory_space<vmem>> -> memref<16x128xf32, #tpu.memory_space<vmem>>
      %dma_wait3A_325 = arith.constant 0 : i32
      %dma_wait3A_326 = tpu.memref_slice %arg15[%dma_wait3A_321, %dma_wait3A_325] : memref<5x16xi32, #tpu.memory_space<vmem>> -> memref<1x16xi32, #tpu.memory_space<vmem>>
      %dma_wait3A_327 = tpu.memref_squeeze %dma_wait3A_326 : memref<1x16xi32, #tpu.memory_space<vmem>> -> memref<16xi32, #tpu.memory_space<vmem>>
      %dma_wait3A_328 = arith.constant 0 : i32
      %dma_wait3A_329 = arith.constant 0 : i32
      %dma_wait3A_330 = tpu.memref_slice %arg17[%dma_wait3A_328, %dma_wait3A_329] : memref<10016x128xf32, #tpu.memory_space<vmem_shared>> -> memref<10016x128xf32, #tpu.memory_space<vmem_shared>>
      tpu.wait_indirect_dma semaphore(%arg20 : memref<!tpu.dma_semaphore, #tpu.memory_space<semaphore_mem>>) src(%dma_wait3A_324 : memref<16x128xf32, #tpu.memory_space<vmem>>) dst(%dma_wait3A_330 : memref<10016x128xf32, #tpu.memory_space<vmem_shared>>)
      %dma_wait3A_331 = arith.constant 2 : i32
      %dma_wait3A_332 = arith.constant 32 : i32
      %dma_wait3A_333 = arith.constant 0 : i32
      %dma_wait3A_334 = tpu.memref_slice %arg11[%dma_wait3A_332, %dma_wait3A_333] : memref<80x128xf32, #tpu.memory_space<vmem>> -> memref<16x128xf32, #tpu.memory_space<vmem>>
      %dma_wait3A_335 = arith.constant 0 : i32
      %dma_wait3A_336 = tpu.memref_slice %arg15[%dma_wait3A_331, %dma_wait3A_335] : memref<5x16xi32, #tpu.memory_space<vmem>> -> memref<1x16xi32, #tpu.memory_space<vmem>>
      %dma_wait3A_337 = tpu.memref_squeeze %dma_wait3A_336 : memref<1x16xi32, #tpu.memory_space<vmem>> -> memref<16xi32, #tpu.memory_space<vmem>>
      %dma_wait3A_338 = arith.constant 0 : i32
      %dma_wait3A_339 = arith.constant 0 : i32
      %dma_wait3A_340 = tpu.memref_slice %arg17[%dma_wait3A_338, %dma_wait3A_339] : memref<10016x128xf32, #tpu.memory_space<vmem_shared>> -> memref<10016x128xf32, #tpu.memory_space<vmem_shared>>
      tpu.wait_indirect_dma semaphore(%arg20 : memref<!tpu.dma_semaphore, #tpu.memory_space<semaphore_mem>>) src(%dma_wait3A_334 : memref<16x128xf32, #tpu.memory_space<vmem>>) dst(%dma_wait3A_340 : memref<10016x128xf32, #tpu.memory_space<vmem_shared>>)
      %dma_wait3A_341 = arith.constant 3 : i32
      %dma_wait3A_342 = arith.constant 48 : i32
      %dma_wait3A_343 = arith.constant 0 : i32
      %dma_wait3A_344 = tpu.memref_slice %arg11[%dma_wait3A_342, %dma_wait3A_343] : memref<80x128xf32, #tpu.memory_space<vmem>> -> memref<16x128xf32, #tpu.memory_space<vmem>>
      %dma_wait3A_345 = arith.constant 0 : i32
      %dma_wait3A_346 = tpu.memref_slice %arg15[%dma_wait3A_341, %dma_wait3A_345] : memref<5x16xi32, #tpu.memory_space<vmem>> -> memref<1x16xi32, #tpu.memory_space<vmem>>
      %dma_wait3A_347 = tpu.memref_squeeze %dma_wait3A_346 : memref<1x16xi32, #tpu.memory_space<vmem>> -> memref<16xi32, #tpu.memory_space<vmem>>
      %dma_wait3A_348 = arith.constant 0 : i32
      %dma_wait3A_349 = arith.constant 0 : i32
      %dma_wait3A_350 = tpu.memref_slice %arg17[%dma_wait3A_348, %dma_wait3A_349] : memref<10016x128xf32, #tpu.memory_space<vmem_shared>> -> memref<10016x128xf32, #tpu.memory_space<vmem_shared>>
      tpu.wait_indirect_dma semaphore(%arg20 : memref<!tpu.dma_semaphore, #tpu.memory_space<semaphore_mem>>) src(%dma_wait3A_344 : memref<16x128xf32, #tpu.memory_space<vmem>>) dst(%dma_wait3A_350 : memref<10016x128xf32, #tpu.memory_space<vmem_shared>>)
      %dma_wait3A_351 = arith.constant 4 : i32
      %dma_wait3A_352 = arith.constant 64 : i32
      %dma_wait3A_353 = arith.constant 0 : i32
      %dma_wait3A_354 = tpu.memref_slice %arg11[%dma_wait3A_352, %dma_wait3A_353] : memref<80x128xf32, #tpu.memory_space<vmem>> -> memref<16x128xf32, #tpu.memory_space<vmem>>
      %dma_wait3A_355 = arith.constant 0 : i32
      %dma_wait3A_356 = tpu.memref_slice %arg15[%dma_wait3A_351, %dma_wait3A_355] : memref<5x16xi32, #tpu.memory_space<vmem>> -> memref<1x16xi32, #tpu.memory_space<vmem>>
      %dma_wait3A_357 = tpu.memref_squeeze %dma_wait3A_356 : memref<1x16xi32, #tpu.memory_space<vmem>> -> memref<16xi32, #tpu.memory_space<vmem>>
      %dma_wait3A_358 = arith.constant 0 : i32
      %dma_wait3A_359 = arith.constant 0 : i32
      %dma_wait3A_360 = tpu.memref_slice %arg17[%dma_wait3A_358, %dma_wait3A_359] : memref<10016x128xf32, #tpu.memory_space<vmem_shared>> -> memref<10016x128xf32, #tpu.memory_space<vmem_shared>>
      tpu.wait_indirect_dma semaphore(%arg20 : memref<!tpu.dma_semaphore, #tpu.memory_space<semaphore_mem>>) src(%dma_wait3A_354 : memref<16x128xf32, #tpu.memory_space<vmem>>) dst(%dma_wait3A_360 : memref<10016x128xf32, #tpu.memory_space<vmem_shared>>)
    }
    %scan3A_40 = arith.constant 125 : i32
    %barrier3A_41 = arith.constant 0 : index
    tpu.barrier barrier_id(%barrier3A_41)
    %add3A_42 = arith.constant 0 : i32
    %add3A_43 = arith.addi %mul3A_6, %add3A_42 : i32
    "tpu.region"() ({
      %run_scoped3A = tpu.sem_alloc : memref<!tpu.dma_semaphore, #tpu.memory_space<semaphore_mem>>
      %dma_start3A = arith.constant 0 : i32
      %dma_start3A_63 = tpu.memref_slice %arg6[%arg0, %add3A_43, %dma_start3A] : memref<2x10000x128xf32, #tpu.memory_space<hbm>> -> memref<1x80x128xf32, #tpu.memory_space<hbm>>
      %dma_start3A_64 = tpu.memref_squeeze %dma_start3A_63 : memref<1x80x128xf32, #tpu.memory_space<hbm>> -> memref<80x128xf32, #tpu.memory_space<hbm>>
      %dma_start3A_65 = arith.constant 0 : i32
      %dma_start3A_66 = tpu.memref_slice %arg17[%add3A_43, %dma_start3A_65] : memref<10016x128xf32, #tpu.memory_space<vmem_shared>> -> memref<80x128xf32, #tpu.memory_space<vmem_shared>>
      tpu.enqueue_dma source(%dma_start3A_66 : memref<80x128xf32, #tpu.memory_space<vmem_shared>>) target(%dma_start3A_64 : memref<80x128xf32, #tpu.memory_space<hbm>>) target_semaphore(%run_scoped3A : memref<!tpu.dma_semaphore, #tpu.memory_space<semaphore_mem>>)
      %dma_wait3A = arith.constant 0 : i32
      %dma_wait3A_67 = tpu.memref_slice %arg6[%arg0, %add3A_43, %dma_wait3A] : memref<2x10000x128xf32, #tpu.memory_space<hbm>> -> memref<1x80x128xf32, #tpu.memory_space<hbm>>
      %dma_wait3A_68 = tpu.memref_squeeze %dma_wait3A_67 : memref<1x80x128xf32, #tpu.memory_space<hbm>> -> memref<80x128xf32, #tpu.memory_space<hbm>>
      %dma_wait3A_69 = arith.constant 0 : i32
      %dma_wait3A_70 = tpu.memref_slice %arg17[%add3A_43, %dma_wait3A_69] : memref<10016x128xf32, #tpu.memory_space<vmem_shared>> -> memref<80x128xf32, #tpu.memory_space<vmem_shared>>
      tpu.wait_dma2 semaphore(%run_scoped3A : memref<!tpu.dma_semaphore, #tpu.memory_space<semaphore_mem>>) src(%dma_wait3A_70 : memref<80x128xf32, #tpu.memory_space<vmem_shared>>) dst(%dma_wait3A_68 : memref<80x128xf32, #tpu.memory_space<hbm>>)
      tpu.yield
    }) : () -> ()
    %add3A_44 = arith.constant 80 : i32
    %add3A_45 = arith.addi %mul3A_6, %add3A_44 : i32
    "tpu.region"() ({
      %run_scoped3A = tpu.sem_alloc : memref<!tpu.dma_semaphore, #tpu.memory_space<semaphore_mem>>
      %dma_start3A = arith.constant 0 : i32
      %dma_start3A_63 = tpu.memref_slice %arg6[%arg0, %add3A_45, %dma_start3A] : memref<2x10000x128xf32, #tpu.memory_space<hbm>> -> memref<1x80x128xf32, #tpu.memory_space<hbm>>
      %dma_start3A_64 = tpu.memref_squeeze %dma_start3A_63 : memref<1x80x128xf32, #tpu.memory_space<hbm>> -> memref<80x128xf32, #tpu.memory_space<hbm>>
      %dma_start3A_65 = arith.constant 0 : i32
      %dma_start3A_66 = tpu.memref_slice %arg17[%add3A_45, %dma_start3A_65] : memref<10016x128xf32, #tpu.memory_space<vmem_shared>> -> memref<80x128xf32, #tpu.memory_space<vmem_shared>>
      tpu.enqueue_dma source(%dma_start3A_66 : memref<80x128xf32, #tpu.memory_space<vmem_shared>>) target(%dma_start3A_64 : memref<80x128xf32, #tpu.memory_space<hbm>>) target_semaphore(%run_scoped3A : memref<!tpu.dma_semaphore, #tpu.memory_space<semaphore_mem>>)
      %dma_wait3A = arith.constant 0 : i32
      %dma_wait3A_67 = tpu.memref_slice %arg6[%arg0, %add3A_45, %dma_wait3A] : memref<2x10000x128xf32, #tpu.memory_space<hbm>> -> memref<1x80x128xf32, #tpu.memory_space<hbm>>
      %dma_wait3A_68 = tpu.memref_squeeze %dma_wait3A_67 : memref<1x80x128xf32, #tpu.memory_space<hbm>> -> memref<80x128xf32, #tpu.memory_space<hbm>>
      %dma_wait3A_69 = arith.constant 0 : i32
      %dma_wait3A_70 = tpu.memref_slice %arg17[%add3A_45, %dma_wait3A_69] : memref<10016x128xf32, #tpu.memory_space<vmem_shared>> -> memref<80x128xf32, #tpu.memory_space<vmem_shared>>
      tpu.wait_dma2 semaphore(%run_scoped3A : memref<!tpu.dma_semaphore, #tpu.memory_space<semaphore_mem>>) src(%dma_wait3A_70 : memref<80x128xf32, #tpu.memory_space<vmem_shared>>) dst(%dma_wait3A_68 : memref<80x128xf32, #tpu.memory_space<hbm>>)
      tpu.yield
    }) : () -> ()
    %add3A_46 = arith.constant 160 : i32
    %add3A_47 = arith.addi %mul3A_6, %add3A_46 : i32
    "tpu.region"() ({
      %run_scoped3A = tpu.sem_alloc : memref<!tpu.dma_semaphore, #tpu.memory_space<semaphore_mem>>
      %dma_start3A = arith.constant 0 : i32
      %dma_start3A_63 = tpu.memref_slice %arg6[%arg0, %add3A_47, %dma_start3A] : memref<2x10000x128xf32, #tpu.memory_space<hbm>> -> memref<1x80x128xf32, #tpu.memory_space<hbm>>
      %dma_start3A_64 = tpu.memref_squeeze %dma_start3A_63 : memref<1x80x128xf32, #tpu.memory_space<hbm>> -> memref<80x128xf32, #tpu.memory_space<hbm>>
      %dma_start3A_65 = arith.constant 0 : i32
      %dma_start3A_66 = tpu.memref_slice %arg17[%add3A_47, %dma_start3A_65] : memref<10016x128xf32, #tpu.memory_space<vmem_shared>> -> memref<80x128xf32, #tpu.memory_space<vmem_shared>>
      tpu.enqueue_dma source(%dma_start3A_66 : memref<80x128xf32, #tpu.memory_space<vmem_shared>>) target(%dma_start3A_64 : memref<80x128xf32, #tpu.memory_space<hbm>>) target_semaphore(%run_scoped3A : memref<!tpu.dma_semaphore, #tpu.memory_space<semaphore_mem>>)
      %dma_wait3A = arith.constant 0 : i32
      %dma_wait3A_67 = tpu.memref_slice %arg6[%arg0, %add3A_47, %dma_wait3A] : memref<2x10000x128xf32, #tpu.memory_space<hbm>> -> memref<1x80x128xf32, #tpu.memory_space<hbm>>
      %dma_wait3A_68 = tpu.memref_squeeze %dma_wait3A_67 : memref<1x80x128xf32, #tpu.memory_space<hbm>> -> memref<80x128xf32, #tpu.memory_space<hbm>>
      %dma_wait3A_69 = arith.constant 0 : i32
      %dma_wait3A_70 = tpu.memref_slice %arg17[%add3A_47, %dma_wait3A_69] : memref<10016x128xf32, #tpu.memory_space<vmem_shared>> -> memref<80x128xf32, #tpu.memory_space<vmem_shared>>
      tpu.wait_dma2 semaphore(%run_scoped3A : memref<!tpu.dma_semaphore, #tpu.memory_space<semaphore_mem>>) src(%dma_wait3A_70 : memref<80x128xf32, #tpu.memory_space<vmem_shared>>) dst(%dma_wait3A_68 : memref<80x128xf32, #tpu.memory_space<hbm>>)
      tpu.yield
    }) : () -> ()
    %add3A_48 = arith.constant 240 : i32
    %add3A_49 = arith.addi %mul3A_6, %add3A_48 : i32
    "tpu.region"() ({
      %run_scoped3A = tpu.sem_alloc : memref<!tpu.dma_semaphore, #tpu.memory_space<semaphore_mem>>
      %dma_start3A = arith.constant 0 : i32
      %dma_start3A_63 = tpu.memref_slice %arg6[%arg0, %add3A_49, %dma_start3A] : memref<2x10000x128xf32, #tpu.memory_space<hbm>> -> memref<1x80x128xf32, #tpu.memory_space<hbm>>
      %dma_start3A_64 = tpu.memref_squeeze %dma_start3A_63 : memref<1x80x128xf32, #tpu.memory_space<hbm>> -> memref<80x128xf32, #tpu.memory_space<hbm>>
      %dma_start3A_65 = arith.constant 0 : i32
      %dma_start3A_66 = tpu.memref_slice %arg17[%add3A_49, %dma_start3A_65] : memref<10016x128xf32, #tpu.memory_space<vmem_shared>> -> memref<80x128xf32, #tpu.memory_space<vmem_shared>>
      tpu.enqueue_dma source(%dma_start3A_66 : memref<80x128xf32, #tpu.memory_space<vmem_shared>>) target(%dma_start3A_64 : memref<80x128xf32, #tpu.memory_space<hbm>>) target_semaphore(%run_scoped3A : memref<!tpu.dma_semaphore, #tpu.memory_space<semaphore_mem>>)
      %dma_wait3A = arith.constant 0 : i32
      %dma_wait3A_67 = tpu.memref_slice %arg6[%arg0, %add3A_49, %dma_wait3A] : memref<2x10000x128xf32, #tpu.memory_space<hbm>> -> memref<1x80x128xf32, #tpu.memory_space<hbm>>
      %dma_wait3A_68 = tpu.memref_squeeze %dma_wait3A_67 : memref<1x80x128xf32, #tpu.memory_space<hbm>> -> memref<80x128xf32, #tpu.memory_space<hbm>>
      %dma_wait3A_69 = arith.constant 0 : i32
      %dma_wait3A_70 = tpu.memref_slice %arg17[%add3A_49, %dma_wait3A_69] : memref<10016x128xf32, #tpu.memory_space<vmem_shared>> -> memref<80x128xf32, #tpu.memory_space<vmem_shared>>
      tpu.wait_dma2 semaphore(%run_scoped3A : memref<!tpu.dma_semaphore, #tpu.memory_space<semaphore_mem>>) src(%dma_wait3A_70 : memref<80x128xf32, #tpu.memory_space<vmem_shared>>) dst(%dma_wait3A_68 : memref<80x128xf32, #tpu.memory_space<hbm>>)
      tpu.yield
    }) : () -> ()
    %add3A_50 = arith.constant 320 : i32
    %add3A_51 = arith.addi %mul3A_6, %add3A_50 : i32
    "tpu.region"() ({
      %run_scoped3A = tpu.sem_alloc : memref<!tpu.dma_semaphore, #tpu.memory_space<semaphore_mem>>
      %dma_start3A = arith.constant 0 : i32
      %dma_start3A_63 = tpu.memref_slice %arg6[%arg0, %add3A_51, %dma_start3A] : memref<2x10000x128xf32, #tpu.memory_space<hbm>> -> memref<1x80x128xf32, #tpu.memory_space<hbm>>
      %dma_start3A_64 = tpu.memref_squeeze %dma_start3A_63 : memref<1x80x128xf32, #tpu.memory_space<hbm>> -> memref<80x128xf32, #tpu.memory_space<hbm>>
      %dma_start3A_65 = arith.constant 0 : i32
      %dma_start3A_66 = tpu.memref_slice %arg17[%add3A_51, %dma_start3A_65] : memref<10016x128xf32, #tpu.memory_space<vmem_shared>> -> memref<80x128xf32, #tpu.memory_space<vmem_shared>>
      tpu.enqueue_dma source(%dma_start3A_66 : memref<80x128xf32, #tpu.memory_space<vmem_shared>>) target(%dma_start3A_64 : memref<80x128xf32, #tpu.memory_space<hbm>>) target_semaphore(%run_scoped3A : memref<!tpu.dma_semaphore, #tpu.memory_space<semaphore_mem>>)
      %dma_wait3A = arith.constant 0 : i32
      %dma_wait3A_67 = tpu.memref_slice %arg6[%arg0, %add3A_51, %dma_wait3A] : memref<2x10000x128xf32, #tpu.memory_space<hbm>> -> memref<1x80x128xf32, #tpu.memory_space<hbm>>
      %dma_wait3A_68 = tpu.memref_squeeze %dma_wait3A_67 : memref<1x80x128xf32, #tpu.memory_space<hbm>> -> memref<80x128xf32, #tpu.memory_space<hbm>>
      %dma_wait3A_69 = arith.constant 0 : i32
      %dma_wait3A_70 = tpu.memref_slice %arg17[%add3A_51, %dma_wait3A_69] : memref<10016x128xf32, #tpu.memory_space<vmem_shared>> -> memref<80x128xf32, #tpu.memory_space<vmem_shared>>
      tpu.wait_dma2 semaphore(%run_scoped3A : memref<!tpu.dma_semaphore, #tpu.memory_space<semaphore_mem>>) src(%dma_wait3A_70 : memref<80x128xf32, #tpu.memory_space<vmem_shared>>) dst(%dma_wait3A_68 : memref<80x128xf32, #tpu.memory_space<hbm>>)
      tpu.yield
    }) : () -> ()
    %add3A_52 = arith.constant 400 : i32
    %add3A_53 = arith.addi %mul3A_6, %add3A_52 : i32
    "tpu.region"() ({
      %run_scoped3A = tpu.sem_alloc : memref<!tpu.dma_semaphore, #tpu.memory_space<semaphore_mem>>
      %dma_start3A = arith.constant 0 : i32
      %dma_start3A_63 = tpu.memref_slice %arg6[%arg0, %add3A_53, %dma_start3A] : memref<2x10000x128xf32, #tpu.memory_space<hbm>> -> memref<1x80x128xf32, #tpu.memory_space<hbm>>
      %dma_start3A_64 = tpu.memref_squeeze %dma_start3A_63 : memref<1x80x128xf32, #tpu.memory_space<hbm>> -> memref<80x128xf32, #tpu.memory_space<hbm>>
      %dma_start3A_65 = arith.constant 0 : i32
      %dma_start3A_66 = tpu.memref_slice %arg17[%add3A_53, %dma_start3A_65] : memref<10016x128xf32, #tpu.memory_space<vmem_shared>> -> memref<80x128xf32, #tpu.memory_space<vmem_shared>>
      tpu.enqueue_dma source(%dma_start3A_66 : memref<80x128xf32, #tpu.memory_space<vmem_shared>>) target(%dma_start3A_64 : memref<80x128xf32, #tpu.memory_space<hbm>>) target_semaphore(%run_scoped3A : memref<!tpu.dma_semaphore, #tpu.memory_space<semaphore_mem>>)
      %dma_wait3A = arith.constant 0 : i32
      %dma_wait3A_67 = tpu.memref_slice %arg6[%arg0, %add3A_53, %dma_wait3A] : memref<2x10000x128xf32, #tpu.memory_space<hbm>> -> memref<1x80x128xf32, #tpu.memory_space<hbm>>
      %dma_wait3A_68 = tpu.memref_squeeze %dma_wait3A_67 : memref<1x80x128xf32, #tpu.memory_space<hbm>> -> memref<80x128xf32, #tpu.memory_space<hbm>>
      %dma_wait3A_69 = arith.constant 0 : i32
      %dma_wait3A_70 = tpu.memref_slice %arg17[%add3A_53, %dma_wait3A_69] : memref<10016x128xf32, #tpu.memory_space<vmem_shared>> -> memref<80x128xf32, #tpu.memory_space<vmem_shared>>
      tpu.wait_dma2 semaphore(%run_scoped3A : memref<!tpu.dma_semaphore, #tpu.memory_space<semaphore_mem>>) src(%dma_wait3A_70 : memref<80x128xf32, #tpu.memory_space<vmem_shared>>) dst(%dma_wait3A_68 : memref<80x128xf32, #tpu.memory_space<hbm>>)
      tpu.yield
    }) : () -> ()
    %add3A_54 = arith.constant 480 : i32
    %add3A_55 = arith.addi %mul3A_6, %add3A_54 : i32
    "tpu.region"() ({
      %run_scoped3A = tpu.sem_alloc : memref<!tpu.dma_semaphore, #tpu.memory_space<semaphore_mem>>
      %dma_start3A = arith.constant 0 : i32
      %dma_start3A_63 = tpu.memref_slice %arg6[%arg0, %add3A_55, %dma_start3A] : memref<2x10000x128xf32, #tpu.memory_space<hbm>> -> memref<1x80x128xf32, #tpu.memory_space<hbm>>
      %dma_start3A_64 = tpu.memref_squeeze %dma_start3A_63 : memref<1x80x128xf32, #tpu.memory_space<hbm>> -> memref<80x128xf32, #tpu.memory_space<hbm>>
      %dma_start3A_65 = arith.constant 0 : i32
      %dma_start3A_66 = tpu.memref_slice %arg17[%add3A_55, %dma_start3A_65] : memref<10016x128xf32, #tpu.memory_space<vmem_shared>> -> memref<80x128xf32, #tpu.memory_space<vmem_shared>>
      tpu.enqueue_dma source(%dma_start3A_66 : memref<80x128xf32, #tpu.memory_space<vmem_shared>>) target(%dma_start3A_64 : memref<80x128xf32, #tpu.memory_space<hbm>>) target_semaphore(%run_scoped3A : memref<!tpu.dma_semaphore, #tpu.memory_space<semaphore_mem>>)
      %dma_wait3A = arith.constant 0 : i32
      %dma_wait3A_67 = tpu.memref_slice %arg6[%arg0, %add3A_55, %dma_wait3A] : memref<2x10000x128xf32, #tpu.memory_space<hbm>> -> memref<1x80x128xf32, #tpu.memory_space<hbm>>
      %dma_wait3A_68 = tpu.memref_squeeze %dma_wait3A_67 : memref<1x80x128xf32, #tpu.memory_space<hbm>> -> memref<80x128xf32, #tpu.memory_space<hbm>>
      %dma_wait3A_69 = arith.constant 0 : i32
      %dma_wait3A_70 = tpu.memref_slice %arg17[%add3A_55, %dma_wait3A_69] : memref<10016x128xf32, #tpu.memory_space<vmem_shared>> -> memref<80x128xf32, #tpu.memory_space<vmem_shared>>
      tpu.wait_dma2 semaphore(%run_scoped3A : memref<!tpu.dma_semaphore, #tpu.memory_space<semaphore_mem>>) src(%dma_wait3A_70 : memref<80x128xf32, #tpu.memory_space<vmem_shared>>) dst(%dma_wait3A_68 : memref<80x128xf32, #tpu.memory_space<hbm>>)
      tpu.yield
    }) : () -> ()
    %add3A_56 = arith.constant 560 : i32
    %add3A_57 = arith.addi %mul3A_6, %add3A_56 : i32
    "tpu.region"() ({
      %run_scoped3A = tpu.sem_alloc : memref<!tpu.dma_semaphore, #tpu.memory_space<semaphore_mem>>
      %dma_start3A = arith.constant 0 : i32
      %dma_start3A_63 = tpu.memref_slice %arg6[%arg0, %add3A_57, %dma_start3A] : memref<2x10000x128xf32, #tpu.memory_space<hbm>> -> memref<1x64x128xf32, #tpu.memory_space<hbm>>
      %dma_start3A_64 = tpu.memref_squeeze %dma_start3A_63 : memref<1x64x128xf32, #tpu.memory_space<hbm>> -> memref<64x128xf32, #tpu.memory_space<hbm>>
      %dma_start3A_65 = arith.constant 0 : i32
      %dma_start3A_66 = tpu.memref_slice %arg17[%add3A_57, %dma_start3A_65] : memref<10016x128xf32, #tpu.memory_space<vmem_shared>> -> memref<64x128xf32, #tpu.memory_space<vmem_shared>>
      tpu.enqueue_dma source(%dma_start3A_66 : memref<64x128xf32, #tpu.memory_space<vmem_shared>>) target(%dma_start3A_64 : memref<64x128xf32, #tpu.memory_space<hbm>>) target_semaphore(%run_scoped3A : memref<!tpu.dma_semaphore, #tpu.memory_space<semaphore_mem>>)
      %dma_wait3A = arith.constant 0 : i32
      %dma_wait3A_67 = tpu.memref_slice %arg6[%arg0, %add3A_57, %dma_wait3A] : memref<2x10000x128xf32, #tpu.memory_space<hbm>> -> memref<1x64x128xf32, #tpu.memory_space<hbm>>
      %dma_wait3A_68 = tpu.memref_squeeze %dma_wait3A_67 : memref<1x64x128xf32, #tpu.memory_space<hbm>> -> memref<64x128xf32, #tpu.memory_space<hbm>>
      %dma_wait3A_69 = arith.constant 0 : i32
      %dma_wait3A_70 = tpu.memref_slice %arg17[%add3A_57, %dma_wait3A_69] : memref<10016x128xf32, #tpu.memory_space<vmem_shared>> -> memref<64x128xf32, #tpu.memory_space<vmem_shared>>
      tpu.wait_dma2 semaphore(%run_scoped3A : memref<!tpu.dma_semaphore, #tpu.memory_space<semaphore_mem>>) src(%dma_wait3A_70 : memref<64x128xf32, #tpu.memory_space<vmem_shared>>) dst(%dma_wait3A_68 : memref<64x128xf32, #tpu.memory_space<hbm>>)
      tpu.yield
    }) : () -> ()
    %eq3A_58 = arith.constant 15 : i32
    %eq3A_59 = arith.cmpi eq, %arg1, %eq3A_58 : i32
    %convert_element_type3A_60 = arith.extui %eq3A_59 : i1 to i32
    %cond3A_61 = arith.constant 0 : i32
    %cond3A_62 = arith.cmpi ne, %convert_element_type3A_60, %cond3A_61 : i32
    scf.if %cond3A_62 {
      "tpu.region"() ({
        %run_scoped3A = tpu.sem_alloc : memref<!tpu.dma_semaphore, #tpu.memory_space<semaphore_mem>>
        %dma_start3A = arith.constant 9984 : i32
        %dma_start3A_63 = arith.constant 0 : i32
        %dma_start3A_64 = tpu.memref_slice %arg6[%arg0, %dma_start3A, %dma_start3A_63] : memref<2x10000x128xf32, #tpu.memory_space<hbm>> -> memref<1x16x128xf32, #tpu.memory_space<hbm>>
        %dma_start3A_65 = tpu.memref_squeeze %dma_start3A_64 : memref<1x16x128xf32, #tpu.memory_space<hbm>> -> memref<16x128xf32, #tpu.memory_space<hbm>>
        %dma_start3A_66 = arith.constant 9984 : i32
        %dma_start3A_67 = arith.constant 0 : i32
        %dma_start3A_68 = tpu.memref_slice %arg17[%dma_start3A_66, %dma_start3A_67] : memref<10016x128xf32, #tpu.memory_space<vmem_shared>> -> memref<16x128xf32, #tpu.memory_space<vmem_shared>>
        tpu.enqueue_dma source(%dma_start3A_68 : memref<16x128xf32, #tpu.memory_space<vmem_shared>>) target(%dma_start3A_65 : memref<16x128xf32, #tpu.memory_space<hbm>>) target_semaphore(%run_scoped3A : memref<!tpu.dma_semaphore, #tpu.memory_space<semaphore_mem>>)
        %dma_wait3A = arith.constant 9984 : i32
        %dma_wait3A_69 = arith.constant 0 : i32
        %dma_wait3A_70 = tpu.memref_slice %arg6[%arg0, %dma_wait3A, %dma_wait3A_69] : memref<2x10000x128xf32, #tpu.memory_space<hbm>> -> memref<1x16x128xf32, #tpu.memory_space<hbm>>
        %dma_wait3A_71 = tpu.memref_squeeze %dma_wait3A_70 : memref<1x16x128xf32, #tpu.memory_space<hbm>> -> memref<16x128xf32, #tpu.memory_space<hbm>>
        %dma_wait3A_72 = arith.constant 9984 : i32
        %dma_wait3A_73 = arith.constant 0 : i32
        %dma_wait3A_74 = tpu.memref_slice %arg17[%dma_wait3A_72, %dma_wait3A_73] : memref<10016x128xf32, #tpu.memory_space<vmem_shared>> -> memref<16x128xf32, #tpu.memory_space<vmem_shared>>
        tpu.wait_dma2 semaphore(%run_scoped3A : memref<!tpu.dma_semaphore, #tpu.memory_space<semaphore_mem>>) src(%dma_wait3A_74 : memref<16x128xf32, #tpu.memory_space<vmem_shared>>) dst(%dma_wait3A_71 : memref<16x128xf32, #tpu.memory_space<hbm>>)
        tpu.yield
      }) : () -> ()
    } else {
    }
    return
  }
}

#map = affine_map<(d0, d1) -> (0, 0)>
#map1 = affine_map<(d0, d1) -> (0)>
#map2 = affine_map<(d0, d1) -> (0, 0, 0)>
module attributes {stable_mosaic.version = 14 : i64} {
  func.func @_edge_body(%arg0: i32, %arg1: i32, %arg2: memref<10000x128xf32, #tpu.memory_space<hbm>>, %arg3: memref<10000x256xf32, #tpu.memory_space<hbm>>, %arg4: memref<320000xi32, #tpu.memory_space<hbm>>, %arg5: memref<320000xi32, #tpu.memory_space<hbm>>, %arg6: memref<2x10000x128xf32, #tpu.memory_space<hbm>>, %arg7: memref<80xi32, #tpu.memory_space<vmem>>, %arg8: memref<80xi32, #tpu.memory_space<vmem>>, %arg9: memref<80x128xf32, #tpu.memory_space<vmem>>, %arg10: memref<80x256xf32, #tpu.memory_space<vmem>>, %arg11: memref<80x128xf32, #tpu.memory_space<vmem>>, %arg12: memref<16xf32, #tpu.memory_space<vmem>>, %arg13: memref<16xi32, #tpu.memory_space<vmem>>, %arg14: memref<16xi32, #tpu.memory_space<vmem>>, %arg15: memref<5x16xi32, #tpu.memory_space<vmem>>, %arg16: memref<16xi32, #tpu.memory_space<vmem>>, %arg17: memref<10016x128xf32, #tpu.memory_space<vmem_shared>>, %arg18: memref<!tpu.dma_semaphore, #tpu.memory_space<semaphore_mem>>, %arg19: memref<!tpu.dma_semaphore, #tpu.memory_space<semaphore_mem>>, %arg20: memref<!tpu.dma_semaphore, #tpu.memory_space<semaphore_mem>>) attributes {dimension_semantics = [#tpu.dimension_semantics<core_parallel>, #tpu.dimension_semantics<subcore_parallel>], iteration_bounds = array<i64: 2, 16>, scalar_prefetch = 0 : i64, scratch_operands = 14 : i64, tpu.core_type = #tpu.core_type<sc_vector_subcore>, window_params = [{transform_indices = #map}, {transform_indices = #map}, {transform_indices = #map1}, {transform_indices = #map1}, {transform_indices = #map2}]} {
    %mul3A = arith.constant 16 : i32
    %mul3A_0 = arith.muli %arg0, %mul3A : i32
    %add3A = arith.addi %mul3A_0, %arg1 : i32
    %scan3A = arith.constant 0 : i32
    %scan3A_1 = arith.constant 80 : i32
    %scan3A_2 = arith.addi %scan3A, %scan3A_1 : i32
    %scan3A_3 = arith.constant 1 : i32
    scf.for %scan3A_63 = %scan3A to %scan3A_2 step %scan3A_3  : i32 {
      %mul3A_64 = arith.constant 1 : i32
      %mul3A_65 = arith.muli %scan3A_63, %mul3A_64 : i32
      %add3A_66 = arith.constant 0 : i32
      %add3A_67 = arith.addi %add3A_66, %mul3A_65 : i32
      %broadcast_in_dim3A = arith.constant 0.000000e+00 : f32
      %broadcast_in_dim3A_68 = vector.broadcast %broadcast_in_dim3A : f32 to vector<16xf32>
      %swap3A = arith.index_cast %add3A_67 : i32 to index
      %swap3A_69 = arith.constant 0 : index
      %swap3A_70 = tpu.vector_load %arg11[%swap3A, %swap3A_69] {strides = array<i32>} : memref<80x128xf32, #tpu.memory_space<vmem>>, vector<16xf32>,
      tpu.vector_store %arg11[%swap3A, %swap3A_69], %broadcast_in_dim3A_68 {strides = array<i32>} : memref<80x128xf32, #tpu.memory_space<vmem>>, vector<16xf32>,
      %broadcast_in_dim3A_71 = arith.constant 0.000000e+00 : f32
      %broadcast_in_dim3A_72 = vector.broadcast %broadcast_in_dim3A_71 : f32 to vector<16xf32>
      %swap3A_73 = arith.index_cast %add3A_67 : i32 to index
      %swap3A_74 = arith.constant 16 : index
      %swap3A_75 = tpu.vector_load %arg11[%swap3A_73, %swap3A_74] {strides = array<i32>} : memref<80x128xf32, #tpu.memory_space<vmem>>, vector<16xf32>,
      tpu.vector_store %arg11[%swap3A_73, %swap3A_74], %broadcast_in_dim3A_72 {strides = array<i32>} : memref<80x128xf32, #tpu.memory_space<vmem>>, vector<16xf32>,
      %broadcast_in_dim3A_76 = arith.constant 0.000000e+00 : f32
      %broadcast_in_dim3A_77 = vector.broadcast %broadcast_in_dim3A_76 : f32 to vector<16xf32>
      %swap3A_78 = arith.index_cast %add3A_67 : i32 to index
      %swap3A_79 = arith.constant 32 : index
      %swap3A_80 = tpu.vector_load %arg11[%swap3A_78, %swap3A_79] {strides = array<i32>} : memref<80x128xf32, #tpu.memory_space<vmem>>, vector<16xf32>,
      tpu.vector_store %arg11[%swap3A_78, %swap3A_79], %broadcast_in_dim3A_77 {strides = array<i32>} : memref<80x128xf32, #tpu.memory_space<vmem>>, vector<16xf32>,
      %broadcast_in_dim3A_81 = arith.constant 0.000000e+00 : f32
      %broadcast_in_dim3A_82 = vector.broadcast %broadcast_in_dim3A_81 : f32 to vector<16xf32>
      %swap3A_83 = arith.index_cast %add3A_67 : i32 to index
      %swap3A_84 = arith.constant 48 : index
      %swap3A_85 = tpu.vector_load %arg11[%swap3A_83, %swap3A_84] {strides = array<i32>} : memref<80x128xf32, #tpu.memory_space<vmem>>, vector<16xf32>,
      tpu.vector_store %arg11[%swap3A_83, %swap3A_84], %broadcast_in_dim3A_82 {strides = array<i32>} : memref<80x128xf32, #tpu.memory_space<vmem>>, vector<16xf32>,
      %broadcast_in_dim3A_86 = arith.constant 0.000000e+00 : f32
      %broadcast_in_dim3A_87 = vector.broadcast %broadcast_in_dim3A_86 : f32 to vector<16xf32>
      %swap3A_88 = arith.index_cast %add3A_67 : i32 to index
      %swap3A_89 = arith.constant 64 : index
      %swap3A_90 = tpu.vector_load %arg11[%swap3A_88, %swap3A_89] {strides = array<i32>} : memref<80x128xf32, #tpu.memory_space<vmem>>, vector<16xf32>,
      tpu.vector_store %arg11[%swap3A_88, %swap3A_89], %broadcast_in_dim3A_87 {strides = array<i32>} : memref<80x128xf32, #tpu.memory_space<vmem>>, vector<16xf32>,
      %broadcast_in_dim3A_91 = arith.constant 0.000000e+00 : f32
      %broadcast_in_dim3A_92 = vector.broadcast %broadcast_in_dim3A_91 : f32 to vector<16xf32>
      %swap3A_93 = arith.index_cast %add3A_67 : i32 to index
      %swap3A_94 = arith.constant 80 : index
      %swap3A_95 = tpu.vector_load %arg11[%swap3A_93, %swap3A_94] {strides = array<i32>} : memref<80x128xf32, #tpu.memory_space<vmem>>, vector<16xf32>,
      tpu.vector_store %arg11[%swap3A_93, %swap3A_94], %broadcast_in_dim3A_92 {strides = array<i32>} : memref<80x128xf32, #tpu.memory_space<vmem>>, vector<16xf32>,
      %broadcast_in_dim3A_96 = arith.constant 0.000000e+00 : f32
      %broadcast_in_dim3A_97 = vector.broadcast %broadcast_in_dim3A_96 : f32 to vector<16xf32>
      %swap3A_98 = arith.index_cast %add3A_67 : i32 to index
      %swap3A_99 = arith.constant 96 : index
      %swap3A_100 = tpu.vector_load %arg11[%swap3A_98, %swap3A_99] {strides = array<i32>} : memref<80x128xf32, #tpu.memory_space<vmem>>, vector<16xf32>,
      tpu.vector_store %arg11[%swap3A_98, %swap3A_99], %broadcast_in_dim3A_97 {strides = array<i32>} : memref<80x128xf32, #tpu.memory_space<vmem>>, vector<16xf32>,
      %broadcast_in_dim3A_101 = arith.constant 0.000000e+00 : f32
      %broadcast_in_dim3A_102 = vector.broadcast %broadcast_in_dim3A_101 : f32 to vector<16xf32>
      %swap3A_103 = arith.index_cast %add3A_67 : i32 to index
      %swap3A_104 = arith.constant 112 : index
      %swap3A_105 = tpu.vector_load %arg11[%swap3A_103, %swap3A_104] {strides = array<i32>} : memref<80x128xf32, #tpu.memory_space<vmem>>, vector<16xf32>,
      tpu.vector_store %arg11[%swap3A_103, %swap3A_104], %broadcast_in_dim3A_102 {strides = array<i32>} : memref<80x128xf32, #tpu.memory_space<vmem>>, vector<16xf32>,
    }
    %scan3A_4 = arith.constant 80 : i32
    %mul3A_5 = arith.constant 624 : i32
    %mul3A_6 = arith.muli %arg1, %mul3A_5 : i32
    %add3A_7 = arith.constant 0 : i32
    %add3A_8 = arith.addi %mul3A_6, %add3A_7 : i32
    "tpu.region"() ({
      %run_scoped3A = tpu.sem_alloc : memref<!tpu.dma_semaphore, #tpu.memory_space<semaphore_mem>>
      %dma_start3A = arith.constant 0 : i32
      %dma_start3A_63 = tpu.memref_slice %arg17[%add3A_8, %dma_start3A] : memref<10016x128xf32, #tpu.memory_space<vmem_shared>> -> memref<80x128xf32, #tpu.memory_space<vmem_shared>>
      %dma_start3A_64 = arith.constant 0 : i32
      %dma_start3A_65 = tpu.memref_slice %arg17[%add3A_8, %dma_start3A_64] : memref<10016x128xf32, #tpu.memory_space<vmem_shared>> -> memref<80x128xf32, #tpu.memory_space<vmem_shared>>
      tpu.enqueue_dma source(%arg11 : memref<80x128xf32, #tpu.memory_space<vmem>>) target(%dma_start3A_65 : memref<80x128xf32, #tpu.memory_space<vmem_shared>>) target_semaphore(%run_scoped3A : memref<!tpu.dma_semaphore, #tpu.memory_space<semaphore_mem>>)
      %dma_wait3A = arith.constant 0 : i32
      %dma_wait3A_66 = tpu.memref_slice %arg17[%add3A_8, %dma_wait3A] : memref<10016x128xf32, #tpu.memory_space<vmem_shared>> -> memref<80x128xf32, #tpu.memory_space<vmem_shared>>
      %dma_wait3A_67 = arith.constant 0 : i32
      %dma_wait3A_68 = tpu.memref_slice %arg17[%add3A_8, %dma_wait3A_67] : memref<10016x128xf32, #tpu.memory_space<vmem_shared>> -> memref<80x128xf32, #tpu.memory_space<vmem_shared>>
      tpu.wait_dma2 semaphore(%run_scoped3A : memref<!tpu.dma_semaphore, #tpu.memory_space<semaphore_mem>>) src(%arg11 : memref<80x128xf32, #tpu.memory_space<vmem>>) dst(%dma_wait3A_68 : memref<80x128xf32, #tpu.memory_space<vmem_shared>>)
      tpu.yield
    }) : () -> ()
    %add3A_9 = arith.constant 80 : i32
    %add3A_10 = arith.addi %mul3A_6, %add3A_9 : i32
    "tpu.region"() ({
      %run_scoped3A = tpu.sem_alloc : memref<!tpu.dma_semaphore, #tpu.memory_space<semaphore_mem>>
      %dma_start3A = arith.constant 0 : i32
      %dma_start3A_63 = tpu.memref_slice %arg17[%add3A_10, %dma_start3A] : memref<10016x128xf32, #tpu.memory_space<vmem_shared>> -> memref<80x128xf32, #tpu.memory_space<vmem_shared>>
      %dma_start3A_64 = arith.constant 0 : i32
      %dma_start3A_65 = tpu.memref_slice %arg17[%add3A_10, %dma_start3A_64] : memref<10016x128xf32, #tpu.memory_space<vmem_shared>> -> memref<80x128xf32, #tpu.memory_space<vmem_shared>>
      tpu.enqueue_dma source(%arg11 : memref<80x128xf32, #tpu.memory_space<vmem>>) target(%dma_start3A_65 : memref<80x128xf32, #tpu.memory_space<vmem_shared>>) target_semaphore(%run_scoped3A : memref<!tpu.dma_semaphore, #tpu.memory_space<semaphore_mem>>)
      %dma_wait3A = arith.constant 0 : i32
      %dma_wait3A_66 = tpu.memref_slice %arg17[%add3A_10, %dma_wait3A] : memref<10016x128xf32, #tpu.memory_space<vmem_shared>> -> memref<80x128xf32, #tpu.memory_space<vmem_shared>>
      %dma_wait3A_67 = arith.constant 0 : i32
      %dma_wait3A_68 = tpu.memref_slice %arg17[%add3A_10, %dma_wait3A_67] : memref<10016x128xf32, #tpu.memory_space<vmem_shared>> -> memref<80x128xf32, #tpu.memory_space<vmem_shared>>
      tpu.wait_dma2 semaphore(%run_scoped3A : memref<!tpu.dma_semaphore, #tpu.memory_space<semaphore_mem>>) src(%arg11 : memref<80x128xf32, #tpu.memory_space<vmem>>) dst(%dma_wait3A_68 : memref<80x128xf32, #tpu.memory_space<vmem_shared>>)
      tpu.yield
    }) : () -> ()
    %add3A_11 = arith.constant 160 : i32
    %add3A_12 = arith.addi %mul3A_6, %add3A_11 : i32
    "tpu.region"() ({
      %run_scoped3A = tpu.sem_alloc : memref<!tpu.dma_semaphore, #tpu.memory_space<semaphore_mem>>
      %dma_start3A = arith.constant 0 : i32
      %dma_start3A_63 = tpu.memref_slice %arg17[%add3A_12, %dma_start3A] : memref<10016x128xf32, #tpu.memory_space<vmem_shared>> -> memref<80x128xf32, #tpu.memory_space<vmem_shared>>
      %dma_start3A_64 = arith.constant 0 : i32
      %dma_start3A_65 = tpu.memref_slice %arg17[%add3A_12, %dma_start3A_64] : memref<10016x128xf32, #tpu.memory_space<vmem_shared>> -> memref<80x128xf32, #tpu.memory_space<vmem_shared>>
      tpu.enqueue_dma source(%arg11 : memref<80x128xf32, #tpu.memory_space<vmem>>) target(%dma_start3A_65 : memref<80x128xf32, #tpu.memory_space<vmem_shared>>) target_semaphore(%run_scoped3A : memref<!tpu.dma_semaphore, #tpu.memory_space<semaphore_mem>>)
      %dma_wait3A = arith.constant 0 : i32
      %dma_wait3A_66 = tpu.memref_slice %arg17[%add3A_12, %dma_wait3A] : memref<10016x128xf32, #tpu.memory_space<vmem_shared>> -> memref<80x128xf32, #tpu.memory_space<vmem_shared>>
      %dma_wait3A_67 = arith.constant 0 : i32
      %dma_wait3A_68 = tpu.memref_slice %arg17[%add3A_12, %dma_wait3A_67] : memref<10016x128xf32, #tpu.memory_space<vmem_shared>> -> memref<80x128xf32, #tpu.memory_space<vmem_shared>>
      tpu.wait_dma2 semaphore(%run_scoped3A : memref<!tpu.dma_semaphore, #tpu.memory_space<semaphore_mem>>) src(%arg11 : memref<80x128xf32, #tpu.memory_space<vmem>>) dst(%dma_wait3A_68 : memref<80x128xf32, #tpu.memory_space<vmem_shared>>)
      tpu.yield
    }) : () -> ()
    %add3A_13 = arith.constant 240 : i32
    %add3A_14 = arith.addi %mul3A_6, %add3A_13 : i32
    "tpu.region"() ({
      %run_scoped3A = tpu.sem_alloc : memref<!tpu.dma_semaphore, #tpu.memory_space<semaphore_mem>>
      %dma_start3A = arith.constant 0 : i32
      %dma_start3A_63 = tpu.memref_slice %arg17[%add3A_14, %dma_start3A] : memref<10016x128xf32, #tpu.memory_space<vmem_shared>> -> memref<80x128xf32, #tpu.memory_space<vmem_shared>>
      %dma_start3A_64 = arith.constant 0 : i32
      %dma_start3A_65 = tpu.memref_slice %arg17[%add3A_14, %dma_start3A_64] : memref<10016x128xf32, #tpu.memory_space<vmem_shared>> -> memref<80x128xf32, #tpu.memory_space<vmem_shared>>
      tpu.enqueue_dma source(%arg11 : memref<80x128xf32, #tpu.memory_space<vmem>>) target(%dma_start3A_65 : memref<80x128xf32, #tpu.memory_space<vmem_shared>>) target_semaphore(%run_scoped3A : memref<!tpu.dma_semaphore, #tpu.memory_space<semaphore_mem>>)
      %dma_wait3A = arith.constant 0 : i32
      %dma_wait3A_66 = tpu.memref_slice %arg17[%add3A_14, %dma_wait3A] : memref<10016x128xf32, #tpu.memory_space<vmem_shared>> -> memref<80x128xf32, #tpu.memory_space<vmem_shared>>
      %dma_wait3A_67 = arith.constant 0 : i32
      %dma_wait3A_68 = tpu.memref_slice %arg17[%add3A_14, %dma_wait3A_67] : memref<10016x128xf32, #tpu.memory_space<vmem_shared>> -> memref<80x128xf32, #tpu.memory_space<vmem_shared>>
      tpu.wait_dma2 semaphore(%run_scoped3A : memref<!tpu.dma_semaphore, #tpu.memory_space<semaphore_mem>>) src(%arg11 : memref<80x128xf32, #tpu.memory_space<vmem>>) dst(%dma_wait3A_68 : memref<80x128xf32, #tpu.memory_space<vmem_shared>>)
      tpu.yield
    }) : () -> ()
    %add3A_15 = arith.constant 320 : i32
    %add3A_16 = arith.addi %mul3A_6, %add3A_15 : i32
    "tpu.region"() ({
      %run_scoped3A = tpu.sem_alloc : memref<!tpu.dma_semaphore, #tpu.memory_space<semaphore_mem>>
      %dma_start3A = arith.constant 0 : i32
      %dma_start3A_63 = tpu.memref_slice %arg17[%add3A_16, %dma_start3A] : memref<10016x128xf32, #tpu.memory_space<vmem_shared>> -> memref<80x128xf32, #tpu.memory_space<vmem_shared>>
      %dma_start3A_64 = arith.constant 0 : i32
      %dma_start3A_65 = tpu.memref_slice %arg17[%add3A_16, %dma_start3A_64] : memref<10016x128xf32, #tpu.memory_space<vmem_shared>> -> memref<80x128xf32, #tpu.memory_space<vmem_shared>>
      tpu.enqueue_dma source(%arg11 : memref<80x128xf32, #tpu.memory_space<vmem>>) target(%dma_start3A_65 : memref<80x128xf32, #tpu.memory_space<vmem_shared>>) target_semaphore(%run_scoped3A : memref<!tpu.dma_semaphore, #tpu.memory_space<semaphore_mem>>)
      %dma_wait3A = arith.constant 0 : i32
      %dma_wait3A_66 = tpu.memref_slice %arg17[%add3A_16, %dma_wait3A] : memref<10016x128xf32, #tpu.memory_space<vmem_shared>> -> memref<80x128xf32, #tpu.memory_space<vmem_shared>>
      %dma_wait3A_67 = arith.constant 0 : i32
      %dma_wait3A_68 = tpu.memref_slice %arg17[%add3A_16, %dma_wait3A_67] : memref<10016x128xf32, #tpu.memory_space<vmem_shared>> -> memref<80x128xf32, #tpu.memory_space<vmem_shared>>
      tpu.wait_dma2 semaphore(%run_scoped3A : memref<!tpu.dma_semaphore, #tpu.memory_space<semaphore_mem>>) src(%arg11 : memref<80x128xf32, #tpu.memory_space<vmem>>) dst(%dma_wait3A_68 : memref<80x128xf32, #tpu.memory_space<vmem_shared>>)
      tpu.yield
    }) : () -> ()
    %add3A_17 = arith.constant 400 : i32
    %add3A_18 = arith.addi %mul3A_6, %add3A_17 : i32
    "tpu.region"() ({
      %run_scoped3A = tpu.sem_alloc : memref<!tpu.dma_semaphore, #tpu.memory_space<semaphore_mem>>
      %dma_start3A = arith.constant 0 : i32
      %dma_start3A_63 = tpu.memref_slice %arg17[%add3A_18, %dma_start3A] : memref<10016x128xf32, #tpu.memory_space<vmem_shared>> -> memref<80x128xf32, #tpu.memory_space<vmem_shared>>
      %dma_start3A_64 = arith.constant 0 : i32
      %dma_start3A_65 = tpu.memref_slice %arg17[%add3A_18, %dma_start3A_64] : memref<10016x128xf32, #tpu.memory_space<vmem_shared>> -> memref<80x128xf32, #tpu.memory_space<vmem_shared>>
      tpu.enqueue_dma source(%arg11 : memref<80x128xf32, #tpu.memory_space<vmem>>) target(%dma_start3A_65 : memref<80x128xf32, #tpu.memory_space<vmem_shared>>) target_semaphore(%run_scoped3A : memref<!tpu.dma_semaphore, #tpu.memory_space<semaphore_mem>>)
      %dma_wait3A = arith.constant 0 : i32
      %dma_wait3A_66 = tpu.memref_slice %arg17[%add3A_18, %dma_wait3A] : memref<10016x128xf32, #tpu.memory_space<vmem_shared>> -> memref<80x128xf32, #tpu.memory_space<vmem_shared>>
      %dma_wait3A_67 = arith.constant 0 : i32
      %dma_wait3A_68 = tpu.memref_slice %arg17[%add3A_18, %dma_wait3A_67] : memref<10016x128xf32, #tpu.memory_space<vmem_shared>> -> memref<80x128xf32, #tpu.memory_space<vmem_shared>>
      tpu.wait_dma2 semaphore(%run_scoped3A : memref<!tpu.dma_semaphore, #tpu.memory_space<semaphore_mem>>) src(%arg11 : memref<80x128xf32, #tpu.memory_space<vmem>>) dst(%dma_wait3A_68 : memref<80x128xf32, #tpu.memory_space<vmem_shared>>)
      tpu.yield
    }) : () -> ()
    %add3A_19 = arith.constant 480 : i32
    %add3A_20 = arith.addi %mul3A_6, %add3A_19 : i32
    "tpu.region"() ({
      %run_scoped3A = tpu.sem_alloc : memref<!tpu.dma_semaphore, #tpu.memory_space<semaphore_mem>>
      %dma_start3A = arith.constant 0 : i32
      %dma_start3A_63 = tpu.memref_slice %arg17[%add3A_20, %dma_start3A] : memref<10016x128xf32, #tpu.memory_space<vmem_shared>> -> memref<80x128xf32, #tpu.memory_space<vmem_shared>>
      %dma_start3A_64 = arith.constant 0 : i32
      %dma_start3A_65 = tpu.memref_slice %arg17[%add3A_20, %dma_start3A_64] : memref<10016x128xf32, #tpu.memory_space<vmem_shared>> -> memref<80x128xf32, #tpu.memory_space<vmem_shared>>
      tpu.enqueue_dma source(%arg11 : memref<80x128xf32, #tpu.memory_space<vmem>>) target(%dma_start3A_65 : memref<80x128xf32, #tpu.memory_space<vmem_shared>>) target_semaphore(%run_scoped3A : memref<!tpu.dma_semaphore, #tpu.memory_space<semaphore_mem>>)
      %dma_wait3A = arith.constant 0 : i32
      %dma_wait3A_66 = tpu.memref_slice %arg17[%add3A_20, %dma_wait3A] : memref<10016x128xf32, #tpu.memory_space<vmem_shared>> -> memref<80x128xf32, #tpu.memory_space<vmem_shared>>
      %dma_wait3A_67 = arith.constant 0 : i32
      %dma_wait3A_68 = tpu.memref_slice %arg17[%add3A_20, %dma_wait3A_67] : memref<10016x128xf32, #tpu.memory_space<vmem_shared>> -> memref<80x128xf32, #tpu.memory_space<vmem_shared>>
      tpu.wait_dma2 semaphore(%run_scoped3A : memref<!tpu.dma_semaphore, #tpu.memory_space<semaphore_mem>>) src(%arg11 : memref<80x128xf32, #tpu.memory_space<vmem>>) dst(%dma_wait3A_68 : memref<80x128xf32, #tpu.memory_space<vmem_shared>>)
      tpu.yield
    }) : () -> ()
    %add3A_21 = arith.constant 560 : i32
    %add3A_22 = arith.addi %mul3A_6, %add3A_21 : i32
    "tpu.region"() ({
      %run_scoped3A = tpu.sem_alloc : memref<!tpu.dma_semaphore, #tpu.memory_space<semaphore_mem>>
      %dma_start3A = arith.constant 0 : i32
      %dma_start3A_63 = arith.constant 0 : i32
      %dma_start3A_64 = tpu.memref_slice %arg11[%dma_start3A, %dma_start3A_63] : memref<80x128xf32, #tpu.memory_space<vmem>> -> memref<64x128xf32, #tpu.memory_space<vmem>>
      %dma_start3A_65 = arith.constant 0 : i32
      %dma_start3A_66 = tpu.memref_slice %arg17[%add3A_22, %dma_start3A_65] : memref<10016x128xf32, #tpu.memory_space<vmem_shared>> -> memref<64x128xf32, #tpu.memory_space<vmem_shared>>
      %dma_start3A_67 = arith.constant 0 : i32
      %dma_start3A_68 = tpu.memref_slice %arg17[%add3A_22, %dma_start3A_67] : memref<10016x128xf32, #tpu.memory_space<vmem_shared>> -> memref<64x128xf32, #tpu.memory_space<vmem_shared>>
      %dma_start3A_69 = arith.constant 0 : i32
      %dma_start3A_70 = arith.constant 0 : i32
      %dma_start3A_71 = tpu.memref_slice %arg11[%dma_start3A_69, %dma_start3A_70] : memref<80x128xf32, #tpu.memory_space<vmem>> -> memref<64x128xf32, #tpu.memory_space<vmem>>
      tpu.enqueue_dma source(%dma_start3A_71 : memref<64x128xf32, #tpu.memory_space<vmem>>) target(%dma_start3A_68 : memref<64x128xf32, #tpu.memory_space<vmem_shared>>) target_semaphore(%run_scoped3A : memref<!tpu.dma_semaphore, #tpu.memory_space<semaphore_mem>>)
      %dma_wait3A = arith.constant 0 : i32
      %dma_wait3A_72 = arith.constant 0 : i32
      %dma_wait3A_73 = tpu.memref_slice %arg11[%dma_wait3A, %dma_wait3A_72] : memref<80x128xf32, #tpu.memory_space<vmem>> -> memref<64x128xf32, #tpu.memory_space<vmem>>
      %dma_wait3A_74 = arith.constant 0 : i32
      %dma_wait3A_75 = tpu.memref_slice %arg17[%add3A_22, %dma_wait3A_74] : memref<10016x128xf32, #tpu.memory_space<vmem_shared>> -> memref<64x128xf32, #tpu.memory_space<vmem_shared>>
      %dma_wait3A_76 = arith.constant 0 : i32
      %dma_wait3A_77 = tpu.memref_slice %arg17[%add3A_22, %dma_wait3A_76] : memref<10016x128xf32, #tpu.memory_space<vmem_shared>> -> memref<64x128xf32, #tpu.memory_space<vmem_shared>>
      %dma_wait3A_78 = arith.constant 0 : i32
      %dma_wait3A_79 = arith.constant 0 : i32
      %dma_wait3A_80 = tpu.memref_slice %arg11[%dma_wait3A_78, %dma_wait3A_79] : memref<80x128xf32, #tpu.memory_space<vmem>> -> memref<64x128xf32, #tpu.memory_space<vmem>>
      tpu.wait_dma2 semaphore(%run_scoped3A : memref<!tpu.dma_semaphore, #tpu.memory_space<semaphore_mem>>) src(%dma_wait3A_80 : memref<64x128xf32, #tpu.memory_space<vmem>>) dst(%dma_wait3A_77 : memref<64x128xf32, #tpu.memory_space<vmem_shared>>)
      tpu.yield
    }) : () -> ()
    %eq3A = arith.constant 15 : i32
    %eq3A_23 = arith.cmpi eq, %arg1, %eq3A : i32
    %convert_element_type3A = arith.extui %eq3A_23 : i1 to i32
    %cond3A = arith.constant 0 : i32
    %cond3A_24 = arith.cmpi ne, %convert_element_type3A, %cond3A : i32
    scf.if %cond3A_24 {
      "tpu.region"() ({
        %run_scoped3A = tpu.sem_alloc : memref<!tpu.dma_semaphore, #tpu.memory_space<semaphore_mem>>
        %dma_start3A = arith.constant 0 : i32
        %dma_start3A_63 = arith.constant 0 : i32
        %dma_start3A_64 = tpu.memref_slice %arg11[%dma_start3A, %dma_start3A_63] : memref<80x128xf32, #tpu.memory_space<vmem>> -> memref<16x128xf32, #tpu.memory_space<vmem>>
        %dma_start3A_65 = arith.constant 9984 : i32
        %dma_start3A_66 = arith.constant 0 : i32
        %dma_start3A_67 = tpu.memref_slice %arg17[%dma_start3A_65, %dma_start3A_66] : memref<10016x128xf32, #tpu.memory_space<vmem_shared>> -> memref<16x128xf32, #tpu.memory_space<vmem_shared>>
        %dma_start3A_68 = arith.constant 9984 : i32
        %dma_start3A_69 = arith.constant 0 : i32
        %dma_start3A_70 = tpu.memref_slice %arg17[%dma_start3A_68, %dma_start3A_69] : memref<10016x128xf32, #tpu.memory_space<vmem_shared>> -> memref<16x128xf32, #tpu.memory_space<vmem_shared>>
        %dma_start3A_71 = arith.constant 0 : i32
        %dma_start3A_72 = arith.constant 0 : i32
        %dma_start3A_73 = tpu.memref_slice %arg11[%dma_start3A_71, %dma_start3A_72] : memref<80x128xf32, #tpu.memory_space<vmem>> -> memref<16x128xf32, #tpu.memory_space<vmem>>
        tpu.enqueue_dma source(%dma_start3A_73 : memref<16x128xf32, #tpu.memory_space<vmem>>) target(%dma_start3A_70 : memref<16x128xf32, #tpu.memory_space<vmem_shared>>) target_semaphore(%run_scoped3A : memref<!tpu.dma_semaphore, #tpu.memory_space<semaphore_mem>>)
        %dma_wait3A = arith.constant 0 : i32
        %dma_wait3A_74 = arith.constant 0 : i32
        %dma_wait3A_75 = tpu.memref_slice %arg11[%dma_wait3A, %dma_wait3A_74] : memref<80x128xf32, #tpu.memory_space<vmem>> -> memref<16x128xf32, #tpu.memory_space<vmem>>
        %dma_wait3A_76 = arith.constant 9984 : i32
        %dma_wait3A_77 = arith.constant 0 : i32
        %dma_wait3A_78 = tpu.memref_slice %arg17[%dma_wait3A_76, %dma_wait3A_77] : memref<10016x128xf32, #tpu.memory_space<vmem_shared>> -> memref<16x128xf32, #tpu.memory_space<vmem_shared>>
        %dma_wait3A_79 = arith.constant 9984 : i32
        %dma_wait3A_80 = arith.constant 0 : i32
        %dma_wait3A_81 = tpu.memref_slice %arg17[%dma_wait3A_79, %dma_wait3A_80] : memref<10016x128xf32, #tpu.memory_space<vmem_shared>> -> memref<16x128xf32, #tpu.memory_space<vmem_shared>>
        %dma_wait3A_82 = arith.constant 0 : i32
        %dma_wait3A_83 = arith.constant 0 : i32
        %dma_wait3A_84 = tpu.memref_slice %arg11[%dma_wait3A_82, %dma_wait3A_83] : memref<80x128xf32, #tpu.memory_space<vmem>> -> memref<16x128xf32, #tpu.memory_space<vmem>>
        tpu.wait_dma2 semaphore(%run_scoped3A : memref<!tpu.dma_semaphore, #tpu.memory_space<semaphore_mem>>) src(%dma_wait3A_84 : memref<16x128xf32, #tpu.memory_space<vmem>>) dst(%dma_wait3A_81 : memref<16x128xf32, #tpu.memory_space<vmem_shared>>)
        tpu.yield
      }) : () -> ()
    } else {
    }
    %barrier3A = arith.constant 0 : index
    tpu.barrier barrier_id(%barrier3A)
    %iota3A = tpu.iota {dimensions = array<i32: 0>} : vector<16xi32>
    %add3A_25 = arith.constant 8 : i32
    %add3A_26 = vector.broadcast %add3A_25 : i32 to vector<16xi32>
    %add3A_27 = arith.addi %iota3A, %add3A_26 : vector<16xi32>
    %and3A = arith.constant 15 : i32
    %and3A_28 = vector.broadcast %and3A : i32 to vector<16xi32>
    %and3A_29 = arith.andi %add3A_27, %and3A_28 : vector<16xi32>
    %add3A_30 = arith.constant 4 : i32
    %add3A_31 = vector.broadcast %add3A_30 : i32 to vector<16xi32>
    %add3A_32 = arith.addi %iota3A, %add3A_31 : vector<16xi32>
    %and3A_33 = arith.constant 15 : i32
    %and3A_34 = vector.broadcast %and3A_33 : i32 to vector<16xi32>
    %and3A_35 = arith.andi %add3A_32, %and3A_34 : vector<16xi32>
    %scan3A_36 = arith.constant 0 : i32
    %scan3A_37 = arith.constant 125 : i32
    %scan3A_38 = arith.addi %scan3A_36, %scan3A_37 : i32
    %scan3A_39 = arith.constant 1 : i32
    scf.for %scan3A_63 = %scan3A_36 to %scan3A_38 step %scan3A_39  : i32 {
      %mul3A_64 = arith.constant 1 : i32
      %mul3A_65 = arith.muli %scan3A_63, %mul3A_64 : i32
      %add3A_66 = arith.constant 0 : i32
      %add3A_67 = arith.addi %add3A_66, %mul3A_65 : i32
      %mul3A_68 = arith.constant 10000 : i32
      %mul3A_69 = arith.muli %add3A, %mul3A_68 : i32
      %mul3A_70 = arith.constant 80 : i32
      %mul3A_71 = arith.muli %add3A_67, %mul3A_70 : i32
      %add3A_72 = arith.addi %mul3A_69, %mul3A_71 : i32
      "tpu.region"() ({
        %run_scoped3A = tpu.sem_alloc : memref<!tpu.dma_semaphore, #tpu.memory_space<semaphore_mem>>
        %dma_start3A_361 = tpu.memref_slice %arg4[%add3A_72] : memref<320000xi32, #tpu.memory_space<hbm>> -> memref<80xi32, #tpu.memory_space<hbm>>
        %dma_start3A_362 = tpu.memref_slice %arg4[%add3A_72] : memref<320000xi32, #tpu.memory_space<hbm>> -> memref<80xi32, #tpu.memory_space<hbm>>
        tpu.enqueue_dma source(%dma_start3A_362 : memref<80xi32, #tpu.memory_space<hbm>>) target(%arg7 : memref<80xi32, #tpu.memory_space<vmem>>) target_semaphore(%run_scoped3A : memref<!tpu.dma_semaphore, #tpu.memory_space<semaphore_mem>>)
        %dma_wait3A_363 = tpu.memref_slice %arg4[%add3A_72] : memref<320000xi32, #tpu.memory_space<hbm>> -> memref<80xi32, #tpu.memory_space<hbm>>
        %dma_wait3A_364 = tpu.memref_slice %arg4[%add3A_72] : memref<320000xi32, #tpu.memory_space<hbm>> -> memref<80xi32, #tpu.memory_space<hbm>>
        tpu.wait_dma2 semaphore(%run_scoped3A : memref<!tpu.dma_semaphore, #tpu.memory_space<semaphore_mem>>) src(%dma_wait3A_364 : memref<80xi32, #tpu.memory_space<hbm>>) dst(%arg7 : memref<80xi32, #tpu.memory_space<vmem>>)
        tpu.yield
      }) : () -> ()
      "tpu.region"() ({
        %run_scoped3A = tpu.sem_alloc : memref<!tpu.dma_semaphore, #tpu.memory_space<semaphore_mem>>
        %dma_start3A_361 = tpu.memref_slice %arg5[%add3A_72] : memref<320000xi32, #tpu.memory_space<hbm>> -> memref<80xi32, #tpu.memory_space<hbm>>
        %dma_start3A_362 = tpu.memref_slice %arg5[%add3A_72] : memref<320000xi32, #tpu.memory_space<hbm>> -> memref<80xi32, #tpu.memory_space<hbm>>
        tpu.enqueue_dma source(%dma_start3A_362 : memref<80xi32, #tpu.memory_space<hbm>>) target(%arg8 : memref<80xi32, #tpu.memory_space<vmem>>) target_semaphore(%run_scoped3A : memref<!tpu.dma_semaphore, #tpu.memory_space<semaphore_mem>>)
        %dma_wait3A_363 = tpu.memref_slice %arg5[%add3A_72] : memref<320000xi32, #tpu.memory_space<hbm>> -> memref<80xi32, #tpu.memory_space<hbm>>
        %dma_wait3A_364 = tpu.memref_slice %arg5[%add3A_72] : memref<320000xi32, #tpu.memory_space<hbm>> -> memref<80xi32, #tpu.memory_space<hbm>>
        tpu.wait_dma2 semaphore(%run_scoped3A : memref<!tpu.dma_semaphore, #tpu.memory_space<semaphore_mem>>) src(%dma_wait3A_364 : memref<80xi32, #tpu.memory_space<hbm>>) dst(%arg8 : memref<80xi32, #tpu.memory_space<vmem>>)
        tpu.yield
      }) : () -> ()
      %dma_start3A = arith.constant 0 : i32
      %dma_start3A_73 = arith.constant 0 : i32
      %dma_start3A_74 = tpu.memref_slice %arg2[%dma_start3A, %dma_start3A_73] : memref<10000x128xf32, #tpu.memory_space<hbm>> -> memref<10000x128xf32, #tpu.memory_space<hbm>>
      tpu.enqueue_indirect_dma source(%dma_start3A_74 : memref<10000x128xf32, #tpu.memory_space<hbm>>) target(%arg9 : memref<80x128xf32, #tpu.memory_space<vmem>>) offsets(%arg7 : memref<80xi32, #tpu.memory_space<vmem>>) semaphore(%arg18 : memref<!tpu.dma_semaphore, #tpu.memory_space<semaphore_mem>>)
      %dma_start3A_75 = arith.constant 0 : i32
      %dma_start3A_76 = arith.constant 0 : i32
      %dma_start3A_77 = tpu.memref_slice %arg3[%dma_start3A_75, %dma_start3A_76] : memref<10000x256xf32, #tpu.memory_space<hbm>> -> memref<10000x256xf32, #tpu.memory_space<hbm>>
      tpu.enqueue_indirect_dma source(%dma_start3A_77 : memref<10000x256xf32, #tpu.memory_space<hbm>>) target(%arg10 : memref<80x256xf32, #tpu.memory_space<vmem>>) offsets(%arg8 : memref<80xi32, #tpu.memory_space<vmem>>) semaphore(%arg19 : memref<!tpu.dma_semaphore, #tpu.memory_space<semaphore_mem>>)
      %dma_wait3A = arith.constant 0 : i32
      %dma_wait3A_78 = arith.constant 0 : i32
      %dma_wait3A_79 = tpu.memref_slice %arg2[%dma_wait3A, %dma_wait3A_78] : memref<10000x128xf32, #tpu.memory_space<hbm>> -> memref<10000x128xf32, #tpu.memory_space<hbm>>
      tpu.wait_indirect_dma semaphore(%arg18 : memref<!tpu.dma_semaphore, #tpu.memory_space<semaphore_mem>>) src(%dma_wait3A_79 : memref<10000x128xf32, #tpu.memory_space<hbm>>) dst(%arg9 : memref<80x128xf32, #tpu.memory_space<vmem>>)
      %dma_wait3A_80 = arith.constant 0 : i32
      %dma_wait3A_81 = arith.constant 0 : i32
      %dma_wait3A_82 = tpu.memref_slice %arg3[%dma_wait3A_80, %dma_wait3A_81] : memref<10000x256xf32, #tpu.memory_space<hbm>> -> memref<10000x256xf32, #tpu.memory_space<hbm>>
      tpu.wait_indirect_dma semaphore(%arg19 : memref<!tpu.dma_semaphore, #tpu.memory_space<semaphore_mem>>) src(%dma_wait3A_82 : memref<10000x256xf32, #tpu.memory_space<hbm>>) dst(%arg10 : memref<80x256xf32, #tpu.memory_space<vmem>>)
      %scan3A_83 = arith.constant 0 : i32
      %scan3A_84 = arith.constant 80 : i32
      %scan3A_85 = arith.addi %scan3A_83, %scan3A_84 : i32
      %scan3A_86 = arith.constant 1 : i32
      scf.for %scan3A_361 = %scan3A_83 to %scan3A_85 step %scan3A_86  : i32 {
        %mul3A_362 = arith.constant 1 : i32
        %mul3A_363 = arith.muli %scan3A_361, %mul3A_362 : i32
        %add3A_364 = arith.constant 0 : i32
        %add3A_365 = arith.addi %add3A_364, %mul3A_363 : i32
        %get3A_366 = arith.index_cast %add3A_365 : i32 to index
        %get3A_367 = arith.constant 0 : index
        %get3A_368 = tpu.vector_load %arg9[%get3A_366, %get3A_367] {strides = array<i32>} : memref<80x128xf32, #tpu.memory_space<vmem>>, vector<16xf32>,
        %get3A_369 = arith.index_cast %add3A_365 : i32 to index
        %get3A_370 = arith.constant 0 : index
        %get3A_371 = tpu.vector_load %arg10[%get3A_369, %get3A_370] {strides = array<i32>} : memref<80x256xf32, #tpu.memory_space<vmem>>, vector<16xf32>,
        %mul3A_372 = arith.mulf %get3A_368, %get3A_371 : vector<16xf32>
        %get3A_373 = arith.index_cast %add3A_365 : i32 to index
        %get3A_374 = arith.constant 16 : index
        %get3A_375 = tpu.vector_load %arg9[%get3A_373, %get3A_374] {strides = array<i32>} : memref<80x128xf32, #tpu.memory_space<vmem>>, vector<16xf32>,
        %get3A_376 = arith.index_cast %add3A_365 : i32 to index
        %get3A_377 = arith.constant 16 : index
        %get3A_378 = tpu.vector_load %arg10[%get3A_376, %get3A_377] {strides = array<i32>} : memref<80x256xf32, #tpu.memory_space<vmem>>, vector<16xf32>,
        %mul3A_379 = arith.mulf %get3A_375, %get3A_378 : vector<16xf32>
        %add3A_380 = arith.addf %mul3A_372, %mul3A_379 : vector<16xf32>
        %get3A_381 = arith.index_cast %add3A_365 : i32 to index
        %get3A_382 = arith.constant 32 : index
        %get3A_383 = tpu.vector_load %arg9[%get3A_381, %get3A_382] {strides = array<i32>} : memref<80x128xf32, #tpu.memory_space<vmem>>, vector<16xf32>,
        %get3A_384 = arith.index_cast %add3A_365 : i32 to index
        %get3A_385 = arith.constant 32 : index
        %get3A_386 = tpu.vector_load %arg10[%get3A_384, %get3A_385] {strides = array<i32>} : memref<80x256xf32, #tpu.memory_space<vmem>>, vector<16xf32>,
        %mul3A_387 = arith.mulf %get3A_383, %get3A_386 : vector<16xf32>
        %add3A_388 = arith.addf %add3A_380, %mul3A_387 : vector<16xf32>
        %get3A_389 = arith.index_cast %add3A_365 : i32 to index
        %get3A_390 = arith.constant 48 : index
        %get3A_391 = tpu.vector_load %arg9[%get3A_389, %get3A_390] {strides = array<i32>} : memref<80x128xf32, #tpu.memory_space<vmem>>, vector<16xf32>,
        %get3A_392 = arith.index_cast %add3A_365 : i32 to index
        %get3A_393 = arith.constant 48 : index
        %get3A_394 = tpu.vector_load %arg10[%get3A_392, %get3A_393] {strides = array<i32>} : memref<80x256xf32, #tpu.memory_space<vmem>>, vector<16xf32>,
        %mul3A_395 = arith.mulf %get3A_391, %get3A_394 : vector<16xf32>
        %add3A_396 = arith.addf %add3A_388, %mul3A_395 : vector<16xf32>
        %get3A_397 = arith.index_cast %add3A_365 : i32 to index
        %get3A_398 = arith.constant 64 : index
        %get3A_399 = tpu.vector_load %arg9[%get3A_397, %get3A_398] {strides = array<i32>} : memref<80x128xf32, #tpu.memory_space<vmem>>, vector<16xf32>,
        %get3A_400 = arith.index_cast %add3A_365 : i32 to index
        %get3A_401 = arith.constant 64 : index
        %get3A_402 = tpu.vector_load %arg10[%get3A_400, %get3A_401] {strides = array<i32>} : memref<80x256xf32, #tpu.memory_space<vmem>>, vector<16xf32>,
        %mul3A_403 = arith.mulf %get3A_399, %get3A_402 : vector<16xf32>
        %add3A_404 = arith.addf %add3A_396, %mul3A_403 : vector<16xf32>
        %get3A_405 = arith.index_cast %add3A_365 : i32 to index
        %get3A_406 = arith.constant 80 : index
        %get3A_407 = tpu.vector_load %arg9[%get3A_405, %get3A_406] {strides = array<i32>} : memref<80x128xf32, #tpu.memory_space<vmem>>, vector<16xf32>,
        %get3A_408 = arith.index_cast %add3A_365 : i32 to index
        %get3A_409 = arith.constant 80 : index
        %get3A_410 = tpu.vector_load %arg10[%get3A_408, %get3A_409] {strides = array<i32>} : memref<80x256xf32, #tpu.memory_space<vmem>>, vector<16xf32>,
        %mul3A_411 = arith.mulf %get3A_407, %get3A_410 : vector<16xf32>
        %add3A_412 = arith.addf %add3A_404, %mul3A_411 : vector<16xf32>
        %swap3A_413 = arith.constant 0 : index
        %swap3A_414 = tpu.vector_load %arg12[%swap3A_413] {strides = array<i32>} : memref<16xf32, #tpu.memory_space<vmem>>, vector<16xf32>,
        tpu.vector_store %arg12[%swap3A_413], %add3A_412 {strides = array<i32>} : memref<16xf32, #tpu.memory_space<vmem>>, vector<16xf32>,
        %gather3A_415 = tpu.vector_load_idx %arg12[%and3A_29] : memref<16xf32, #tpu.memory_space<vmem>>[vector<16xi32>], vector<16xf32>,
        %add3A_416 = arith.addf %add3A_412, %gather3A_415 : vector<16xf32>
        %swap3A_417 = arith.constant 0 : index
        %swap3A_418 = tpu.vector_load %arg12[%swap3A_417] {strides = array<i32>} : memref<16xf32, #tpu.memory_space<vmem>>, vector<16xf32>,
        tpu.vector_store %arg12[%swap3A_417], %add3A_416 {strides = array<i32>} : memref<16xf32, #tpu.memory_space<vmem>>, vector<16xf32>,
        %gather3A_419 = tpu.vector_load_idx %arg12[%and3A_35] : memref<16xf32, #tpu.memory_space<vmem>>[vector<16xi32>], vector<16xf32>,
        %add3A_420 = arith.addf %add3A_416, %gather3A_419 : vector<16xf32>
        %exp3A = math.exp %add3A_420 : vector<16xf32>
        %get3A_421 = arith.index_cast %add3A_365 : i32 to index
        %get3A_422 = arith.constant 96 : index
        %get3A_423 = tpu.vector_load %arg10[%get3A_421, %get3A_422] {strides = array<i32>} : memref<80x256xf32, #tpu.memory_space<vmem>>, vector<16xf32>,
        %mul3A_424 = arith.mulf %get3A_423, %exp3A : vector<16xf32>
        %swap3A_425 = arith.index_cast %add3A_365 : i32 to index
        %swap3A_426 = arith.constant 0 : index
        %swap3A_427 = tpu.vector_load %arg11[%swap3A_425, %swap3A_426] {strides = array<i32>} : memref<80x128xf32, #tpu.memory_space<vmem>>, vector<16xf32>,
        tpu.vector_store %arg11[%swap3A_425, %swap3A_426], %mul3A_424 {strides = array<i32>} : memref<80x128xf32, #tpu.memory_space<vmem>>, vector<16xf32>,
        %get3A_428 = arith.index_cast %add3A_365 : i32 to index
        %get3A_429 = arith.constant 112 : index
        %get3A_430 = tpu.vector_load %arg10[%get3A_428, %get3A_429] {strides = array<i32>} : memref<80x256xf32, #tpu.memory_space<vmem>>, vector<16xf32>,
        %mul3A_431 = arith.mulf %get3A_430, %exp3A : vector<16xf32>
        %swap3A_432 = arith.index_cast %add3A_365 : i32 to index
        %swap3A_433 = arith.constant 16 : index
        %swap3A_434 = tpu.vector_load %arg11[%swap3A_432, %swap3A_433] {strides = array<i32>} : memref<80x128xf32, #tpu.memory_space<vmem>>, vector<16xf32>,
        tpu.vector_store %arg11[%swap3A_432, %swap3A_433], %mul3A_431 {strides = array<i32>} : memref<80x128xf32, #tpu.memory_space<vmem>>, vector<16xf32>,
        %get3A_435 = arith.index_cast %add3A_365 : i32 to index
        %get3A_436 = arith.constant 128 : index
        %get3A_437 = tpu.vector_load %arg10[%get3A_435, %get3A_436] {strides = array<i32>} : memref<80x256xf32, #tpu.memory_space<vmem>>, vector<16xf32>,
        %mul3A_438 = arith.mulf %get3A_437, %exp3A : vector<16xf32>
        %swap3A_439 = arith.index_cast %add3A_365 : i32 to index
        %swap3A_440 = arith.constant 32 : index
        %swap3A_441 = tpu.vector_load %arg11[%swap3A_439, %swap3A_440] {strides = array<i32>} : memref<80x128xf32, #tpu.memory_space<vmem>>, vector<16xf32>,
        tpu.vector_store %arg11[%swap3A_439, %swap3A_440], %mul3A_438 {strides = array<i32>} : memref<80x128xf32, #tpu.memory_space<vmem>>, vector<16xf32>,
        %get3A_442 = arith.index_cast %add3A_365 : i32 to index
        %get3A_443 = arith.constant 144 : index
        %get3A_444 = tpu.vector_load %arg10[%get3A_442, %get3A_443] {strides = array<i32>} : memref<80x256xf32, #tpu.memory_space<vmem>>, vector<16xf32>,
        %mul3A_445 = arith.mulf %get3A_444, %exp3A : vector<16xf32>
        %swap3A_446 = arith.index_cast %add3A_365 : i32 to index
        %swap3A_447 = arith.constant 48 : index
        %swap3A_448 = tpu.vector_load %arg11[%swap3A_446, %swap3A_447] {strides = array<i32>} : memref<80x128xf32, #tpu.memory_space<vmem>>, vector<16xf32>,
        tpu.vector_store %arg11[%swap3A_446, %swap3A_447], %mul3A_445 {strides = array<i32>} : memref<80x128xf32, #tpu.memory_space<vmem>>, vector<16xf32>,
        %get3A_449 = arith.index_cast %add3A_365 : i32 to index
        %get3A_450 = arith.constant 160 : index
        %get3A_451 = tpu.vector_load %arg10[%get3A_449, %get3A_450] {strides = array<i32>} : memref<80x256xf32, #tpu.memory_space<vmem>>, vector<16xf32>,
        %mul3A_452 = arith.mulf %get3A_451, %exp3A : vector<16xf32>
        %swap3A_453 = arith.index_cast %add3A_365 : i32 to index
        %swap3A_454 = arith.constant 64 : index
        %swap3A_455 = tpu.vector_load %arg11[%swap3A_453, %swap3A_454] {strides = array<i32>} : memref<80x128xf32, #tpu.memory_space<vmem>>, vector<16xf32>,
        tpu.vector_store %arg11[%swap3A_453, %swap3A_454], %mul3A_452 {strides = array<i32>} : memref<80x128xf32, #tpu.memory_space<vmem>>, vector<16xf32>,
        %get3A_456 = arith.index_cast %add3A_365 : i32 to index
        %get3A_457 = arith.constant 176 : index
        %get3A_458 = tpu.vector_load %arg10[%get3A_456, %get3A_457] {strides = array<i32>} : memref<80x256xf32, #tpu.memory_space<vmem>>, vector<16xf32>,
        %mul3A_459 = arith.mulf %get3A_458, %exp3A : vector<16xf32>
        %swap3A_460 = arith.index_cast %add3A_365 : i32 to index
        %swap3A_461 = arith.constant 80 : index
        %swap3A_462 = tpu.vector_load %arg11[%swap3A_460, %swap3A_461] {strides = array<i32>} : memref<80x128xf32, #tpu.memory_space<vmem>>, vector<16xf32>,
        tpu.vector_store %arg11[%swap3A_460, %swap3A_461], %mul3A_459 {strides = array<i32>} : memref<80x128xf32, #tpu.memory_space<vmem>>, vector<16xf32>,
        %swap3A_463 = arith.index_cast %add3A_365 : i32 to index
        %swap3A_464 = arith.constant 96 : index
        %swap3A_465 = tpu.vector_load %arg11[%swap3A_463, %swap3A_464] {strides = array<i32>} : memref<80x128xf32, #tpu.memory_space<vmem>>, vector<16xf32>,
        tpu.vector_store %arg11[%swap3A_463, %swap3A_464], %exp3A {strides = array<i32>} : memref<80x128xf32, #tpu.memory_space<vmem>>, vector<16xf32>,
        %broadcast_in_dim3A_466 = arith.constant 0.000000e+00 : f32
        %broadcast_in_dim3A_467 = vector.broadcast %broadcast_in_dim3A_466 : f32 to vector<16xf32>
        %swap3A_468 = arith.index_cast %add3A_365 : i32 to index
        %swap3A_469 = arith.constant 112 : index
        %swap3A_470 = tpu.vector_load %arg11[%swap3A_468, %swap3A_469] {strides = array<i32>} : memref<80x128xf32, #tpu.memory_space<vmem>>, vector<16xf32>,
        tpu.vector_store %arg11[%swap3A_468, %swap3A_469], %broadcast_in_dim3A_467 {strides = array<i32>} : memref<80x128xf32, #tpu.memory_space<vmem>>, vector<16xf32>,
      }
      %scan3A_87 = arith.constant 80 : i32
      %iota3A_88 = tpu.iota {dimensions = array<i32: 0>} : vector<16xi32>
      %add3A_89 = arith.constant 15 : i32
      %add3A_90 = vector.broadcast %add3A_89 : i32 to vector<16xi32>
      %add3A_91 = arith.addi %iota3A_88, %add3A_90 : vector<16xi32>
      %and3A_92 = arith.constant 15 : i32
      %and3A_93 = vector.broadcast %and3A_92 : i32 to vector<16xi32>
      %and3A_94 = arith.andi %add3A_91, %and3A_93 : vector<16xi32>
      %broadcast_in_dim3A = arith.constant 1 : i32
      %broadcast_in_dim3A_95 = vector.broadcast %broadcast_in_dim3A : i32 to vector<16xi32>
      %broadcast_in_dim3A_96 = arith.constant 0 : i32
      %broadcast_in_dim3A_97 = vector.broadcast %broadcast_in_dim3A_96 : i32 to vector<16xi32>
      %get3A = arith.constant 0 : index
      %get3A_98 = tpu.vector_load %arg7[%get3A] {strides = array<i32>} : memref<80xi32, #tpu.memory_space<vmem>>, vector<16xi32>,
      %masked_sort3A = arith.constant dense<true> : vector<16xi1>
      %masked_sort3A_99 = arith.constant -2147483648 : i32
      %masked_sort3A_100 = vector.broadcast %masked_sort3A_99 : i32 to vector<16xi32>
      %masked_sort3A_101 = arith.xori %get3A_98, %masked_sort3A_100 : vector<16xi32>
      %masked_sort3A_102, %masked_sort3A_103, %masked_sort3A_104 = tpu.sort %masked_sort3A_101, %iota3A_88 masked %masked_sort3A : (vector<16xi32>, vector<16xi32>, vector<16xi1>) -> (vector<16xi1>, vector<16xi32>, vector<16xi32>)
      %masked_sort3A_105 = arith.xori %masked_sort3A_103, %masked_sort3A_100 : vector<16xi32>
      %swap3A = arith.constant 0 : index
      %swap3A_106 = tpu.vector_load %arg13[%swap3A] {strides = array<i32>} : memref<16xi32, #tpu.memory_space<vmem>>, vector<16xi32>,
      tpu.vector_store %arg13[%swap3A], %masked_sort3A_105 {strides = array<i32>} : memref<16xi32, #tpu.memory_space<vmem>>, vector<16xi32>,
      %gather3A = tpu.vector_load_idx %arg13[%and3A_94] : memref<16xi32, #tpu.memory_space<vmem>>[vector<16xi32>], vector<16xi32>,
      %eq3A_107 = arith.cmpi eq, %masked_sort3A_105, %gather3A : vector<16xi32>
      %gt3A = arith.constant 0 : i32
      %gt3A_108 = vector.broadcast %gt3A : i32 to vector<16xi32>
      %gt3A_109 = arith.cmpi sgt, %iota3A_88, %gt3A_108 : vector<16xi32>
      %and3A_110 = arith.andi %eq3A_107, %gt3A_109 : vector<16xi1>
      %select_n3A = arith.select %and3A_110, %broadcast_in_dim3A_95, %broadcast_in_dim3A_97 : vector<16xi1>, vector<16xi32>
      tpu.vector_store_idx %arg14[%masked_sort3A_104], %select_n3A : memref<16xi32, #tpu.memory_space<vmem>>[vector<16xi32>], vector<16xi32>,
      %get3A_111 = arith.constant 0 : index
      %get3A_112 = tpu.vector_load %arg14[%get3A_111] {strides = array<i32>} : memref<16xi32, #tpu.memory_space<vmem>>, vector<16xi32>,
      %eq3A_113 = arith.constant 1 : i32
      %eq3A_114 = vector.broadcast %eq3A_113 : i32 to vector<16xi32>
      %eq3A_115 = arith.cmpi eq, %get3A_112, %eq3A_114 : vector<16xi32>
      %add3A_116 = arith.constant 10000 : i32
      %add3A_117 = vector.broadcast %add3A_116 : i32 to vector<16xi32>
      %add3A_118 = arith.addi %add3A_117, %iota3A_88 : vector<16xi32>
      %select_n3A_119 = arith.select %eq3A_115, %add3A_118, %get3A_98 : vector<16xi1>, vector<16xi32>
      %swap3A_120 = arith.constant 0 : i32
      %swap3A_121 = arith.index_cast %swap3A_120 : i32 to index
      %swap3A_122 = arith.constant 0 : index
      %swap3A_123 = tpu.vector_load %arg15[%swap3A_121, %swap3A_122] {strides = array<i32>} : memref<5x16xi32, #tpu.memory_space<vmem>>, vector<16xi32>,
      tpu.vector_store %arg15[%swap3A_121, %swap3A_122], %select_n3A_119 {strides = array<i32>} : memref<5x16xi32, #tpu.memory_space<vmem>>, vector<16xi32>,
      %dma_start3A_124 = arith.constant 0 : i32
      %dma_start3A_125 = arith.constant 0 : i32
      %dma_start3A_126 = arith.constant 0 : i32
      %dma_start3A_127 = tpu.memref_slice %arg11[%dma_start3A_125, %dma_start3A_126] : memref<80x128xf32, #tpu.memory_space<vmem>> -> memref<16x128xf32, #tpu.memory_space<vmem>>
      %dma_start3A_128 = arith.constant 0 : i32
      %dma_start3A_129 = tpu.memref_slice %arg15[%dma_start3A_124, %dma_start3A_128] : memref<5x16xi32, #tpu.memory_space<vmem>> -> memref<1x16xi32, #tpu.memory_space<vmem>>
      %dma_start3A_130 = tpu.memref_squeeze %dma_start3A_129 : memref<1x16xi32, #tpu.memory_space<vmem>> -> memref<16xi32, #tpu.memory_space<vmem>>
      %dma_start3A_131 = arith.constant 0 : i32
      %dma_start3A_132 = arith.constant 0 : i32
      %dma_start3A_133 = tpu.memref_slice %arg17[%dma_start3A_131, %dma_start3A_132] : memref<10016x128xf32, #tpu.memory_space<vmem_shared>> -> memref<10016x128xf32, #tpu.memory_space<vmem_shared>>
      tpu.enqueue_indirect_dma source(%dma_start3A_127 : memref<16x128xf32, #tpu.memory_space<vmem>>) target(%dma_start3A_133 : memref<10016x128xf32, #tpu.memory_space<vmem_shared>>) offsets(%dma_start3A_130 : memref<16xi32, #tpu.memory_space<vmem>>) semaphore(%arg20 : memref<!tpu.dma_semaphore, #tpu.memory_space<semaphore_mem>>) {add = true}
      %select_n3A_134 = arith.select %eq3A_115, %broadcast_in_dim3A_95, %broadcast_in_dim3A_97 : vector<16xi1>, vector<16xi32>
      %while3A = scf.while (%while3A_361 = %select_n3A_134) : (vector<16xi32>) -> vector<16xi32> {
        %eq3A_362 = arith.constant 1 : i32
        %eq3A_363 = vector.broadcast %eq3A_362 : i32 to vector<16xi32>
        %eq3A_364 = arith.cmpi eq, %while3A_361, %eq3A_363 : vector<16xi32>
        %reduce_or3A = arith.constant 1.000000e+00 : f32
        %reduce_or3A_365 = arith.constant 0.000000e+00 : f32
        %reduce_or3A_366 = vector.broadcast %reduce_or3A : f32 to vector<16xf32>
        %reduce_or3A_367 = vector.broadcast %reduce_or3A_365 : f32 to vector<16xf32>
        %reduce_or3A_368 = arith.select %eq3A_364, %reduce_or3A_366, %reduce_or3A_367 : vector<16xi1>, vector<16xf32>
        %reduce_or3A_369 = arith.constant true
        %reduce_or3A_370 = vector.broadcast %reduce_or3A_369 : i1 to vector<16xi1>
        %reduce_or3A_371 = tpu.scan <max>, %reduce_or3A_368 masked %reduce_or3A_370 : vector<16xf32>, vector<16xi1> -> vector<16xf32>
        %reduce_or3A_372 = vector.extract %reduce_or3A_371[15] : f32 from vector<16xf32>
        %reduce_or3A_373 = arith.constant 0.000000e+00 : f32
        %reduce_or3A_374 = arith.cmpf ogt, %reduce_or3A_372, %reduce_or3A_373 : f32
        scf.condition(%reduce_or3A_374) %while3A_361 : vector<16xi32>
      } do {
      ^bb0(%while3A_361: vector<16xi32>):
        %eq3A_362 = arith.constant 1 : i32
        %eq3A_363 = vector.broadcast %eq3A_362 : i32 to vector<16xi32>
        %eq3A_364 = arith.cmpi eq, %while3A_361, %eq3A_363 : vector<16xi32>
        %add3A_365 = arith.constant 10016 : i32
        %add3A_366 = vector.broadcast %add3A_365 : i32 to vector<16xi32>
        %add3A_367 = arith.addi %add3A_366, %iota3A_88 : vector<16xi32>
        %select_n3A_368 = arith.select %eq3A_364, %get3A_98, %add3A_367 : vector<16xi1>, vector<16xi32>
        %masked_sort3A_369 = arith.constant dense<true> : vector<16xi1>
        %masked_sort3A_370 = arith.constant -2147483648 : i32
        %masked_sort3A_371 = vector.broadcast %masked_sort3A_370 : i32 to vector<16xi32>
        %masked_sort3A_372 = arith.xori %select_n3A_368, %masked_sort3A_371 : vector<16xi32>
        %masked_sort3A_373, %masked_sort3A_374, %masked_sort3A_375 = tpu.sort %masked_sort3A_372, %iota3A_88 masked %masked_sort3A_369 : (vector<16xi32>, vector<16xi32>, vector<16xi1>) -> (vector<16xi1>, vector<16xi32>, vector<16xi32>)
        %masked_sort3A_376 = arith.xori %masked_sort3A_374, %masked_sort3A_371 : vector<16xi32>
        %swap3A_377 = arith.constant 0 : index
        %swap3A_378 = tpu.vector_load %arg13[%swap3A_377] {strides = array<i32>} : memref<16xi32, #tpu.memory_space<vmem>>, vector<16xi32>,
        tpu.vector_store %arg13[%swap3A_377], %masked_sort3A_376 {strides = array<i32>} : memref<16xi32, #tpu.memory_space<vmem>>, vector<16xi32>,
        %gather3A_379 = tpu.vector_load_idx %arg13[%and3A_94] : memref<16xi32, #tpu.memory_space<vmem>>[vector<16xi32>], vector<16xi32>,
        %eq3A_380 = arith.cmpi eq, %masked_sort3A_376, %gather3A_379 : vector<16xi32>
        %gt3A_381 = arith.constant 0 : i32
        %gt3A_382 = vector.broadcast %gt3A_381 : i32 to vector<16xi32>
        %gt3A_383 = arith.cmpi sgt, %iota3A_88, %gt3A_382 : vector<16xi32>
        %and3A_384 = arith.andi %eq3A_380, %gt3A_383 : vector<16xi1>
        %select_n3A_385 = arith.select %and3A_384, %broadcast_in_dim3A_95, %broadcast_in_dim3A_97 : vector<16xi1>, vector<16xi32>
        tpu.vector_store_idx %arg14[%masked_sort3A_375], %select_n3A_385 : memref<16xi32, #tpu.memory_space<vmem>>[vector<16xi32>], vector<16xi32>,
        %get3A_386 = arith.constant 0 : index
        %get3A_387 = tpu.vector_load %arg14[%get3A_386] {strides = array<i32>} : memref<16xi32, #tpu.memory_space<vmem>>, vector<16xi32>,
        %eq3A_388 = arith.constant 1 : i32
        %eq3A_389 = vector.broadcast %eq3A_388 : i32 to vector<16xi32>
        %eq3A_390 = arith.cmpi eq, %get3A_387, %eq3A_389 : vector<16xi32>
        %not3A = arith.constant dense<true> : vector<16xi1>
        %not3A_391 = arith.xori %eq3A_390, %not3A : vector<16xi1>
        %and3A_392 = arith.andi %eq3A_364, %not3A_391 : vector<16xi1>
        %add3A_393 = arith.constant 10000 : i32
        %add3A_394 = vector.broadcast %add3A_393 : i32 to vector<16xi32>
        %add3A_395 = arith.addi %add3A_394, %iota3A_88 : vector<16xi32>
        %select_n3A_396 = arith.select %and3A_392, %get3A_98, %add3A_395 : vector<16xi1>, vector<16xi32>
        %swap3A_397 = arith.constant 0 : index
        %swap3A_398 = tpu.vector_load %arg16[%swap3A_397] {strides = array<i32>} : memref<16xi32, #tpu.memory_space<vmem>>, vector<16xi32>,
        tpu.vector_store %arg16[%swap3A_397], %select_n3A_396 {strides = array<i32>} : memref<16xi32, #tpu.memory_space<vmem>>, vector<16xi32>,
        "tpu.region"() ({
          %run_scoped3A = tpu.sem_alloc : memref<!tpu.dma_semaphore, #tpu.memory_space<semaphore_mem>>
          %dma_start3A_401 = arith.constant 0 : i32
          %dma_start3A_402 = arith.constant 0 : i32
          %dma_start3A_403 = tpu.memref_slice %arg11[%dma_start3A_401, %dma_start3A_402] : memref<80x128xf32, #tpu.memory_space<vmem>> -> memref<16x128xf32, #tpu.memory_space<vmem>>
          %dma_start3A_404 = arith.constant 0 : i32
          %dma_start3A_405 = arith.constant 0 : i32
          %dma_start3A_406 = tpu.memref_slice %arg17[%dma_start3A_404, %dma_start3A_405] : memref<10016x128xf32, #tpu.memory_space<vmem_shared>> -> memref<10016x128xf32, #tpu.memory_space<vmem_shared>>
          tpu.enqueue_indirect_dma source(%dma_start3A_403 : memref<16x128xf32, #tpu.memory_space<vmem>>) target(%dma_start3A_406 : memref<10016x128xf32, #tpu.memory_space<vmem_shared>>) offsets(%arg16 : memref<16xi32, #tpu.memory_space<vmem>>) semaphore(%run_scoped3A : memref<!tpu.dma_semaphore, #tpu.memory_space<semaphore_mem>>) {add = true}
          %dma_wait3A_407 = arith.constant 0 : i32
          %dma_wait3A_408 = arith.constant 0 : i32
          %dma_wait3A_409 = tpu.memref_slice %arg11[%dma_wait3A_407, %dma_wait3A_408] : memref<80x128xf32, #tpu.memory_space<vmem>> -> memref<16x128xf32, #tpu.memory_space<vmem>>
          %dma_wait3A_410 = arith.constant 0 : i32
          %dma_wait3A_411 = arith.constant 0 : i32
          %dma_wait3A_412 = tpu.memref_slice %arg17[%dma_wait3A_410, %dma_wait3A_411] : memref<10016x128xf32, #tpu.memory_space<vmem_shared>> -> memref<10016x128xf32, #tpu.memory_space<vmem_shared>>
          tpu.wait_indirect_dma semaphore(%run_scoped3A : memref<!tpu.dma_semaphore, #tpu.memory_space<semaphore_mem>>) src(%dma_wait3A_409 : memref<16x128xf32, #tpu.memory_space<vmem>>) dst(%dma_wait3A_412 : memref<10016x128xf32, #tpu.memory_space<vmem_shared>>)
          tpu.yield
        }) : () -> ()
        %and3A_399 = arith.andi %eq3A_364, %eq3A_390 : vector<16xi1>
        %select_n3A_400 = arith.select %and3A_399, %broadcast_in_dim3A_95, %broadcast_in_dim3A_97 : vector<16xi1>, vector<16xi32>
        scf.yield %select_n3A_400 : vector<16xi32>
      }
      %get3A_135 = arith.constant 16 : index
      %get3A_136 = tpu.vector_load %arg7[%get3A_135] {strides = array<i32>} : memref<80xi32, #tpu.memory_space<vmem>>, vector<16xi32>,
      %masked_sort3A_137 = arith.constant dense<true> : vector<16xi1>
      %masked_sort3A_138 = arith.constant -2147483648 : i32
      %masked_sort3A_139 = vector.broadcast %masked_sort3A_138 : i32 to vector<16xi32>
      %masked_sort3A_140 = arith.xori %get3A_136, %masked_sort3A_139 : vector<16xi32>
      %masked_sort3A_141, %masked_sort3A_142, %masked_sort3A_143 = tpu.sort %masked_sort3A_140, %iota3A_88 masked %masked_sort3A_137 : (vector<16xi32>, vector<16xi32>, vector<16xi1>) -> (vector<16xi1>, vector<16xi32>, vector<16xi32>)
      %masked_sort3A_144 = arith.xori %masked_sort3A_142, %masked_sort3A_139 : vector<16xi32>
      %swap3A_145 = arith.constant 0 : index
      %swap3A_146 = tpu.vector_load %arg13[%swap3A_145] {strides = array<i32>} : memref<16xi32, #tpu.memory_space<vmem>>, vector<16xi32>,
      tpu.vector_store %arg13[%swap3A_145], %masked_sort3A_144 {strides = array<i32>} : memref<16xi32, #tpu.memory_space<vmem>>, vector<16xi32>,
      %gather3A_147 = tpu.vector_load_idx %arg13[%and3A_94] : memref<16xi32, #tpu.memory_space<vmem>>[vector<16xi32>], vector<16xi32>,
      %eq3A_148 = arith.cmpi eq, %masked_sort3A_144, %gather3A_147 : vector<16xi32>
      %gt3A_149 = arith.constant 0 : i32
      %gt3A_150 = vector.broadcast %gt3A_149 : i32 to vector<16xi32>
      %gt3A_151 = arith.cmpi sgt, %iota3A_88, %gt3A_150 : vector<16xi32>
      %and3A_152 = arith.andi %eq3A_148, %gt3A_151 : vector<16xi1>
      %select_n3A_153 = arith.select %and3A_152, %broadcast_in_dim3A_95, %broadcast_in_dim3A_97 : vector<16xi1>, vector<16xi32>
      tpu.vector_store_idx %arg14[%masked_sort3A_143], %select_n3A_153 : memref<16xi32, #tpu.memory_space<vmem>>[vector<16xi32>], vector<16xi32>,
      %get3A_154 = arith.constant 0 : index
      %get3A_155 = tpu.vector_load %arg14[%get3A_154] {strides = array<i32>} : memref<16xi32, #tpu.memory_space<vmem>>, vector<16xi32>,
      %eq3A_156 = arith.constant 1 : i32
      %eq3A_157 = vector.broadcast %eq3A_156 : i32 to vector<16xi32>
      %eq3A_158 = arith.cmpi eq, %get3A_155, %eq3A_157 : vector<16xi32>
      %add3A_159 = arith.constant 10000 : i32
      %add3A_160 = vector.broadcast %add3A_159 : i32 to vector<16xi32>
      %add3A_161 = arith.addi %add3A_160, %iota3A_88 : vector<16xi32>
      %select_n3A_162 = arith.select %eq3A_158, %add3A_161, %get3A_136 : vector<16xi1>, vector<16xi32>
      %swap3A_163 = arith.constant 1 : i32
      %swap3A_164 = arith.index_cast %swap3A_163 : i32 to index
      %swap3A_165 = arith.constant 0 : index
      %swap3A_166 = tpu.vector_load %arg15[%swap3A_164, %swap3A_165] {strides = array<i32>} : memref<5x16xi32, #tpu.memory_space<vmem>>, vector<16xi32>,
      tpu.vector_store %arg15[%swap3A_164, %swap3A_165], %select_n3A_162 {strides = array<i32>} : memref<5x16xi32, #tpu.memory_space<vmem>>, vector<16xi32>,
      %dma_start3A_167 = arith.constant 1 : i32
      %dma_start3A_168 = arith.constant 16 : i32
      %dma_start3A_169 = arith.constant 0 : i32
      %dma_start3A_170 = tpu.memref_slice %arg11[%dma_start3A_168, %dma_start3A_169] : memref<80x128xf32, #tpu.memory_space<vmem>> -> memref<16x128xf32, #tpu.memory_space<vmem>>
      %dma_start3A_171 = arith.constant 0 : i32
      %dma_start3A_172 = tpu.memref_slice %arg15[%dma_start3A_167, %dma_start3A_171] : memref<5x16xi32, #tpu.memory_space<vmem>> -> memref<1x16xi32, #tpu.memory_space<vmem>>
      %dma_start3A_173 = tpu.memref_squeeze %dma_start3A_172 : memref<1x16xi32, #tpu.memory_space<vmem>> -> memref<16xi32, #tpu.memory_space<vmem>>
      %dma_start3A_174 = arith.constant 0 : i32
      %dma_start3A_175 = arith.constant 0 : i32
      %dma_start3A_176 = tpu.memref_slice %arg17[%dma_start3A_174, %dma_start3A_175] : memref<10016x128xf32, #tpu.memory_space<vmem_shared>> -> memref<10016x128xf32, #tpu.memory_space<vmem_shared>>
      tpu.enqueue_indirect_dma source(%dma_start3A_170 : memref<16x128xf32, #tpu.memory_space<vmem>>) target(%dma_start3A_176 : memref<10016x128xf32, #tpu.memory_space<vmem_shared>>) offsets(%dma_start3A_173 : memref<16xi32, #tpu.memory_space<vmem>>) semaphore(%arg20 : memref<!tpu.dma_semaphore, #tpu.memory_space<semaphore_mem>>) {add = true}
      %select_n3A_177 = arith.select %eq3A_158, %broadcast_in_dim3A_95, %broadcast_in_dim3A_97 : vector<16xi1>, vector<16xi32>
      %while3A_178 = scf.while (%while3A_361 = %select_n3A_177) : (vector<16xi32>) -> vector<16xi32> {
        %eq3A_362 = arith.constant 1 : i32
        %eq3A_363 = vector.broadcast %eq3A_362 : i32 to vector<16xi32>
        %eq3A_364 = arith.cmpi eq, %while3A_361, %eq3A_363 : vector<16xi32>
        %reduce_or3A = arith.constant 1.000000e+00 : f32
        %reduce_or3A_365 = arith.constant 0.000000e+00 : f32
        %reduce_or3A_366 = vector.broadcast %reduce_or3A : f32 to vector<16xf32>
        %reduce_or3A_367 = vector.broadcast %reduce_or3A_365 : f32 to vector<16xf32>
        %reduce_or3A_368 = arith.select %eq3A_364, %reduce_or3A_366, %reduce_or3A_367 : vector<16xi1>, vector<16xf32>
        %reduce_or3A_369 = arith.constant true
        %reduce_or3A_370 = vector.broadcast %reduce_or3A_369 : i1 to vector<16xi1>
        %reduce_or3A_371 = tpu.scan <max>, %reduce_or3A_368 masked %reduce_or3A_370 : vector<16xf32>, vector<16xi1> -> vector<16xf32>
        %reduce_or3A_372 = vector.extract %reduce_or3A_371[15] : f32 from vector<16xf32>
        %reduce_or3A_373 = arith.constant 0.000000e+00 : f32
        %reduce_or3A_374 = arith.cmpf ogt, %reduce_or3A_372, %reduce_or3A_373 : f32
        scf.condition(%reduce_or3A_374) %while3A_361 : vector<16xi32>
      } do {
      ^bb0(%while3A_361: vector<16xi32>):
        %eq3A_362 = arith.constant 1 : i32
        %eq3A_363 = vector.broadcast %eq3A_362 : i32 to vector<16xi32>
        %eq3A_364 = arith.cmpi eq, %while3A_361, %eq3A_363 : vector<16xi32>
        %add3A_365 = arith.constant 10016 : i32
        %add3A_366 = vector.broadcast %add3A_365 : i32 to vector<16xi32>
        %add3A_367 = arith.addi %add3A_366, %iota3A_88 : vector<16xi32>
        %select_n3A_368 = arith.select %eq3A_364, %get3A_136, %add3A_367 : vector<16xi1>, vector<16xi32>
        %masked_sort3A_369 = arith.constant dense<true> : vector<16xi1>
        %masked_sort3A_370 = arith.constant -2147483648 : i32
        %masked_sort3A_371 = vector.broadcast %masked_sort3A_370 : i32 to vector<16xi32>
        %masked_sort3A_372 = arith.xori %select_n3A_368, %masked_sort3A_371 : vector<16xi32>
        %masked_sort3A_373, %masked_sort3A_374, %masked_sort3A_375 = tpu.sort %masked_sort3A_372, %iota3A_88 masked %masked_sort3A_369 : (vector<16xi32>, vector<16xi32>, vector<16xi1>) -> (vector<16xi1>, vector<16xi32>, vector<16xi32>)
        %masked_sort3A_376 = arith.xori %masked_sort3A_374, %masked_sort3A_371 : vector<16xi32>
        %swap3A_377 = arith.constant 0 : index
        %swap3A_378 = tpu.vector_load %arg13[%swap3A_377] {strides = array<i32>} : memref<16xi32, #tpu.memory_space<vmem>>, vector<16xi32>,
        tpu.vector_store %arg13[%swap3A_377], %masked_sort3A_376 {strides = array<i32>} : memref<16xi32, #tpu.memory_space<vmem>>, vector<16xi32>,
        %gather3A_379 = tpu.vector_load_idx %arg13[%and3A_94] : memref<16xi32, #tpu.memory_space<vmem>>[vector<16xi32>], vector<16xi32>,
        %eq3A_380 = arith.cmpi eq, %masked_sort3A_376, %gather3A_379 : vector<16xi32>
        %gt3A_381 = arith.constant 0 : i32
        %gt3A_382 = vector.broadcast %gt3A_381 : i32 to vector<16xi32>
        %gt3A_383 = arith.cmpi sgt, %iota3A_88, %gt3A_382 : vector<16xi32>
        %and3A_384 = arith.andi %eq3A_380, %gt3A_383 : vector<16xi1>
        %select_n3A_385 = arith.select %and3A_384, %broadcast_in_dim3A_95, %broadcast_in_dim3A_97 : vector<16xi1>, vector<16xi32>
        tpu.vector_store_idx %arg14[%masked_sort3A_375], %select_n3A_385 : memref<16xi32, #tpu.memory_space<vmem>>[vector<16xi32>], vector<16xi32>,
        %get3A_386 = arith.constant 0 : index
        %get3A_387 = tpu.vector_load %arg14[%get3A_386] {strides = array<i32>} : memref<16xi32, #tpu.memory_space<vmem>>, vector<16xi32>,
        %eq3A_388 = arith.constant 1 : i32
        %eq3A_389 = vector.broadcast %eq3A_388 : i32 to vector<16xi32>
        %eq3A_390 = arith.cmpi eq, %get3A_387, %eq3A_389 : vector<16xi32>
        %not3A = arith.constant dense<true> : vector<16xi1>
        %not3A_391 = arith.xori %eq3A_390, %not3A : vector<16xi1>
        %and3A_392 = arith.andi %eq3A_364, %not3A_391 : vector<16xi1>
        %add3A_393 = arith.constant 10000 : i32
        %add3A_394 = vector.broadcast %add3A_393 : i32 to vector<16xi32>
        %add3A_395 = arith.addi %add3A_394, %iota3A_88 : vector<16xi32>
        %select_n3A_396 = arith.select %and3A_392, %get3A_136, %add3A_395 : vector<16xi1>, vector<16xi32>
        %swap3A_397 = arith.constant 0 : index
        %swap3A_398 = tpu.vector_load %arg16[%swap3A_397] {strides = array<i32>} : memref<16xi32, #tpu.memory_space<vmem>>, vector<16xi32>,
        tpu.vector_store %arg16[%swap3A_397], %select_n3A_396 {strides = array<i32>} : memref<16xi32, #tpu.memory_space<vmem>>, vector<16xi32>,
        "tpu.region"() ({
          %run_scoped3A = tpu.sem_alloc : memref<!tpu.dma_semaphore, #tpu.memory_space<semaphore_mem>>
          %dma_start3A_401 = arith.constant 16 : i32
          %dma_start3A_402 = arith.constant 0 : i32
          %dma_start3A_403 = tpu.memref_slice %arg11[%dma_start3A_401, %dma_start3A_402] : memref<80x128xf32, #tpu.memory_space<vmem>> -> memref<16x128xf32, #tpu.memory_space<vmem>>
          %dma_start3A_404 = arith.constant 0 : i32
          %dma_start3A_405 = arith.constant 0 : i32
          %dma_start3A_406 = tpu.memref_slice %arg17[%dma_start3A_404, %dma_start3A_405] : memref<10016x128xf32, #tpu.memory_space<vmem_shared>> -> memref<10016x128xf32, #tpu.memory_space<vmem_shared>>
          tpu.enqueue_indirect_dma source(%dma_start3A_403 : memref<16x128xf32, #tpu.memory_space<vmem>>) target(%dma_start3A_406 : memref<10016x128xf32, #tpu.memory_space<vmem_shared>>) offsets(%arg16 : memref<16xi32, #tpu.memory_space<vmem>>) semaphore(%run_scoped3A : memref<!tpu.dma_semaphore, #tpu.memory_space<semaphore_mem>>) {add = true}
          %dma_wait3A_407 = arith.constant 16 : i32
          %dma_wait3A_408 = arith.constant 0 : i32
          %dma_wait3A_409 = tpu.memref_slice %arg11[%dma_wait3A_407, %dma_wait3A_408] : memref<80x128xf32, #tpu.memory_space<vmem>> -> memref<16x128xf32, #tpu.memory_space<vmem>>
          %dma_wait3A_410 = arith.constant 0 : i32
          %dma_wait3A_411 = arith.constant 0 : i32
          %dma_wait3A_412 = tpu.memref_slice %arg17[%dma_wait3A_410, %dma_wait3A_411] : memref<10016x128xf32, #tpu.memory_space<vmem_shared>> -> memref<10016x128xf32, #tpu.memory_space<vmem_shared>>
          tpu.wait_indirect_dma semaphore(%run_scoped3A : memref<!tpu.dma_semaphore, #tpu.memory_space<semaphore_mem>>) src(%dma_wait3A_409 : memref<16x128xf32, #tpu.memory_space<vmem>>) dst(%dma_wait3A_412 : memref<10016x128xf32, #tpu.memory_space<vmem_shared>>)
          tpu.yield
        }) : () -> ()
        %and3A_399 = arith.andi %eq3A_364, %eq3A_390 : vector<16xi1>
        %select_n3A_400 = arith.select %and3A_399, %broadcast_in_dim3A_95, %broadcast_in_dim3A_97 : vector<16xi1>, vector<16xi32>
        scf.yield %select_n3A_400 : vector<16xi32>
      }
      %get3A_179 = arith.constant 32 : index
      %get3A_180 = tpu.vector_load %arg7[%get3A_179] {strides = array<i32>} : memref<80xi32, #tpu.memory_space<vmem>>, vector<16xi32>,
      %masked_sort3A_181 = arith.constant dense<true> : vector<16xi1>
      %masked_sort3A_182 = arith.constant -2147483648 : i32
      %masked_sort3A_183 = vector.broadcast %masked_sort3A_182 : i32 to vector<16xi32>
      %masked_sort3A_184 = arith.xori %get3A_180, %masked_sort3A_183 : vector<16xi32>
      %masked_sort3A_185, %masked_sort3A_186, %masked_sort3A_187 = tpu.sort %masked_sort3A_184, %iota3A_88 masked %masked_sort3A_181 : (vector<16xi32>, vector<16xi32>, vector<16xi1>) -> (vector<16xi1>, vector<16xi32>, vector<16xi32>)
      %masked_sort3A_188 = arith.xori %masked_sort3A_186, %masked_sort3A_183 : vector<16xi32>
      %swap3A_189 = arith.constant 0 : index
      %swap3A_190 = tpu.vector_load %arg13[%swap3A_189] {strides = array<i32>} : memref<16xi32, #tpu.memory_space<vmem>>, vector<16xi32>,
      tpu.vector_store %arg13[%swap3A_189], %masked_sort3A_188 {strides = array<i32>} : memref<16xi32, #tpu.memory_space<vmem>>, vector<16xi32>,
      %gather3A_191 = tpu.vector_load_idx %arg13[%and3A_94] : memref<16xi32, #tpu.memory_space<vmem>>[vector<16xi32>], vector<16xi32>,
      %eq3A_192 = arith.cmpi eq, %masked_sort3A_188, %gather3A_191 : vector<16xi32>
      %gt3A_193 = arith.constant 0 : i32
      %gt3A_194 = vector.broadcast %gt3A_193 : i32 to vector<16xi32>
      %gt3A_195 = arith.cmpi sgt, %iota3A_88, %gt3A_194 : vector<16xi32>
      %and3A_196 = arith.andi %eq3A_192, %gt3A_195 : vector<16xi1>
      %select_n3A_197 = arith.select %and3A_196, %broadcast_in_dim3A_95, %broadcast_in_dim3A_97 : vector<16xi1>, vector<16xi32>
      tpu.vector_store_idx %arg14[%masked_sort3A_187], %select_n3A_197 : memref<16xi32, #tpu.memory_space<vmem>>[vector<16xi32>], vector<16xi32>,
      %get3A_198 = arith.constant 0 : index
      %get3A_199 = tpu.vector_load %arg14[%get3A_198] {strides = array<i32>} : memref<16xi32, #tpu.memory_space<vmem>>, vector<16xi32>,
      %eq3A_200 = arith.constant 1 : i32
      %eq3A_201 = vector.broadcast %eq3A_200 : i32 to vector<16xi32>
      %eq3A_202 = arith.cmpi eq, %get3A_199, %eq3A_201 : vector<16xi32>
      %add3A_203 = arith.constant 10000 : i32
      %add3A_204 = vector.broadcast %add3A_203 : i32 to vector<16xi32>
      %add3A_205 = arith.addi %add3A_204, %iota3A_88 : vector<16xi32>
      %select_n3A_206 = arith.select %eq3A_202, %add3A_205, %get3A_180 : vector<16xi1>, vector<16xi32>
      %swap3A_207 = arith.constant 2 : i32
      %swap3A_208 = arith.index_cast %swap3A_207 : i32 to index
      %swap3A_209 = arith.constant 0 : index
      %swap3A_210 = tpu.vector_load %arg15[%swap3A_208, %swap3A_209] {strides = array<i32>} : memref<5x16xi32, #tpu.memory_space<vmem>>, vector<16xi32>,
      tpu.vector_store %arg15[%swap3A_208, %swap3A_209], %select_n3A_206 {strides = array<i32>} : memref<5x16xi32, #tpu.memory_space<vmem>>, vector<16xi32>,
      %dma_start3A_211 = arith.constant 2 : i32
      %dma_start3A_212 = arith.constant 32 : i32
      %dma_start3A_213 = arith.constant 0 : i32
      %dma_start3A_214 = tpu.memref_slice %arg11[%dma_start3A_212, %dma_start3A_213] : memref<80x128xf32, #tpu.memory_space<vmem>> -> memref<16x128xf32, #tpu.memory_space<vmem>>
      %dma_start3A_215 = arith.constant 0 : i32
      %dma_start3A_216 = tpu.memref_slice %arg15[%dma_start3A_211, %dma_start3A_215] : memref<5x16xi32, #tpu.memory_space<vmem>> -> memref<1x16xi32, #tpu.memory_space<vmem>>
      %dma_start3A_217 = tpu.memref_squeeze %dma_start3A_216 : memref<1x16xi32, #tpu.memory_space<vmem>> -> memref<16xi32, #tpu.memory_space<vmem>>
      %dma_start3A_218 = arith.constant 0 : i32
      %dma_start3A_219 = arith.constant 0 : i32
      %dma_start3A_220 = tpu.memref_slice %arg17[%dma_start3A_218, %dma_start3A_219] : memref<10016x128xf32, #tpu.memory_space<vmem_shared>> -> memref<10016x128xf32, #tpu.memory_space<vmem_shared>>
      tpu.enqueue_indirect_dma source(%dma_start3A_214 : memref<16x128xf32, #tpu.memory_space<vmem>>) target(%dma_start3A_220 : memref<10016x128xf32, #tpu.memory_space<vmem_shared>>) offsets(%dma_start3A_217 : memref<16xi32, #tpu.memory_space<vmem>>) semaphore(%arg20 : memref<!tpu.dma_semaphore, #tpu.memory_space<semaphore_mem>>) {add = true}
      %select_n3A_221 = arith.select %eq3A_202, %broadcast_in_dim3A_95, %broadcast_in_dim3A_97 : vector<16xi1>, vector<16xi32>
      %while3A_222 = scf.while (%while3A_361 = %select_n3A_221) : (vector<16xi32>) -> vector<16xi32> {
        %eq3A_362 = arith.constant 1 : i32
        %eq3A_363 = vector.broadcast %eq3A_362 : i32 to vector<16xi32>
        %eq3A_364 = arith.cmpi eq, %while3A_361, %eq3A_363 : vector<16xi32>
        %reduce_or3A = arith.constant 1.000000e+00 : f32
        %reduce_or3A_365 = arith.constant 0.000000e+00 : f32
        %reduce_or3A_366 = vector.broadcast %reduce_or3A : f32 to vector<16xf32>
        %reduce_or3A_367 = vector.broadcast %reduce_or3A_365 : f32 to vector<16xf32>
        %reduce_or3A_368 = arith.select %eq3A_364, %reduce_or3A_366, %reduce_or3A_367 : vector<16xi1>, vector<16xf32>
        %reduce_or3A_369 = arith.constant true
        %reduce_or3A_370 = vector.broadcast %reduce_or3A_369 : i1 to vector<16xi1>
        %reduce_or3A_371 = tpu.scan <max>, %reduce_or3A_368 masked %reduce_or3A_370 : vector<16xf32>, vector<16xi1> -> vector<16xf32>
        %reduce_or3A_372 = vector.extract %reduce_or3A_371[15] : f32 from vector<16xf32>
        %reduce_or3A_373 = arith.constant 0.000000e+00 : f32
        %reduce_or3A_374 = arith.cmpf ogt, %reduce_or3A_372, %reduce_or3A_373 : f32
        scf.condition(%reduce_or3A_374) %while3A_361 : vector<16xi32>
      } do {
      ^bb0(%while3A_361: vector<16xi32>):
        %eq3A_362 = arith.constant 1 : i32
        %eq3A_363 = vector.broadcast %eq3A_362 : i32 to vector<16xi32>
        %eq3A_364 = arith.cmpi eq, %while3A_361, %eq3A_363 : vector<16xi32>
        %add3A_365 = arith.constant 10016 : i32
        %add3A_366 = vector.broadcast %add3A_365 : i32 to vector<16xi32>
        %add3A_367 = arith.addi %add3A_366, %iota3A_88 : vector<16xi32>
        %select_n3A_368 = arith.select %eq3A_364, %get3A_180, %add3A_367 : vector<16xi1>, vector<16xi32>
        %masked_sort3A_369 = arith.constant dense<true> : vector<16xi1>
        %masked_sort3A_370 = arith.constant -2147483648 : i32
        %masked_sort3A_371 = vector.broadcast %masked_sort3A_370 : i32 to vector<16xi32>
        %masked_sort3A_372 = arith.xori %select_n3A_368, %masked_sort3A_371 : vector<16xi32>
        %masked_sort3A_373, %masked_sort3A_374, %masked_sort3A_375 = tpu.sort %masked_sort3A_372, %iota3A_88 masked %masked_sort3A_369 : (vector<16xi32>, vector<16xi32>, vector<16xi1>) -> (vector<16xi1>, vector<16xi32>, vector<16xi32>)
        %masked_sort3A_376 = arith.xori %masked_sort3A_374, %masked_sort3A_371 : vector<16xi32>
        %swap3A_377 = arith.constant 0 : index
        %swap3A_378 = tpu.vector_load %arg13[%swap3A_377] {strides = array<i32>} : memref<16xi32, #tpu.memory_space<vmem>>, vector<16xi32>,
        tpu.vector_store %arg13[%swap3A_377], %masked_sort3A_376 {strides = array<i32>} : memref<16xi32, #tpu.memory_space<vmem>>, vector<16xi32>,
        %gather3A_379 = tpu.vector_load_idx %arg13[%and3A_94] : memref<16xi32, #tpu.memory_space<vmem>>[vector<16xi32>], vector<16xi32>,
        %eq3A_380 = arith.cmpi eq, %masked_sort3A_376, %gather3A_379 : vector<16xi32>
        %gt3A_381 = arith.constant 0 : i32
        %gt3A_382 = vector.broadcast %gt3A_381 : i32 to vector<16xi32>
        %gt3A_383 = arith.cmpi sgt, %iota3A_88, %gt3A_382 : vector<16xi32>
        %and3A_384 = arith.andi %eq3A_380, %gt3A_383 : vector<16xi1>
        %select_n3A_385 = arith.select %and3A_384, %broadcast_in_dim3A_95, %broadcast_in_dim3A_97 : vector<16xi1>, vector<16xi32>
        tpu.vector_store_idx %arg14[%masked_sort3A_375], %select_n3A_385 : memref<16xi32, #tpu.memory_space<vmem>>[vector<16xi32>], vector<16xi32>,
        %get3A_386 = arith.constant 0 : index
        %get3A_387 = tpu.vector_load %arg14[%get3A_386] {strides = array<i32>} : memref<16xi32, #tpu.memory_space<vmem>>, vector<16xi32>,
        %eq3A_388 = arith.constant 1 : i32
        %eq3A_389 = vector.broadcast %eq3A_388 : i32 to vector<16xi32>
        %eq3A_390 = arith.cmpi eq, %get3A_387, %eq3A_389 : vector<16xi32>
        %not3A = arith.constant dense<true> : vector<16xi1>
        %not3A_391 = arith.xori %eq3A_390, %not3A : vector<16xi1>
        %and3A_392 = arith.andi %eq3A_364, %not3A_391 : vector<16xi1>
        %add3A_393 = arith.constant 10000 : i32
        %add3A_394 = vector.broadcast %add3A_393 : i32 to vector<16xi32>
        %add3A_395 = arith.addi %add3A_394, %iota3A_88 : vector<16xi32>
        %select_n3A_396 = arith.select %and3A_392, %get3A_180, %add3A_395 : vector<16xi1>, vector<16xi32>
        %swap3A_397 = arith.constant 0 : index
        %swap3A_398 = tpu.vector_load %arg16[%swap3A_397] {strides = array<i32>} : memref<16xi32, #tpu.memory_space<vmem>>, vector<16xi32>,
        tpu.vector_store %arg16[%swap3A_397], %select_n3A_396 {strides = array<i32>} : memref<16xi32, #tpu.memory_space<vmem>>, vector<16xi32>,
        "tpu.region"() ({
          %run_scoped3A = tpu.sem_alloc : memref<!tpu.dma_semaphore, #tpu.memory_space<semaphore_mem>>
          %dma_start3A_401 = arith.constant 32 : i32
          %dma_start3A_402 = arith.constant 0 : i32
          %dma_start3A_403 = tpu.memref_slice %arg11[%dma_start3A_401, %dma_start3A_402] : memref<80x128xf32, #tpu.memory_space<vmem>> -> memref<16x128xf32, #tpu.memory_space<vmem>>
          %dma_start3A_404 = arith.constant 0 : i32
          %dma_start3A_405 = arith.constant 0 : i32
          %dma_start3A_406 = tpu.memref_slice %arg17[%dma_start3A_404, %dma_start3A_405] : memref<10016x128xf32, #tpu.memory_space<vmem_shared>> -> memref<10016x128xf32, #tpu.memory_space<vmem_shared>>
          tpu.enqueue_indirect_dma source(%dma_start3A_403 : memref<16x128xf32, #tpu.memory_space<vmem>>) target(%dma_start3A_406 : memref<10016x128xf32, #tpu.memory_space<vmem_shared>>) offsets(%arg16 : memref<16xi32, #tpu.memory_space<vmem>>) semaphore(%run_scoped3A : memref<!tpu.dma_semaphore, #tpu.memory_space<semaphore_mem>>) {add = true}
          %dma_wait3A_407 = arith.constant 32 : i32
          %dma_wait3A_408 = arith.constant 0 : i32
          %dma_wait3A_409 = tpu.memref_slice %arg11[%dma_wait3A_407, %dma_wait3A_408] : memref<80x128xf32, #tpu.memory_space<vmem>> -> memref<16x128xf32, #tpu.memory_space<vmem>>
          %dma_wait3A_410 = arith.constant 0 : i32
          %dma_wait3A_411 = arith.constant 0 : i32
          %dma_wait3A_412 = tpu.memref_slice %arg17[%dma_wait3A_410, %dma_wait3A_411] : memref<10016x128xf32, #tpu.memory_space<vmem_shared>> -> memref<10016x128xf32, #tpu.memory_space<vmem_shared>>
          tpu.wait_indirect_dma semaphore(%run_scoped3A : memref<!tpu.dma_semaphore, #tpu.memory_space<semaphore_mem>>) src(%dma_wait3A_409 : memref<16x128xf32, #tpu.memory_space<vmem>>) dst(%dma_wait3A_412 : memref<10016x128xf32, #tpu.memory_space<vmem_shared>>)
          tpu.yield
        }) : () -> ()
        %and3A_399 = arith.andi %eq3A_364, %eq3A_390 : vector<16xi1>
        %select_n3A_400 = arith.select %and3A_399, %broadcast_in_dim3A_95, %broadcast_in_dim3A_97 : vector<16xi1>, vector<16xi32>
        scf.yield %select_n3A_400 : vector<16xi32>
      }
      %get3A_223 = arith.constant 48 : index
      %get3A_224 = tpu.vector_load %arg7[%get3A_223] {strides = array<i32>} : memref<80xi32, #tpu.memory_space<vmem>>, vector<16xi32>,
      %masked_sort3A_225 = arith.constant dense<true> : vector<16xi1>
      %masked_sort3A_226 = arith.constant -2147483648 : i32
      %masked_sort3A_227 = vector.broadcast %masked_sort3A_226 : i32 to vector<16xi32>
      %masked_sort3A_228 = arith.xori %get3A_224, %masked_sort3A_227 : vector<16xi32>
      %masked_sort3A_229, %masked_sort3A_230, %masked_sort3A_231 = tpu.sort %masked_sort3A_228, %iota3A_88 masked %masked_sort3A_225 : (vector<16xi32>, vector<16xi32>, vector<16xi1>) -> (vector<16xi1>, vector<16xi32>, vector<16xi32>)
      %masked_sort3A_232 = arith.xori %masked_sort3A_230, %masked_sort3A_227 : vector<16xi32>
      %swap3A_233 = arith.constant 0 : index
      %swap3A_234 = tpu.vector_load %arg13[%swap3A_233] {strides = array<i32>} : memref<16xi32, #tpu.memory_space<vmem>>, vector<16xi32>,
      tpu.vector_store %arg13[%swap3A_233], %masked_sort3A_232 {strides = array<i32>} : memref<16xi32, #tpu.memory_space<vmem>>, vector<16xi32>,
      %gather3A_235 = tpu.vector_load_idx %arg13[%and3A_94] : memref<16xi32, #tpu.memory_space<vmem>>[vector<16xi32>], vector<16xi32>,
      %eq3A_236 = arith.cmpi eq, %masked_sort3A_232, %gather3A_235 : vector<16xi32>
      %gt3A_237 = arith.constant 0 : i32
      %gt3A_238 = vector.broadcast %gt3A_237 : i32 to vector<16xi32>
      %gt3A_239 = arith.cmpi sgt, %iota3A_88, %gt3A_238 : vector<16xi32>
      %and3A_240 = arith.andi %eq3A_236, %gt3A_239 : vector<16xi1>
      %select_n3A_241 = arith.select %and3A_240, %broadcast_in_dim3A_95, %broadcast_in_dim3A_97 : vector<16xi1>, vector<16xi32>
      tpu.vector_store_idx %arg14[%masked_sort3A_231], %select_n3A_241 : memref<16xi32, #tpu.memory_space<vmem>>[vector<16xi32>], vector<16xi32>,
      %get3A_242 = arith.constant 0 : index
      %get3A_243 = tpu.vector_load %arg14[%get3A_242] {strides = array<i32>} : memref<16xi32, #tpu.memory_space<vmem>>, vector<16xi32>,
      %eq3A_244 = arith.constant 1 : i32
      %eq3A_245 = vector.broadcast %eq3A_244 : i32 to vector<16xi32>
      %eq3A_246 = arith.cmpi eq, %get3A_243, %eq3A_245 : vector<16xi32>
      %add3A_247 = arith.constant 10000 : i32
      %add3A_248 = vector.broadcast %add3A_247 : i32 to vector<16xi32>
      %add3A_249 = arith.addi %add3A_248, %iota3A_88 : vector<16xi32>
      %select_n3A_250 = arith.select %eq3A_246, %add3A_249, %get3A_224 : vector<16xi1>, vector<16xi32>
      %swap3A_251 = arith.constant 3 : i32
      %swap3A_252 = arith.index_cast %swap3A_251 : i32 to index
      %swap3A_253 = arith.constant 0 : index
      %swap3A_254 = tpu.vector_load %arg15[%swap3A_252, %swap3A_253] {strides = array<i32>} : memref<5x16xi32, #tpu.memory_space<vmem>>, vector<16xi32>,
      tpu.vector_store %arg15[%swap3A_252, %swap3A_253], %select_n3A_250 {strides = array<i32>} : memref<5x16xi32, #tpu.memory_space<vmem>>, vector<16xi32>,
      %dma_start3A_255 = arith.constant 3 : i32
      %dma_start3A_256 = arith.constant 48 : i32
      %dma_start3A_257 = arith.constant 0 : i32
      %dma_start3A_258 = tpu.memref_slice %arg11[%dma_start3A_256, %dma_start3A_257] : memref<80x128xf32, #tpu.memory_space<vmem>> -> memref<16x128xf32, #tpu.memory_space<vmem>>
      %dma_start3A_259 = arith.constant 0 : i32
      %dma_start3A_260 = tpu.memref_slice %arg15[%dma_start3A_255, %dma_start3A_259] : memref<5x16xi32, #tpu.memory_space<vmem>> -> memref<1x16xi32, #tpu.memory_space<vmem>>
      %dma_start3A_261 = tpu.memref_squeeze %dma_start3A_260 : memref<1x16xi32, #tpu.memory_space<vmem>> -> memref<16xi32, #tpu.memory_space<vmem>>
      %dma_start3A_262 = arith.constant 0 : i32
      %dma_start3A_263 = arith.constant 0 : i32
      %dma_start3A_264 = tpu.memref_slice %arg17[%dma_start3A_262, %dma_start3A_263] : memref<10016x128xf32, #tpu.memory_space<vmem_shared>> -> memref<10016x128xf32, #tpu.memory_space<vmem_shared>>
      tpu.enqueue_indirect_dma source(%dma_start3A_258 : memref<16x128xf32, #tpu.memory_space<vmem>>) target(%dma_start3A_264 : memref<10016x128xf32, #tpu.memory_space<vmem_shared>>) offsets(%dma_start3A_261 : memref<16xi32, #tpu.memory_space<vmem>>) semaphore(%arg20 : memref<!tpu.dma_semaphore, #tpu.memory_space<semaphore_mem>>) {add = true}
      %select_n3A_265 = arith.select %eq3A_246, %broadcast_in_dim3A_95, %broadcast_in_dim3A_97 : vector<16xi1>, vector<16xi32>
      %while3A_266 = scf.while (%while3A_361 = %select_n3A_265) : (vector<16xi32>) -> vector<16xi32> {
        %eq3A_362 = arith.constant 1 : i32
        %eq3A_363 = vector.broadcast %eq3A_362 : i32 to vector<16xi32>
        %eq3A_364 = arith.cmpi eq, %while3A_361, %eq3A_363 : vector<16xi32>
        %reduce_or3A = arith.constant 1.000000e+00 : f32
        %reduce_or3A_365 = arith.constant 0.000000e+00 : f32
        %reduce_or3A_366 = vector.broadcast %reduce_or3A : f32 to vector<16xf32>
        %reduce_or3A_367 = vector.broadcast %reduce_or3A_365 : f32 to vector<16xf32>
        %reduce_or3A_368 = arith.select %eq3A_364, %reduce_or3A_366, %reduce_or3A_367 : vector<16xi1>, vector<16xf32>
        %reduce_or3A_369 = arith.constant true
        %reduce_or3A_370 = vector.broadcast %reduce_or3A_369 : i1 to vector<16xi1>
        %reduce_or3A_371 = tpu.scan <max>, %reduce_or3A_368 masked %reduce_or3A_370 : vector<16xf32>, vector<16xi1> -> vector<16xf32>
        %reduce_or3A_372 = vector.extract %reduce_or3A_371[15] : f32 from vector<16xf32>
        %reduce_or3A_373 = arith.constant 0.000000e+00 : f32
        %reduce_or3A_374 = arith.cmpf ogt, %reduce_or3A_372, %reduce_or3A_373 : f32
        scf.condition(%reduce_or3A_374) %while3A_361 : vector<16xi32>
      } do {
      ^bb0(%while3A_361: vector<16xi32>):
        %eq3A_362 = arith.constant 1 : i32
        %eq3A_363 = vector.broadcast %eq3A_362 : i32 to vector<16xi32>
        %eq3A_364 = arith.cmpi eq, %while3A_361, %eq3A_363 : vector<16xi32>
        %add3A_365 = arith.constant 10016 : i32
        %add3A_366 = vector.broadcast %add3A_365 : i32 to vector<16xi32>
        %add3A_367 = arith.addi %add3A_366, %iota3A_88 : vector<16xi32>
        %select_n3A_368 = arith.select %eq3A_364, %get3A_224, %add3A_367 : vector<16xi1>, vector<16xi32>
        %masked_sort3A_369 = arith.constant dense<true> : vector<16xi1>
        %masked_sort3A_370 = arith.constant -2147483648 : i32
        %masked_sort3A_371 = vector.broadcast %masked_sort3A_370 : i32 to vector<16xi32>
        %masked_sort3A_372 = arith.xori %select_n3A_368, %masked_sort3A_371 : vector<16xi32>
        %masked_sort3A_373, %masked_sort3A_374, %masked_sort3A_375 = tpu.sort %masked_sort3A_372, %iota3A_88 masked %masked_sort3A_369 : (vector<16xi32>, vector<16xi32>, vector<16xi1>) -> (vector<16xi1>, vector<16xi32>, vector<16xi32>)
        %masked_sort3A_376 = arith.xori %masked_sort3A_374, %masked_sort3A_371 : vector<16xi32>
        %swap3A_377 = arith.constant 0 : index
        %swap3A_378 = tpu.vector_load %arg13[%swap3A_377] {strides = array<i32>} : memref<16xi32, #tpu.memory_space<vmem>>, vector<16xi32>,
        tpu.vector_store %arg13[%swap3A_377], %masked_sort3A_376 {strides = array<i32>} : memref<16xi32, #tpu.memory_space<vmem>>, vector<16xi32>,
        %gather3A_379 = tpu.vector_load_idx %arg13[%and3A_94] : memref<16xi32, #tpu.memory_space<vmem>>[vector<16xi32>], vector<16xi32>,
        %eq3A_380 = arith.cmpi eq, %masked_sort3A_376, %gather3A_379 : vector<16xi32>
        %gt3A_381 = arith.constant 0 : i32
        %gt3A_382 = vector.broadcast %gt3A_381 : i32 to vector<16xi32>
        %gt3A_383 = arith.cmpi sgt, %iota3A_88, %gt3A_382 : vector<16xi32>
        %and3A_384 = arith.andi %eq3A_380, %gt3A_383 : vector<16xi1>
        %select_n3A_385 = arith.select %and3A_384, %broadcast_in_dim3A_95, %broadcast_in_dim3A_97 : vector<16xi1>, vector<16xi32>
        tpu.vector_store_idx %arg14[%masked_sort3A_375], %select_n3A_385 : memref<16xi32, #tpu.memory_space<vmem>>[vector<16xi32>], vector<16xi32>,
        %get3A_386 = arith.constant 0 : index
        %get3A_387 = tpu.vector_load %arg14[%get3A_386] {strides = array<i32>} : memref<16xi32, #tpu.memory_space<vmem>>, vector<16xi32>,
        %eq3A_388 = arith.constant 1 : i32
        %eq3A_389 = vector.broadcast %eq3A_388 : i32 to vector<16xi32>
        %eq3A_390 = arith.cmpi eq, %get3A_387, %eq3A_389 : vector<16xi32>
        %not3A = arith.constant dense<true> : vector<16xi1>
        %not3A_391 = arith.xori %eq3A_390, %not3A : vector<16xi1>
        %and3A_392 = arith.andi %eq3A_364, %not3A_391 : vector<16xi1>
        %add3A_393 = arith.constant 10000 : i32
        %add3A_394 = vector.broadcast %add3A_393 : i32 to vector<16xi32>
        %add3A_395 = arith.addi %add3A_394, %iota3A_88 : vector<16xi32>
        %select_n3A_396 = arith.select %and3A_392, %get3A_224, %add3A_395 : vector<16xi1>, vector<16xi32>
        %swap3A_397 = arith.constant 0 : index
        %swap3A_398 = tpu.vector_load %arg16[%swap3A_397] {strides = array<i32>} : memref<16xi32, #tpu.memory_space<vmem>>, vector<16xi32>,
        tpu.vector_store %arg16[%swap3A_397], %select_n3A_396 {strides = array<i32>} : memref<16xi32, #tpu.memory_space<vmem>>, vector<16xi32>,
        "tpu.region"() ({
          %run_scoped3A = tpu.sem_alloc : memref<!tpu.dma_semaphore, #tpu.memory_space<semaphore_mem>>
          %dma_start3A_401 = arith.constant 48 : i32
          %dma_start3A_402 = arith.constant 0 : i32
          %dma_start3A_403 = tpu.memref_slice %arg11[%dma_start3A_401, %dma_start3A_402] : memref<80x128xf32, #tpu.memory_space<vmem>> -> memref<16x128xf32, #tpu.memory_space<vmem>>
          %dma_start3A_404 = arith.constant 0 : i32
          %dma_start3A_405 = arith.constant 0 : i32
          %dma_start3A_406 = tpu.memref_slice %arg17[%dma_start3A_404, %dma_start3A_405] : memref<10016x128xf32, #tpu.memory_space<vmem_shared>> -> memref<10016x128xf32, #tpu.memory_space<vmem_shared>>
          tpu.enqueue_indirect_dma source(%dma_start3A_403 : memref<16x128xf32, #tpu.memory_space<vmem>>) target(%dma_start3A_406 : memref<10016x128xf32, #tpu.memory_space<vmem_shared>>) offsets(%arg16 : memref<16xi32, #tpu.memory_space<vmem>>) semaphore(%run_scoped3A : memref<!tpu.dma_semaphore, #tpu.memory_space<semaphore_mem>>) {add = true}
          %dma_wait3A_407 = arith.constant 48 : i32
          %dma_wait3A_408 = arith.constant 0 : i32
          %dma_wait3A_409 = tpu.memref_slice %arg11[%dma_wait3A_407, %dma_wait3A_408] : memref<80x128xf32, #tpu.memory_space<vmem>> -> memref<16x128xf32, #tpu.memory_space<vmem>>
          %dma_wait3A_410 = arith.constant 0 : i32
          %dma_wait3A_411 = arith.constant 0 : i32
          %dma_wait3A_412 = tpu.memref_slice %arg17[%dma_wait3A_410, %dma_wait3A_411] : memref<10016x128xf32, #tpu.memory_space<vmem_shared>> -> memref<10016x128xf32, #tpu.memory_space<vmem_shared>>
          tpu.wait_indirect_dma semaphore(%run_scoped3A : memref<!tpu.dma_semaphore, #tpu.memory_space<semaphore_mem>>) src(%dma_wait3A_409 : memref<16x128xf32, #tpu.memory_space<vmem>>) dst(%dma_wait3A_412 : memref<10016x128xf32, #tpu.memory_space<vmem_shared>>)
          tpu.yield
        }) : () -> ()
        %and3A_399 = arith.andi %eq3A_364, %eq3A_390 : vector<16xi1>
        %select_n3A_400 = arith.select %and3A_399, %broadcast_in_dim3A_95, %broadcast_in_dim3A_97 : vector<16xi1>, vector<16xi32>
        scf.yield %select_n3A_400 : vector<16xi32>
      }
      %get3A_267 = arith.constant 64 : index
      %get3A_268 = tpu.vector_load %arg7[%get3A_267] {strides = array<i32>} : memref<80xi32, #tpu.memory_space<vmem>>, vector<16xi32>,
      %masked_sort3A_269 = arith.constant dense<true> : vector<16xi1>
      %masked_sort3A_270 = arith.constant -2147483648 : i32
      %masked_sort3A_271 = vector.broadcast %masked_sort3A_270 : i32 to vector<16xi32>
      %masked_sort3A_272 = arith.xori %get3A_268, %masked_sort3A_271 : vector<16xi32>
      %masked_sort3A_273, %masked_sort3A_274, %masked_sort3A_275 = tpu.sort %masked_sort3A_272, %iota3A_88 masked %masked_sort3A_269 : (vector<16xi32>, vector<16xi32>, vector<16xi1>) -> (vector<16xi1>, vector<16xi32>, vector<16xi32>)
      %masked_sort3A_276 = arith.xori %masked_sort3A_274, %masked_sort3A_271 : vector<16xi32>
      %swap3A_277 = arith.constant 0 : index
      %swap3A_278 = tpu.vector_load %arg13[%swap3A_277] {strides = array<i32>} : memref<16xi32, #tpu.memory_space<vmem>>, vector<16xi32>,
      tpu.vector_store %arg13[%swap3A_277], %masked_sort3A_276 {strides = array<i32>} : memref<16xi32, #tpu.memory_space<vmem>>, vector<16xi32>,
      %gather3A_279 = tpu.vector_load_idx %arg13[%and3A_94] : memref<16xi32, #tpu.memory_space<vmem>>[vector<16xi32>], vector<16xi32>,
      %eq3A_280 = arith.cmpi eq, %masked_sort3A_276, %gather3A_279 : vector<16xi32>
      %gt3A_281 = arith.constant 0 : i32
      %gt3A_282 = vector.broadcast %gt3A_281 : i32 to vector<16xi32>
      %gt3A_283 = arith.cmpi sgt, %iota3A_88, %gt3A_282 : vector<16xi32>
      %and3A_284 = arith.andi %eq3A_280, %gt3A_283 : vector<16xi1>
      %select_n3A_285 = arith.select %and3A_284, %broadcast_in_dim3A_95, %broadcast_in_dim3A_97 : vector<16xi1>, vector<16xi32>
      tpu.vector_store_idx %arg14[%masked_sort3A_275], %select_n3A_285 : memref<16xi32, #tpu.memory_space<vmem>>[vector<16xi32>], vector<16xi32>,
      %get3A_286 = arith.constant 0 : index
      %get3A_287 = tpu.vector_load %arg14[%get3A_286] {strides = array<i32>} : memref<16xi32, #tpu.memory_space<vmem>>, vector<16xi32>,
      %eq3A_288 = arith.constant 1 : i32
      %eq3A_289 = vector.broadcast %eq3A_288 : i32 to vector<16xi32>
      %eq3A_290 = arith.cmpi eq, %get3A_287, %eq3A_289 : vector<16xi32>
      %add3A_291 = arith.constant 10000 : i32
      %add3A_292 = vector.broadcast %add3A_291 : i32 to vector<16xi32>
      %add3A_293 = arith.addi %add3A_292, %iota3A_88 : vector<16xi32>
      %select_n3A_294 = arith.select %eq3A_290, %add3A_293, %get3A_268 : vector<16xi1>, vector<16xi32>
      %swap3A_295 = arith.constant 4 : i32
      %swap3A_296 = arith.index_cast %swap3A_295 : i32 to index
      %swap3A_297 = arith.constant 0 : index
      %swap3A_298 = tpu.vector_load %arg15[%swap3A_296, %swap3A_297] {strides = array<i32>} : memref<5x16xi32, #tpu.memory_space<vmem>>, vector<16xi32>,
      tpu.vector_store %arg15[%swap3A_296, %swap3A_297], %select_n3A_294 {strides = array<i32>} : memref<5x16xi32, #tpu.memory_space<vmem>>, vector<16xi32>,
      %dma_start3A_299 = arith.constant 4 : i32
      %dma_start3A_300 = arith.constant 64 : i32
      %dma_start3A_301 = arith.constant 0 : i32
      %dma_start3A_302 = tpu.memref_slice %arg11[%dma_start3A_300, %dma_start3A_301] : memref<80x128xf32, #tpu.memory_space<vmem>> -> memref<16x128xf32, #tpu.memory_space<vmem>>
      %dma_start3A_303 = arith.constant 0 : i32
      %dma_start3A_304 = tpu.memref_slice %arg15[%dma_start3A_299, %dma_start3A_303] : memref<5x16xi32, #tpu.memory_space<vmem>> -> memref<1x16xi32, #tpu.memory_space<vmem>>
      %dma_start3A_305 = tpu.memref_squeeze %dma_start3A_304 : memref<1x16xi32, #tpu.memory_space<vmem>> -> memref<16xi32, #tpu.memory_space<vmem>>
      %dma_start3A_306 = arith.constant 0 : i32
      %dma_start3A_307 = arith.constant 0 : i32
      %dma_start3A_308 = tpu.memref_slice %arg17[%dma_start3A_306, %dma_start3A_307] : memref<10016x128xf32, #tpu.memory_space<vmem_shared>> -> memref<10016x128xf32, #tpu.memory_space<vmem_shared>>
      tpu.enqueue_indirect_dma source(%dma_start3A_302 : memref<16x128xf32, #tpu.memory_space<vmem>>) target(%dma_start3A_308 : memref<10016x128xf32, #tpu.memory_space<vmem_shared>>) offsets(%dma_start3A_305 : memref<16xi32, #tpu.memory_space<vmem>>) semaphore(%arg20 : memref<!tpu.dma_semaphore, #tpu.memory_space<semaphore_mem>>) {add = true}
      %select_n3A_309 = arith.select %eq3A_290, %broadcast_in_dim3A_95, %broadcast_in_dim3A_97 : vector<16xi1>, vector<16xi32>
      %while3A_310 = scf.while (%while3A_361 = %select_n3A_309) : (vector<16xi32>) -> vector<16xi32> {
        %eq3A_362 = arith.constant 1 : i32
        %eq3A_363 = vector.broadcast %eq3A_362 : i32 to vector<16xi32>
        %eq3A_364 = arith.cmpi eq, %while3A_361, %eq3A_363 : vector<16xi32>
        %reduce_or3A = arith.constant 1.000000e+00 : f32
        %reduce_or3A_365 = arith.constant 0.000000e+00 : f32
        %reduce_or3A_366 = vector.broadcast %reduce_or3A : f32 to vector<16xf32>
        %reduce_or3A_367 = vector.broadcast %reduce_or3A_365 : f32 to vector<16xf32>
        %reduce_or3A_368 = arith.select %eq3A_364, %reduce_or3A_366, %reduce_or3A_367 : vector<16xi1>, vector<16xf32>
        %reduce_or3A_369 = arith.constant true
        %reduce_or3A_370 = vector.broadcast %reduce_or3A_369 : i1 to vector<16xi1>
        %reduce_or3A_371 = tpu.scan <max>, %reduce_or3A_368 masked %reduce_or3A_370 : vector<16xf32>, vector<16xi1> -> vector<16xf32>
        %reduce_or3A_372 = vector.extract %reduce_or3A_371[15] : f32 from vector<16xf32>
        %reduce_or3A_373 = arith.constant 0.000000e+00 : f32
        %reduce_or3A_374 = arith.cmpf ogt, %reduce_or3A_372, %reduce_or3A_373 : f32
        scf.condition(%reduce_or3A_374) %while3A_361 : vector<16xi32>
      } do {
      ^bb0(%while3A_361: vector<16xi32>):
        %eq3A_362 = arith.constant 1 : i32
        %eq3A_363 = vector.broadcast %eq3A_362 : i32 to vector<16xi32>
        %eq3A_364 = arith.cmpi eq, %while3A_361, %eq3A_363 : vector<16xi32>
        %add3A_365 = arith.constant 10016 : i32
        %add3A_366 = vector.broadcast %add3A_365 : i32 to vector<16xi32>
        %add3A_367 = arith.addi %add3A_366, %iota3A_88 : vector<16xi32>
        %select_n3A_368 = arith.select %eq3A_364, %get3A_268, %add3A_367 : vector<16xi1>, vector<16xi32>
        %masked_sort3A_369 = arith.constant dense<true> : vector<16xi1>
        %masked_sort3A_370 = arith.constant -2147483648 : i32
        %masked_sort3A_371 = vector.broadcast %masked_sort3A_370 : i32 to vector<16xi32>
        %masked_sort3A_372 = arith.xori %select_n3A_368, %masked_sort3A_371 : vector<16xi32>
        %masked_sort3A_373, %masked_sort3A_374, %masked_sort3A_375 = tpu.sort %masked_sort3A_372, %iota3A_88 masked %masked_sort3A_369 : (vector<16xi32>, vector<16xi32>, vector<16xi1>) -> (vector<16xi1>, vector<16xi32>, vector<16xi32>)
        %masked_sort3A_376 = arith.xori %masked_sort3A_374, %masked_sort3A_371 : vector<16xi32>
        %swap3A_377 = arith.constant 0 : index
        %swap3A_378 = tpu.vector_load %arg13[%swap3A_377] {strides = array<i32>} : memref<16xi32, #tpu.memory_space<vmem>>, vector<16xi32>,
        tpu.vector_store %arg13[%swap3A_377], %masked_sort3A_376 {strides = array<i32>} : memref<16xi32, #tpu.memory_space<vmem>>, vector<16xi32>,
        %gather3A_379 = tpu.vector_load_idx %arg13[%and3A_94] : memref<16xi32, #tpu.memory_space<vmem>>[vector<16xi32>], vector<16xi32>,
        %eq3A_380 = arith.cmpi eq, %masked_sort3A_376, %gather3A_379 : vector<16xi32>
        %gt3A_381 = arith.constant 0 : i32
        %gt3A_382 = vector.broadcast %gt3A_381 : i32 to vector<16xi32>
        %gt3A_383 = arith.cmpi sgt, %iota3A_88, %gt3A_382 : vector<16xi32>
        %and3A_384 = arith.andi %eq3A_380, %gt3A_383 : vector<16xi1>
        %select_n3A_385 = arith.select %and3A_384, %broadcast_in_dim3A_95, %broadcast_in_dim3A_97 : vector<16xi1>, vector<16xi32>
        tpu.vector_store_idx %arg14[%masked_sort3A_375], %select_n3A_385 : memref<16xi32, #tpu.memory_space<vmem>>[vector<16xi32>], vector<16xi32>,
        %get3A_386 = arith.constant 0 : index
        %get3A_387 = tpu.vector_load %arg14[%get3A_386] {strides = array<i32>} : memref<16xi32, #tpu.memory_space<vmem>>, vector<16xi32>,
        %eq3A_388 = arith.constant 1 : i32
        %eq3A_389 = vector.broadcast %eq3A_388 : i32 to vector<16xi32>
        %eq3A_390 = arith.cmpi eq, %get3A_387, %eq3A_389 : vector<16xi32>
        %not3A = arith.constant dense<true> : vector<16xi1>
        %not3A_391 = arith.xori %eq3A_390, %not3A : vector<16xi1>
        %and3A_392 = arith.andi %eq3A_364, %not3A_391 : vector<16xi1>
        %add3A_393 = arith.constant 10000 : i32
        %add3A_394 = vector.broadcast %add3A_393 : i32 to vector<16xi32>
        %add3A_395 = arith.addi %add3A_394, %iota3A_88 : vector<16xi32>
        %select_n3A_396 = arith.select %and3A_392, %get3A_268, %add3A_395 : vector<16xi1>, vector<16xi32>
        %swap3A_397 = arith.constant 0 : index
        %swap3A_398 = tpu.vector_load %arg16[%swap3A_397] {strides = array<i32>} : memref<16xi32, #tpu.memory_space<vmem>>, vector<16xi32>,
        tpu.vector_store %arg16[%swap3A_397], %select_n3A_396 {strides = array<i32>} : memref<16xi32, #tpu.memory_space<vmem>>, vector<16xi32>,
        "tpu.region"() ({
          %run_scoped3A = tpu.sem_alloc : memref<!tpu.dma_semaphore, #tpu.memory_space<semaphore_mem>>
          %dma_start3A_401 = arith.constant 64 : i32
          %dma_start3A_402 = arith.constant 0 : i32
          %dma_start3A_403 = tpu.memref_slice %arg11[%dma_start3A_401, %dma_start3A_402] : memref<80x128xf32, #tpu.memory_space<vmem>> -> memref<16x128xf32, #tpu.memory_space<vmem>>
          %dma_start3A_404 = arith.constant 0 : i32
          %dma_start3A_405 = arith.constant 0 : i32
          %dma_start3A_406 = tpu.memref_slice %arg17[%dma_start3A_404, %dma_start3A_405] : memref<10016x128xf32, #tpu.memory_space<vmem_shared>> -> memref<10016x128xf32, #tpu.memory_space<vmem_shared>>
          tpu.enqueue_indirect_dma source(%dma_start3A_403 : memref<16x128xf32, #tpu.memory_space<vmem>>) target(%dma_start3A_406 : memref<10016x128xf32, #tpu.memory_space<vmem_shared>>) offsets(%arg16 : memref<16xi32, #tpu.memory_space<vmem>>) semaphore(%run_scoped3A : memref<!tpu.dma_semaphore, #tpu.memory_space<semaphore_mem>>) {add = true}
          %dma_wait3A_407 = arith.constant 64 : i32
          %dma_wait3A_408 = arith.constant 0 : i32
          %dma_wait3A_409 = tpu.memref_slice %arg11[%dma_wait3A_407, %dma_wait3A_408] : memref<80x128xf32, #tpu.memory_space<vmem>> -> memref<16x128xf32, #tpu.memory_space<vmem>>
          %dma_wait3A_410 = arith.constant 0 : i32
          %dma_wait3A_411 = arith.constant 0 : i32
          %dma_wait3A_412 = tpu.memref_slice %arg17[%dma_wait3A_410, %dma_wait3A_411] : memref<10016x128xf32, #tpu.memory_space<vmem_shared>> -> memref<10016x128xf32, #tpu.memory_space<vmem_shared>>
          tpu.wait_indirect_dma semaphore(%run_scoped3A : memref<!tpu.dma_semaphore, #tpu.memory_space<semaphore_mem>>) src(%dma_wait3A_409 : memref<16x128xf32, #tpu.memory_space<vmem>>) dst(%dma_wait3A_412 : memref<10016x128xf32, #tpu.memory_space<vmem_shared>>)
          tpu.yield
        }) : () -> ()
        %and3A_399 = arith.andi %eq3A_364, %eq3A_390 : vector<16xi1>
        %select_n3A_400 = arith.select %and3A_399, %broadcast_in_dim3A_95, %broadcast_in_dim3A_97 : vector<16xi1>, vector<16xi32>
        scf.yield %select_n3A_400 : vector<16xi32>
      }
      %dma_wait3A_311 = arith.constant 0 : i32
      %dma_wait3A_312 = arith.constant 0 : i32
      %dma_wait3A_313 = arith.constant 0 : i32
      %dma_wait3A_314 = tpu.memref_slice %arg11[%dma_wait3A_312, %dma_wait3A_313] : memref<80x128xf32, #tpu.memory_space<vmem>> -> memref<16x128xf32, #tpu.memory_space<vmem>>
      %dma_wait3A_315 = arith.constant 0 : i32
      %dma_wait3A_316 = tpu.memref_slice %arg15[%dma_wait3A_311, %dma_wait3A_315] : memref<5x16xi32, #tpu.memory_space<vmem>> -> memref<1x16xi32, #tpu.memory_space<vmem>>
      %dma_wait3A_317 = tpu.memref_squeeze %dma_wait3A_316 : memref<1x16xi32, #tpu.memory_space<vmem>> -> memref<16xi32, #tpu.memory_space<vmem>>
      %dma_wait3A_318 = arith.constant 0 : i32
      %dma_wait3A_319 = arith.constant 0 : i32
      %dma_wait3A_320 = tpu.memref_slice %arg17[%dma_wait3A_318, %dma_wait3A_319] : memref<10016x128xf32, #tpu.memory_space<vmem_shared>> -> memref<10016x128xf32, #tpu.memory_space<vmem_shared>>
      tpu.wait_indirect_dma semaphore(%arg20 : memref<!tpu.dma_semaphore, #tpu.memory_space<semaphore_mem>>) src(%dma_wait3A_314 : memref<16x128xf32, #tpu.memory_space<vmem>>) dst(%dma_wait3A_320 : memref<10016x128xf32, #tpu.memory_space<vmem_shared>>)
      %dma_wait3A_321 = arith.constant 1 : i32
      %dma_wait3A_322 = arith.constant 16 : i32
      %dma_wait3A_323 = arith.constant 0 : i32
      %dma_wait3A_324 = tpu.memref_slice %arg11[%dma_wait3A_322, %dma_wait3A_323] : memref<80x128xf32, #tpu.memory_space<vmem>> -> memref<16x128xf32, #tpu.memory_space<vmem>>
      %dma_wait3A_325 = arith.constant 0 : i32
      %dma_wait3A_326 = tpu.memref_slice %arg15[%dma_wait3A_321, %dma_wait3A_325] : memref<5x16xi32, #tpu.memory_space<vmem>> -> memref<1x16xi32, #tpu.memory_space<vmem>>
      %dma_wait3A_327 = tpu.memref_squeeze %dma_wait3A_326 : memref<1x16xi32, #tpu.memory_space<vmem>> -> memref<16xi32, #tpu.memory_space<vmem>>
      %dma_wait3A_328 = arith.constant 0 : i32
      %dma_wait3A_329 = arith.constant 0 : i32
      %dma_wait3A_330 = tpu.memref_slice %arg17[%dma_wait3A_328, %dma_wait3A_329] : memref<10016x128xf32, #tpu.memory_space<vmem_shared>> -> memref<10016x128xf32, #tpu.memory_space<vmem_shared>>
      tpu.wait_indirect_dma semaphore(%arg20 : memref<!tpu.dma_semaphore, #tpu.memory_space<semaphore_mem>>) src(%dma_wait3A_324 : memref<16x128xf32, #tpu.memory_space<vmem>>) dst(%dma_wait3A_330 : memref<10016x128xf32, #tpu.memory_space<vmem_shared>>)
      %dma_wait3A_331 = arith.constant 2 : i32
      %dma_wait3A_332 = arith.constant 32 : i32
      %dma_wait3A_333 = arith.constant 0 : i32
      %dma_wait3A_334 = tpu.memref_slice %arg11[%dma_wait3A_332, %dma_wait3A_333] : memref<80x128xf32, #tpu.memory_space<vmem>> -> memref<16x128xf32, #tpu.memory_space<vmem>>
      %dma_wait3A_335 = arith.constant 0 : i32
      %dma_wait3A_336 = tpu.memref_slice %arg15[%dma_wait3A_331, %dma_wait3A_335] : memref<5x16xi32, #tpu.memory_space<vmem>> -> memref<1x16xi32, #tpu.memory_space<vmem>>
      %dma_wait3A_337 = tpu.memref_squeeze %dma_wait3A_336 : memref<1x16xi32, #tpu.memory_space<vmem>> -> memref<16xi32, #tpu.memory_space<vmem>>
      %dma_wait3A_338 = arith.constant 0 : i32
      %dma_wait3A_339 = arith.constant 0 : i32
      %dma_wait3A_340 = tpu.memref_slice %arg17[%dma_wait3A_338, %dma_wait3A_339] : memref<10016x128xf32, #tpu.memory_space<vmem_shared>> -> memref<10016x128xf32, #tpu.memory_space<vmem_shared>>
      tpu.wait_indirect_dma semaphore(%arg20 : memref<!tpu.dma_semaphore, #tpu.memory_space<semaphore_mem>>) src(%dma_wait3A_334 : memref<16x128xf32, #tpu.memory_space<vmem>>) dst(%dma_wait3A_340 : memref<10016x128xf32, #tpu.memory_space<vmem_shared>>)
      %dma_wait3A_341 = arith.constant 3 : i32
      %dma_wait3A_342 = arith.constant 48 : i32
      %dma_wait3A_343 = arith.constant 0 : i32
      %dma_wait3A_344 = tpu.memref_slice %arg11[%dma_wait3A_342, %dma_wait3A_343] : memref<80x128xf32, #tpu.memory_space<vmem>> -> memref<16x128xf32, #tpu.memory_space<vmem>>
      %dma_wait3A_345 = arith.constant 0 : i32
      %dma_wait3A_346 = tpu.memref_slice %arg15[%dma_wait3A_341, %dma_wait3A_345] : memref<5x16xi32, #tpu.memory_space<vmem>> -> memref<1x16xi32, #tpu.memory_space<vmem>>
      %dma_wait3A_347 = tpu.memref_squeeze %dma_wait3A_346 : memref<1x16xi32, #tpu.memory_space<vmem>> -> memref<16xi32, #tpu.memory_space<vmem>>
      %dma_wait3A_348 = arith.constant 0 : i32
      %dma_wait3A_349 = arith.constant 0 : i32
      %dma_wait3A_350 = tpu.memref_slice %arg17[%dma_wait3A_348, %dma_wait3A_349] : memref<10016x128xf32, #tpu.memory_space<vmem_shared>> -> memref<10016x128xf32, #tpu.memory_space<vmem_shared>>
      tpu.wait_indirect_dma semaphore(%arg20 : memref<!tpu.dma_semaphore, #tpu.memory_space<semaphore_mem>>) src(%dma_wait3A_344 : memref<16x128xf32, #tpu.memory_space<vmem>>) dst(%dma_wait3A_350 : memref<10016x128xf32, #tpu.memory_space<vmem_shared>>)
      %dma_wait3A_351 = arith.constant 4 : i32
      %dma_wait3A_352 = arith.constant 64 : i32
      %dma_wait3A_353 = arith.constant 0 : i32
      %dma_wait3A_354 = tpu.memref_slice %arg11[%dma_wait3A_352, %dma_wait3A_353] : memref<80x128xf32, #tpu.memory_space<vmem>> -> memref<16x128xf32, #tpu.memory_space<vmem>>
      %dma_wait3A_355 = arith.constant 0 : i32
      %dma_wait3A_356 = tpu.memref_slice %arg15[%dma_wait3A_351, %dma_wait3A_355] : memref<5x16xi32, #tpu.memory_space<vmem>> -> memref<1x16xi32, #tpu.memory_space<vmem>>
      %dma_wait3A_357 = tpu.memref_squeeze %dma_wait3A_356 : memref<1x16xi32, #tpu.memory_space<vmem>> -> memref<16xi32, #tpu.memory_space<vmem>>
      %dma_wait3A_358 = arith.constant 0 : i32
      %dma_wait3A_359 = arith.constant 0 : i32
      %dma_wait3A_360 = tpu.memref_slice %arg17[%dma_wait3A_358, %dma_wait3A_359] : memref<10016x128xf32, #tpu.memory_space<vmem_shared>> -> memref<10016x128xf32, #tpu.memory_space<vmem_shared>>
      tpu.wait_indirect_dma semaphore(%arg20 : memref<!tpu.dma_semaphore, #tpu.memory_space<semaphore_mem>>) src(%dma_wait3A_354 : memref<16x128xf32, #tpu.memory_space<vmem>>) dst(%dma_wait3A_360 : memref<10016x128xf32, #tpu.memory_space<vmem_shared>>)
    }
    %scan3A_40 = arith.constant 125 : i32
    %barrier3A_41 = arith.constant 0 : index
    tpu.barrier barrier_id(%barrier3A_41)
    %add3A_42 = arith.constant 0 : i32
    %add3A_43 = arith.addi %mul3A_6, %add3A_42 : i32
    "tpu.region"() ({
      %run_scoped3A = tpu.sem_alloc : memref<!tpu.dma_semaphore, #tpu.memory_space<semaphore_mem>>
      %dma_start3A = arith.constant 0 : i32
      %dma_start3A_63 = tpu.memref_slice %arg6[%arg0, %add3A_43, %dma_start3A] : memref<2x10000x128xf32, #tpu.memory_space<hbm>> -> memref<1x80x128xf32, #tpu.memory_space<hbm>>
      %dma_start3A_64 = tpu.memref_squeeze %dma_start3A_63 : memref<1x80x128xf32, #tpu.memory_space<hbm>> -> memref<80x128xf32, #tpu.memory_space<hbm>>
      %dma_start3A_65 = arith.constant 0 : i32
      %dma_start3A_66 = tpu.memref_slice %arg17[%add3A_43, %dma_start3A_65] : memref<10016x128xf32, #tpu.memory_space<vmem_shared>> -> memref<80x128xf32, #tpu.memory_space<vmem_shared>>
      tpu.enqueue_dma source(%dma_start3A_66 : memref<80x128xf32, #tpu.memory_space<vmem_shared>>) target(%dma_start3A_64 : memref<80x128xf32, #tpu.memory_space<hbm>>) target_semaphore(%run_scoped3A : memref<!tpu.dma_semaphore, #tpu.memory_space<semaphore_mem>>)
      %dma_wait3A = arith.constant 0 : i32
      %dma_wait3A_67 = tpu.memref_slice %arg6[%arg0, %add3A_43, %dma_wait3A] : memref<2x10000x128xf32, #tpu.memory_space<hbm>> -> memref<1x80x128xf32, #tpu.memory_space<hbm>>
      %dma_wait3A_68 = tpu.memref_squeeze %dma_wait3A_67 : memref<1x80x128xf32, #tpu.memory_space<hbm>> -> memref<80x128xf32, #tpu.memory_space<hbm>>
      %dma_wait3A_69 = arith.constant 0 : i32
      %dma_wait3A_70 = tpu.memref_slice %arg17[%add3A_43, %dma_wait3A_69] : memref<10016x128xf32, #tpu.memory_space<vmem_shared>> -> memref<80x128xf32, #tpu.memory_space<vmem_shared>>
      tpu.wait_dma2 semaphore(%run_scoped3A : memref<!tpu.dma_semaphore, #tpu.memory_space<semaphore_mem>>) src(%dma_wait3A_70 : memref<80x128xf32, #tpu.memory_space<vmem_shared>>) dst(%dma_wait3A_68 : memref<80x128xf32, #tpu.memory_space<hbm>>)
      tpu.yield
    }) : () -> ()
    %add3A_44 = arith.constant 80 : i32
    %add3A_45 = arith.addi %mul3A_6, %add3A_44 : i32
    "tpu.region"() ({
      %run_scoped3A = tpu.sem_alloc : memref<!tpu.dma_semaphore, #tpu.memory_space<semaphore_mem>>
      %dma_start3A = arith.constant 0 : i32
      %dma_start3A_63 = tpu.memref_slice %arg6[%arg0, %add3A_45, %dma_start3A] : memref<2x10000x128xf32, #tpu.memory_space<hbm>> -> memref<1x80x128xf32, #tpu.memory_space<hbm>>
      %dma_start3A_64 = tpu.memref_squeeze %dma_start3A_63 : memref<1x80x128xf32, #tpu.memory_space<hbm>> -> memref<80x128xf32, #tpu.memory_space<hbm>>
      %dma_start3A_65 = arith.constant 0 : i32
      %dma_start3A_66 = tpu.memref_slice %arg17[%add3A_45, %dma_start3A_65] : memref<10016x128xf32, #tpu.memory_space<vmem_shared>> -> memref<80x128xf32, #tpu.memory_space<vmem_shared>>
      tpu.enqueue_dma source(%dma_start3A_66 : memref<80x128xf32, #tpu.memory_space<vmem_shared>>) target(%dma_start3A_64 : memref<80x128xf32, #tpu.memory_space<hbm>>) target_semaphore(%run_scoped3A : memref<!tpu.dma_semaphore, #tpu.memory_space<semaphore_mem>>)
      %dma_wait3A = arith.constant 0 : i32
      %dma_wait3A_67 = tpu.memref_slice %arg6[%arg0, %add3A_45, %dma_wait3A] : memref<2x10000x128xf32, #tpu.memory_space<hbm>> -> memref<1x80x128xf32, #tpu.memory_space<hbm>>
      %dma_wait3A_68 = tpu.memref_squeeze %dma_wait3A_67 : memref<1x80x128xf32, #tpu.memory_space<hbm>> -> memref<80x128xf32, #tpu.memory_space<hbm>>
      %dma_wait3A_69 = arith.constant 0 : i32
      %dma_wait3A_70 = tpu.memref_slice %arg17[%add3A_45, %dma_wait3A_69] : memref<10016x128xf32, #tpu.memory_space<vmem_shared>> -> memref<80x128xf32, #tpu.memory_space<vmem_shared>>
      tpu.wait_dma2 semaphore(%run_scoped3A : memref<!tpu.dma_semaphore, #tpu.memory_space<semaphore_mem>>) src(%dma_wait3A_70 : memref<80x128xf32, #tpu.memory_space<vmem_shared>>) dst(%dma_wait3A_68 : memref<80x128xf32, #tpu.memory_space<hbm>>)
      tpu.yield
    }) : () -> ()
    %add3A_46 = arith.constant 160 : i32
    %add3A_47 = arith.addi %mul3A_6, %add3A_46 : i32
    "tpu.region"() ({
      %run_scoped3A = tpu.sem_alloc : memref<!tpu.dma_semaphore, #tpu.memory_space<semaphore_mem>>
      %dma_start3A = arith.constant 0 : i32
      %dma_start3A_63 = tpu.memref_slice %arg6[%arg0, %add3A_47, %dma_start3A] : memref<2x10000x128xf32, #tpu.memory_space<hbm>> -> memref<1x80x128xf32, #tpu.memory_space<hbm>>
      %dma_start3A_64 = tpu.memref_squeeze %dma_start3A_63 : memref<1x80x128xf32, #tpu.memory_space<hbm>> -> memref<80x128xf32, #tpu.memory_space<hbm>>
      %dma_start3A_65 = arith.constant 0 : i32
      %dma_start3A_66 = tpu.memref_slice %arg17[%add3A_47, %dma_start3A_65] : memref<10016x128xf32, #tpu.memory_space<vmem_shared>> -> memref<80x128xf32, #tpu.memory_space<vmem_shared>>
      tpu.enqueue_dma source(%dma_start3A_66 : memref<80x128xf32, #tpu.memory_space<vmem_shared>>) target(%dma_start3A_64 : memref<80x128xf32, #tpu.memory_space<hbm>>) target_semaphore(%run_scoped3A : memref<!tpu.dma_semaphore, #tpu.memory_space<semaphore_mem>>)
      %dma_wait3A = arith.constant 0 : i32
      %dma_wait3A_67 = tpu.memref_slice %arg6[%arg0, %add3A_47, %dma_wait3A] : memref<2x10000x128xf32, #tpu.memory_space<hbm>> -> memref<1x80x128xf32, #tpu.memory_space<hbm>>
      %dma_wait3A_68 = tpu.memref_squeeze %dma_wait3A_67 : memref<1x80x128xf32, #tpu.memory_space<hbm>> -> memref<80x128xf32, #tpu.memory_space<hbm>>
      %dma_wait3A_69 = arith.constant 0 : i32
      %dma_wait3A_70 = tpu.memref_slice %arg17[%add3A_47, %dma_wait3A_69] : memref<10016x128xf32, #tpu.memory_space<vmem_shared>> -> memref<80x128xf32, #tpu.memory_space<vmem_shared>>
      tpu.wait_dma2 semaphore(%run_scoped3A : memref<!tpu.dma_semaphore, #tpu.memory_space<semaphore_mem>>) src(%dma_wait3A_70 : memref<80x128xf32, #tpu.memory_space<vmem_shared>>) dst(%dma_wait3A_68 : memref<80x128xf32, #tpu.memory_space<hbm>>)
      tpu.yield
    }) : () -> ()
    %add3A_48 = arith.constant 240 : i32
    %add3A_49 = arith.addi %mul3A_6, %add3A_48 : i32
    "tpu.region"() ({
      %run_scoped3A = tpu.sem_alloc : memref<!tpu.dma_semaphore, #tpu.memory_space<semaphore_mem>>
      %dma_start3A = arith.constant 0 : i32
      %dma_start3A_63 = tpu.memref_slice %arg6[%arg0, %add3A_49, %dma_start3A] : memref<2x10000x128xf32, #tpu.memory_space<hbm>> -> memref<1x80x128xf32, #tpu.memory_space<hbm>>
      %dma_start3A_64 = tpu.memref_squeeze %dma_start3A_63 : memref<1x80x128xf32, #tpu.memory_space<hbm>> -> memref<80x128xf32, #tpu.memory_space<hbm>>
      %dma_start3A_65 = arith.constant 0 : i32
      %dma_start3A_66 = tpu.memref_slice %arg17[%add3A_49, %dma_start3A_65] : memref<10016x128xf32, #tpu.memory_space<vmem_shared>> -> memref<80x128xf32, #tpu.memory_space<vmem_shared>>
      tpu.enqueue_dma source(%dma_start3A_66 : memref<80x128xf32, #tpu.memory_space<vmem_shared>>) target(%dma_start3A_64 : memref<80x128xf32, #tpu.memory_space<hbm>>) target_semaphore(%run_scoped3A : memref<!tpu.dma_semaphore, #tpu.memory_space<semaphore_mem>>)
      %dma_wait3A = arith.constant 0 : i32
      %dma_wait3A_67 = tpu.memref_slice %arg6[%arg0, %add3A_49, %dma_wait3A] : memref<2x10000x128xf32, #tpu.memory_space<hbm>> -> memref<1x80x128xf32, #tpu.memory_space<hbm>>
      %dma_wait3A_68 = tpu.memref_squeeze %dma_wait3A_67 : memref<1x80x128xf32, #tpu.memory_space<hbm>> -> memref<80x128xf32, #tpu.memory_space<hbm>>
      %dma_wait3A_69 = arith.constant 0 : i32
      %dma_wait3A_70 = tpu.memref_slice %arg17[%add3A_49, %dma_wait3A_69] : memref<10016x128xf32, #tpu.memory_space<vmem_shared>> -> memref<80x128xf32, #tpu.memory_space<vmem_shared>>
      tpu.wait_dma2 semaphore(%run_scoped3A : memref<!tpu.dma_semaphore, #tpu.memory_space<semaphore_mem>>) src(%dma_wait3A_70 : memref<80x128xf32, #tpu.memory_space<vmem_shared>>) dst(%dma_wait3A_68 : memref<80x128xf32, #tpu.memory_space<hbm>>)
      tpu.yield
    }) : () -> ()
    %add3A_50 = arith.constant 320 : i32
    %add3A_51 = arith.addi %mul3A_6, %add3A_50 : i32
    "tpu.region"() ({
      %run_scoped3A = tpu.sem_alloc : memref<!tpu.dma_semaphore, #tpu.memory_space<semaphore_mem>>
      %dma_start3A = arith.constant 0 : i32
      %dma_start3A_63 = tpu.memref_slice %arg6[%arg0, %add3A_51, %dma_start3A] : memref<2x10000x128xf32, #tpu.memory_space<hbm>> -> memref<1x80x128xf32, #tpu.memory_space<hbm>>
      %dma_start3A_64 = tpu.memref_squeeze %dma_start3A_63 : memref<1x80x128xf32, #tpu.memory_space<hbm>> -> memref<80x128xf32, #tpu.memory_space<hbm>>
      %dma_start3A_65 = arith.constant 0 : i32
      %dma_start3A_66 = tpu.memref_slice %arg17[%add3A_51, %dma_start3A_65] : memref<10016x128xf32, #tpu.memory_space<vmem_shared>> -> memref<80x128xf32, #tpu.memory_space<vmem_shared>>
      tpu.enqueue_dma source(%dma_start3A_66 : memref<80x128xf32, #tpu.memory_space<vmem_shared>>) target(%dma_start3A_64 : memref<80x128xf32, #tpu.memory_space<hbm>>) target_semaphore(%run_scoped3A : memref<!tpu.dma_semaphore, #tpu.memory_space<semaphore_mem>>)
      %dma_wait3A = arith.constant 0 : i32
      %dma_wait3A_67 = tpu.memref_slice %arg6[%arg0, %add3A_51, %dma_wait3A] : memref<2x10000x128xf32, #tpu.memory_space<hbm>> -> memref<1x80x128xf32, #tpu.memory_space<hbm>>
      %dma_wait3A_68 = tpu.memref_squeeze %dma_wait3A_67 : memref<1x80x128xf32, #tpu.memory_space<hbm>> -> memref<80x128xf32, #tpu.memory_space<hbm>>
      %dma_wait3A_69 = arith.constant 0 : i32
      %dma_wait3A_70 = tpu.memref_slice %arg17[%add3A_51, %dma_wait3A_69] : memref<10016x128xf32, #tpu.memory_space<vmem_shared>> -> memref<80x128xf32, #tpu.memory_space<vmem_shared>>
      tpu.wait_dma2 semaphore(%run_scoped3A : memref<!tpu.dma_semaphore, #tpu.memory_space<semaphore_mem>>) src(%dma_wait3A_70 : memref<80x128xf32, #tpu.memory_space<vmem_shared>>) dst(%dma_wait3A_68 : memref<80x128xf32, #tpu.memory_space<hbm>>)
      tpu.yield
    }) : () -> ()
    %add3A_52 = arith.constant 400 : i32
    %add3A_53 = arith.addi %mul3A_6, %add3A_52 : i32
    "tpu.region"() ({
      %run_scoped3A = tpu.sem_alloc : memref<!tpu.dma_semaphore, #tpu.memory_space<semaphore_mem>>
      %dma_start3A = arith.constant 0 : i32
      %dma_start3A_63 = tpu.memref_slice %arg6[%arg0, %add3A_53, %dma_start3A] : memref<2x10000x128xf32, #tpu.memory_space<hbm>> -> memref<1x80x128xf32, #tpu.memory_space<hbm>>
      %dma_start3A_64 = tpu.memref_squeeze %dma_start3A_63 : memref<1x80x128xf32, #tpu.memory_space<hbm>> -> memref<80x128xf32, #tpu.memory_space<hbm>>
      %dma_start3A_65 = arith.constant 0 : i32
      %dma_start3A_66 = tpu.memref_slice %arg17[%add3A_53, %dma_start3A_65] : memref<10016x128xf32, #tpu.memory_space<vmem_shared>> -> memref<80x128xf32, #tpu.memory_space<vmem_shared>>
      tpu.enqueue_dma source(%dma_start3A_66 : memref<80x128xf32, #tpu.memory_space<vmem_shared>>) target(%dma_start3A_64 : memref<80x128xf32, #tpu.memory_space<hbm>>) target_semaphore(%run_scoped3A : memref<!tpu.dma_semaphore, #tpu.memory_space<semaphore_mem>>)
      %dma_wait3A = arith.constant 0 : i32
      %dma_wait3A_67 = tpu.memref_slice %arg6[%arg0, %add3A_53, %dma_wait3A] : memref<2x10000x128xf32, #tpu.memory_space<hbm>> -> memref<1x80x128xf32, #tpu.memory_space<hbm>>
      %dma_wait3A_68 = tpu.memref_squeeze %dma_wait3A_67 : memref<1x80x128xf32, #tpu.memory_space<hbm>> -> memref<80x128xf32, #tpu.memory_space<hbm>>
      %dma_wait3A_69 = arith.constant 0 : i32
      %dma_wait3A_70 = tpu.memref_slice %arg17[%add3A_53, %dma_wait3A_69] : memref<10016x128xf32, #tpu.memory_space<vmem_shared>> -> memref<80x128xf32, #tpu.memory_space<vmem_shared>>
      tpu.wait_dma2 semaphore(%run_scoped3A : memref<!tpu.dma_semaphore, #tpu.memory_space<semaphore_mem>>) src(%dma_wait3A_70 : memref<80x128xf32, #tpu.memory_space<vmem_shared>>) dst(%dma_wait3A_68 : memref<80x128xf32, #tpu.memory_space<hbm>>)
      tpu.yield
    }) : () -> ()
    %add3A_54 = arith.constant 480 : i32
    %add3A_55 = arith.addi %mul3A_6, %add3A_54 : i32
    "tpu.region"() ({
      %run_scoped3A = tpu.sem_alloc : memref<!tpu.dma_semaphore, #tpu.memory_space<semaphore_mem>>
      %dma_start3A = arith.constant 0 : i32
      %dma_start3A_63 = tpu.memref_slice %arg6[%arg0, %add3A_55, %dma_start3A] : memref<2x10000x128xf32, #tpu.memory_space<hbm>> -> memref<1x80x128xf32, #tpu.memory_space<hbm>>
      %dma_start3A_64 = tpu.memref_squeeze %dma_start3A_63 : memref<1x80x128xf32, #tpu.memory_space<hbm>> -> memref<80x128xf32, #tpu.memory_space<hbm>>
      %dma_start3A_65 = arith.constant 0 : i32
      %dma_start3A_66 = tpu.memref_slice %arg17[%add3A_55, %dma_start3A_65] : memref<10016x128xf32, #tpu.memory_space<vmem_shared>> -> memref<80x128xf32, #tpu.memory_space<vmem_shared>>
      tpu.enqueue_dma source(%dma_start3A_66 : memref<80x128xf32, #tpu.memory_space<vmem_shared>>) target(%dma_start3A_64 : memref<80x128xf32, #tpu.memory_space<hbm>>) target_semaphore(%run_scoped3A : memref<!tpu.dma_semaphore, #tpu.memory_space<semaphore_mem>>)
      %dma_wait3A = arith.constant 0 : i32
      %dma_wait3A_67 = tpu.memref_slice %arg6[%arg0, %add3A_55, %dma_wait3A] : memref<2x10000x128xf32, #tpu.memory_space<hbm>> -> memref<1x80x128xf32, #tpu.memory_space<hbm>>
      %dma_wait3A_68 = tpu.memref_squeeze %dma_wait3A_67 : memref<1x80x128xf32, #tpu.memory_space<hbm>> -> memref<80x128xf32, #tpu.memory_space<hbm>>
      %dma_wait3A_69 = arith.constant 0 : i32
      %dma_wait3A_70 = tpu.memref_slice %arg17[%add3A_55, %dma_wait3A_69] : memref<10016x128xf32, #tpu.memory_space<vmem_shared>> -> memref<80x128xf32, #tpu.memory_space<vmem_shared>>
      tpu.wait_dma2 semaphore(%run_scoped3A : memref<!tpu.dma_semaphore, #tpu.memory_space<semaphore_mem>>) src(%dma_wait3A_70 : memref<80x128xf32, #tpu.memory_space<vmem_shared>>) dst(%dma_wait3A_68 : memref<80x128xf32, #tpu.memory_space<hbm>>)
      tpu.yield
    }) : () -> ()
    %add3A_56 = arith.constant 560 : i32
    %add3A_57 = arith.addi %mul3A_6, %add3A_56 : i32
    "tpu.region"() ({
      %run_scoped3A = tpu.sem_alloc : memref<!tpu.dma_semaphore, #tpu.memory_space<semaphore_mem>>
      %dma_start3A = arith.constant 0 : i32
      %dma_start3A_63 = tpu.memref_slice %arg6[%arg0, %add3A_57, %dma_start3A] : memref<2x10000x128xf32, #tpu.memory_space<hbm>> -> memref<1x64x128xf32, #tpu.memory_space<hbm>>
      %dma_start3A_64 = tpu.memref_squeeze %dma_start3A_63 : memref<1x64x128xf32, #tpu.memory_space<hbm>> -> memref<64x128xf32, #tpu.memory_space<hbm>>
      %dma_start3A_65 = arith.constant 0 : i32
      %dma_start3A_66 = tpu.memref_slice %arg17[%add3A_57, %dma_start3A_65] : memref<10016x128xf32, #tpu.memory_space<vmem_shared>> -> memref<64x128xf32, #tpu.memory_space<vmem_shared>>
      tpu.enqueue_dma source(%dma_start3A_66 : memref<64x128xf32, #tpu.memory_space<vmem_shared>>) target(%dma_start3A_64 : memref<64x128xf32, #tpu.memory_space<hbm>>) target_semaphore(%run_scoped3A : memref<!tpu.dma_semaphore, #tpu.memory_space<semaphore_mem>>)
      %dma_wait3A = arith.constant 0 : i32
      %dma_wait3A_67 = tpu.memref_slice %arg6[%arg0, %add3A_57, %dma_wait3A] : memref<2x10000x128xf32, #tpu.memory_space<hbm>> -> memref<1x64x128xf32, #tpu.memory_space<hbm>>
      %dma_wait3A_68 = tpu.memref_squeeze %dma_wait3A_67 : memref<1x64x128xf32, #tpu.memory_space<hbm>> -> memref<64x128xf32, #tpu.memory_space<hbm>>
      %dma_wait3A_69 = arith.constant 0 : i32
      %dma_wait3A_70 = tpu.memref_slice %arg17[%add3A_57, %dma_wait3A_69] : memref<10016x128xf32, #tpu.memory_space<vmem_shared>> -> memref<64x128xf32, #tpu.memory_space<vmem_shared>>
      tpu.wait_dma2 semaphore(%run_scoped3A : memref<!tpu.dma_semaphore, #tpu.memory_space<semaphore_mem>>) src(%dma_wait3A_70 : memref<64x128xf32, #tpu.memory_space<vmem_shared>>) dst(%dma_wait3A_68 : memref<64x128xf32, #tpu.memory_space<hbm>>)
      tpu.yield
    }) : () -> ()
    %eq3A_58 = arith.constant 15 : i32
    %eq3A_59 = arith.cmpi eq, %arg1, %eq3A_58 : i32
    %convert_element_type3A_60 = arith.extui %eq3A_59 : i1 to i32
    %cond3A_61 = arith.constant 0 : i32
    %cond3A_62 = arith.cmpi ne, %convert_element_type3A_60, %cond3A_61 : i32
    scf.if %cond3A_62 {
      "tpu.region"() ({
        %run_scoped3A = tpu.sem_alloc : memref<!tpu.dma_semaphore, #tpu.memory_space<semaphore_mem>>
        %dma_start3A = arith.constant 9984 : i32
        %dma_start3A_63 = arith.constant 0 : i32
        %dma_start3A_64 = tpu.memref_slice %arg6[%arg0, %dma_start3A, %dma_start3A_63] : memref<2x10000x128xf32, #tpu.memory_space<hbm>> -> memref<1x16x128xf32, #tpu.memory_space<hbm>>
        %dma_start3A_65 = tpu.memref_squeeze %dma_start3A_64 : memref<1x16x128xf32, #tpu.memory_space<hbm>> -> memref<16x128xf32, #tpu.memory_space<hbm>>
        %dma_start3A_66 = arith.constant 9984 : i32
        %dma_start3A_67 = arith.constant 0 : i32
        %dma_start3A_68 = tpu.memref_slice %arg17[%dma_start3A_66, %dma_start3A_67] : memref<10016x128xf32, #tpu.memory_space<vmem_shared>> -> memref<16x128xf32, #tpu.memory_space<vmem_shared>>
        tpu.enqueue_dma source(%dma_start3A_68 : memref<16x128xf32, #tpu.memory_space<vmem_shared>>) target(%dma_start3A_65 : memref<16x128xf32, #tpu.memory_space<hbm>>) target_semaphore(%run_scoped3A : memref<!tpu.dma_semaphore, #tpu.memory_space<semaphore_mem>>)
        %dma_wait3A = arith.constant 9984 : i32
        %dma_wait3A_69 = arith.constant 0 : i32
        %dma_wait3A_70 = tpu.memref_slice %arg6[%arg0, %dma_wait3A, %dma_wait3A_69] : memref<2x10000x128xf32, #tpu.memory_space<hbm>> -> memref<1x16x128xf32, #tpu.memory_space<hbm>>
        %dma_wait3A_71 = tpu.memref_squeeze %dma_wait3A_70 : memref<1x16x128xf32, #tpu.memory_space<hbm>> -> memref<16x128xf32, #tpu.memory_space<hbm>>
        %dma_wait3A_72 = arith.constant 9984 : i32
        %dma_wait3A_73 = arith.constant 0 : i32
        %dma_wait3A_74 = tpu.memref_slice %arg17[%dma_wait3A_72, %dma_wait3A_73] : memref<10016x128xf32, #tpu.memory_space<vmem_shared>> -> memref<16x128xf32, #tpu.memory_space<vmem_shared>>
        tpu.wait_dma2 semaphore(%run_scoped3A : memref<!tpu.dma_semaphore, #tpu.memory_space<semaphore_mem>>) src(%dma_wait3A_74 : memref<16x128xf32, #tpu.memory_space<vmem_shared>>) dst(%dma_wait3A_71 : memref<16x128xf32, #tpu.memory_space<hbm>>)
        tpu.yield
      }) : () -> ()
    } else {
    }
    return
  }
}

module attributes {stable_mosaic.version = 14 : i64} {
  func.func @_proj1_body(%arg0: i32, %arg1: memref<1000x128xf32, #tpu.memory_space<vmem>>, %arg2: memref<128x288xf32, #tpu.memory_space<vmem>>, %arg3: memref<1x288xf32, #tpu.memory_space<vmem>>, %arg4: memref<1000x128xf32, #tpu.memory_space<vmem>>, %arg5: memref<1000x256xf32, #tpu.memory_space<vmem>>) attributes {dimension_semantics = [#tpu.dimension_semantics<arbitrary>], iteration_bounds = array<i64: 10>, scalar_prefetch = 0 : i64, scratch_operands = 0 : i64, tpu.core_type = #tpu.core_type<tc>, window_params = [{transform_indices = @transform_0, window_bounds = array<i64: 1000, 128>}, {pipeline_mode = #tpu.pipeline_mode<synchronous>, transform_indices = @transform_1, window_bounds = array<i64: 128, 288>}, {pipeline_mode = #tpu.pipeline_mode<synchronous>, transform_indices = @transform_2, window_bounds = array<i64: 1, 288>}, {transform_indices = @transform_3, window_bounds = array<i64: 1000, 128>}, {transform_indices = @transform_4, window_bounds = array<i64: 1000, 256>}]} {
    %get3A = arith.constant 0 : index
    %get3A_0 = arith.constant 0 : index
    %get3A_1 = vector.load %arg1[%get3A, %get3A_0] : memref<1000x128xf32, #tpu.memory_space<vmem>>, vector<1000x128xf32>
    %get3A_2 = arith.constant 0 : index
    %get3A_3 = arith.constant 0 : index
    %get3A_4 = vector.load %arg2[%get3A_2, %get3A_3] : memref<128x288xf32, #tpu.memory_space<vmem>>, vector<128x288xf32>
    %dot_general3A = arith.constant dense<0.000000e+00> : vector<1000x288xf32>
    %dot_general3A_5 = tpu.matmul %get3A_1, %get3A_4, %dot_general3A {dimension_numbers = #tpu.dot_dimension_numbers<[1], [0], [0], [1], [0, 0, 1, 1], [], []>, precision = #tpu.contract_precision<fp32>, transpose_lhs_hint = false} : vector<1000x128xf32>, vector<128x288xf32>, vector<1000x288xf32> -> vector<1000x288xf32>
    %get3A_6 = arith.constant 0 : index
    %get3A_7 = arith.constant 0 : index
    %get3A_8 = vector.load %arg3[%get3A_6, %get3A_7] : memref<1x288xf32, #tpu.memory_space<vmem>>, vector<1x288xf32>
    %add3A = vector.broadcast %get3A_8 : vector<1x288xf32> to vector<1000x288xf32>
    %add3A_9 = arith.addf %dot_general3A_5, %add3A : vector<1000x288xf32>
    %broadcast_in_dim3A = arith.constant 0.000000e+00 : f32
    %broadcast_in_dim3A_10 = vector.broadcast %broadcast_in_dim3A : f32 to vector<1000x32xf32>
    %broadcast_in_dim3A_11 = arith.constant 0.000000e+00 : f32
    %broadcast_in_dim3A_12 = vector.broadcast %broadcast_in_dim3A_11 : f32 to vector<1000x64xf32>
    %slice3A = vector.extract_strided_slice %add3A_9 {offsets = [0, 0], sizes = [1000, 96], strides = [1, 1]} : vector<1000x288xf32> to vector<1000x96xf32>
    %concatenate3A = tpu.concatenate %slice3A, %broadcast_in_dim3A_10 in 1 : vector<1000x96xf32>, vector<1000x32xf32> -> vector<1000x128xf32>
    %swap3A = arith.constant 0 : index
    %swap3A_13 = arith.constant 0 : index
    %swap3A_14 = vector.load %arg4[%swap3A, %swap3A_13] : memref<1000x128xf32, #tpu.memory_space<vmem>>, vector<1000x128xf32>
    tpu.vector_store %arg4[%swap3A, %swap3A_13], %concatenate3A {strides = array<i32>} : memref<1000x128xf32, #tpu.memory_space<vmem>>, vector<1000x128xf32>,
    %slice3A_15 = vector.extract_strided_slice %add3A_9 {offsets = [0, 96], sizes = [1000, 192], strides = [1, 1]} : vector<1000x288xf32> to vector<1000x192xf32>
    %concatenate3A_16 = tpu.concatenate %slice3A_15, %broadcast_in_dim3A_12 in 1 : vector<1000x192xf32>, vector<1000x64xf32> -> vector<1000x256xf32>
    %swap3A_17 = arith.constant 0 : index
    %swap3A_18 = arith.constant 0 : index
    %swap3A_19 = vector.load %arg5[%swap3A_17, %swap3A_18] : memref<1000x256xf32, #tpu.memory_space<vmem>>, vector<1000x256xf32>
    tpu.vector_store %arg5[%swap3A_17, %swap3A_18], %concatenate3A_16 {strides = array<i32>} : memref<1000x256xf32, #tpu.memory_space<vmem>>, vector<1000x256xf32>,
    return
  }
  func.func @transform_0(%arg0: i32) -> (i32, i32) {
    %c0_i32 = arith.constant 0 : i32
    %c0_i32_0 = arith.constant 0 : i32
    return %arg0, %c0_i32 : i32, i32
  }
  func.func @transform_1(%arg0: i32) -> (i32, i32) {
    %c0_i32 = arith.constant 0 : i32
    %c0_i32_0 = arith.constant 0 : i32
    %c0_i32_1 = arith.constant 0 : i32
    return %c0_i32, %c0_i32_0 : i32, i32
  }
  func.func @transform_2(%arg0: i32) -> (i32, i32) {
    %c0_i32 = arith.constant 0 : i32
    %c0_i32_0 = arith.constant 0 : i32
    %c0_i32_1 = arith.constant 0 : i32
    return %c0_i32, %c0_i32_0 : i32, i32
  }
  func.func @transform_3(%arg0: i32) -> (i32, i32) {
    %c0_i32 = arith.constant 0 : i32
    %c0_i32_0 = arith.constant 0 : i32
    return %arg0, %c0_i32 : i32, i32
  }
  func.func @transform_4(%arg0: i32) -> (i32, i32) {
    %c0_i32 = arith.constant 0 : i32
    %c0_i32_0 = arith.constant 0 : i32
    return %arg0, %c0_i32 : i32, i32
  }
}

module attributes {stable_mosaic.version = 14 : i64} {
  func.func @_mid_body(%arg0: i32, %arg1: memref<2x1000x128xf32, #tpu.memory_space<vmem>>, %arg2: memref<1000x128xf32, #tpu.memory_space<vmem>>, %arg3: memref<16x96xf32, #tpu.memory_space<vmem>>, %arg4: memref<128x96xf32, #tpu.memory_space<vmem>>, %arg5: memref<1x96xf32, #tpu.memory_space<vmem>>, %arg6: memref<1x96xf32, #tpu.memory_space<vmem>>, %arg7: memref<1x96xf32, #tpu.memory_space<vmem>>, %arg8: memref<96x288xf32, #tpu.memory_space<vmem>>, %arg9: memref<1x288xf32, #tpu.memory_space<vmem>>, %arg10: memref<1000x96xf32, #tpu.memory_space<vmem>>, %arg11: memref<1000x128xf32, #tpu.memory_space<vmem>>, %arg12: memref<1000x256xf32, #tpu.memory_space<vmem>>) attributes {dimension_semantics = [#tpu.dimension_semantics<arbitrary>], iteration_bounds = array<i64: 10>, scalar_prefetch = 0 : i64, scratch_operands = 0 : i64, tpu.core_type = #tpu.core_type<tc>, window_params = [{transform_indices = @transform_0, window_bounds = array<i64: 2, 1000, 128>}, {transform_indices = @transform_1, window_bounds = array<i64: 1000, 128>}, {pipeline_mode = #tpu.pipeline_mode<synchronous>, transform_indices = @transform_2, window_bounds = array<i64: 16, 96>}, {pipeline_mode = #tpu.pipeline_mode<synchronous>, transform_indices = @transform_3, window_bounds = array<i64: 128, 96>}, {pipeline_mode = #tpu.pipeline_mode<synchronous>, transform_indices = @transform_4, window_bounds = array<i64: 1, 96>}, {pipeline_mode = #tpu.pipeline_mode<synchronous>, transform_indices = @transform_5, window_bounds = array<i64: 1, 96>}, {pipeline_mode = #tpu.pipeline_mode<synchronous>, transform_indices = @transform_6, window_bounds = array<i64: 1, 96>}, {pipeline_mode = #tpu.pipeline_mode<synchronous>, transform_indices = @transform_7, window_bounds = array<i64: 96, 288>}, {pipeline_mode = #tpu.pipeline_mode<synchronous>, transform_indices = @transform_8, window_bounds = array<i64: 1, 288>}, {transform_indices = @transform_9, window_bounds = array<i64: 1000, 96>}, {transform_indices = @transform_10, window_bounds = array<i64: 1000, 128>}, {transform_indices = @transform_11, window_bounds = array<i64: 1000, 256>}]} {
    %get3A = arith.constant 0 : index
    %get3A_0 = arith.constant 0 : index
    %get3A_1 = arith.constant 0 : index
    %get3A_2 = vector.load %arg1[%get3A, %get3A_0, %get3A_1] : memref<2x1000x128xf32, #tpu.memory_space<vmem>>, vector<1x1000x128xf32>
    %get3A_3 = vector.shape_cast %get3A_2 : vector<1x1000x128xf32> to vector<1000x128xf32>
    %get3A_4 = arith.constant 1 : index
    %get3A_5 = arith.constant 0 : index
    %get3A_6 = arith.constant 0 : index
    %get3A_7 = vector.load %arg1[%get3A_4, %get3A_5, %get3A_6] : memref<2x1000x128xf32, #tpu.memory_space<vmem>>, vector<1x1000x128xf32>
    %get3A_8 = vector.shape_cast %get3A_7 : vector<1x1000x128xf32> to vector<1000x128xf32>
    %add3A = arith.addf %get3A_3, %get3A_8 : vector<1000x128xf32>
    %slice3A = vector.extract_strided_slice %add3A {offsets = [0, 96], sizes = [1000, 16], strides = [1, 1]} : vector<1000x128xf32> to vector<1000x16xf32>
    %get3A_9 = arith.constant 0 : index
    %get3A_10 = arith.constant 0 : index
    %get3A_11 = vector.load %arg3[%get3A_9, %get3A_10] : memref<16x96xf32, #tpu.memory_space<vmem>>, vector<16x96xf32>
    %dot_general3A = arith.constant dense<0.000000e+00> : vector<1000x96xf32>
    %dot_general3A_12 = tpu.matmul %slice3A, %get3A_11, %dot_general3A {dimension_numbers = #tpu.dot_dimension_numbers<[1], [0], [0], [1], [0, 0, 1, 1], [], []>, precision = #tpu.contract_precision<fp32>, transpose_lhs_hint = false} : vector<1000x16xf32>, vector<16x96xf32>, vector<1000x96xf32> -> vector<1000x96xf32>
    %add3A_13 = arith.constant 1.000000e-16 : f32
    %add3A_14 = vector.broadcast %add3A_13 : f32 to vector<1000x96xf32>
    %add3A_15 = arith.addf %dot_general3A_12, %add3A_14 : vector<1000x96xf32>
    %slice3A_16 = vector.extract_strided_slice %add3A {offsets = [0, 0], sizes = [1000, 96], strides = [1, 1]} : vector<1000x128xf32> to vector<1000x96xf32>
    %div3A = arith.divf %slice3A_16, %add3A_15 : vector<1000x96xf32>
    %get3A_17 = arith.constant 0 : index
    %get3A_18 = arith.constant 0 : index
    %get3A_19 = vector.load %arg2[%get3A_17, %get3A_18] : memref<1000x128xf32, #tpu.memory_space<vmem>>, vector<1000x128xf32>
    %get3A_20 = arith.constant 0 : index
    %get3A_21 = arith.constant 0 : index
    %get3A_22 = vector.load %arg4[%get3A_20, %get3A_21] : memref<128x96xf32, #tpu.memory_space<vmem>>, vector<128x96xf32>
    %dot_general3A_23 = arith.constant dense<0.000000e+00> : vector<1000x96xf32>
    %dot_general3A_24 = tpu.matmul %get3A_19, %get3A_22, %dot_general3A_23 {dimension_numbers = #tpu.dot_dimension_numbers<[1], [0], [0], [1], [0, 0, 1, 1], [], []>, precision = #tpu.contract_precision<fp32>, transpose_lhs_hint = false} : vector<1000x128xf32>, vector<128x96xf32>, vector<1000x96xf32> -> vector<1000x96xf32>
    %get3A_25 = arith.constant 0 : index
    %get3A_26 = arith.constant 0 : index
    %get3A_27 = vector.load %arg5[%get3A_25, %get3A_26] : memref<1x96xf32, #tpu.memory_space<vmem>>, vector<1x96xf32>
    %add3A_28 = vector.broadcast %get3A_27 : vector<1x96xf32> to vector<1000x96xf32>
    %add3A_29 = arith.addf %dot_general3A_24, %add3A_28 : vector<1000x96xf32>
    %get3A_30 = arith.constant 0 : index
    %get3A_31 = arith.constant 0 : index
    %get3A_32 = vector.load %arg6[%get3A_30, %get3A_31] : memref<1x96xf32, #tpu.memory_space<vmem>>, vector<1x96xf32>
    %mul3A = vector.broadcast %get3A_32 : vector<1x96xf32> to vector<1000x96xf32>
    %mul3A_33 = arith.mulf %div3A, %mul3A : vector<1000x96xf32>
    %reduce_sum3A = arith.constant dense<0.000000e+00> : vector<1000xf32>
    %reduce_sum3A_34 = vector.multi_reduction <add>, %mul3A_33, %reduce_sum3A [1] : vector<1000x96xf32> to vector<1000xf32>
    %broadcast_in_dim3A = vector.shape_cast %reduce_sum3A_34 : vector<1000xf32> to vector<1000x1xf32>
    %get3A_35 = arith.constant 0 : index
    %get3A_36 = arith.constant 0 : index
    %get3A_37 = vector.load %arg7[%get3A_35, %get3A_36] : memref<1x96xf32, #tpu.memory_space<vmem>>, vector<1x96xf32>
    %mul3A_38 = vector.broadcast %get3A_37 : vector<1x96xf32> to vector<1000x96xf32>
    %mul3A_39 = arith.mulf %add3A_29, %mul3A_38 : vector<1000x96xf32>
    %reduce_sum3A_40 = arith.constant dense<0.000000e+00> : vector<1000xf32>
    %reduce_sum3A_41 = vector.multi_reduction <add>, %mul3A_39, %reduce_sum3A_40 [1] : vector<1000x96xf32> to vector<1000xf32>
    %broadcast_in_dim3A_42 = vector.shape_cast %reduce_sum3A_41 : vector<1000xf32> to vector<1000x1xf32>
    %add3A_43 = arith.addf %broadcast_in_dim3A, %broadcast_in_dim3A_42 : vector<1000x1xf32>
    %logistic3A = arith.negf %add3A_43 : vector<1000x1xf32>
    %logistic3A_44 = math.exp %logistic3A : vector<1000x1xf32>
    %logistic3A_45 = arith.constant 1.000000e+00 : f32
    %logistic3A_46 = vector.broadcast %logistic3A_45 : f32 to vector<1000x1xf32>
    %logistic3A_47 = arith.addf %logistic3A_46, %logistic3A_44 : vector<1000x1xf32>
    %logistic3A_48 = arith.divf %logistic3A_46, %logistic3A_47 : vector<1000x1xf32>
    %mul3A_49 = vector.broadcast %logistic3A_48 : vector<1000x1xf32> to vector<1000x96xf32>
    %mul3A_50 = arith.mulf %mul3A_49, %add3A_29 : vector<1000x96xf32>
    %sub3A = arith.constant 1.000000e+00 : f32
    %sub3A_51 = vector.broadcast %sub3A : f32 to vector<1000x1xf32>
    %sub3A_52 = arith.subf %sub3A_51, %logistic3A_48 : vector<1000x1xf32>
    %mul3A_53 = vector.broadcast %sub3A_52 : vector<1000x1xf32> to vector<1000x96xf32>
    %mul3A_54 = arith.mulf %mul3A_53, %div3A : vector<1000x96xf32>
    %add3A_55 = arith.addf %mul3A_50, %mul3A_54 : vector<1000x96xf32>
    %mul3A_56 = arith.constant 5.000000e-01 : f32
    %mul3A_57 = vector.broadcast %mul3A_56 : f32 to vector<1000x96xf32>
    %mul3A_58 = arith.mulf %mul3A_57, %add3A_55 : vector<1000x96xf32>
    %mul3A_59 = arith.constant 0.707106769 : f32
    %mul3A_60 = vector.broadcast %mul3A_59 : f32 to vector<1000x96xf32>
    %mul3A_61 = arith.mulf %add3A_55, %mul3A_60 : vector<1000x96xf32>
    %erf3A = math.erf %mul3A_61 : vector<1000x96xf32>
    %add3A_62 = arith.constant 1.000000e+00 : f32
    %add3A_63 = vector.broadcast %add3A_62 : f32 to vector<1000x96xf32>
    %add3A_64 = arith.addf %add3A_63, %erf3A : vector<1000x96xf32>
    %mul3A_65 = arith.mulf %mul3A_58, %add3A_64 : vector<1000x96xf32>
    %swap3A = arith.constant 0 : index
    %swap3A_66 = arith.constant 0 : index
    %swap3A_67 = vector.load %arg10[%swap3A, %swap3A_66] : memref<1000x96xf32, #tpu.memory_space<vmem>>, vector<1000x96xf32>
    tpu.vector_store %arg10[%swap3A, %swap3A_66], %mul3A_65 {strides = array<i32>} : memref<1000x96xf32, #tpu.memory_space<vmem>>, vector<1000x96xf32>,
    %get3A_68 = arith.constant 0 : index
    %get3A_69 = arith.constant 0 : index
    %get3A_70 = vector.load %arg8[%get3A_68, %get3A_69] : memref<96x288xf32, #tpu.memory_space<vmem>>, vector<96x288xf32>
    %dot_general3A_71 = arith.constant dense<0.000000e+00> : vector<1000x288xf32>
    %dot_general3A_72 = tpu.matmul %mul3A_65, %get3A_70, %dot_general3A_71 {dimension_numbers = #tpu.dot_dimension_numbers<[1], [0], [0], [1], [0, 0, 1, 1], [], []>, precision = #tpu.contract_precision<fp32>, transpose_lhs_hint = false} : vector<1000x96xf32>, vector<96x288xf32>, vector<1000x288xf32> -> vector<1000x288xf32>
    %get3A_73 = arith.constant 0 : index
    %get3A_74 = arith.constant 0 : index
    %get3A_75 = vector.load %arg9[%get3A_73, %get3A_74] : memref<1x288xf32, #tpu.memory_space<vmem>>, vector<1x288xf32>
    %add3A_76 = vector.broadcast %get3A_75 : vector<1x288xf32> to vector<1000x288xf32>
    %add3A_77 = arith.addf %dot_general3A_72, %add3A_76 : vector<1000x288xf32>
    %broadcast_in_dim3A_78 = arith.constant 0.000000e+00 : f32
    %broadcast_in_dim3A_79 = vector.broadcast %broadcast_in_dim3A_78 : f32 to vector<1000x32xf32>
    %broadcast_in_dim3A_80 = arith.constant 0.000000e+00 : f32
    %broadcast_in_dim3A_81 = vector.broadcast %broadcast_in_dim3A_80 : f32 to vector<1000x64xf32>
    %slice3A_82 = vector.extract_strided_slice %add3A_77 {offsets = [0, 0], sizes = [1000, 96], strides = [1, 1]} : vector<1000x288xf32> to vector<1000x96xf32>
    %concatenate3A = tpu.concatenate %slice3A_82, %broadcast_in_dim3A_79 in 1 : vector<1000x96xf32>, vector<1000x32xf32> -> vector<1000x128xf32>
    %swap3A_83 = arith.constant 0 : index
    %swap3A_84 = arith.constant 0 : index
    %swap3A_85 = vector.load %arg11[%swap3A_83, %swap3A_84] : memref<1000x128xf32, #tpu.memory_space<vmem>>, vector<1000x128xf32>
    tpu.vector_store %arg11[%swap3A_83, %swap3A_84], %concatenate3A {strides = array<i32>} : memref<1000x128xf32, #tpu.memory_space<vmem>>, vector<1000x128xf32>,
    %slice3A_86 = vector.extract_strided_slice %add3A_77 {offsets = [0, 96], sizes = [1000, 192], strides = [1, 1]} : vector<1000x288xf32> to vector<1000x192xf32>
    %concatenate3A_87 = tpu.concatenate %slice3A_86, %broadcast_in_dim3A_81 in 1 : vector<1000x192xf32>, vector<1000x64xf32> -> vector<1000x256xf32>
    %swap3A_88 = arith.constant 0 : index
    %swap3A_89 = arith.constant 0 : index
    %swap3A_90 = vector.load %arg12[%swap3A_88, %swap3A_89] : memref<1000x256xf32, #tpu.memory_space<vmem>>, vector<1000x256xf32>
    tpu.vector_store %arg12[%swap3A_88, %swap3A_89], %concatenate3A_87 {strides = array<i32>} : memref<1000x256xf32, #tpu.memory_space<vmem>>, vector<1000x256xf32>,
    return
  }
  func.func @transform_0(%arg0: i32) -> (i32, i32, i32) {
    %c0_i32 = arith.constant 0 : i32
    %c0_i32_0 = arith.constant 0 : i32
    %c0_i32_1 = arith.constant 0 : i32
    return %c0_i32, %arg0, %c0_i32_0 : i32, i32, i32
  }
  func.func @transform_1(%arg0: i32) -> (i32, i32) {
    %c0_i32 = arith.constant 0 : i32
    %c0_i32_0 = arith.constant 0 : i32
    return %arg0, %c0_i32 : i32, i32
  }
  func.func @transform_2(%arg0: i32) -> (i32, i32) {
    %c0_i32 = arith.constant 0 : i32
    %c0_i32_0 = arith.constant 0 : i32
    %c0_i32_1 = arith.constant 0 : i32
    return %c0_i32, %c0_i32_0 : i32, i32
  }
  func.func @transform_3(%arg0: i32) -> (i32, i32) {
    %c0_i32 = arith.constant 0 : i32
    %c0_i32_0 = arith.constant 0 : i32
    %c0_i32_1 = arith.constant 0 : i32
    return %c0_i32, %c0_i32_0 : i32, i32
  }
  func.func @transform_4(%arg0: i32) -> (i32, i32) {
    %c0_i32 = arith.constant 0 : i32
    %c0_i32_0 = arith.constant 0 : i32
    %c0_i32_1 = arith.constant 0 : i32
    return %c0_i32, %c0_i32_0 : i32, i32
  }
  func.func @transform_5(%arg0: i32) -> (i32, i32) {
    %c0_i32 = arith.constant 0 : i32
    %c0_i32_0 = arith.constant 0 : i32
    %c0_i32_1 = arith.constant 0 : i32
    return %c0_i32, %c0_i32_0 : i32, i32
  }
  func.func @transform_6(%arg0: i32) -> (i32, i32) {
    %c0_i32 = arith.constant 0 : i32
    %c0_i32_0 = arith.constant 0 : i32
    %c0_i32_1 = arith.constant 0 : i32
    return %c0_i32, %c0_i32_0 : i32, i32
  }
  func.func @transform_7(%arg0: i32) -> (i32, i32) {
    %c0_i32 = arith.constant 0 : i32
    %c0_i32_0 = arith.constant 0 : i32
    %c0_i32_1 = arith.constant 0 : i32
    return %c0_i32, %c0_i32_0 : i32, i32
  }
  func.func @transform_8(%arg0: i32) -> (i32, i32) {
    %c0_i32 = arith.constant 0 : i32
    %c0_i32_0 = arith.constant 0 : i32
    %c0_i32_1 = arith.constant 0 : i32
    return %c0_i32, %c0_i32_0 : i32, i32
  }
  func.func @transform_9(%arg0: i32) -> (i32, i32) {
    %c0_i32 = arith.constant 0 : i32
    %c0_i32_0 = arith.constant 0 : i32
    return %arg0, %c0_i32 : i32, i32
  }
  func.func @transform_10(%arg0: i32) -> (i32, i32) {
    %c0_i32 = arith.constant 0 : i32
    %c0_i32_0 = arith.constant 0 : i32
    return %arg0, %c0_i32 : i32, i32
  }
  func.func @transform_11(%arg0: i32) -> (i32, i32) {
    %c0_i32 = arith.constant 0 : i32
    %c0_i32_0 = arith.constant 0 : i32
    return %arg0, %c0_i32 : i32, i32
  }
}

module attributes {stable_mosaic.version = 14 : i64} {
  func.func @_fin_body(%arg0: i32, %arg1: memref<2x1000x128xf32, #tpu.memory_space<vmem>>, %arg2: memref<1000x96xf32, #tpu.memory_space<vmem>>, %arg3: memref<16x96xf32, #tpu.memory_space<vmem>>, %arg4: memref<96x96xf32, #tpu.memory_space<vmem>>, %arg5: memref<1x96xf32, #tpu.memory_space<vmem>>, %arg6: memref<1x96xf32, #tpu.memory_space<vmem>>, %arg7: memref<1x96xf32, #tpu.memory_space<vmem>>, %arg8: memref<1x96xf32, #tpu.memory_space<vmem>>, %arg9: memref<1x96xf32, #tpu.memory_space<vmem>>, %arg10: memref<1000x96xf32, #tpu.memory_space<vmem>>) attributes {dimension_semantics = [#tpu.dimension_semantics<arbitrary>], iteration_bounds = array<i64: 10>, scalar_prefetch = 0 : i64, scratch_operands = 0 : i64, tpu.core_type = #tpu.core_type<tc>, window_params = [{transform_indices = @transform_0, window_bounds = array<i64: 2, 1000, 128>}, {transform_indices = @transform_1, window_bounds = array<i64: 1000, 96>}, {pipeline_mode = #tpu.pipeline_mode<synchronous>, transform_indices = @transform_2, window_bounds = array<i64: 16, 96>}, {pipeline_mode = #tpu.pipeline_mode<synchronous>, transform_indices = @transform_3, window_bounds = array<i64: 96, 96>}, {pipeline_mode = #tpu.pipeline_mode<synchronous>, transform_indices = @transform_4, window_bounds = array<i64: 1, 96>}, {pipeline_mode = #tpu.pipeline_mode<synchronous>, transform_indices = @transform_5, window_bounds = array<i64: 1, 96>}, {pipeline_mode = #tpu.pipeline_mode<synchronous>, transform_indices = @transform_6, window_bounds = array<i64: 1, 96>}, {pipeline_mode = #tpu.pipeline_mode<synchronous>, transform_indices = @transform_7, window_bounds = array<i64: 1, 96>}, {pipeline_mode = #tpu.pipeline_mode<synchronous>, transform_indices = @transform_8, window_bounds = array<i64: 1, 96>}, {transform_indices = @transform_9, window_bounds = array<i64: 1000, 96>}]} {
    %get3A = arith.constant 0 : index
    %get3A_0 = arith.constant 0 : index
    %get3A_1 = arith.constant 0 : index
    %get3A_2 = vector.load %arg1[%get3A, %get3A_0, %get3A_1] : memref<2x1000x128xf32, #tpu.memory_space<vmem>>, vector<1x1000x128xf32>
    %get3A_3 = vector.shape_cast %get3A_2 : vector<1x1000x128xf32> to vector<1000x128xf32>
    %get3A_4 = arith.constant 1 : index
    %get3A_5 = arith.constant 0 : index
    %get3A_6 = arith.constant 0 : index
    %get3A_7 = vector.load %arg1[%get3A_4, %get3A_5, %get3A_6] : memref<2x1000x128xf32, #tpu.memory_space<vmem>>, vector<1x1000x128xf32>
    %get3A_8 = vector.shape_cast %get3A_7 : vector<1x1000x128xf32> to vector<1000x128xf32>
    %add3A = arith.addf %get3A_3, %get3A_8 : vector<1000x128xf32>
    %slice3A = vector.extract_strided_slice %add3A {offsets = [0, 96], sizes = [1000, 16], strides = [1, 1]} : vector<1000x128xf32> to vector<1000x16xf32>
    %get3A_9 = arith.constant 0 : index
    %get3A_10 = arith.constant 0 : index
    %get3A_11 = vector.load %arg3[%get3A_9, %get3A_10] : memref<16x96xf32, #tpu.memory_space<vmem>>, vector<16x96xf32>
    %dot_general3A = arith.constant dense<0.000000e+00> : vector<1000x96xf32>
    %dot_general3A_12 = tpu.matmul %slice3A, %get3A_11, %dot_general3A {dimension_numbers = #tpu.dot_dimension_numbers<[1], [0], [0], [1], [0, 0, 1, 1], [], []>, precision = #tpu.contract_precision<fp32>, transpose_lhs_hint = false} : vector<1000x16xf32>, vector<16x96xf32>, vector<1000x96xf32> -> vector<1000x96xf32>
    %add3A_13 = arith.constant 1.000000e-16 : f32
    %add3A_14 = vector.broadcast %add3A_13 : f32 to vector<1000x96xf32>
    %add3A_15 = arith.addf %dot_general3A_12, %add3A_14 : vector<1000x96xf32>
    %slice3A_16 = vector.extract_strided_slice %add3A {offsets = [0, 0], sizes = [1000, 96], strides = [1, 1]} : vector<1000x128xf32> to vector<1000x96xf32>
    %div3A = arith.divf %slice3A_16, %add3A_15 : vector<1000x96xf32>
    %get3A_17 = arith.constant 0 : index
    %get3A_18 = arith.constant 0 : index
    %get3A_19 = vector.load %arg2[%get3A_17, %get3A_18] : memref<1000x96xf32, #tpu.memory_space<vmem>>, vector<1000x96xf32>
    %get3A_20 = arith.constant 0 : index
    %get3A_21 = arith.constant 0 : index
    %get3A_22 = vector.load %arg4[%get3A_20, %get3A_21] : memref<96x96xf32, #tpu.memory_space<vmem>>, vector<96x96xf32>
    %dot_general3A_23 = arith.constant dense<0.000000e+00> : vector<1000x96xf32>
    %dot_general3A_24 = tpu.matmul %get3A_19, %get3A_22, %dot_general3A_23 {dimension_numbers = #tpu.dot_dimension_numbers<[1], [0], [0], [1], [0, 0, 1, 1], [], []>, precision = #tpu.contract_precision<fp32>, transpose_lhs_hint = false} : vector<1000x96xf32>, vector<96x96xf32>, vector<1000x96xf32> -> vector<1000x96xf32>
    %get3A_25 = arith.constant 0 : index
    %get3A_26 = arith.constant 0 : index
    %get3A_27 = vector.load %arg5[%get3A_25, %get3A_26] : memref<1x96xf32, #tpu.memory_space<vmem>>, vector<1x96xf32>
    %add3A_28 = vector.broadcast %get3A_27 : vector<1x96xf32> to vector<1000x96xf32>
    %add3A_29 = arith.addf %dot_general3A_24, %add3A_28 : vector<1000x96xf32>
    %get3A_30 = arith.constant 0 : index
    %get3A_31 = arith.constant 0 : index
    %get3A_32 = vector.load %arg6[%get3A_30, %get3A_31] : memref<1x96xf32, #tpu.memory_space<vmem>>, vector<1x96xf32>
    %mul3A = vector.broadcast %get3A_32 : vector<1x96xf32> to vector<1000x96xf32>
    %mul3A_33 = arith.mulf %div3A, %mul3A : vector<1000x96xf32>
    %reduce_sum3A = arith.constant dense<0.000000e+00> : vector<1000xf32>
    %reduce_sum3A_34 = vector.multi_reduction <add>, %mul3A_33, %reduce_sum3A [1] : vector<1000x96xf32> to vector<1000xf32>
    %broadcast_in_dim3A = vector.shape_cast %reduce_sum3A_34 : vector<1000xf32> to vector<1000x1xf32>
    %get3A_35 = arith.constant 0 : index
    %get3A_36 = arith.constant 0 : index
    %get3A_37 = vector.load %arg7[%get3A_35, %get3A_36] : memref<1x96xf32, #tpu.memory_space<vmem>>, vector<1x96xf32>
    %mul3A_38 = vector.broadcast %get3A_37 : vector<1x96xf32> to vector<1000x96xf32>
    %mul3A_39 = arith.mulf %add3A_29, %mul3A_38 : vector<1000x96xf32>
    %reduce_sum3A_40 = arith.constant dense<0.000000e+00> : vector<1000xf32>
    %reduce_sum3A_41 = vector.multi_reduction <add>, %mul3A_39, %reduce_sum3A_40 [1] : vector<1000x96xf32> to vector<1000xf32>
    %broadcast_in_dim3A_42 = vector.shape_cast %reduce_sum3A_41 : vector<1000xf32> to vector<1000x1xf32>
    %add3A_43 = arith.addf %broadcast_in_dim3A, %broadcast_in_dim3A_42 : vector<1000x1xf32>
    %logistic3A = arith.negf %add3A_43 : vector<1000x1xf32>
    %logistic3A_44 = math.exp %logistic3A : vector<1000x1xf32>
    %logistic3A_45 = arith.constant 1.000000e+00 : f32
    %logistic3A_46 = vector.broadcast %logistic3A_45 : f32 to vector<1000x1xf32>
    %logistic3A_47 = arith.addf %logistic3A_46, %logistic3A_44 : vector<1000x1xf32>
    %logistic3A_48 = arith.divf %logistic3A_46, %logistic3A_47 : vector<1000x1xf32>
    %mul3A_49 = vector.broadcast %logistic3A_48 : vector<1000x1xf32> to vector<1000x96xf32>
    %mul3A_50 = arith.mulf %mul3A_49, %add3A_29 : vector<1000x96xf32>
    %sub3A = arith.constant 1.000000e+00 : f32
    %sub3A_51 = vector.broadcast %sub3A : f32 to vector<1000x1xf32>
    %sub3A_52 = arith.subf %sub3A_51, %logistic3A_48 : vector<1000x1xf32>
    %mul3A_53 = vector.broadcast %sub3A_52 : vector<1000x1xf32> to vector<1000x96xf32>
    %mul3A_54 = arith.mulf %mul3A_53, %div3A : vector<1000x96xf32>
    %add3A_55 = arith.addf %mul3A_50, %mul3A_54 : vector<1000x96xf32>
    %reduce_sum3A_56 = arith.constant dense<0.000000e+00> : vector<1000xf32>
    %reduce_sum3A_57 = vector.multi_reduction <add>, %add3A_55, %reduce_sum3A_56 [1] : vector<1000x96xf32> to vector<1000xf32>
    %broadcast_in_dim3A_58 = vector.shape_cast %reduce_sum3A_57 : vector<1000xf32> to vector<1000x1xf32>
    %div3A_59 = arith.constant 9.600000e+01 : f32
    %div3A_60 = vector.broadcast %div3A_59 : f32 to vector<1000x1xf32>
    %div3A_61 = arith.divf %broadcast_in_dim3A_58, %div3A_60 : vector<1000x1xf32>
    %sub3A_62 = vector.broadcast %div3A_61 : vector<1000x1xf32> to vector<1000x96xf32>
    %sub3A_63 = arith.subf %add3A_55, %sub3A_62 : vector<1000x96xf32>
    %integer_pow3A = arith.mulf %sub3A_63, %sub3A_63 : vector<1000x96xf32>
    %reduce_sum3A_64 = arith.constant dense<0.000000e+00> : vector<1000xf32>
    %reduce_sum3A_65 = vector.multi_reduction <add>, %integer_pow3A, %reduce_sum3A_64 [1] : vector<1000x96xf32> to vector<1000xf32>
    %broadcast_in_dim3A_66 = vector.shape_cast %reduce_sum3A_65 : vector<1000xf32> to vector<1000x1xf32>
    %div3A_67 = arith.constant 9.600000e+01 : f32
    %div3A_68 = vector.broadcast %div3A_67 : f32 to vector<1000x1xf32>
    %div3A_69 = arith.divf %broadcast_in_dim3A_66, %div3A_68 : vector<1000x1xf32>
    %sub3A_70 = vector.broadcast %div3A_61 : vector<1000x1xf32> to vector<1000x96xf32>
    %sub3A_71 = arith.subf %add3A_55, %sub3A_70 : vector<1000x96xf32>
    %add3A_72 = arith.constant 9.99999974E-6 : f32
    %add3A_73 = vector.broadcast %add3A_72 : f32 to vector<1000x1xf32>
    %add3A_74 = arith.addf %div3A_69, %add3A_73 : vector<1000x1xf32>
    %sqrt3A = math.sqrt %add3A_74 : vector<1000x1xf32>
    %div3A_75 = vector.broadcast %sqrt3A : vector<1000x1xf32> to vector<1000x96xf32>
    %div3A_76 = arith.divf %sub3A_71, %div3A_75 : vector<1000x96xf32>
    %get3A_77 = arith.constant 0 : index
    %get3A_78 = arith.constant 0 : index
    %get3A_79 = vector.load %arg8[%get3A_77, %get3A_78] : memref<1x96xf32, #tpu.memory_space<vmem>>, vector<1x96xf32>
    %mul3A_80 = vector.broadcast %get3A_79 : vector<1x96xf32> to vector<1000x96xf32>
    %mul3A_81 = arith.mulf %div3A_76, %mul3A_80 : vector<1000x96xf32>
    %get3A_82 = arith.constant 0 : index
    %get3A_83 = arith.constant 0 : index
    %get3A_84 = vector.load %arg9[%get3A_82, %get3A_83] : memref<1x96xf32, #tpu.memory_space<vmem>>, vector<1x96xf32>
    %add3A_85 = vector.broadcast %get3A_84 : vector<1x96xf32> to vector<1000x96xf32>
    %add3A_86 = arith.addf %mul3A_81, %add3A_85 : vector<1000x96xf32>
    %swap3A = arith.constant 0 : index
    %swap3A_87 = arith.constant 0 : index
    %swap3A_88 = vector.load %arg10[%swap3A, %swap3A_87] : memref<1000x96xf32, #tpu.memory_space<vmem>>, vector<1000x96xf32>
    tpu.vector_store %arg10[%swap3A, %swap3A_87], %add3A_86 {strides = array<i32>} : memref<1000x96xf32, #tpu.memory_space<vmem>>, vector<1000x96xf32>,
    return
  }
  func.func @transform_0(%arg0: i32) -> (i32, i32, i32) {
    %c0_i32 = arith.constant 0 : i32
    %c0_i32_0 = arith.constant 0 : i32
    %c0_i32_1 = arith.constant 0 : i32
    return %c0_i32, %arg0, %c0_i32_0 : i32, i32, i32
  }
  func.func @transform_1(%arg0: i32) -> (i32, i32) {
    %c0_i32 = arith.constant 0 : i32
    %c0_i32_0 = arith.constant 0 : i32
    return %arg0, %c0_i32 : i32, i32
  }
  func.func @transform_2(%arg0: i32) -> (i32, i32) {
    %c0_i32 = arith.constant 0 : i32
    %c0_i32_0 = arith.constant 0 : i32
    %c0_i32_1 = arith.constant 0 : i32
    return %c0_i32, %c0_i32_0 : i32, i32
  }
  func.func @transform_3(%arg0: i32) -> (i32, i32) {
    %c0_i32 = arith.constant 0 : i32
    %c0_i32_0 = arith.constant 0 : i32
    %c0_i32_1 = arith.constant 0 : i32
    return %c0_i32, %c0_i32_0 : i32, i32
  }
  func.func @transform_4(%arg0: i32) -> (i32, i32) {
    %c0_i32 = arith.constant 0 : i32
    %c0_i32_0 = arith.constant 0 : i32
    %c0_i32_1 = arith.constant 0 : i32
    return %c0_i32, %c0_i32_0 : i32, i32
  }
  func.func @transform_5(%arg0: i32) -> (i32, i32) {
    %c0_i32 = arith.constant 0 : i32
    %c0_i32_0 = arith.constant 0 : i32
    %c0_i32_1 = arith.constant 0 : i32
    return %c0_i32, %c0_i32_0 : i32, i32
  }
  func.func @transform_6(%arg0: i32) -> (i32, i32) {
    %c0_i32 = arith.constant 0 : i32
    %c0_i32_0 = arith.constant 0 : i32
    %c0_i32_1 = arith.constant 0 : i32
    return %c0_i32, %c0_i32_0 : i32, i32
  }
  func.func @transform_7(%arg0: i32) -> (i32, i32) {
    %c0_i32 = arith.constant 0 : i32
    %c0_i32_0 = arith.constant 0 : i32
    %c0_i32_1 = arith.constant 0 : i32
    return %c0_i32, %c0_i32_0 : i32, i32
  }
  func.func @transform_8(%arg0: i32) -> (i32, i32) {
    %c0_i32 = arith.constant 0 : i32
    %c0_i32_0 = arith.constant 0 : i32
    %c0_i32_1 = arith.constant 0 : i32
    return %c0_i32, %c0_i32_0 : i32, i32
  }
  func.func @transform_9(%arg0: i32) -> (i32, i32) {
    %c0_i32 = arith.constant 0 : i32
    %c0_i32_0 = arith.constant 0 : i32
    return %arg0, %c0_i32 : i32, i32
  }
}

</mosaic_0001>

<sc_bundles>
// kernel: kernel.10.cloned.1.call-start
scs
__scs_entry_jumppad:
0x0: {  	(pc) =	sbr.rel $0x88, $3  }
0x1: {  	(tag) =	ssettag $0x0;
	lr =	simm.s32 $0x1  }
0x2: {  	[smem:$0x3F8B] =	sst lr;
	_ =	strace $0xD0000000  }
0x3: {  	_ = 	snop  }
0x4: {  	_ = 	snop  }
0x5: {  	_ = 	snop  }
0x6: {  	_ = 	snop  }
0x7: {  	_ = 	snop  }
__scs_overlays_trampoline_lowered:
0x8: {  	[smem:$0x3F9A] =	sst s0  }
0x9: {  	[smem:$0x3F9B] =	sst s1  }
0xa: {  	[smem:$0x3F9C] =	sst s2  }
0xb: {  	[smem:$0x3F9D] =	sst s3  }
0xc: {  	[smem:$0x3F9E] =	sst s4  }
0xd: {  	[smem:$0x3F9F] =	sst s5  }
0xe: {  	[smem:$0x3FA0] =	sst s6  }
0xf: {  	[smem:$0x3FA1] =	sst s7  }
0x10: {  	[smem:$0x3FA2] =	sst s8  }
0x11: {  	[smem:$0x3FA3] =	sst s9;
	s0 =	simm.s32 @!p0 $0x0  }
0x12: {  	s1 =	sld [smem:$0x3F89];
	s0 =	simm.s32 @p0 $0x1  }
0x13: {  	[smem:$0x3FA4] =	sst s0;
	s0 =	simm.s32 @!p1 $0x0  }
0x14: {  	s2 =	sld [smem:$0x3F88];
	s0 =	simm.s32 @p1 $0x1  }
0x15: {  	[smem:$0x3FA5] =	sst s0;
	s0 =	simm.s32 @!p2 $0x0  }
0x16: {  	s3 =	sld [smem:$0x3FDB];
	s0 =	simm.s32 @p2 $0x1  }
0x17: {  	s4 =	simm.s32 $0x1BF5;
	[smem:$0x3FA7] =	sst s0  }
0x18: {  	s0 =	sld [smem:$0x3F8A];
	_ =	swait.ge [sflag:s4], $0x0  }
0x19: {  	s7 =	sld [smem:$0x3F8B]  }
0x1a: {  	s8 =	sadd.s32 $0xFFFFE003, lr  }
0x1b: {  	s9 =	sadd.s32 $0xFFFFFEF7, lr;
	s5 =	simm.s32 $0xFFFFFFFF;
	p2 =	slt.u32 s8, $0xFFFFF086  }
0x1c: {  	p1 =	slt.u32 s9, $0xF7A;
	s5 =	simm.s32 @!p2 $0x0  }
0x1d: {  	s5 =	simm.s32 @p1 $0x1;
	p0 =	seq.s32 s7, s2  }
0x1e: {  	s7 =	smul.u32 @!p0 $0xF7A, s2;
	p2 =	seq.s32 @!p0 s5, $0x0  }
0x1f: {  	s9 =	smul.u32 $0xF7A, s1;
	s8 =	simm.s32 @!p0 $0x1BF5;
	p2 =	por !p2, p0  }
0x20: {  	[sflag:s8] =	ssyncset.s32 @!p0 $0xFFFFF086;
	s6 =	sadd.s32 @!p0 s3, s7;
	s7 =	simm.s32 @!p0 $0x108  }
0x21: {  	s3 =	sadd.s32 s3, s9;
	s6 =	sadd.s32 @!p0 $0x88, s6;
	s7 =	simm.s32 @p2 $0x1082  }
0x22: {  	[simem:s7], [sflag:s8] =	dma.local @!p0 [hbm:s6], $0xF7A  }
0x23: {  	s9 =	sor.u32 $0xD0000000, s2;
	s6 =	simm.s32 $0x108;
	_ =	swait.ge @!p0 [sflag:s8], $0x0  }
0x24: {  	s3 =	sadd.s32 $0x88, s3;
	s6 =	simm.s32 @!p1 $0x1082;
	[sflag:s4] =	ssyncset.s32 $0xFFFFF086  }
0x25: {  	[simem:s6], [sflag:s4] =	dma.local [hbm:s3], $0xF7A  }
0x26: {  	[smem:$0x3F8B] =	sst s1;
	(tag) =	ssettag s2;
	_ =	strace s9  }
0x27: {  	s1 =	sld [smem:$0x3F9B]  }
0x28: {  	s2 =	sld [smem:$0x3F9C]  }
0x29: {  	s4 =	sld [smem:$0x3F9E]  }
0x2a: {  	p0 =	seq.s32 s5, $0x0;
	s5 =	sld [smem:$0x3F9F]  }
0x2b: {  	s6 =	sld [smem:$0x3FA0]  }
0x2c: {  	s7 =	sld [smem:$0x3FA1]  }
0x2d: {  	s3 =	simm.s32 $0x108;
	s8 =	sld [smem:$0x3FA2]  }
0x2e: {  	s3 =	simm.s32 @!p0 $0x1082;
	s9 =	sld [smem:$0x3FA3]  }
0x2f: {  	lr =	sadd.s32 s0, s3;
	s0 =	sld [smem:$0x3F9A]  }
0x30: {  	s3 =	sld [smem:$0x3F9D]  }
0x31: {  	[smem:$0x3FA6] =	sst s10  }
0x32: {  	s10 =	sld [smem:$0x3FA4];
	_ =	sdelay $0x3  }
0x33: {  	p0 =	seq.s32 s10, $0x1;
	s10 =	sld [smem:$0x3FA6];
	_ =	sdelay $0x3  }
0x34: {  	[smem:$0x3FA6] =	sst s10  }
0x35: {  	s10 =	sld [smem:$0x3FA5];
	_ =	sdelay $0x3  }
0x36: {  	p1 =	seq.s32 s10, $0x1;
	s10 =	sld [smem:$0x3FA6];
	_ =	sdelay $0x3  }
0x37: {  	[smem:$0x3FA6] =	sst s10  }
0x38: {  	s10 =	sld [smem:$0x3FA7]  }
0x39: {  	_ = 	snop;
	(pc) =	sbr.ind lr, $3  }
0x3a: {  	_ = 	snop  }
0x3b: {  	_ = 	snop  }
0x3c: {  	p2 =	seq.s32 s10, $0x1;
	s10 =	sld [smem:$0x3FA6]  }
0x3d: {  	_ =	shalt  }
0x3e: {  	_ =	shalt  }
0x3f: {  	_ =	shalt  }
0x40: {  	_ =	shalt  }
0x41: {  	_ =	shalt  }
0x42: {  	_ =	shalt  }
0x43: {  	_ =	shalt  }
0x44: {  	_ =	shalt  }
0x45: {  	_ =	shalt  }
0x46: {  	_ =	shalt  }
0x47: {  	_ =	shalt  }
0x48: {  	_ =	shalt  }
0x49: {  	_ =	shalt  }
0x4a: {  	_ =	shalt  }
0x4b: {  	_ =	shalt  }
0x4c: {  	_ =	shalt  }
0x4d: {  	_ =	shalt  }
0x4e: {  	_ =	shalt  }
0x4f: {  	_ =	shalt  }
0x50: {  	_ =	shalt  }
0x51: {  	_ =	shalt  }
0x52: {  	_ =	shalt  }
0x53: {  	_ =	shalt  }
0x54: {  	_ =	shalt  }
0x55: {  	_ =	shalt  }
0x56: {  	_ =	shalt  }
0x57: {  	_ =	shalt  }
0x58: {  	_ =	shalt  }
0x59: {  	_ =	shalt  }
0x5a: {  	_ =	shalt  }
0x5b: {  	_ =	shalt  }
0x5c: {  	_ =	shalt  }
0x5d: {  	_ =	shalt  }
0x5e: {  	_ =	shalt  }
0x5f: {  	_ =	shalt  }
0x60: {  	_ =	shalt  }
0x61: {  	_ =	shalt  }
0x62: {  	_ =	shalt  }
0x63: {  	_ =	shalt  }
0x64: {  	_ =	shalt  }
0x65: {  	_ =	shalt  }
0x66: {  	_ =	shalt  }
0x67: {  	_ =	shalt  }
0x68: {  	_ =	shalt  }
0x69: {  	_ =	shalt  }
0x6a: {  	_ =	shalt  }
0x6b: {  	_ =	shalt  }
0x6c: {  	_ =	shalt  }
0x6d: {  	_ =	shalt  }
0x6e: {  	_ =	shalt  }
0x6f: {  	_ =	shalt  }
0x70: {  	_ =	shalt  }
0x71: {  	_ =	shalt  }
0x72: {  	_ =	shalt  }
0x73: {  	_ =	shalt  }
0x74: {  	_ =	shalt  }
0x75: {  	_ =	shalt  }
0x76: {  	_ =	shalt  }
0x77: {  	_ =	shalt  }
0x78: {  	_ =	shalt  }
0x79: {  	_ =	shalt  }
0x7a: {  	_ =	shalt  }
0x7b: {  	_ =	shalt  }
0x7c: {  	_ =	shalt  }
0x7d: {  	_ =	shalt  }
0x7e: {  	_ =	shalt  }
0x7f: {  	_ =	shalt  }
0x80: {  	_ =	shalt  }
0x81: {  	_ =	shalt  }
0x82: {  	_ =	shalt  }
0x83: {  	_ =	shalt  }
0x84: {  	_ =	shalt  }
0x85: {  	_ =	shalt  }
0x86: {  	_ =	shalt  }
0x87: {  	_ =	shalt  }
.Lfunc_end0:
.L_simem_size_0:
called_computation.1_lowered:
.L_overlay_start_0:
0x88: {  	s2 =	sld [smem:$0x3FD9]  }
0x89: {  	s3 =	sld [smem:$0x3FFE];
	_ =	sdelay $0x1  }
0x8a: {  	s1 =	srdreg.scid  }
0x8b: {  	s0 =	sand.u32 $0x1, s1  }
0x8c: {  	s17 =	sshll.u32 s0, $0xA;
	s2 =	sadd.s32 s3, s2  }
0x8d: {  	s2 =	sadd.s32 s2, s17  }
0x8e: {  	[smem:$0x3FB2] =	sst s2  }
0x8f: {  	_ = 	snop  }
0x90: {  	s2 =	sld [smem:$0x3FD0];
	(tm) =	ssettm $0x1  }
0x91: {  	s18 =	sld [smem:$0x3FFB];
	_ =	sdelay $0x3  }
0x92: {  	_ =	strace s18  }
0x93: {  	s3 =	sld [smem:$0x3FFC];
	_ =	sdelay $0x3  }
0x94: {  	_ =	strace s3  }
0x95: {  	s3 =	sld [smem:$0x3FFD];
	_ =	sdelay $0x3  }
0x96: {  	_ =	strace s3  }
0x97: {  	_ =	strace $0x8FFFFFFF  }
0x98: {  	s19 =	sld [smem:$0x3FDB];
	_ =	sdelay $0x1  }
0x99: {  	s4 =	simm.s32 $_scs_section_size  }
0x9a: {  	s5 =	simm.s32 $_size__tile_overlayer_lowered;
	s6 =	simm.s32 $_tile_overlayer_lowered  }
0x9b: {  	s22 =	simm.s32 $0x1BFF;
	s21 =	sshll.u32 s6, $0x1;
	s3 =	sadd.s32 s4, s19  }
0x9c: {  	s7 =	simm.s32 $0x0;
	s20 =	sshll.u32 s5, $0x1;
	s5 =	sadd.s32 s21, s3  }
0x9d: {  	[timem:s7], [sflag:s22] =	dma.local [hbm:s5], s20  }
0x9e: {  	_ =	swait.ge [sflag:s22], s20  }
0x9f: {  	s4 =	ssub.s32 $0x0, s20;
	[sflag:s22] =	ssyncset.done $0x0  }
0xa0: {  	[sflag:s22] =	ssyncadd.s32 s4;
	_ =	sdelay $0x1  }
0xa1: {  	s23 =	simm.s32 $0x1B8B  }
0xa2: {  	_ =	swait.ge [sflag:s23], $0x1  }
0xa3: {  	[sflag:s23] =	ssyncset.done $0x0  }
0xa4: {  	s25 =	simm.s32 $0x1B8E;
	s24 =	sld [smem:$0x3FFE];
	[sflag:s23] =	ssyncadd.s32 $0xFFFFFFFF  }
0xa5: {  	s26 =	simm.s32 $execute0_lowered;
	[smem:$0x3FD2] =	sst s25  }
0xa6: {  	s5 =	sshll.u32 s26, $0x1;
	_ =	strace $0x80000049;
	[dreg:$0x1] =	wrdreg $0xFFFFFFFF  }
0xa7: {  	s28 =	simm.s32 $_size_execute0_lowered;
	s3 =	sadd.s32 s3, s5;
	[dreg:$0x0] =	wrdreg $0x0  }
0xa8: {  	s5 =	sshll.u32 s28, $0x1;
	[dreg:$0x2] =	wrdreg s3  }
0xa9: {  	[dreg:$0x3] =	wrdreg s5  }
0xaa: {  	[dreg:$0x4] =	wrdreg $0xC0  }
0xab: {  	_ =	task [dreg:s7], $0x5FFFF  }
0xac: {  	[dreg:$0x1] =	wrdreg $0xFFFFFFFF  }
0xad: {  	[dreg:$0x0] =	wrdreg $0x60  }
0xae: {  	[dreg:$0x2] =	wrdreg s24  }
0xaf: {  	[dreg:$0x3] =	wrdreg s2  }
0xb0: {  	[dreg:$0x4] =	wrdreg $0xA7000  }
0xb1: {  	[dreg:$0x5] =	wrdreg $0x9  }
0xb2: {  	_ =	task.clear_ibuf [dreg:s7], $0x6FFFF;
	_ =	strace $0x90000049  }
0xb3: {  	s29 =	simm.s32 $0x9;
	_ =	strace $0x8000004B  }
0xb4: {  	_ =	swait.ge [sflag:s29], $0x1  }
0xb5: {  	[sflag:s29] =	ssyncadd.s32 $0xFFFFFFFF  }
0xb6: {  	_ =	strace $0x9000004B  }
0xb7: {  	_ =	sfence  }
0xb8: {  	s30 =	sld [smem:$0x0];
	_ =	sdelay $0x2  }
0xb9: {  	s31 =	sshll.u32 s1, $0xD;
	s1 =	sshrl.u32 s1, $0x2  }
0xba: {  	s3 =	sand.u32 $0x4000, s31;
	s1 =	sadd.s32 s1, s30  }
0xbb: {  	s0 =	sor.u32 s3, s0;
	s1 =	sshll.u32 s1, $0x11  }
0xbc: {  	s0 =	sor.u32 s1, s0  }
0xbd: {  	s0 =	sadd.s32 $0x8F2B, s0  }
0xbe: {  	[sflag:s0] =	ssyncadd.remote.s32 $0x1  }
0xbf: {  	_ =	sfence.sel $0xFFFF  }
0xc0: {  	[dreg:$0x0] =	wrdreg $0xFFFFFFFF;
	(pc) =	sbr.abs _section_cstart, $3  }
0xc1: {  	[dreg:$0x1] =	wrdreg $0xFFFFFFFF  }
0xc2: {  	_ =	task.clear_ibuf [dreg:s7], $0x2FFFF;
	_ =	strace $0x9FFFFFFF  }
0xc3: {  	(tm) =	ssettm $0x7FFFFFFF  }
tec
execute0_lowered:
.L_overlay_start_1:
0x0: {  	(tag) =	ssettag $0x1  }
0x1: {  	s0 =	rddreg [dreg:$0x0]  }
0x2: {  	s3 =	rddreg [dreg:$0x2];
	s1 =	srdreg.scid;
	s4 =	simm.s32 $0x0  }
0x3: {  	s18 =	stileid.u32;
	s2 =	simm.s32 $0x0;
	s29 =	simm.s32 $0x7900  }
0x4: {  	s30 =	simm.s32 $0x4;
	s31 =	simm.s32 $0x8900;
	[dreg:$0x4] =	wrdreg s2  }
0x5: {  	s1 =	sand.u32 $0x1, s1;
	[smem:$0x7FF] =	sst s4;
	s28 =	smul.u32 $0x13800, s18  }
0x6: {  	s5 =	sadd.s32 $0x81400, s0;
	p0 =	sne.s32 s18, $0xF;
	s26 =	ssub.s32 $0x2, s1  }
0x7: {  	_ =	strace $0x8000004A;
	s10 =	smul.u32 $0x138800, s1;
	s1 =	sshll.u32 s1, $0x4  }
0x8: {  	s6 =	sshrl.u32 s26, $0x1;
	s7 =	sadd.s32 $0x2800, s28;
	s8 =	sadd.s32 $0x5000, s28  }
0x9: {  	s9 =	sadd.s32 $0x7800, s28;
	s11 =	sadd.s32 $0xA000, s28;
	s12 =	sadd.s32 $0xC800, s28  }
0xa: {  	s16 =	sadd.s32 $0xF000, s28;
	s17 =	sadd.s32 $0x11800, s28;
	s2 =	ssub.s32 s26, s6  }
0xb: {  	s6 =	smul.u32 $0x4E000, s18;
	s4 =	sadd.s32 s28, s10;
	s13 =	sadd.s32 s10, s7  }
0xc: {  	s14 =	sadd.s32 s10, s8;
	s19 =	sadd.s32 s10, s9;
	s20 =	sadd.s32 s10, s11  }
0xd: {  	s21 =	sadd.s32 s10, s12;
	s24 =	sadd.s32 s10, s16;
	s25 =	sadd.s32 s10, s17  }
0xe: {  	s10 =	sshrl.u32 s10, $0x3;
	s4 =	sshrl.u32 s4, $0x3;
	s13 =	sshrl.u32 s13, $0x3  }
0xf: {  	s15 =	sshrl.u32 s14, $0x3;
	s28 =	sadd.s32 s5, s10;
	s10 =	sadd.s32 s7, s3  }
0x10: {  	s23 =	sshrl.u32 s21, $0x3;
	s21 =	sadd.s32 s11, s3;
	[dreg:$0xe] =	wrdreg s10  }
0x11: {  	s14 =	sadd.s32 $0xC000, s0;
	s4 =	sadd.s32 s5, s4;
	[dreg:$0x11] =	wrdreg s21  }
0x12: {  	s7 =	simm.s32 $0x3;
	s13 =	sadd.s32 s5, s13;
	[dreg:$0x5] =	wrdreg s4  }
0x13: {  	s6 =	sshrl.u32 s6, $0x2;
	[dreg:$0x6] =	wrdreg s13;
	s4 =	sadd.s32 s5, s15  }
0x14: {  	s13 =	sshrl.u32 s20, $0x3;
	s20 =	sadd.s32 s9, s3;
	[dreg:$0x7] =	wrdreg s4  }
0x15: {  	s21 =	simm.s32 $0x10;
	s22 =	sadd.s32 s5, s13;
	[dreg:$0x10] =	wrdreg s20  }
0x16: {  	s4 =	sshrl.u32 s19, $0x3;
	s19 =	sadd.s32 s8, s3;
	[dreg:$0x9] =	wrdreg s22  }
0x17: {  	s13 =	sshrl.u32 s25, $0x3;
	s25 =	sadd.s32 $0x27000, s28;
	[dreg:$0xf] =	wrdreg s19  }
0x18: {  	s15 =	sadd.s32 $0x2200, s0;
	s28 =	sadd.s32 $0x138000, s3;
	[dreg:$0x15] =	wrdreg s25  }
0x19: {  	v2 =	vimm.s32 $0x76543210;
	v3 =	vimm.s32 $0xFEDCBA98;
	s20 =	simm.s32 $0xA200;
	s4 =	sadd.s32 s5, s4;
	[dreg:$0x17] =	wrdreg s28  }
0x1a: {  	v0 =	vimm.f32 $0.0e+00;
	v4 =	vimm.s32 $0x3210FEDC;
	v6 =	vimm.s32 $0xBA987654;
	s26 =	sadd.s32 s5, s13;
	s13 =	sadd.s32 $0x5A200, s0;
	[dreg:$0x8] =	wrdreg s4  }
0x1b: {  	v1 =	vlaneseq.u32;
	v7 =	vimm.s32 $0xEDCBA987;
	v8 =	vimm.s32 $0x6543210F;
	s22 =	sadd.s32 s12, s3;
	s19 =	simm.s32 $0xA180;
	[dreg:$0xc] =	wrdreg s26  }
0x1c: {  	vm0 =	vmmov $0xffff;
	vm1 =	vcmask $0x3F04;
	v5 =	vshrl.u32 v1, $0x3;
	s0 =	simm.s32 $0xA400;
	s4 =	sadd.s32 s5, s23;
	[dreg:$0x12] =	wrdreg s22  }
0x1d: {  	v3 =	vunpack.c.l.s4.s8 v3;
	v4 =	vunpack.c.l.s4.s8 v4;
	v6 =	vunpack.c.l.s4.s8 v6;
	s23 =	sadd.s32 s16, s3;
	s26 =	smax.u32 s2, $0x1;
	[dreg:$0xa] =	wrdreg s4  }
0x1e: {  	v7 =	vunpack.c.l.s4.s8 v7;
	v8 =	vunpack.c.l.s4.s8 v8;
	v9 =	vunpack.c.l.s4.s8 v2;
	s16 =	simm.s32 $0x1;
	s2 =	simm.s32 $0x9100;
	[dreg:$0x13] =	wrdreg s23  }
0x1f: {  	v2 =	vand.u32 $0x7, v1;
	v10 =	vunpack.c.0.s8.s32 v3;
	v4 =	vunpack.c.0.s8.s32 v4;
	s4 =	sshrl.u32 s24, $0x3;
	s24 =	sadd.s32 s17, s3;
	[dreg:$0x16] =	wrdreg s26  }
.Ltmp0:
0x20: {  	v6 =	vunpack.c.0.s8.s32 v6;
	v7 =	vunpack.c.0.s8.s32 v7;
	v8 =	vunpack.c.0.s8.s32 v8;
	s17 =	simm.s32 $0x2;
	s23 =	simm.s32 $0xA680;
	(pc) =	sbr.rel .LBB2_1-.Ltmp0, $4  }
0x21: {  	v3 =	vmul.u32 $0x8, v5;
	v5 =	vunpack.c.0.s8.s32 v9;
	v9 =	vand.u32 $0xF, v10;
	s4 =	sadd.s32 s5, s4;
	s5 =	sor.u32 s18, s1;
	[dreg:$0x14] =	wrdreg s24  }
0x22: {  	v6 =	vcombine.low v6, v4;
	v7 =	vcombine.low v8, v7;
	v4 =	vor.u32 $0x8, v1;
	s1 =	sadd.s32 s6, s3;
	s18 =	simm.s32 $0xA100;
	[dreg:$0xb] =	wrdreg s4  }
0x23: {  	v8 =	vimm.s32 $0x0;
	v10 =	vor.u32 $0x80002720, v1;
	v5 =	vcombine.low v9, v5;
	s6 =	simm.s32 $0x9900;
	[dreg:$0xd] =	wrdreg s1;
	s24 =	smul.u32 $0x2710, s5  }
0x24: {  	v9 =	vor.u32 $0x2710, v1;
	v6 =	vand.u32 $0xF, v6;
	v7 =	vand.u32 $0xF, v7;
	s4 =	simm.s32 $0x8100;
	s1 =	simm.s32 $0xA380;
	s5 =	simm.s32 $0xA480  }
.LBB2_17:
0x25: {  	s8 =	stileid.u32;
	[bflag:$0x0] =	sbarrier.arrive $0xFFFF  }
0x26: {  	s8 =	sshll.u32 s8, $0x6;
	s9 =	rddreg [dreg:$0xd]  }
0x27: {  	s10 =	rddreg [dreg:$0x5];
	s8 =	sor.u32 $0x1C04, s8;
	s9 =	sshrl.u32 s9, $0x3  }
0x28: {  	[hbm:s10], [sflag:s8] =	dma.local [spmem:s9], $0x500  }
0x29: {  	_ =	swait.ge [sflag:s30], $0x500  }
0x2a: {  	[sflag:s30] =	ssyncset.done $0x0;
	s22 =	rddreg [dreg:$0xe]  }
0x2b: {  	s25 =	rddreg [dreg:$0x6];
	[sflag:s30] =	ssyncadd.s32 $0xFFFFFB00;
	s9 =	sshrl.u32 s22, $0x3  }
0x2c: {  	[hbm:s25], [sflag:s8] =	dma.local [spmem:s9], $0x500  }
0x2d: {  	_ =	swait.ge [sflag:s30], $0x500  }
0x2e: {  	[sflag:s30] =	ssyncset.done $0x0;
	s26 =	rddreg [dreg:$0xf]  }
0x2f: {  	s28 =	rddreg [dreg:$0x7];
	[sflag:s30] =	ssyncadd.s32 $0xFFFFFB00;
	s9 =	sshrl.u32 s26, $0x3  }
0x30: {  	[hbm:s28], [sflag:s8] =	dma.local [spmem:s9], $0x500  }
0x31: {  	_ =	swait.ge [sflag:s30], $0x500  }
0x32: {  	[sflag:s30] =	ssyncset.done $0x0;
	s11 =	rddreg [dreg:$0x10]  }
0x33: {  	s12 =	rddreg [dreg:$0x8];
	[sflag:s30] =	ssyncadd.s32 $0xFFFFFB00;
	s9 =	sshrl.u32 s11, $0x3  }
0x34: {  	[hbm:s12], [sflag:s8] =	dma.local [spmem:s9], $0x500  }
0x35: {  	_ =	swait.ge [sflag:s30], $0x500  }
0x36: {  	[sflag:s30] =	ssyncset.done $0x0;
	s22 =	rddreg [dreg:$0x11]  }
0x37: {  	s25 =	rddreg [dreg:$0x9];
	[sflag:s30] =	ssyncadd.s32 $0xFFFFFB00;
	s9 =	sshrl.u32 s22, $0x3  }
0x38: {  	[hbm:s25], [sflag:s8] =	dma.local [spmem:s9], $0x500  }
0x39: {  	_ =	swait.ge [sflag:s30], $0x500  }
0x3a: {  	[sflag:s30] =	ssyncset.done $0x0;
	s26 =	rddreg [dreg:$0x12]  }
0x3b: {  	s28 =	rddreg [dreg:$0xa];
	[sflag:s30] =	ssyncadd.s32 $0xFFFFFB00;
	s9 =	sshrl.u32 s26, $0x3  }
0x3c: {  	[hbm:s28], [sflag:s8] =	dma.local [spmem:s9], $0x500  }
0x3d: {  	_ =	swait.ge [sflag:s30], $0x500  }
0x3e: {  	[sflag:s30] =	ssyncset.done $0x0;
	s11 =	rddreg [dreg:$0x13]  }
0x3f: {  	s12 =	rddreg [dreg:$0xb];
	[sflag:s30] =	ssyncadd.s32 $0xFFFFFB00;
	s9 =	sshrl.u32 s11, $0x3  }
0x40: {  	[hbm:s12], [sflag:s8] =	dma.local [spmem:s9], $0x500  }
0x41: {  	_ =	swait.ge [sflag:s30], $0x500  }
0x42: {  	[sflag:s30] =	ssyncset.done $0x0;
	s22 =	rddreg [dreg:$0x14]  }
0x43: {  	s25 =	rddreg [dreg:$0xc];
	[sflag:s30] =	ssyncadd.s32 $0xFFFFFB00;
	s9 =	sshrl.u32 s22, $0x3  }
0x44: {  	[hbm:s25], [sflag:s8] =	dma.local [spmem:s9], $0x400  }
0x45: {  	_ =	swait.ge [sflag:s30], $0x400  }
0x46: {  	[sflag:s30] =	ssyncset.done $0x0;
	s9 =	rddreg [dreg:$0x17]  }
0x47: {  	s10 =	rddreg [dreg:$0x15];
	[sflag:s30] =	ssyncadd.s32 $0xFFFFFC00;
	s9 =	sshrl.u32 @!p0 s9, $0x3  }
0x48: {  	[hbm:s10], [sflag:s8] =	dma.local @!p0 [spmem:s9], $0x100  }
0x49: {  	s8 =	simm.s32 @!p0 $0x4  }
0x4a: {  	_ =	swait.ge @!p0 [sflag:s8], $0x100  }
0x4b: {  	s26 =	rddreg [dreg:$0x4]  }
0x4c: {  	s28 =	rddreg [dreg:$0x16];
	s9 =	sadd.s32 $0x1, s26  }
0x4d: {  	p1 =	sne.s32 s9, s28  }
.Ltmp1:
0x4e: {  	_ = 	snop;
	(pc) =	sbr.rel @!p1 .LBB2_18-.Ltmp1, $3  }
0x4f: {  	_ =	sdelay $0x1  }
0x50: {  	[sflag:s8] =	ssyncset.done @!p0 $0x0  }
0x51: {  	[sflag:s8] =	ssyncadd.s32 @!p0 $0xFFFFFF00;
	[dreg:$0x4] =	wrdreg s9  }
.LBB2_1:
0x52: {  	s8 =	simm.s32 $0x0;
	s9 =	simm.s32 $0x200  }
.LBB2_2:
0x53: {  	p1 =	sne.s32 s9, $0x9E00;
	[tilespmem:s8+$0x7970] =	vst v0  }
0x54: {  	[tilespmem:s8+$0x7900] =	vst v0  }
0x55: {  	[tilespmem:s8+$0x7910] =	vst v0  }
.Ltmp2:
0x56: {  	[tilespmem:s8+$0x7920] =	vst v0;
	(pc) =	sbr.rel @p1 .LBB2_2-.Ltmp2, $4  }
0x57: {  	[tilespmem:s8+$0x7930] =	vst v0  }
0x58: {  	[tilespmem:s8+$0x7940] =	vst v0  }
0x59: {  	[tilespmem:s8+$0x7950] =	vst v0  }
0x5a: {  	[tilespmem:s8+$0x7960] =	vst v0;
	s8 =	sshra.s32 s9, $0x2;
	s9 =	sadd.s32 $0x200, s9  }
0x5b: {  	[tilespmem:s8+$0x7970] =	vst v0  }
0x5c: {  	[tilespmem:s8+$0x7900] =	vst v0  }
0x5d: {  	[tilespmem:s8+$0x7910] =	vst v0  }
0x5e: {  	[tilespmem:s8+$0x7920] =	vst v0  }
0x5f: {  	[tilespmem:s8+$0x7930] =	vst v0  }
0x60: {  	[tilespmem:s8+$0x7940] =	vst v0  }
0x61: {  	[tilespmem:s8+$0x7950] =	vst v0  }
0x62: {  	[tilespmem:s8+$0x7960] =	vst v0;
	s9 =	rddreg [dreg:$0xd]  }
0x63: {  	[spmem:s9] =	stream.linear.scatter [tilespmem:s29], [sflag:$0x4], $0x2800, $0x38;
	[tilespmem:$0x1E000] =	vst v63  }
0x64: {  	_ =	swait.ge [sflag:s30], $0x2800  }
0x65: {  	[sflag:s30] =	ssyncset.done $0x0  }
0x66: {  	s10 =	rddreg [dreg:$0xe];
	[sflag:s30] =	ssyncadd.s32 $0xFFFFD800  }
0x67: {  	[spmem:s10] =	stream.linear.scatter [tilespmem:s29], [sflag:$0x4], $0x2800, $0x38;
	[tilespmem:$0x1E000] =	vst v63  }
0x68: {  	_ =	swait.ge [sflag:s30], $0x2800  }
0x69: {  	[sflag:s30] =	ssyncset.done $0x0  }
0x6a: {  	s11 =	rddreg [dreg:$0xf];
	[sflag:s30] =	ssyncadd.s32 $0xFFFFD800  }
0x6b: {  	[spmem:s11] =	stream.linear.scatter [tilespmem:s29], [sflag:$0x4], $0x2800, $0x38;
	[tilespmem:$0x1E000] =	vst v63  }
0x6c: {  	_ =	swait.ge [sflag:s30], $0x2800  }
0x6d: {  	[sflag:s30] =	ssyncset.done $0x0  }
0x6e: {  	s12 =	rddreg [dreg:$0x10];
	[sflag:s30] =	ssyncadd.s32 $0xFFFFD800  }
0x6f: {  	[spmem:s12] =	stream.linear.scatter [tilespmem:s29], [sflag:$0x4], $0x2800, $0x38;
	[tilespmem:$0x1E000] =	vst v63  }
0x70: {  	_ =	swait.ge [sflag:s30], $0x2800  }
0x71: {  	[sflag:s30] =	ssyncset.done $0x0  }
0x72: {  	s22 =	rddreg [dreg:$0x11];
	[sflag:s30] =	ssyncadd.s32 $0xFFFFD800  }
0x73: {  	[spmem:s22] =	stream.linear.scatter [tilespmem:s29], [sflag:$0x4], $0x2800, $0x38;
	[tilespmem:$0x1E000] =	vst v63  }
0x74: {  	_ =	swait.ge [sflag:s30], $0x2800  }
0x75: {  	[sflag:s30] =	ssyncset.done $0x0  }
0x76: {  	s25 =	rddreg [dreg:$0x12];
	[sflag:s30] =	ssyncadd.s32 $0xFFFFD800  }
0x77: {  	[spmem:s25] =	stream.linear.scatter [tilespmem:s29], [sflag:$0x4], $0x2800, $0x38;
	[tilespmem:$0x1E000] =	vst v63  }
0x78: {  	_ =	swait.ge [sflag:s30], $0x2800  }
0x79: {  	[sflag:s30] =	ssyncset.done $0x0  }
0x7a: {  	s26 =	rddreg [dreg:$0x13];
	[sflag:s30] =	ssyncadd.s32 $0xFFFFD800  }
0x7b: {  	[spmem:s26] =	stream.linear.scatter [tilespmem:s29], [sflag:$0x4], $0x2800, $0x38;
	[tilespmem:$0x1E000] =	vst v63  }
0x7c: {  	_ =	swait.ge [sflag:s30], $0x2800  }
0x7d: {  	[sflag:s30] =	ssyncset.done $0x0  }
0x7e: {  	s28 =	rddreg [dreg:$0x14];
	[sflag:s30] =	ssyncadd.s32 $0xFFFFD800  }
0x7f: {  	[spmem:s28] =	stream.linear.scatter [tilespmem:s29], [sflag:$0x4], $0x2000, $0x38;
	[tilespmem:$0x1E000] =	vst v63  }
0x80: {  	_ =	swait.ge [sflag:s30], $0x2000  }
0x81: {  	[sflag:s30] =	ssyncset.done $0x0  }
0x82: {  	s8 =	simm.s32 @!p0 $0x7900;
	s9 =	rddreg [dreg:$0x17];
	[sflag:s30] =	ssyncadd.s32 $0xFFFFE000  }
0x83: {  	[spmem:s9] =	stream.linear.scatter @!p0 [tilespmem:s8], [sflag:$0x4], $0x800, $0x38;
	[tilespmem:$0x1E000] =	vst v63  }
0x84: {  	s8 =	simm.s32 @!p0 $0x4  }
.Ltmp3:
0x85: {  	_ =	swait.ge @!p0 [sflag:s8], $0x800;
	(pc) =	sbr.rel .LBB2_4-.Ltmp3, $4  }
0x86: {  	[sflag:s8] =	ssyncset.done @!p0 $0x0  }
0x87: {  	[sflag:s8] =	ssyncadd.s32 @!p0 $0xFFFFF800  }
0x88: {  	[bflag:$0x0] =	sbarrier.arrive $0xFFFF  }
0x89: {  	s9 =	simm.s32 $0x0;
	s8 =	simm.s32 $0x0  }
.LBB2_16:
0x8a: {  	_ =	swait.ge [sflag:s7], $0x800  }
0x8b: {  	[sflag:s7] =	ssyncset.done $0x0  }
0x8c: {  	[sflag:s7] =	ssyncadd.s32 $0xFFFFF800  }
0x8d: {  	_ =	swait.ge [sflag:s7], $0x800  }
0x8e: {  	[sflag:s7] =	ssyncset.done $0x0  }
0x8f: {  	[sflag:s7] =	ssyncadd.s32 $0xFFFFF800  }
0x90: {  	_ =	swait.ge [sflag:s7], $0x800  }
0x91: {  	[sflag:s7] =	ssyncset.done $0x0  }
0x92: {  	s9 =	sadd.s32 $0x1, s9;
	[sflag:s7] =	ssyncadd.s32 $0xFFFFF800  }
0x93: {  	p1 =	sne.s32 s9, $0x7D;
	_ =	swait.ge [sflag:s7], $0x800  }
.Ltmp4:
0x94: {  	[sflag:s7] =	ssyncset.done $0x0;
	(pc) =	sbr.rel @!p1 .LBB2_17-.Ltmp4, $4  }
0x95: {  	[sflag:s7] =	ssyncadd.s32 $0xFFFFF800  }
0x96: {  	_ =	swait.ge [sflag:s7], $0x800  }
0x97: {  	[sflag:s7] =	ssyncset.done $0x0  }
0x98: {  	[sflag:s7] =	ssyncadd.s32 $0xFFFFF800  }
.LBB2_4:
0x99: {  	s10 =	smul.u32 $0x50, s9;
	_ =	sdelay $0x1  }
0x9a: {  	s10 =	sadd.s32 s24, s10  }
0x9b: {  	s10 =	sshrl.u32 s10, $0x3  }
0x9c: {  	s11 =	sadd.s32 s15, s10  }
0x9d: {  	[tilespmem:s8], [sflag:$0x4] =	stream.linear.gather [hbm4b:s11+s8], $0x50, $0x38;
	[tilespmem:$0x1E000] =	vst v63  }
0x9e: {  	_ =	swait.ge [sflag:s30], $0x50  }
0x9f: {  	[sflag:s30] =	ssyncset.done $0x0  }
0xa0: {  	[sflag:s30] =	ssyncadd.s32 $0xFFFFFFB0  }
0xa1: {  	s22 =	rddreg [dreg:$0x1]  }
0xa2: {  	s25 =	simm.s32 $0x80;
	s10 =	sadd.s32 s22, s10  }
0xa3: {  	[tilespmem:s25], [sflag:$0x4] =	stream.linear.gather [hbm4b:s10+s8], $0x50, $0x38;
	[tilespmem:$0x1E000] =	vst v63  }
0xa4: {  	_ =	swait.ge [sflag:s30], $0x50  }
0xa5: {  	[sflag:s30] =	ssyncset.done $0x0  }
0xa6: {  	s26 =	simm.s32 $0x50;
	s28 =	simm.s32 $0x100;
	[sflag:s30] =	ssyncadd.s32 $0xFFFFFFB0  }
0xa7: {  	[tilespmem:s28], [sflag:$0x1] =	stream.indirect.gather [hbm4b:s13+s26], $0x80, s8, s26, $0xb8;
	[tilespmem:$0x1E000] =	vst v63  }
0xa8: {  	v11 =	vld [tilespmem:$0x80];
	_ =	sdelay $0x4  }
0xa9: {  	v12 =	vshll.u32 v11, $0x1  }
0xaa: {  	v11 =	vand.u32 $0x7, v11;
	v12 =	vand.u32 $0xFFFFFFF0, v12  }
0xab: {  	v11 =	vor.u32 v11, v12  }
0xac: {  	v12 =	vperm.xlane v11, v2;
	_ =	sdelay $0x1  }
0xad: {  	v11 =	vperm.xlane v11, v4;
	v12 =	vadd.s32 v3, v12;
	_ =	sdelay $0x1  }
0xae: {  	v11 =	vadd.s32 v3, v11;
	_ =	sdelay $0x1  }
0xaf: {  	s12 =	simm.s32 $0x2900  }
0xb0: {  	[tilespmem:s12], [sflag:$0x2] =	stream.indirect_vreg.gather [hbm4b:s14+s8], $0x80, v12, vm0, $0xb8;
	[tilespmem:$0x1E000] =	vst v63  }
0xb1: {  	s22 =	simm.s32 $0x3100  }
0xb2: {  	[tilespmem:s22], [sflag:$0x2] =	stream.indirect_vreg.gather [hbm4b:s14+s8], $0x80, v11, vm0, $0xb8;
	[tilespmem:$0x1E000] =	vst v63  }
0xb3: {  	v11 =	vld [tilespmem:$0x90];
	_ =	sdelay $0x4  }
0xb4: {  	v52 =	vshll.u32 v11, $0x1  }
0xb5: {  	v11 =	vand.u32 $0x7, v11;
	v12 =	vand.u32 $0xFFFFFFF0, v52  }
0xb6: {  	v11 =	vor.u32 v11, v12  }
0xb7: {  	v12 =	vperm.xlane v11, v2;
	_ =	sdelay $0x1  }
0xb8: {  	v11 =	vperm.xlane v11, v4;
	v12 =	vadd.s32 v3, v12;
	_ =	sdelay $0x1  }
0xb9: {  	v11 =	vadd.s32 v3, v11;
	_ =	sdelay $0x1  }
0xba: {  	s25 =	simm.s32 $0x3900  }
0xbb: {  	[tilespmem:s25], [sflag:$0x2] =	stream.indirect_vreg.gather [hbm4b:s14+s8], $0x80, v12, vm0, $0xb8;
	[tilespmem:$0x1E000] =	vst v63  }
0xbc: {  	s26 =	simm.s32 $0x4100  }
0xbd: {  	[tilespmem:s26], [sflag:$0x2] =	stream.indirect_vreg.gather [hbm4b:s14+s8], $0x80, v11, vm0, $0xb8;
	[tilespmem:$0x1E000] =	vst v63  }
0xbe: {  	v11 =	vld [tilespmem:$0xA0];
	_ =	sdelay $0x4  }
0xbf: {  	v53 =	vshll.u32 v11, $0x1  }
0xc0: {  	v11 =	vand.u32 $0x7, v11;
	v12 =	vand.u32 $0xFFFFFFF0, v53  }
0xc1: {  	v11 =	vor.u32 v11, v12  }
0xc2: {  	v12 =	vperm.xlane v11, v2;
	_ =	sdelay $0x1  }
0xc3: {  	v11 =	vperm.xlane v11, v4;
	v12 =	vadd.s32 v3, v12;
	_ =	sdelay $0x1  }
0xc4: {  	v11 =	vadd.s32 v3, v11;
	_ =	sdelay $0x1  }
0xc5: {  	s28 =	simm.s32 $0x4900  }
0xc6: {  	[tilespmem:s28], [sflag:$0x2] =	stream.indirect_vreg.gather [hbm4b:s14+s8], $0x80, v12, vm0, $0xb8;
	[tilespmem:$0x1E000] =	vst v63  }
0xc7: {  	s11 =	simm.s32 $0x5100  }
0xc8: {  	[tilespmem:s11], [sflag:$0x2] =	stream.indirect_vreg.gather [hbm4b:s14+s8], $0x80, v11, vm0, $0xb8;
	[tilespmem:$0x1E000] =	vst v63  }
0xc9: {  	v11 =	vld [tilespmem:$0xB0];
	_ =	sdelay $0x4  }
0xca: {  	v54 =	vshll.u32 v11, $0x1  }
0xcb: {  	v11 =	vand.u32 $0x7, v11;
	v12 =	vand.u32 $0xFFFFFFF0, v54  }
0xcc: {  	v11 =	vor.u32 v11, v12  }
0xcd: {  	v12 =	vperm.xlane v11, v2;
	_ =	sdelay $0x1  }
0xce: {  	v11 =	vperm.xlane v11, v4;
	v12 =	vadd.s32 v3, v12;
	_ =	sdelay $0x1  }
0xcf: {  	v11 =	vadd.s32 v3, v11;
	_ =	sdelay $0x1  }
0xd0: {  	s12 =	simm.s32 $0x5900  }
0xd1: {  	[tilespmem:s12], [sflag:$0x2] =	stream.indirect_vreg.gather [hbm4b:s14+s8], $0x80, v12, vm0, $0xb8;
	[tilespmem:$0x1E000] =	vst v63  }
0xd2: {  	s22 =	simm.s32 $0x6100  }
0xd3: {  	[tilespmem:s22], [sflag:$0x2] =	stream.indirect_vreg.gather [hbm4b:s14+s8], $0x80, v11, vm0, $0xb8;
	[tilespmem:$0x1E000] =	vst v63  }
0xd4: {  	v11 =	vld [tilespmem:$0xC0];
	_ =	sdelay $0x4  }
0xd5: {  	v55 =	vshll.u32 v11, $0x1  }
0xd6: {  	v11 =	vand.u32 $0x7, v11;
	v12 =	vand.u32 $0xFFFFFFF0, v55  }
0xd7: {  	v11 =	vor.u32 v11, v12  }
0xd8: {  	v12 =	vperm.xlane v11, v2;
	_ =	sdelay $0x1  }
0xd9: {  	v11 =	vperm.xlane v11, v4;
	v12 =	vadd.s32 v3, v12;
	_ =	sdelay $0x1  }
0xda: {  	v11 =	vadd.s32 v3, v11;
	_ =	sdelay $0x1  }
0xdb: {  	s25 =	simm.s32 $0x6900  }
0xdc: {  	[tilespmem:s25], [sflag:$0x2] =	stream.indirect_vreg.gather [hbm4b:s14+s8], $0x80, v12, vm0, $0xb8;
	[tilespmem:$0x1E000] =	vst v63  }
0xdd: {  	s26 =	simm.s32 $0x7100  }
0xde: {  	[tilespmem:s26], [sflag:$0x2] =	stream.indirect_vreg.gather [hbm4b:s14+s8], $0x80, v11, vm0, $0xb8;
	[tilespmem:$0x1E000] =	vst v63  }
0xdf: {  	_ =	swait.ge [sflag:s16], $0x2800  }
0xe0: {  	[sflag:s16] =	ssyncset.done $0x0  }
0xe1: {  	[sflag:s16] =	ssyncadd.s32 $0xFFFFD800  }
0xe2: {  	_ =	swait.ge [sflag:s17], $0x5000  }
0xe3: {  	[sflag:s17] =	ssyncset.done $0x0  }
0xe4: {  	s10 =	simm.s32 $0x130;
	[sflag:s17] =	ssyncadd.s32 $0xFFFFB000  }
0xe5: {  	s28 =	sand.u32 $0x7800, s8;
	s12 =	sand.u32 $0x380, s8;
	v11 =	vld [tilespmem:s10+$0xFFFFFFD0]  }
0xe6: {  	s12 =	sor.u32 s12, s28;
	v56 =	vld [tilespmem:s10+$0xFFFFFFE0]  }
0xe7: {  	v13 =	vld [tilespmem:s12+$0x2900]  }
0xe8: {  	v14 =	vld [tilespmem:s12+$0x2910]  }
0xe9: {  	v15 =	vld [tilespmem:s10+$0xFFFFFFF0]  }
0xea: {  	v16 =	vld [tilespmem:s12+$0x2920]  }
0xeb: {  	v17 =	vld [tilespmem:s10+$0x0]  }
0xec: {  	v18 =	vld [tilespmem:s12+$0x2930]  }
0xed: {  	v57 =	vld [tilespmem:s10+$0x10];
	v11 =	vmul.f32 v13, v11;
	v12 =	vmul.f32 v14, v56  }
0xee: {  	v58 =	vld [tilespmem:s12+$0x2940]  }
0xef: {  	v59 =	vld [tilespmem:s10+$0x20];
	v15 =	vmul.f32 v16, v15;
	v11 =	vadd.f32 v12, v11  }
0xf0: {  	v60 =	vld [tilespmem:s12+$0x2950]  }
0xf1: {  	v17 =	vmul.f32 v18, v17;
	v11 =	vadd.f32 v15, v11;
	_ =	sdelay $0x1  }
0xf2: {  	v13 =	vmul.f32 v58, v57;
	v11 =	vadd.f32 v17, v11;
	_ =	sdelay $0x1  }
0xf3: {  	v12 =	vmul.f32 v60, v59;
	v11 =	vadd.f32 v13, v11;
	_ =	sdelay $0x1  }
0xf4: {  	v11 =	vadd.f32 v12, v11;
	_ =	sdelay $0x1  }
0xf5: {  	[tilespmem:$0xA100] =	vst v11  }
0xf6: {  	v61 =	vld.idx.msk [tilespmem:v5+s18+$0x0], $0xffff;
	_ =	sdelay $0x4  }
0xf7: {  	v11 =	vadd.f32 v61, v11;
	_ =	sdelay $0x1  }
0xf8: {  	[tilespmem:$0xA100] =	vst v11  }
0xf9: {  	v62 =	vld.idx.msk [tilespmem:v6+s18+$0x0], $0xffff;
	_ =	sdelay $0x4  }
0xfa: {  	v11 =	vadd.f32 v62, v11;
	_ =	sdelay $0x1  }
0xfb: {  	v11 =	vmul.f32 $1.442695020e+00, v11;
	_ =	sdelay $0x1  }
0xfc: {  	(erf) = vpow2.f32 v11;
	_ =	sdelay $0x4  }
0xfd: {  	v11 =	vld [tilespmem:s12+$0x2960];
	_ =	sdelay $0x3  }
0xfe: {  	v63 =	vpop (erf)  }
0xff: {  	v11 =	vmul.f32 v63, v11  }
0x100: {  	s11 =	simm.s32 $0x7940  }
0x101: {  	[tilespmem:s11+$0xFFFFFFC0] =	vst v11  }
0x102: {  	v11 =	vld [tilespmem:s12+$0x2970];
	_ =	sdelay $0x4  }
0x103: {  	v11 =	vmul.f32 v63, v11;
	_ =	sdelay $0x1  }
0x104: {  	[tilespmem:s11+$0xFFFFFFD0] =	vst v11  }
0x105: {  	v11 =	vld [tilespmem:s12+$0x2D00];
	_ =	sdelay $0x4  }
0x106: {  	v11 =	vmul.f32 v11, v63;
	_ =	sdelay $0x1  }
0x107: {  	[tilespmem:s11+$0xFFFFFFE0] =	vst v11  }
0x108: {  	v11 =	vld [tilespmem:s12+$0x2D10];
	_ =	sdelay $0x4  }
0x109: {  	v11 =	vmul.f32 v11, v63;
	_ =	sdelay $0x1  }
0x10a: {  	[tilespmem:s11+$0xFFFFFFF0] =	vst v11  }
0x10b: {  	v11 =	vld [tilespmem:s12+$0x2D20];
	_ =	sdelay $0x4  }
0x10c: {  	v11 =	vmul.f32 v11, v63;
	_ =	sdelay $0x1  }
0x10d: {  	[tilespmem:s11+$0x0] =	vst v11  }
0x10e: {  	v11 =	vld [tilespmem:s12+$0x2D30];
	_ =	sdelay $0x3  }
0x10f: {  	[tilespmem:s11+$0x20] =	vst v63  }
0x110: {  	s25 =	simm.s32 $0x0;
	s26 =	simm.s32 $0x7940;
	s12 =	simm.s32 $0x80;
	[tilespmem:s11+$0x30] =	vst v0;
	v11 =	vmul.f32 v11, v63  }
.LBB2_5:
0x111: {  	s25 =	sadd.s32 $0x100, s25  }
0x112: {  	s10 =	sadd.s32 $0x80, s10;
	s11 =	sadd.s32 $0x80, s11;
	s22 =	smov.u32 s12  }
0x113: {  	p1 =	sne.s32 s12, $0x2780;
	s12 =	sadd.s32 $0x80, s12;
	[tilespmem:s26+$0x10] =	vst v11;
	s26 =	smov.u32 s11  }
0x114: {  	v11 =	vld [tilespmem:s10+$0xFFFFFFF0]  }
0x115: {  	s28 =	sand.u32 $0x7800, s25;
	s22 =	sand.u32 $0x380, s22;
	v12 =	vld [tilespmem:s10+$0xFFFFFFD0]  }
0x116: {  	s22 =	sor.u32 s22, s28;
	v13 =	vld [tilespmem:s10+$0xFFFFFFE0]  }
0x117: {  	v14 =	vld [tilespmem:s22+$0x2900]  }
0x118: {  	v15 =	vld [tilespmem:s22+$0x2910]  }
0x119: {  	v16 =	vld [tilespmem:s22+$0x2920]  }
0x11a: {  	v17 =	vld [tilespmem:s10+$0x0]  }
0x11b: {  	v18 =	vld [tilespmem:s22+$0x2930]  }
0x11c: {  	v12 =	vmul.f32 v14, v12;
	v14 =	vld [tilespmem:s10+$0x10]  }
0x11d: {  	v13 =	vmul.f32 v15, v13;
	v15 =	vld [tilespmem:s22+$0x2940]  }
0x11e: {  	v11 =	vmul.f32 v16, v11;
	v16 =	vld [tilespmem:s10+$0x20]  }
0x11f: {  	v12 =	vadd.f32 v13, v12;
	v13 =	vld [tilespmem:s22+$0x2950]  }
0x120: {  	v17 =	vmul.f32 v18, v17  }
0x121: {  	v11 =	vadd.f32 v11, v12  }
0x122: {  	v12 =	vmul.f32 v15, v14  }
0x123: {  	v11 =	vadd.f32 v17, v11  }
0x124: {  	v13 =	vmul.f32 v13, v16  }
0x125: {  	v11 =	vadd.f32 v12, v11;
	_ =	sdelay $0x1  }
0x126: {  	v11 =	vadd.f32 v13, v11;
	_ =	sdelay $0x1  }
0x127: {  	[tilespmem:$0xA100] =	vst v11  }
0x128: {  	v12 =	vld.idx.msk [tilespmem:v5+s18+$0x0], $0xffff;
	_ =	sdelay $0x5  }
0x129: {  	v11 =	vadd.f32 v12, v11;
	_ =	sdelay $0x1  }
0x12a: {  	[tilespmem:$0xA100] =	vst v11  }
0x12b: {  	v12 =	vld.idx.msk [tilespmem:v6+s18+$0x0], $0xffff;
	_ =	sdelay $0x5  }
0x12c: {  	v11 =	vadd.f32 v12, v11;
	_ =	sdelay $0x1  }
0x12d: {  	v11 =	vmul.f32 $1.442695020e+00, v11;
	_ =	sdelay $0x1  }
0x12e: {  	(erf) = vpow2.f32 v11;
	_ =	sdelay $0x3  }
0x12f: {  	v11 =	vld [tilespmem:s22+$0x2960];
	_ =	sdelay $0x4  }
0x130: {  	v12 =	vpop (erf)  }
0x131: {  	v11 =	vmul.f32 v12, v11;
	_ =	sdelay $0x1  }
0x132: {  	[tilespmem:s11+$0xFFFFFFC0] =	vst v11  }
0x133: {  	v11 =	vld [tilespmem:s22+$0x2970];
	_ =	sdelay $0x4  }
0x134: {  	v11 =	vmul.f32 v12, v11;
	_ =	sdelay $0x1  }
0x135: {  	[tilespmem:s11+$0xFFFFFFD0] =	vst v11  }
0x136: {  	v11 =	vld [tilespmem:s22+$0x2D00];
	_ =	sdelay $0x4  }
0x137: {  	v11 =	vmul.f32 v11, v12;
	_ =	sdelay $0x1  }
0x138: {  	[tilespmem:s11+$0xFFFFFFE0] =	vst v11  }
0x139: {  	v11 =	vld [tilespmem:s22+$0x2D10];
	_ =	sdelay $0x4  }
0x13a: {  	v11 =	vmul.f32 v11, v12;
	_ =	sdelay $0x1  }
0x13b: {  	[tilespmem:s11+$0xFFFFFFF0] =	vst v11  }
0x13c: {  	v11 =	vld [tilespmem:s22+$0x2D20];
	_ =	sdelay $0x4  }
0x13d: {  	v11 =	vmul.f32 v11, v12;
	_ =	sdelay $0x1  }
0x13e: {  	[tilespmem:s11+$0x0] =	vst v11  }
0x13f: {  	v11 =	vld [tilespmem:s22+$0x2D30]  }
.Ltmp5:
0x140: {  	[tilespmem:s11+$0x20] =	vst v12;
	(pc) =	sbr.rel @p1 .LBB2_5-.Ltmp5, $2  }
0x141: {  	[tilespmem:s11+$0x30] =	vst v0;
	_ =	sdelay $0x2  }
0x142: {  	v11 =	vmul.f32 v11, v12  }
0x143: {  	_ = 	snop  }
0x144: {  	[tilespmem:s26+$0x10] =	vst v11  }
0x145: {  	v11 =	vld [tilespmem:$0x0];
	_ =	sdelay $0x4  }
0x146: {  	v12 =	vxor.u32 $0x80000000, v11  }
0x147: {  	(xrf1) =	vsort.ascd.msk.u32 $0xffff, v12, v1;
	_ =	sdelay $0xd  }
0x148: {  	v13, v14, _ =	vpop (xrf1)  }
0x149: {  	v13 =	vxor.u32 $0x80000000, v13  }
0x14a: {  	[tilespmem:$0xA180] =	vst v13  }
0x14b: {  	v15 =	vld.idx.msk [tilespmem:v7+s19+$0x0], $0xffff;
	_ =	sdelay $0x4  }
0x14c: {  	vm2 =	veq.s32 v13, v15  }
0x14d: {  	vm2 =	vmand vm2, vm1  }
0x14e: {  	v13 =	vsel vm2, $0x1, v8  }
0x14f: {  	[tilespmem:v14+s20+$0x0] =	vst.idx.msk $0xffff, v13  }
0x150: {  	v13 =	vld [tilespmem:$0xA200];
	_ =	sdelay $0x4  }
0x151: {  	vm2 =	veq.s32 v13, $0x1  }
0x152: {  	v13 =	vsel vm2, $0x3F800000, v0  }
0x153: {  	(xrf0) =	vmax.scan.msk.f32 $0xffff, v13;
	_ =	sdelay $0x5  }
0x154: {  	v13, _, _ =	vpop (xrf0)  }
0x155: {  	(v2sf) =	vpush v13, $0xF;
	_ =	sdelay $0xe  }
0x156: {  	s28 =	spop (v2sf)  }
0x157: {  	p1 =	sgt.f32 s28, $0.0e+00  }
.Ltmp6:
0x158: {  	_ = 	snop;
	(pc) =	sbr.rel @!p1 .LBB2_8-.Ltmp6, $4  }
0x159: {  	_ = 	snop  }
0x15a: {  	v13 =	vsel vm2, v9, v11  }
0x15b: {  	s10 =	simm.s32 $0xA280;
	[tilespmem:$0xA280] =	vst v13  }
0x15c: {  	[spmem:s3] =	stream.indirect.scatter.add.f32 [tilespmem:s29], [sflag:$0x3], $0x80, s10, s21, $0xb8;
	[tilespmem:$0x1E000] =	vst v63  }
.LBB2_7:
0x15d: {  	v13 =	vsel vm2, v12, v10  }
0x15e: {  	(xrf1) =	vsort.ascd.msk.u32 $0xffff, v13, v1;
	_ =	sdelay $0xd  }
0x15f: {  	v13, v14, _ =	vpop (xrf1)  }
0x160: {  	v13 =	vxor.u32 $0x80000000, v13  }
0x161: {  	[tilespmem:$0xA180] =	vst v13  }
0x162: {  	v15 =	vld.idx.msk [tilespmem:v7+s19+$0x0], $0xffff;
	_ =	sdelay $0x4  }
0x163: {  	vm3 =	veq.s32 v13, v15  }
0x164: {  	vm3 =	vmand vm3, vm1  }
0x165: {  	v13 =	vsel vm3, $0x1, v8  }
0x166: {  	[tilespmem:v14+s20+$0x0] =	vst.idx.msk $0xffff, v13  }
0x167: {  	v13 =	vld [tilespmem:$0xA200];
	_ =	sdelay $0x4  }
0x168: {  	vm3 =	vne.s32 v13, $0x1  }
0x169: {  	vm3 =	vmand vm2, vm3  }
0x16a: {  	v14 =	vsel vm3, v11, v9  }
0x16b: {  	vm3 =	veq.s32 v13, $0x1;
	[tilespmem:$0xA680] =	vst v14  }
0x16c: {  	vm2 =	vmand vm2, vm3;
	[spmem:s3] =	stream.indirect.scatter.add.f32 [tilespmem:s29], [sflag:$0x4], $0x80, s23, s21, $0xb8;
	[tilespmem:$0x1E000] =	vst v63  }
0x16d: {  	v13 =	vsel vm2, $0x3F800000, v0;
	_ =	swait.ge [sflag:s30], $0x800  }
0x16e: {  	(xrf0) =	vmax.scan.msk.f32 $0xffff, v13;
	_ =	sdelay $0x5  }
0x16f: {  	v13, _, _ =	vpop (xrf0)  }
0x170: {  	(v2sf) =	vpush v13, $0xF;
	_ =	sdelay $0xe  }
0x171: {  	s10 =	spop (v2sf)  }
0x172: {  	p1 =	sgt.f32 s10, $0.0e+00  }
.Ltmp7:
0x173: {  	_ = 	snop;
	(pc) =	sbr.rel @p1 .LBB2_7-.Ltmp7, $3  }
0x174: {  	_ =	sdelay $0x1  }
0x175: {  	[sflag:s30] =	ssyncset.done $0x0  }
0x176: {  	[sflag:s30] =	ssyncadd.s32 $0xFFFFF800  }
.LBB2_8:
0x177: {  	v11 =	vld [tilespmem:$0x10];
	_ =	sdelay $0x4  }
0x178: {  	v12 =	vxor.u32 $0x80000000, v11  }
0x179: {  	(xrf1) =	vsort.ascd.msk.u32 $0xffff, v12, v1;
	_ =	sdelay $0xd  }
0x17a: {  	v13, v14, _ =	vpop (xrf1)  }
0x17b: {  	v13 =	vxor.u32 $0x80000000, v13  }
0x17c: {  	[tilespmem:$0xA180] =	vst v13  }
0x17d: {  	v15 =	vld.idx.msk [tilespmem:v7+s19+$0x0], $0xffff;
	_ =	sdelay $0x4  }
0x17e: {  	vm2 =	veq.s32 v13, v15  }
0x17f: {  	vm2 =	vmand vm2, vm1  }
0x180: {  	v13 =	vsel vm2, $0x1, v8  }
0x181: {  	[tilespmem:v14+s20+$0x0] =	vst.idx.msk $0xffff, v13  }
0x182: {  	v13 =	vld [tilespmem:$0xA200];
	_ =	sdelay $0x4  }
0x183: {  	vm2 =	veq.s32 v13, $0x1  }
0x184: {  	v13 =	vsel vm2, $0x3F800000, v0  }
0x185: {  	(xrf0) =	vmax.scan.msk.f32 $0xffff, v13;
	_ =	sdelay $0x5  }
0x186: {  	v13, _, _ =	vpop (xrf0)  }
0x187: {  	(v2sf) =	vpush v13, $0xF;
	_ =	sdelay $0xe  }
0x188: {  	s28 =	spop (v2sf)  }
0x189: {  	p1 =	sgt.f32 s28, $0.0e+00  }
.Ltmp8:
0x18a: {  	_ = 	snop;
	(pc) =	sbr.rel @!p1 .LBB2_10-.Ltmp8, $4  }
0x18b: {  	_ = 	snop  }
0x18c: {  	v13 =	vsel vm2, v9, v11  }
0x18d: {  	s10 =	simm.s32 $0xA300;
	[tilespmem:$0xA300] =	vst v13  }
0x18e: {  	[spmem:s3] =	stream.indirect.scatter.add.f32 [tilespmem:s4], [sflag:$0x3], $0x80, s10, s21, $0xb8;
	[tilespmem:$0x1E000] =	vst v63  }
.LBB2_9:
0x18f: {  	v13 =	vsel vm2, v12, v10  }
0x190: {  	(xrf1) =	vsort.ascd.msk.u32 $0xffff, v13, v1;
	_ =	sdelay $0xd  }
0x191: {  	v13, v14, _ =	vpop (xrf1)  }
0x192: {  	v13 =	vxor.u32 $0x80000000, v13  }
0x193: {  	[tilespmem:$0xA180] =	vst v13  }
0x194: {  	v15 =	vld.idx.msk [tilespmem:v7+s19+$0x0], $0xffff;
	_ =	sdelay $0x4  }
0x195: {  	vm3 =	veq.s32 v13, v15  }
0x196: {  	vm3 =	vmand vm3, vm1  }
0x197: {  	v13 =	vsel vm3, $0x1, v8  }
0x198: {  	[tilespmem:v14+s20+$0x0] =	vst.idx.msk $0xffff, v13  }
0x199: {  	v13 =	vld [tilespmem:$0xA200];
	_ =	sdelay $0x4  }
0x19a: {  	vm3 =	vne.s32 v13, $0x1  }
0x19b: {  	vm3 =	vmand vm2, vm3  }
0x19c: {  	v14 =	vsel vm3, v11, v9  }
0x19d: {  	vm3 =	veq.s32 v13, $0x1;
	[tilespmem:$0xA680] =	vst v14  }
0x19e: {  	vm2 =	vmand vm2, vm3;
	[spmem:s3] =	stream.indirect.scatter.add.f32 [tilespmem:s4], [sflag:$0x4], $0x80, s23, s21, $0xb8;
	[tilespmem:$0x1E000] =	vst v63  }
0x19f: {  	v13 =	vsel vm2, $0x3F800000, v0;
	_ =	swait.ge [sflag:s30], $0x800  }
0x1a0: {  	(xrf0) =	vmax.scan.msk.f32 $0xffff, v13;
	_ =	sdelay $0x5  }
0x1a1: {  	v13, _, _ =	vpop (xrf0)  }
0x1a2: {  	(v2sf) =	vpush v13, $0xF;
	_ =	sdelay $0xe  }
0x1a3: {  	s10 =	spop (v2sf)  }
0x1a4: {  	p1 =	sgt.f32 s10, $0.0e+00  }
.Ltmp9:
0x1a5: {  	_ = 	snop;
	(pc) =	sbr.rel @p1 .LBB2_9-.Ltmp9, $3  }
0x1a6: {  	_ =	sdelay $0x1  }
0x1a7: {  	[sflag:s30] =	ssyncset.done $0x0  }
0x1a8: {  	[sflag:s30] =	ssyncadd.s32 $0xFFFFF800  }
.LBB2_10:
0x1a9: {  	v11 =	vld [tilespmem:$0x20];
	_ =	sdelay $0x4  }
0x1aa: {  	v12 =	vxor.u32 $0x80000000, v11  }
0x1ab: {  	(xrf1) =	vsort.ascd.msk.u32 $0xffff, v12, v1;
	_ =	sdelay $0xd  }
0x1ac: {  	v13, v14, _ =	vpop (xrf1)  }
0x1ad: {  	v13 =	vxor.u32 $0x80000000, v13  }
0x1ae: {  	[tilespmem:$0xA180] =	vst v13  }
0x1af: {  	v15 =	vld.idx.msk [tilespmem:v7+s19+$0x0], $0xffff;
	_ =	sdelay $0x4  }
0x1b0: {  	vm2 =	veq.s32 v13, v15  }
0x1b1: {  	vm2 =	vmand vm2, vm1  }
0x1b2: {  	v13 =	vsel vm2, $0x1, v8  }
0x1b3: {  	[tilespmem:v14+s20+$0x0] =	vst.idx.msk $0xffff, v13  }
0x1b4: {  	v13 =	vld [tilespmem:$0xA200];
	_ =	sdelay $0x4  }
0x1b5: {  	vm2 =	veq.s32 v13, $0x1  }
0x1b6: {  	v13 =	vsel vm2, $0x3F800000, v0  }
0x1b7: {  	(xrf0) =	vmax.scan.msk.f32 $0xffff, v13;
	_ =	sdelay $0x5  }
0x1b8: {  	v13, _, _ =	vpop (xrf0)  }
0x1b9: {  	(v2sf) =	vpush v13, $0xF;
	_ =	sdelay $0xe  }
0x1ba: {  	s10 =	spop (v2sf)  }
0x1bb: {  	p1 =	sgt.f32 s10, $0.0e+00  }
.Ltmp10:
0x1bc: {  	_ = 	snop;
	(pc) =	sbr.rel @!p1 .LBB2_12-.Ltmp10, $4  }
0x1bd: {  	_ = 	snop  }
0x1be: {  	v13 =	vsel vm2, v9, v11  }
0x1bf: {  	[tilespmem:$0xA380] =	vst v13  }
0x1c0: {  	[spmem:s3] =	stream.indirect.scatter.add.f32 [tilespmem:s31], [sflag:$0x3], $0x80, s1, s21, $0xb8;
	[tilespmem:$0x1E000] =	vst v63  }
.LBB2_11:
0x1c1: {  	v13 =	vsel vm2, v12, v10  }
0x1c2: {  	(xrf1) =	vsort.ascd.msk.u32 $0xffff, v13, v1;
	_ =	sdelay $0xd  }
0x1c3: {  	v13, v14, _ =	vpop (xrf1)  }
0x1c4: {  	v13 =	vxor.u32 $0x80000000, v13  }
0x1c5: {  	[tilespmem:$0xA180] =	vst v13  }
0x1c6: {  	v15 =	vld.idx.msk [tilespmem:v7+s19+$0x0], $0xffff;
	_ =	sdelay $0x4  }
0x1c7: {  	vm3 =	veq.s32 v13, v15  }
0x1c8: {  	vm3 =	vmand vm3, vm1  }
0x1c9: {  	v13 =	vsel vm3, $0x1, v8  }
0x1ca: {  	[tilespmem:v14+s20+$0x0] =	vst.idx.msk $0xffff, v13  }
0x1cb: {  	v13 =	vld [tilespmem:$0xA200];
	_ =	sdelay $0x4  }
0x1cc: {  	vm3 =	vne.s32 v13, $0x1  }
0x1cd: {  	vm3 =	vmand vm2, vm3  }
0x1ce: {  	v14 =	vsel vm3, v11, v9  }
0x1cf: {  	vm3 =	veq.s32 v13, $0x1;
	[tilespmem:$0xA680] =	vst v14  }
0x1d0: {  	vm2 =	vmand vm2, vm3;
	[spmem:s3] =	stream.indirect.scatter.add.f32 [tilespmem:s31], [sflag:$0x4], $0x80, s23, s21, $0xb8;
	[tilespmem:$0x1E000] =	vst v63  }
0x1d1: {  	v13 =	vsel vm2, $0x3F800000, v0;
	_ =	swait.ge [sflag:s30], $0x800  }
0x1d2: {  	(xrf0) =	vmax.scan.msk.f32 $0xffff, v13;
	_ =	sdelay $0x5  }
0x1d3: {  	v13, _, _ =	vpop (xrf0)  }
0x1d4: {  	(v2sf) =	vpush v13, $0xF;
	_ =	sdelay $0xe  }
0x1d5: {  	s10 =	spop (v2sf)  }
0x1d6: {  	p1 =	sgt.f32 s10, $0.0e+00  }
.Ltmp11:
0x1d7: {  	_ = 	snop;
	(pc) =	sbr.rel @p1 .LBB2_11-.Ltmp11, $3  }
0x1d8: {  	_ =	sdelay $0x1  }
0x1d9: {  	[sflag:s30] =	ssyncset.done $0x0  }
0x1da: {  	[sflag:s30] =	ssyncadd.s32 $0xFFFFF800  }
.LBB2_12:
0x1db: {  	v11 =	vld [tilespmem:$0x30];
	_ =	sdelay $0x4  }
0x1dc: {  	v12 =	vxor.u32 $0x80000000, v11  }
0x1dd: {  	(xrf1) =	vsort.ascd.msk.u32 $0xffff, v12, v1;
	_ =	sdelay $0xd  }
0x1de: {  	v13, v14, _ =	vpop (xrf1)  }
0x1df: {  	v13 =	vxor.u32 $0x80000000, v13  }
0x1e0: {  	[tilespmem:$0xA180] =	vst v13  }
0x1e1: {  	v15 =	vld.idx.msk [tilespmem:v7+s19+$0x0], $0xffff;
	_ =	sdelay $0x4  }
0x1e2: {  	vm2 =	veq.s32 v13, v15  }
0x1e3: {  	vm2 =	vmand vm2, vm1  }
0x1e4: {  	v13 =	vsel vm2, $0x1, v8  }
0x1e5: {  	[tilespmem:v14+s20+$0x0] =	vst.idx.msk $0xffff, v13  }
0x1e6: {  	v13 =	vld [tilespmem:$0xA200];
	_ =	sdelay $0x4  }
0x1e7: {  	vm2 =	veq.s32 v13, $0x1  }
0x1e8: {  	v13 =	vsel vm2, $0x3F800000, v0  }
0x1e9: {  	(xrf0) =	vmax.scan.msk.f32 $0xffff, v13;
	_ =	sdelay $0x5  }
0x1ea: {  	v13, _, _ =	vpop (xrf0)  }
0x1eb: {  	(v2sf) =	vpush v13, $0xF;
	_ =	sdelay $0xe  }
0x1ec: {  	s10 =	spop (v2sf)  }
0x1ed: {  	p1 =	sgt.f32 s10, $0.0e+00  }
.Ltmp12:
0x1ee: {  	_ = 	snop;
	(pc) =	sbr.rel @!p1 .LBB2_14-.Ltmp12, $4  }
0x1ef: {  	_ = 	snop  }
0x1f0: {  	v13 =	vsel vm2, v9, v11  }
0x1f1: {  	[tilespmem:$0xA400] =	vst v13  }
0x1f2: {  	[spmem:s3] =	stream.indirect.scatter.add.f32 [tilespmem:s2], [sflag:$0x3], $0x80, s0, s21, $0xb8;
	[tilespmem:$0x1E000] =	vst v63  }
.LBB2_13:
0x1f3: {  	v13 =	vsel vm2, v12, v10  }
0x1f4: {  	(xrf1) =	vsort.ascd.msk.u32 $0xffff, v13, v1;
	_ =	sdelay $0xd  }
0x1f5: {  	v13, v14, _ =	vpop (xrf1)  }
0x1f6: {  	v13 =	vxor.u32 $0x80000000, v13  }
0x1f7: {  	[tilespmem:$0xA180] =	vst v13  }
0x1f8: {  	v15 =	vld.idx.msk [tilespmem:v7+s19+$0x0], $0xffff;
	_ =	sdelay $0x4  }
0x1f9: {  	vm3 =	veq.s32 v13, v15  }
0x1fa: {  	vm3 =	vmand vm3, vm1  }
0x1fb: {  	v13 =	vsel vm3, $0x1, v8  }
0x1fc: {  	[tilespmem:v14+s20+$0x0] =	vst.idx.msk $0xffff, v13  }
0x1fd: {  	v13 =	vld [tilespmem:$0xA200];
	_ =	sdelay $0x4  }
0x1fe: {  	vm3 =	vne.s32 v13, $0x1  }
0x1ff: {  	vm3 =	vmand vm2, vm3  }
0x200: {  	v14 =	vsel vm3, v11, v9  }
0x201: {  	vm3 =	veq.s32 v13, $0x1;
	[tilespmem:$0xA680] =	vst v14  }
0x202: {  	vm2 =	vmand vm2, vm3;
	[spmem:s3] =	stream.indirect.scatter.add.f32 [tilespmem:s2], [sflag:$0x4], $0x80, s23, s21, $0xb8;
	[tilespmem:$0x1E000] =	vst v63  }
0x203: {  	v13 =	vsel vm2, $0x3F800000, v0;
	_ =	swait.ge [sflag:s30], $0x800  }
0x204: {  	(xrf0) =	vmax.scan.msk.f32 $0xffff, v13;
	_ =	sdelay $0x5  }
0x205: {  	v13, _, _ =	vpop (xrf0)  }
0x206: {  	(v2sf) =	vpush v13, $0xF;
	_ =	sdelay $0xe  }
0x207: {  	s10 =	spop (v2sf)  }
0x208: {  	p1 =	sgt.f32 s10, $0.0e+00  }
.Ltmp13:
0x209: {  	_ = 	snop;
	(pc) =	sbr.rel @p1 .LBB2_13-.Ltmp13, $3  }
0x20a: {  	_ =	sdelay $0x1  }
0x20b: {  	[sflag:s30] =	ssyncset.done $0x0  }
0x20c: {  	[sflag:s30] =	ssyncadd.s32 $0xFFFFF800  }
.LBB2_14:
0x20d: {  	v11 =	vld [tilespmem:$0x40];
	_ =	sdelay $0x4  }
0x20e: {  	v12 =	vxor.u32 $0x80000000, v11  }
0x20f: {  	(xrf1) =	vsort.ascd.msk.u32 $0xffff, v12, v1;
	_ =	sdelay $0xd  }
0x210: {  	v13, v14, _ =	vpop (xrf1)  }
0x211: {  	v13 =	vxor.u32 $0x80000000, v13  }
0x212: {  	[tilespmem:$0xA180] =	vst v13  }
0x213: {  	v15 =	vld.idx.msk [tilespmem:v7+s19+$0x0], $0xffff;
	_ =	sdelay $0x4  }
0x214: {  	vm2 =	veq.s32 v13, v15  }
0x215: {  	vm2 =	vmand vm2, vm1  }
0x216: {  	v13 =	vsel vm2, $0x1, v8  }
0x217: {  	[tilespmem:v14+s20+$0x0] =	vst.idx.msk $0xffff, v13  }
0x218: {  	v13 =	vld [tilespmem:$0xA200];
	_ =	sdelay $0x4  }
0x219: {  	vm2 =	veq.s32 v13, $0x1  }
0x21a: {  	v13 =	vsel vm2, $0x3F800000, v0  }
0x21b: {  	(xrf0) =	vmax.scan.msk.f32 $0xffff, v13;
	_ =	sdelay $0x5  }
0x21c: {  	v13, _, _ =	vpop (xrf0)  }
0x21d: {  	(v2sf) =	vpush v13, $0xF;
	_ =	sdelay $0xe  }
0x21e: {  	s10 =	spop (v2sf)  }
0x21f: {  	p1 =	sgt.f32 s10, $0.0e+00  }
.Ltmp14:
0x220: {  	_ = 	snop;
	(pc) =	sbr.rel @!p1 .LBB2_16-.Ltmp14, $4  }
0x221: {  	_ = 	snop  }
0x222: {  	v13 =	vsel vm2, v9, v11  }
0x223: {  	[tilespmem:$0xA480] =	vst v13  }
0x224: {  	[spmem:s3] =	stream.indirect.scatter.add.f32 [tilespmem:s6], [sflag:$0x3], $0x80, s5, s21, $0xb8;
	[tilespmem:$0x1E000] =	vst v63  }
.LBB2_15:
0x225: {  	v13 =	vsel vm2, v12, v10  }
0x226: {  	(xrf1) =	vsort.ascd.msk.u32 $0xffff, v13, v1;
	_ =	sdelay $0xd  }
0x227: {  	v13, v14, _ =	vpop (xrf1)  }
0x228: {  	v13 =	vxor.u32 $0x80000000, v13  }
0x229: {  	[tilespmem:$0xA180] =	vst v13  }
0x22a: {  	v15 =	vld.idx.msk [tilespmem:v7+s19+$0x0], $0xffff;
	_ =	sdelay $0x4  }
0x22b: {  	vm3 =	veq.s32 v13, v15  }
0x22c: {  	vm3 =	vmand vm3, vm1  }
0x22d: {  	v13 =	vsel vm3, $0x1, v8  }
0x22e: {  	[tilespmem:v14+s20+$0x0] =	vst.idx.msk $0xffff, v13  }
0x22f: {  	v13 =	vld [tilespmem:$0xA200];
	_ =	sdelay $0x4  }
0x230: {  	vm3 =	vne.s32 v13, $0x1  }
0x231: {  	vm3 =	vmand vm2, vm3  }
0x232: {  	v14 =	vsel vm3, v11, v9  }
0x233: {  	vm3 =	veq.s32 v13, $0x1;
	[tilespmem:$0xA680] =	vst v14  }
0x234: {  	vm2 =	vmand vm2, vm3;
	[spmem:s3] =	stream.indirect.scatter.add.f32 [tilespmem:s6], [sflag:$0x4], $0x80, s23, s21, $0xb8;
	[tilespmem:$0x1E000] =	vst v63  }
0x235: {  	v13 =	vsel vm2, $0x3F800000, v0;
	_ =	swait.ge [sflag:s30], $0x800  }
0x236: {  	(xrf0) =	vmax.scan.msk.f32 $0xffff, v13;
	_ =	sdelay $0x5  }
0x237: {  	v13, _, _ =	vpop (xrf0)  }
0x238: {  	(v2sf) =	vpush v13, $0xF;
	_ =	sdelay $0xe  }
0x239: {  	s10 =	spop (v2sf)  }
0x23a: {  	p1 =	sgt.f32 s10, $0.0e+00  }
.Ltmp15:
0x23b: {  	_ = 	snop;
	(pc) =	sbr.rel @p1 .LBB2_15-.Ltmp15, $3  }
0x23c: {  	_ =	sdelay $0x1  }
0x23d: {  	[sflag:s30] =	ssyncset.done $0x0  }
0x23e: {  	[sflag:s30] =	ssyncadd.s32 $0xFFFFF800  }
.Ltmp16:
0x23f: {  	_ = 	snop;
	(pc) =	sbr.rel .LBB2_16-.Ltmp16, $1  }
0x240: {  	_ =	sdelay $0x3  }
.LBB2_18:
0x241: {  	_ =	sfence.sel $0x180000  }
0x242: {  	[bflag:$0x0] =	sbarrier.arrive $0xFFFF  }
0x243: {  	_ =	strace $0x9000004A  }
0x244: {  	s0 =	stileid.u32;
	[bflag:$0x2] =	sbarrier.arrive $0xFFFF  }
0x245: {  	p0 =	sne.s32 s0, $0x0;
	s0 =	rddreg [dreg:$0x3]  }
0x246: {  	s0 =	sadd.s32 @!p0 $0x100000, s0  }
0x247: {  	[sflag:s0] =	ssyncadd.tile.s32 @!p0 $0x1;
	_ =	shalt  }
.Lfunc_end2:
_tile_overlayer_lowered:
.L_overlay_start_2:
0x248: {  	(tag) =	ssettag $0x2  }
0x249: {  	s0 =	rddreg [dreg:$0x0];
	s2 =	stileid.u32  }
0x24a: {  	s1 =	rddreg [dreg:$0x1];
	p0 =	sne.s32 s2, $0x0  }
0x24b: {  	s3 =	rddreg [dreg:$0x2];
	[bflag:$0x3] =	sbarrier.arrive $0xFFFF;
	s2 =	simm.s32 @!p0 $0x1C04  }
0x24c: {  	[timem:s3], [sflag:s2] =	dma.local @!p0 [hbm:s0], s1  }
0x24d: {  	s0 =	simm.s32 @!p0 $0x4  }
0x24e: {  	_ =	swait.ge @!p0 [sflag:s0], s1  }
0x24f: {  	s1 =	ssub.s32 @!p0 $0x0, s1;
	[sflag:s0] =	ssyncset.done @!p0 $0x0  }
0x250: {  	[sflag:s0] =	ssyncadd.s32 @!p0 s1  }
0x251: {  	[bflag:$0x3] =	sbarrier.arrive $0xFFFF  }
0x252: {  	_ =	shalt  }

// kernel: kernel.7.cloned.1.call-start
scs
__scs_entry_jumppad:
0x0: {  	(pc) =	sbr.rel $0x88, $3  }
0x1: {  	(tag) =	ssettag $0x0;
	lr =	simm.s32 $0x1  }
0x2: {  	[smem:$0x3F8B] =	sst lr;
	_ =	strace $0xD0000000  }
0x3: {  	_ = 	snop  }
0x4: {  	_ = 	snop  }
0x5: {  	_ = 	snop  }
0x6: {  	_ = 	snop  }
0x7: {  	_ = 	snop  }
__scs_overlays_trampoline_lowered:
0x8: {  	[smem:$0x3F9A] =	sst s0  }
0x9: {  	[smem:$0x3F9B] =	sst s1  }
0xa: {  	[smem:$0x3F9C] =	sst s2  }
0xb: {  	[smem:$0x3F9D] =	sst s3  }
0xc: {  	[smem:$0x3F9E] =	sst s4  }
0xd: {  	[smem:$0x3F9F] =	sst s5  }
0xe: {  	[smem:$0x3FA0] =	sst s6  }
0xf: {  	[smem:$0x3FA1] =	sst s7  }
0x10: {  	[smem:$0x3FA2] =	sst s8  }
0x11: {  	[smem:$0x3FA3] =	sst s9;
	s0 =	simm.s32 @!p0 $0x0  }
0x12: {  	s1 =	sld [smem:$0x3F89];
	s0 =	simm.s32 @p0 $0x1  }
0x13: {  	[smem:$0x3FA4] =	sst s0;
	s0 =	simm.s32 @!p1 $0x0  }
0x14: {  	s2 =	sld [smem:$0x3F88];
	s0 =	simm.s32 @p1 $0x1  }
0x15: {  	[smem:$0x3FA5] =	sst s0;
	s0 =	simm.s32 @!p2 $0x0  }
0x16: {  	s3 =	sld [smem:$0x3FDB];
	s0 =	simm.s32 @p2 $0x1  }
0x17: {  	s4 =	simm.s32 $0x1BF5;
	[smem:$0x3FA7] =	sst s0  }
0x18: {  	s0 =	sld [smem:$0x3F8A];
	_ =	swait.ge [sflag:s4], $0x0  }
0x19: {  	s7 =	sld [smem:$0x3F8B]  }
0x1a: {  	s8 =	sadd.s32 $0xFFFFE003, lr  }
0x1b: {  	s9 =	sadd.s32 $0xFFFFFEF7, lr;
	s5 =	simm.s32 $0xFFFFFFFF;
	p2 =	slt.u32 s8, $0xFFFFF086  }
0x1c: {  	p1 =	slt.u32 s9, $0xF7A;
	s5 =	simm.s32 @!p2 $0x0  }
0x1d: {  	s5 =	simm.s32 @p1 $0x1;
	p0 =	seq.s32 s7, s2  }
0x1e: {  	s7 =	smul.u32 @!p0 $0xF7A, s2;
	p2 =	seq.s32 @!p0 s5, $0x0  }
0x1f: {  	s9 =	smul.u32 $0xF7A, s1;
	s8 =	simm.s32 @!p0 $0x1BF5;
	p2 =	por !p2, p0  }
0x20: {  	[sflag:s8] =	ssyncset.s32 @!p0 $0xFFFFF086;
	s6 =	sadd.s32 @!p0 s3, s7;
	s7 =	simm.s32 @!p0 $0x108  }
0x21: {  	s3 =	sadd.s32 s3, s9;
	s6 =	sadd.s32 @!p0 $0x88, s6;
	s7 =	simm.s32 @p2 $0x1082  }
0x22: {  	[simem:s7], [sflag:s8] =	dma.local @!p0 [hbm:s6], $0xF7A  }
0x23: {  	s9 =	sor.u32 $0xD0000000, s2;
	s6 =	simm.s32 $0x108;
	_ =	swait.ge @!p0 [sflag:s8], $0x0  }
0x24: {  	s3 =	sadd.s32 $0x88, s3;
	s6 =	simm.s32 @!p1 $0x1082;
	[sflag:s4] =	ssyncset.s32 $0xFFFFF086  }
0x25: {  	[simem:s6], [sflag:s4] =	dma.local [hbm:s3], $0xF7A  }
0x26: {  	[smem:$0x3F8B] =	sst s1;
	(tag) =	ssettag s2;
	_ =	strace s9  }
0x27: {  	s1 =	sld [smem:$0x3F9B]  }
0x28: {  	s2 =	sld [smem:$0x3F9C]  }
0x29: {  	s4 =	sld [smem:$0x3F9E]  }
0x2a: {  	p0 =	seq.s32 s5, $0x0;
	s5 =	sld [smem:$0x3F9F]  }
0x2b: {  	s6 =	sld [smem:$0x3FA0]  }
0x2c: {  	s7 =	sld [smem:$0x3FA1]  }
0x2d: {  	s3 =	simm.s32 $0x108;
	s8 =	sld [smem:$0x3FA2]  }
0x2e: {  	s3 =	simm.s32 @!p0 $0x1082;
	s9 =	sld [smem:$0x3FA3]  }
0x2f: {  	lr =	sadd.s32 s0, s3;
	s0 =	sld [smem:$0x3F9A]  }
0x30: {  	s3 =	sld [smem:$0x3F9D]  }
0x31: {  	[smem:$0x3FA6] =	sst s10  }
0x32: {  	s10 =	sld [smem:$0x3FA4];
	_ =	sdelay $0x3  }
0x33: {  	p0 =	seq.s32 s10, $0x1;
	s10 =	sld [smem:$0x3FA6];
	_ =	sdelay $0x3  }
0x34: {  	[smem:$0x3FA6] =	sst s10  }
0x35: {  	s10 =	sld [smem:$0x3FA5];
	_ =	sdelay $0x3  }
0x36: {  	p1 =	seq.s32 s10, $0x1;
	s10 =	sld [smem:$0x3FA6];
	_ =	sdelay $0x3  }
0x37: {  	[smem:$0x3FA6] =	sst s10  }
0x38: {  	s10 =	sld [smem:$0x3FA7]  }
0x39: {  	_ = 	snop;
	(pc) =	sbr.ind lr, $3  }
0x3a: {  	_ = 	snop  }
0x3b: {  	_ = 	snop  }
0x3c: {  	p2 =	seq.s32 s10, $0x1;
	s10 =	sld [smem:$0x3FA6]  }
0x3d: {  	_ =	shalt  }
0x3e: {  	_ =	shalt  }
0x3f: {  	_ =	shalt  }
0x40: {  	_ =	shalt  }
0x41: {  	_ =	shalt  }
0x42: {  	_ =	shalt  }
0x43: {  	_ =	shalt  }
0x44: {  	_ =	shalt  }
0x45: {  	_ =	shalt  }
0x46: {  	_ =	shalt  }
0x47: {  	_ =	shalt  }
0x48: {  	_ =	shalt  }
0x49: {  	_ =	shalt  }
0x4a: {  	_ =	shalt  }
0x4b: {  	_ =	shalt  }
0x4c: {  	_ =	shalt  }
0x4d: {  	_ =	shalt  }
0x4e: {  	_ =	shalt  }
0x4f: {  	_ =	shalt  }
0x50: {  	_ =	shalt  }
0x51: {  	_ =	shalt  }
0x52: {  	_ =	shalt  }
0x53: {  	_ =	shalt  }
0x54: {  	_ =	shalt  }
0x55: {  	_ =	shalt  }
0x56: {  	_ =	shalt  }
0x57: {  	_ =	shalt  }
0x58: {  	_ =	shalt  }
0x59: {  	_ =	shalt  }
0x5a: {  	_ =	shalt  }
0x5b: {  	_ =	shalt  }
0x5c: {  	_ =	shalt  }
0x5d: {  	_ =	shalt  }
0x5e: {  	_ =	shalt  }
0x5f: {  	_ =	shalt  }
0x60: {  	_ =	shalt  }
0x61: {  	_ =	shalt  }
0x62: {  	_ =	shalt  }
0x63: {  	_ =	shalt  }
0x64: {  	_ =	shalt  }
0x65: {  	_ =	shalt  }
0x66: {  	_ =	shalt  }
0x67: {  	_ =	shalt  }
0x68: {  	_ =	shalt  }
0x69: {  	_ =	shalt  }
0x6a: {  	_ =	shalt  }
0x6b: {  	_ =	shalt  }
0x6c: {  	_ =	shalt  }
0x6d: {  	_ =	shalt  }
0x6e: {  	_ =	shalt  }
0x6f: {  	_ =	shalt  }
0x70: {  	_ =	shalt  }
0x71: {  	_ =	shalt  }
0x72: {  	_ =	shalt  }
0x73: {  	_ =	shalt  }
0x74: {  	_ =	shalt  }
0x75: {  	_ =	shalt  }
0x76: {  	_ =	shalt  }
0x77: {  	_ =	shalt  }
0x78: {  	_ =	shalt  }
0x79: {  	_ =	shalt  }
0x7a: {  	_ =	shalt  }
0x7b: {  	_ =	shalt  }
0x7c: {  	_ =	shalt  }
0x7d: {  	_ =	shalt  }
0x7e: {  	_ =	shalt  }
0x7f: {  	_ =	shalt  }
0x80: {  	_ =	shalt  }
0x81: {  	_ =	shalt  }
0x82: {  	_ =	shalt  }
0x83: {  	_ =	shalt  }
0x84: {  	_ =	shalt  }
0x85: {  	_ =	shalt  }
0x86: {  	_ =	shalt  }
0x87: {  	_ =	shalt  }
.Lfunc_end0:
.L_simem_size_0:
called_computation_lowered:
.L_overlay_start_0:
0x88: {  	s2 =	sld [smem:$0x3FD9]  }
0x89: {  	s3 =	sld [smem:$0x3FFE];
	_ =	sdelay $0x1  }
0x8a: {  	s1 =	srdreg.scid  }
0x8b: {  	s0 =	sand.u32 $0x1, s1  }
0x8c: {  	s17 =	sshll.u32 s0, $0xA;
	s2 =	sadd.s32 s3, s2  }
0x8d: {  	s2 =	sadd.s32 s2, s17  }
0x8e: {  	[smem:$0x3FB2] =	sst s2  }
0x8f: {  	_ = 	snop  }
0x90: {  	s2 =	sld [smem:$0x3FD0];
	(tm) =	ssettm $0x1  }
0x91: {  	s18 =	sld [smem:$0x3FFB];
	_ =	sdelay $0x3  }
0x92: {  	_ =	strace s18  }
0x93: {  	s3 =	sld [smem:$0x3FFC];
	_ =	sdelay $0x3  }
0x94: {  	_ =	strace s3  }
0x95: {  	s3 =	sld [smem:$0x3FFD];
	_ =	sdelay $0x3  }
0x96: {  	_ =	strace s3  }
0x97: {  	_ =	strace $0x8FFFFFFF  }
0x98: {  	s19 =	sld [smem:$0x3FDB];
	_ =	sdelay $0x1  }
0x99: {  	s4 =	simm.s32 $_scs_section_size  }
0x9a: {  	s5 =	simm.s32 $_size__tile_overlayer_lowered;
	s6 =	simm.s32 $_tile_overlayer_lowered  }
0x9b: {  	s22 =	simm.s32 $0x1BFF;
	s21 =	sshll.u32 s6, $0x1;
	s3 =	sadd.s32 s4, s19  }
0x9c: {  	s7 =	simm.s32 $0x0;
	s20 =	sshll.u32 s5, $0x1;
	s5 =	sadd.s32 s21, s3  }
0x9d: {  	[timem:s7], [sflag:s22] =	dma.local [hbm:s5], s20  }
0x9e: {  	_ =	swait.ge [sflag:s22], s20  }
0x9f: {  	s4 =	ssub.s32 $0x0, s20;
	[sflag:s22] =	ssyncset.done $0x0  }
0xa0: {  	[sflag:s22] =	ssyncadd.s32 s4;
	_ =	sdelay $0x1  }
0xa1: {  	s23 =	simm.s32 $0x1B8B  }
0xa2: {  	_ =	swait.ge [sflag:s23], $0x1  }
0xa3: {  	[sflag:s23] =	ssyncset.done $0x0  }
0xa4: {  	s25 =	simm.s32 $0x1B8E;
	s24 =	sld [smem:$0x3FFE];
	[sflag:s23] =	ssyncadd.s32 $0xFFFFFFFF  }
0xa5: {  	s26 =	simm.s32 $execute0_lowered;
	[smem:$0x3FD2] =	sst s25  }
0xa6: {  	s5 =	sshll.u32 s26, $0x1;
	_ =	strace $0x80000046;
	[dreg:$0x1] =	wrdreg $0xFFFFFFFF  }
0xa7: {  	s28 =	simm.s32 $_size_execute0_lowered;
	s3 =	sadd.s32 s3, s5;
	[dreg:$0x0] =	wrdreg $0x0  }
0xa8: {  	s5 =	sshll.u32 s28, $0x1;
	[dreg:$0x2] =	wrdreg s3  }
0xa9: {  	[dreg:$0x3] =	wrdreg s5  }
0xaa: {  	[dreg:$0x4] =	wrdreg $0xC0  }
0xab: {  	_ =	task [dreg:s7], $0x5FFFF  }
0xac: {  	[dreg:$0x1] =	wrdreg $0xFFFFFFFF  }
0xad: {  	[dreg:$0x0] =	wrdreg $0x60  }
0xae: {  	[dreg:$0x2] =	wrdreg s24  }
0xaf: {  	[dreg:$0x3] =	wrdreg s2  }
0xb0: {  	[dreg:$0x4] =	wrdreg $0xA7000  }
0xb1: {  	[dreg:$0x5] =	wrdreg $0x9  }
0xb2: {  	_ =	task.clear_ibuf [dreg:s7], $0x6FFFF;
	_ =	strace $0x90000046  }
0xb3: {  	s29 =	simm.s32 $0x9;
	_ =	strace $0x80000048  }
0xb4: {  	_ =	swait.ge [sflag:s29], $0x1  }
0xb5: {  	[sflag:s29] =	ssyncadd.s32 $0xFFFFFFFF  }
0xb6: {  	_ =	strace $0x90000048  }
0xb7: {  	_ =	sfence  }
0xb8: {  	s30 =	sld [smem:$0x0];
	_ =	sdelay $0x2  }
0xb9: {  	s31 =	sshll.u32 s1, $0xD;
	s1 =	sshrl.u32 s1, $0x2  }
0xba: {  	s3 =	sand.u32 $0x4000, s31;
	s1 =	sadd.s32 s1, s30  }
0xbb: {  	s0 =	sor.u32 s3, s0;
	s1 =	sshll.u32 s1, $0x11  }
0xbc: {  	s0 =	sor.u32 s1, s0  }
0xbd: {  	s0 =	sadd.s32 $0x8F2B, s0  }
0xbe: {  	[sflag:s0] =	ssyncadd.remote.s32 $0x1  }
0xbf: {  	_ =	sfence.sel $0xFFFF  }
0xc0: {  	[dreg:$0x0] =	wrdreg $0xFFFFFFFF;
	(pc) =	sbr.abs _section_cstart, $3  }
0xc1: {  	[dreg:$0x1] =	wrdreg $0xFFFFFFFF  }
0xc2: {  	_ =	task.clear_ibuf [dreg:s7], $0x2FFFF;
	_ =	strace $0x9FFFFFFF  }
0xc3: {  	(tm) =	ssettm $0x7FFFFFFF  }
tec
execute0_lowered:
.L_overlay_start_1:
0x0: {  	(tag) =	ssettag $0x1  }
0x1: {  	s0 =	rddreg [dreg:$0x0]  }
0x2: {  	s3 =	rddreg [dreg:$0x2];
	s1 =	srdreg.scid;
	s4 =	simm.s32 $0x0  }
0x3: {  	s18 =	stileid.u32;
	s2 =	simm.s32 $0x0;
	s29 =	simm.s32 $0x7900  }
0x4: {  	s30 =	simm.s32 $0x4;
	s31 =	simm.s32 $0x8900;
	[dreg:$0x4] =	wrdreg s2  }
0x5: {  	s1 =	sand.u32 $0x1, s1;
	[smem:$0x7FF] =	sst s4;
	s28 =	smul.u32 $0x13800, s18  }
0x6: {  	s5 =	sadd.s32 $0x81400, s0;
	p0 =	sne.s32 s18, $0xF;
	s26 =	ssub.s32 $0x2, s1  }
0x7: {  	_ =	strace $0x80000047;
	s10 =	smul.u32 $0x138800, s1;
	s1 =	sshll.u32 s1, $0x4  }
0x8: {  	s6 =	sshrl.u32 s26, $0x1;
	s7 =	sadd.s32 $0x2800, s28;
	s8 =	sadd.s32 $0x5000, s28  }
0x9: {  	s9 =	sadd.s32 $0x7800, s28;
	s11 =	sadd.s32 $0xA000, s28;
	s12 =	sadd.s32 $0xC800, s28  }
0xa: {  	s16 =	sadd.s32 $0xF000, s28;
	s17 =	sadd.s32 $0x11800, s28;
	s2 =	ssub.s32 s26, s6  }
0xb: {  	s6 =	smul.u32 $0x4E000, s18;
	s4 =	sadd.s32 s28, s10;
	s13 =	sadd.s32 s10, s7  }
0xc: {  	s14 =	sadd.s32 s10, s8;
	s19 =	sadd.s32 s10, s9;
	s20 =	sadd.s32 s10, s11  }
0xd: {  	s21 =	sadd.s32 s10, s12;
	s24 =	sadd.s32 s10, s16;
	s25 =	sadd.s32 s10, s17  }
0xe: {  	s10 =	sshrl.u32 s10, $0x3;
	s4 =	sshrl.u32 s4, $0x3;
	s13 =	sshrl.u32 s13, $0x3  }
0xf: {  	s15 =	sshrl.u32 s14, $0x3;
	s28 =	sadd.s32 s5, s10;
	s10 =	sadd.s32 s7, s3  }
0x10: {  	s23 =	sshrl.u32 s21, $0x3;
	s21 =	sadd.s32 s11, s3;
	[dreg:$0xe] =	wrdreg s10  }
0x11: {  	s14 =	sadd.s32 $0xC000, s0;
	s4 =	sadd.s32 s5, s4;
	[dreg:$0x11] =	wrdreg s21  }
0x12: {  	s7 =	simm.s32 $0x3;
	s13 =	sadd.s32 s5, s13;
	[dreg:$0x5] =	wrdreg s4  }
0x13: {  	s6 =	sshrl.u32 s6, $0x2;
	[dreg:$0x6] =	wrdreg s13;
	s4 =	sadd.s32 s5, s15  }
0x14: {  	s13 =	sshrl.u32 s20, $0x3;
	s20 =	sadd.s32 s9, s3;
	[dreg:$0x7] =	wrdreg s4  }
0x15: {  	s21 =	simm.s32 $0x10;
	s22 =	sadd.s32 s5, s13;
	[dreg:$0x10] =	wrdreg s20  }
0x16: {  	s4 =	sshrl.u32 s19, $0x3;
	s19 =	sadd.s32 s8, s3;
	[dreg:$0x9] =	wrdreg s22  }
0x17: {  	s13 =	sshrl.u32 s25, $0x3;
	s25 =	sadd.s32 $0x27000, s28;
	[dreg:$0xf] =	wrdreg s19  }
0x18: {  	s15 =	sadd.s32 $0x2200, s0;
	s28 =	sadd.s32 $0x138000, s3;
	[dreg:$0x15] =	wrdreg s25  }
0x19: {  	v2 =	vimm.s32 $0x76543210;
	v3 =	vimm.s32 $0xFEDCBA98;
	s20 =	simm.s32 $0xA200;
	s4 =	sadd.s32 s5, s4;
	[dreg:$0x17] =	wrdreg s28  }
0x1a: {  	v0 =	vimm.f32 $0.0e+00;
	v4 =	vimm.s32 $0x3210FEDC;
	v6 =	vimm.s32 $0xBA987654;
	s26 =	sadd.s32 s5, s13;
	s13 =	sadd.s32 $0x5A200, s0;
	[dreg:$0x8] =	wrdreg s4  }
0x1b: {  	v1 =	vlaneseq.u32;
	v7 =	vimm.s32 $0xEDCBA987;
	v8 =	vimm.s32 $0x6543210F;
	s22 =	sadd.s32 s12, s3;
	s19 =	simm.s32 $0xA180;
	[dreg:$0xc] =	wrdreg s26  }
0x1c: {  	vm0 =	vmmov $0xffff;
	vm1 =	vcmask $0x3F04;
	v5 =	vshrl.u32 v1, $0x3;
	s0 =	simm.s32 $0xA400;
	s4 =	sadd.s32 s5, s23;
	[dreg:$0x12] =	wrdreg s22  }
0x1d: {  	v3 =	vunpack.c.l.s4.s8 v3;
	v4 =	vunpack.c.l.s4.s8 v4;
	v6 =	vunpack.c.l.s4.s8 v6;
	s23 =	sadd.s32 s16, s3;
	s26 =	smax.u32 s2, $0x1;
	[dreg:$0xa] =	wrdreg s4  }
0x1e: {  	v7 =	vunpack.c.l.s4.s8 v7;
	v8 =	vunpack.c.l.s4.s8 v8;
	v9 =	vunpack.c.l.s4.s8 v2;
	s16 =	simm.s32 $0x1;
	s2 =	simm.s32 $0x9100;
	[dreg:$0x13] =	wrdreg s23  }
0x1f: {  	v2 =	vand.u32 $0x7, v1;
	v10 =	vunpack.c.0.s8.s32 v3;
	v4 =	vunpack.c.0.s8.s32 v4;
	s4 =	sshrl.u32 s24, $0x3;
	s24 =	sadd.s32 s17, s3;
	[dreg:$0x16] =	wrdreg s26  }
.Ltmp0:
0x20: {  	v6 =	vunpack.c.0.s8.s32 v6;
	v7 =	vunpack.c.0.s8.s32 v7;
	v8 =	vunpack.c.0.s8.s32 v8;
	s17 =	simm.s32 $0x2;
	s23 =	simm.s32 $0xA680;
	(pc) =	sbr.rel .LBB2_1-.Ltmp0, $4  }
0x21: {  	v3 =	vmul.u32 $0x8, v5;
	v5 =	vunpack.c.0.s8.s32 v9;
	v9 =	vand.u32 $0xF, v10;
	s4 =	sadd.s32 s5, s4;
	s5 =	sor.u32 s18, s1;
	[dreg:$0x14] =	wrdreg s24  }
0x22: {  	v6 =	vcombine.low v6, v4;
	v7 =	vcombine.low v8, v7;
	v4 =	vor.u32 $0x8, v1;
	s1 =	sadd.s32 s6, s3;
	s18 =	simm.s32 $0xA100;
	[dreg:$0xb] =	wrdreg s4  }
0x23: {  	v8 =	vimm.s32 $0x0;
	v10 =	vor.u32 $0x80002720, v1;
	v5 =	vcombine.low v9, v5;
	s6 =	simm.s32 $0x9900;
	[dreg:$0xd] =	wrdreg s1;
	s24 =	smul.u32 $0x2710, s5  }
0x24: {  	v9 =	vor.u32 $0x2710, v1;
	v6 =	vand.u32 $0xF, v6;
	v7 =	vand.u32 $0xF, v7;
	s4 =	simm.s32 $0x8100;
	s1 =	simm.s32 $0xA380;
	s5 =	simm.s32 $0xA480  }
.LBB2_17:
0x25: {  	s8 =	stileid.u32;
	[bflag:$0x0] =	sbarrier.arrive $0xFFFF  }
0x26: {  	s8 =	sshll.u32 s8, $0x6;
	s9 =	rddreg [dreg:$0xd]  }
0x27: {  	s10 =	rddreg [dreg:$0x5];
	s8 =	sor.u32 $0x1C04, s8;
	s9 =	sshrl.u32 s9, $0x3  }
0x28: {  	[hbm:s10], [sflag:s8] =	dma.local [spmem:s9], $0x500  }
0x29: {  	_ =	swait.ge [sflag:s30], $0x500  }
0x2a: {  	[sflag:s30] =	ssyncset.done $0x0;
	s22 =	rddreg [dreg:$0xe]  }
0x2b: {  	s25 =	rddreg [dreg:$0x6];
	[sflag:s30] =	ssyncadd.s32 $0xFFFFFB00;
	s9 =	sshrl.u32 s22, $0x3  }
0x2c: {  	[hbm:s25], [sflag:s8] =	dma.local [spmem:s9], $0x500  }
0x2d: {  	_ =	swait.ge [sflag:s30], $0x500  }
0x2e: {  	[sflag:s30] =	ssyncset.done $0x0;
	s26 =	rddreg [dreg:$0xf]  }
0x2f: {  	s28 =	rddreg [dreg:$0x7];
	[sflag:s30] =	ssyncadd.s32 $0xFFFFFB00;
	s9 =	sshrl.u32 s26, $0x3  }
0x30: {  	[hbm:s28], [sflag:s8] =	dma.local [spmem:s9], $0x500  }
0x31: {  	_ =	swait.ge [sflag:s30], $0x500  }
0x32: {  	[sflag:s30] =	ssyncset.done $0x0;
	s11 =	rddreg [dreg:$0x10]  }
0x33: {  	s12 =	rddreg [dreg:$0x8];
	[sflag:s30] =	ssyncadd.s32 $0xFFFFFB00;
	s9 =	sshrl.u32 s11, $0x3  }
0x34: {  	[hbm:s12], [sflag:s8] =	dma.local [spmem:s9], $0x500  }
0x35: {  	_ =	swait.ge [sflag:s30], $0x500  }
0x36: {  	[sflag:s30] =	ssyncset.done $0x0;
	s22 =	rddreg [dreg:$0x11]  }
0x37: {  	s25 =	rddreg [dreg:$0x9];
	[sflag:s30] =	ssyncadd.s32 $0xFFFFFB00;
	s9 =	sshrl.u32 s22, $0x3  }
0x38: {  	[hbm:s25], [sflag:s8] =	dma.local [spmem:s9], $0x500  }
0x39: {  	_ =	swait.ge [sflag:s30], $0x500  }
0x3a: {  	[sflag:s30] =	ssyncset.done $0x0;
	s26 =	rddreg [dreg:$0x12]  }
0x3b: {  	s28 =	rddreg [dreg:$0xa];
	[sflag:s30] =	ssyncadd.s32 $0xFFFFFB00;
	s9 =	sshrl.u32 s26, $0x3  }
0x3c: {  	[hbm:s28], [sflag:s8] =	dma.local [spmem:s9], $0x500  }
0x3d: {  	_ =	swait.ge [sflag:s30], $0x500  }
0x3e: {  	[sflag:s30] =	ssyncset.done $0x0;
	s11 =	rddreg [dreg:$0x13]  }
0x3f: {  	s12 =	rddreg [dreg:$0xb];
	[sflag:s30] =	ssyncadd.s32 $0xFFFFFB00;
	s9 =	sshrl.u32 s11, $0x3  }
0x40: {  	[hbm:s12], [sflag:s8] =	dma.local [spmem:s9], $0x500  }
0x41: {  	_ =	swait.ge [sflag:s30], $0x500  }
0x42: {  	[sflag:s30] =	ssyncset.done $0x0;
	s22 =	rddreg [dreg:$0x14]  }
0x43: {  	s25 =	rddreg [dreg:$0xc];
	[sflag:s30] =	ssyncadd.s32 $0xFFFFFB00;
	s9 =	sshrl.u32 s22, $0x3  }
0x44: {  	[hbm:s25], [sflag:s8] =	dma.local [spmem:s9], $0x400  }
0x45: {  	_ =	swait.ge [sflag:s30], $0x400  }
0x46: {  	[sflag:s30] =	ssyncset.done $0x0;
	s9 =	rddreg [dreg:$0x17]  }
0x47: {  	s10 =	rddreg [dreg:$0x15];
	[sflag:s30] =	ssyncadd.s32 $0xFFFFFC00;
	s9 =	sshrl.u32 @!p0 s9, $0x3  }
0x48: {  	[hbm:s10], [sflag:s8] =	dma.local @!p0 [spmem:s9], $0x100  }
0x49: {  	s8 =	simm.s32 @!p0 $0x4  }
0x4a: {  	_ =	swait.ge @!p0 [sflag:s8], $0x100  }
0x4b: {  	s26 =	rddreg [dreg:$0x4]  }
0x4c: {  	s28 =	rddreg [dreg:$0x16];
	s9 =	sadd.s32 $0x1, s26  }
0x4d: {  	p1 =	sne.s32 s9, s28  }
.Ltmp1:
0x4e: {  	_ = 	snop;
	(pc) =	sbr.rel @!p1 .LBB2_18-.Ltmp1, $3  }
0x4f: {  	_ =	sdelay $0x1  }
0x50: {  	[sflag:s8] =	ssyncset.done @!p0 $0x0  }
0x51: {  	[sflag:s8] =	ssyncadd.s32 @!p0 $0xFFFFFF00;
	[dreg:$0x4] =	wrdreg s9  }
.LBB2_1:
0x52: {  	s8 =	simm.s32 $0x0;
	s9 =	simm.s32 $0x200  }
.LBB2_2:
0x53: {  	p1 =	sne.s32 s9, $0x9E00;
	[tilespmem:s8+$0x7970] =	vst v0  }
0x54: {  	[tilespmem:s8+$0x7900] =	vst v0  }
0x55: {  	[tilespmem:s8+$0x7910] =	vst v0  }
.Ltmp2:
0x56: {  	[tilespmem:s8+$0x7920] =	vst v0;
	(pc) =	sbr.rel @p1 .LBB2_2-.Ltmp2, $4  }
0x57: {  	[tilespmem:s8+$0x7930] =	vst v0  }
0x58: {  	[tilespmem:s8+$0x7940] =	vst v0  }
0x59: {  	[tilespmem:s8+$0x7950] =	vst v0  }
0x5a: {  	[tilespmem:s8+$0x7960] =	vst v0;
	s8 =	sshra.s32 s9, $0x2;
	s9 =	sadd.s32 $0x200, s9  }
0x5b: {  	[tilespmem:s8+$0x7970] =	vst v0  }
0x5c: {  	[tilespmem:s8+$0x7900] =	vst v0  }
0x5d: {  	[tilespmem:s8+$0x7910] =	vst v0  }
0x5e: {  	[tilespmem:s8+$0x7920] =	vst v0  }
0x5f: {  	[tilespmem:s8+$0x7930] =	vst v0  }
0x60: {  	[tilespmem:s8+$0x7940] =	vst v0  }
0x61: {  	[tilespmem:s8+$0x7950] =	vst v0  }
0x62: {  	[tilespmem:s8+$0x7960] =	vst v0;
	s9 =	rddreg [dreg:$0xd]  }
0x63: {  	[spmem:s9] =	stream.linear.scatter [tilespmem:s29], [sflag:$0x4], $0x2800, $0x38;
	[tilespmem:$0x1E000] =	vst v63  }
0x64: {  	_ =	swait.ge [sflag:s30], $0x2800  }
0x65: {  	[sflag:s30] =	ssyncset.done $0x0  }
0x66: {  	s10 =	rddreg [dreg:$0xe];
	[sflag:s30] =	ssyncadd.s32 $0xFFFFD800  }
0x67: {  	[spmem:s10] =	stream.linear.scatter [tilespmem:s29], [sflag:$0x4], $0x2800, $0x38;
	[tilespmem:$0x1E000] =	vst v63  }
0x68: {  	_ =	swait.ge [sflag:s30], $0x2800  }
0x69: {  	[sflag:s30] =	ssyncset.done $0x0  }
0x6a: {  	s11 =	rddreg [dreg:$0xf];
	[sflag:s30] =	ssyncadd.s32 $0xFFFFD800  }
0x6b: {  	[spmem:s11] =	stream.linear.scatter [tilespmem:s29], [sflag:$0x4], $0x2800, $0x38;
	[tilespmem:$0x1E000] =	vst v63  }
0x6c: {  	_ =	swait.ge [sflag:s30], $0x2800  }
0x6d: {  	[sflag:s30] =	ssyncset.done $0x0  }
0x6e: {  	s12 =	rddreg [dreg:$0x10];
	[sflag:s30] =	ssyncadd.s32 $0xFFFFD800  }
0x6f: {  	[spmem:s12] =	stream.linear.scatter [tilespmem:s29], [sflag:$0x4], $0x2800, $0x38;
	[tilespmem:$0x1E000] =	vst v63  }
0x70: {  	_ =	swait.ge [sflag:s30], $0x2800  }
0x71: {  	[sflag:s30] =	ssyncset.done $0x0  }
0x72: {  	s22 =	rddreg [dreg:$0x11];
	[sflag:s30] =	ssyncadd.s32 $0xFFFFD800  }
0x73: {  	[spmem:s22] =	stream.linear.scatter [tilespmem:s29], [sflag:$0x4], $0x2800, $0x38;
	[tilespmem:$0x1E000] =	vst v63  }
0x74: {  	_ =	swait.ge [sflag:s30], $0x2800  }
0x75: {  	[sflag:s30] =	ssyncset.done $0x0  }
0x76: {  	s25 =	rddreg [dreg:$0x12];
	[sflag:s30] =	ssyncadd.s32 $0xFFFFD800  }
0x77: {  	[spmem:s25] =	stream.linear.scatter [tilespmem:s29], [sflag:$0x4], $0x2800, $0x38;
	[tilespmem:$0x1E000] =	vst v63  }
0x78: {  	_ =	swait.ge [sflag:s30], $0x2800  }
0x79: {  	[sflag:s30] =	ssyncset.done $0x0  }
0x7a: {  	s26 =	rddreg [dreg:$0x13];
	[sflag:s30] =	ssyncadd.s32 $0xFFFFD800  }
0x7b: {  	[spmem:s26] =	stream.linear.scatter [tilespmem:s29], [sflag:$0x4], $0x2800, $0x38;
	[tilespmem:$0x1E000] =	vst v63  }
0x7c: {  	_ =	swait.ge [sflag:s30], $0x2800  }
0x7d: {  	[sflag:s30] =	ssyncset.done $0x0  }
0x7e: {  	s28 =	rddreg [dreg:$0x14];
	[sflag:s30] =	ssyncadd.s32 $0xFFFFD800  }
0x7f: {  	[spmem:s28] =	stream.linear.scatter [tilespmem:s29], [sflag:$0x4], $0x2000, $0x38;
	[tilespmem:$0x1E000] =	vst v63  }
0x80: {  	_ =	swait.ge [sflag:s30], $0x2000  }
0x81: {  	[sflag:s30] =	ssyncset.done $0x0  }
0x82: {  	s8 =	simm.s32 @!p0 $0x7900;
	s9 =	rddreg [dreg:$0x17];
	[sflag:s30] =	ssyncadd.s32 $0xFFFFE000  }
0x83: {  	[spmem:s9] =	stream.linear.scatter @!p0 [tilespmem:s8], [sflag:$0x4], $0x800, $0x38;
	[tilespmem:$0x1E000] =	vst v63  }
0x84: {  	s8 =	simm.s32 @!p0 $0x4  }
.Ltmp3:
0x85: {  	_ =	swait.ge @!p0 [sflag:s8], $0x800;
	(pc) =	sbr.rel .LBB2_4-.Ltmp3, $4  }
0x86: {  	[sflag:s8] =	ssyncset.done @!p0 $0x0  }
0x87: {  	[sflag:s8] =	ssyncadd.s32 @!p0 $0xFFFFF800  }
0x88: {  	[bflag:$0x0] =	sbarrier.arrive $0xFFFF  }
0x89: {  	s9 =	simm.s32 $0x0;
	s8 =	simm.s32 $0x0  }
.LBB2_16:
0x8a: {  	_ =	swait.ge [sflag:s7], $0x800  }
0x8b: {  	[sflag:s7] =	ssyncset.done $0x0  }
0x8c: {  	[sflag:s7] =	ssyncadd.s32 $0xFFFFF800  }
0x8d: {  	_ =	swait.ge [sflag:s7], $0x800  }
0x8e: {  	[sflag:s7] =	ssyncset.done $0x0  }
0x8f: {  	[sflag:s7] =	ssyncadd.s32 $0xFFFFF800  }
0x90: {  	_ =	swait.ge [sflag:s7], $0x800  }
0x91: {  	[sflag:s7] =	ssyncset.done $0x0  }
0x92: {  	s9 =	sadd.s32 $0x1, s9;
	[sflag:s7] =	ssyncadd.s32 $0xFFFFF800  }
0x93: {  	p1 =	sne.s32 s9, $0x7D;
	_ =	swait.ge [sflag:s7], $0x800  }
.Ltmp4:
0x94: {  	[sflag:s7] =	ssyncset.done $0x0;
	(pc) =	sbr.rel @!p1 .LBB2_17-.Ltmp4, $4  }
0x95: {  	[sflag:s7] =	ssyncadd.s32 $0xFFFFF800  }
0x96: {  	_ =	swait.ge [sflag:s7], $0x800  }
0x97: {  	[sflag:s7] =	ssyncset.done $0x0  }
0x98: {  	[sflag:s7] =	ssyncadd.s32 $0xFFFFF800  }
.LBB2_4:
0x99: {  	s10 =	smul.u32 $0x50, s9;
	_ =	sdelay $0x1  }
0x9a: {  	s10 =	sadd.s32 s24, s10  }
0x9b: {  	s10 =	sshrl.u32 s10, $0x3  }
0x9c: {  	s11 =	sadd.s32 s15, s10  }
0x9d: {  	[tilespmem:s8], [sflag:$0x4] =	stream.linear.gather [hbm4b:s11+s8], $0x50, $0x38;
	[tilespmem:$0x1E000] =	vst v63  }
0x9e: {  	_ =	swait.ge [sflag:s30], $0x50  }
0x9f: {  	[sflag:s30] =	ssyncset.done $0x0  }
0xa0: {  	[sflag:s30] =	ssyncadd.s32 $0xFFFFFFB0  }
0xa1: {  	s22 =	rddreg [dreg:$0x1]  }
0xa2: {  	s25 =	simm.s32 $0x80;
	s10 =	sadd.s32 s22, s10  }
0xa3: {  	[tilespmem:s25], [sflag:$0x4] =	stream.linear.gather [hbm4b:s10+s8], $0x50, $0x38;
	[tilespmem:$0x1E000] =	vst v63  }
0xa4: {  	_ =	swait.ge [sflag:s30], $0x50  }
0xa5: {  	[sflag:s30] =	ssyncset.done $0x0  }
0xa6: {  	s26 =	simm.s32 $0x50;
	s28 =	simm.s32 $0x100;
	[sflag:s30] =	ssyncadd.s32 $0xFFFFFFB0  }
0xa7: {  	[tilespmem:s28], [sflag:$0x1] =	stream.indirect.gather [hbm4b:s13+s26], $0x80, s8, s26, $0xb8;
	[tilespmem:$0x1E000] =	vst v63  }
0xa8: {  	v11 =	vld [tilespmem:$0x80];
	_ =	sdelay $0x4  }
0xa9: {  	v12 =	vshll.u32 v11, $0x1  }
0xaa: {  	v11 =	vand.u32 $0x7, v11;
	v12 =	vand.u32 $0xFFFFFFF0, v12  }
0xab: {  	v11 =	vor.u32 v11, v12  }
0xac: {  	v12 =	vperm.xlane v11, v2;
	_ =	sdelay $0x1  }
0xad: {  	v11 =	vperm.xlane v11, v4;
	v12 =	vadd.s32 v3, v12;
	_ =	sdelay $0x1  }
0xae: {  	v11 =	vadd.s32 v3, v11;
	_ =	sdelay $0x1  }
0xaf: {  	s12 =	simm.s32 $0x2900  }
0xb0: {  	[tilespmem:s12], [sflag:$0x2] =	stream.indirect_vreg.gather [hbm4b:s14+s8], $0x80, v12, vm0, $0xb8;
	[tilespmem:$0x1E000] =	vst v63  }
0xb1: {  	s22 =	simm.s32 $0x3100  }
0xb2: {  	[tilespmem:s22], [sflag:$0x2] =	stream.indirect_vreg.gather [hbm4b:s14+s8], $0x80, v11, vm0, $0xb8;
	[tilespmem:$0x1E000] =	vst v63  }
0xb3: {  	v11 =	vld [tilespmem:$0x90];
	_ =	sdelay $0x4  }
0xb4: {  	v52 =	vshll.u32 v11, $0x1  }
0xb5: {  	v11 =	vand.u32 $0x7, v11;
	v12 =	vand.u32 $0xFFFFFFF0, v52  }
0xb6: {  	v11 =	vor.u32 v11, v12  }
0xb7: {  	v12 =	vperm.xlane v11, v2;
	_ =	sdelay $0x1  }
0xb8: {  	v11 =	vperm.xlane v11, v4;
	v12 =	vadd.s32 v3, v12;
	_ =	sdelay $0x1  }
0xb9: {  	v11 =	vadd.s32 v3, v11;
	_ =	sdelay $0x1  }
0xba: {  	s25 =	simm.s32 $0x3900  }
0xbb: {  	[tilespmem:s25], [sflag:$0x2] =	stream.indirect_vreg.gather [hbm4b:s14+s8], $0x80, v12, vm0, $0xb8;
	[tilespmem:$0x1E000] =	vst v63  }
0xbc: {  	s26 =	simm.s32 $0x4100  }
0xbd: {  	[tilespmem:s26], [sflag:$0x2] =	stream.indirect_vreg.gather [hbm4b:s14+s8], $0x80, v11, vm0, $0xb8;
	[tilespmem:$0x1E000] =	vst v63  }
0xbe: {  	v11 =	vld [tilespmem:$0xA0];
	_ =	sdelay $0x4  }
0xbf: {  	v53 =	vshll.u32 v11, $0x1  }
0xc0: {  	v11 =	vand.u32 $0x7, v11;
	v12 =	vand.u32 $0xFFFFFFF0, v53  }
0xc1: {  	v11 =	vor.u32 v11, v12  }
0xc2: {  	v12 =	vperm.xlane v11, v2;
	_ =	sdelay $0x1  }
0xc3: {  	v11 =	vperm.xlane v11, v4;
	v12 =	vadd.s32 v3, v12;
	_ =	sdelay $0x1  }
0xc4: {  	v11 =	vadd.s32 v3, v11;
	_ =	sdelay $0x1  }
0xc5: {  	s28 =	simm.s32 $0x4900  }
0xc6: {  	[tilespmem:s28], [sflag:$0x2] =	stream.indirect_vreg.gather [hbm4b:s14+s8], $0x80, v12, vm0, $0xb8;
	[tilespmem:$0x1E000] =	vst v63  }
0xc7: {  	s11 =	simm.s32 $0x5100  }
0xc8: {  	[tilespmem:s11], [sflag:$0x2] =	stream.indirect_vreg.gather [hbm4b:s14+s8], $0x80, v11, vm0, $0xb8;
	[tilespmem:$0x1E000] =	vst v63  }
0xc9: {  	v11 =	vld [tilespmem:$0xB0];
	_ =	sdelay $0x4  }
0xca: {  	v54 =	vshll.u32 v11, $0x1  }
0xcb: {  	v11 =	vand.u32 $0x7, v11;
	v12 =	vand.u32 $0xFFFFFFF0, v54  }
0xcc: {  	v11 =	vor.u32 v11, v12  }
0xcd: {  	v12 =	vperm.xlane v11, v2;
	_ =	sdelay $0x1  }
0xce: {  	v11 =	vperm.xlane v11, v4;
	v12 =	vadd.s32 v3, v12;
	_ =	sdelay $0x1  }
0xcf: {  	v11 =	vadd.s32 v3, v11;
	_ =	sdelay $0x1  }
0xd0: {  	s12 =	simm.s32 $0x5900  }
0xd1: {  	[tilespmem:s12], [sflag:$0x2] =	stream.indirect_vreg.gather [hbm4b:s14+s8], $0x80, v12, vm0, $0xb8;
	[tilespmem:$0x1E000] =	vst v63  }
0xd2: {  	s22 =	simm.s32 $0x6100  }
0xd3: {  	[tilespmem:s22], [sflag:$0x2] =	stream.indirect_vreg.gather [hbm4b:s14+s8], $0x80, v11, vm0, $0xb8;
	[tilespmem:$0x1E000] =	vst v63  }
0xd4: {  	v11 =	vld [tilespmem:$0xC0];
	_ =	sdelay $0x4  }
0xd5: {  	v55 =	vshll.u32 v11, $0x1  }
0xd6: {  	v11 =	vand.u32 $0x7, v11;
	v12 =	vand.u32 $0xFFFFFFF0, v55  }
0xd7: {  	v11 =	vor.u32 v11, v12  }
0xd8: {  	v12 =	vperm.xlane v11, v2;
	_ =	sdelay $0x1  }
0xd9: {  	v11 =	vperm.xlane v11, v4;
	v12 =	vadd.s32 v3, v12;
	_ =	sdelay $0x1  }
0xda: {  	v11 =	vadd.s32 v3, v11;
	_ =	sdelay $0x1  }
0xdb: {  	s25 =	simm.s32 $0x6900  }
0xdc: {  	[tilespmem:s25], [sflag:$0x2] =	stream.indirect_vreg.gather [hbm4b:s14+s8], $0x80, v12, vm0, $0xb8;
	[tilespmem:$0x1E000] =	vst v63  }
0xdd: {  	s26 =	simm.s32 $0x7100  }
0xde: {  	[tilespmem:s26], [sflag:$0x2] =	stream.indirect_vreg.gather [hbm4b:s14+s8], $0x80, v11, vm0, $0xb8;
	[tilespmem:$0x1E000] =	vst v63  }
0xdf: {  	_ =	swait.ge [sflag:s16], $0x2800  }
0xe0: {  	[sflag:s16] =	ssyncset.done $0x0  }
0xe1: {  	[sflag:s16] =	ssyncadd.s32 $0xFFFFD800  }
0xe2: {  	_ =	swait.ge [sflag:s17], $0x5000  }
0xe3: {  	[sflag:s17] =	ssyncset.done $0x0  }
0xe4: {  	s10 =	simm.s32 $0x130;
	[sflag:s17] =	ssyncadd.s32 $0xFFFFB000  }
0xe5: {  	s28 =	sand.u32 $0x7800, s8;
	s12 =	sand.u32 $0x380, s8;
	v11 =	vld [tilespmem:s10+$0xFFFFFFD0]  }
0xe6: {  	s12 =	sor.u32 s12, s28;
	v56 =	vld [tilespmem:s10+$0xFFFFFFE0]  }
0xe7: {  	v13 =	vld [tilespmem:s12+$0x2900]  }
0xe8: {  	v14 =	vld [tilespmem:s12+$0x2910]  }
0xe9: {  	v15 =	vld [tilespmem:s10+$0xFFFFFFF0]  }
0xea: {  	v16 =	vld [tilespmem:s12+$0x2920]  }
0xeb: {  	v17 =	vld [tilespmem:s10+$0x0]  }
0xec: {  	v18 =	vld [tilespmem:s12+$0x2930]  }
0xed: {  	v57 =	vld [tilespmem:s10+$0x10];
	v11 =	vmul.f32 v13, v11;
	v12 =	vmul.f32 v14, v56  }
0xee: {  	v58 =	vld [tilespmem:s12+$0x2940]  }
0xef: {  	v59 =	vld [tilespmem:s10+$0x20];
	v15 =	vmul.f32 v16, v15;
	v11 =	vadd.f32 v12, v11  }
0xf0: {  	v60 =	vld [tilespmem:s12+$0x2950]  }
0xf1: {  	v17 =	vmul.f32 v18, v17;
	v11 =	vadd.f32 v15, v11;
	_ =	sdelay $0x1  }
0xf2: {  	v13 =	vmul.f32 v58, v57;
	v11 =	vadd.f32 v17, v11;
	_ =	sdelay $0x1  }
0xf3: {  	v12 =	vmul.f32 v60, v59;
	v11 =	vadd.f32 v13, v11;
	_ =	sdelay $0x1  }
0xf4: {  	v11 =	vadd.f32 v12, v11;
	_ =	sdelay $0x1  }
0xf5: {  	[tilespmem:$0xA100] =	vst v11  }
0xf6: {  	v61 =	vld.idx.msk [tilespmem:v5+s18+$0x0], $0xffff;
	_ =	sdelay $0x4  }
0xf7: {  	v11 =	vadd.f32 v61, v11;
	_ =	sdelay $0x1  }
0xf8: {  	[tilespmem:$0xA100] =	vst v11  }
0xf9: {  	v62 =	vld.idx.msk [tilespmem:v6+s18+$0x0], $0xffff;
	_ =	sdelay $0x4  }
0xfa: {  	v11 =	vadd.f32 v62, v11;
	_ =	sdelay $0x1  }
0xfb: {  	v11 =	vmul.f32 $1.442695020e+00, v11;
	_ =	sdelay $0x1  }
0xfc: {  	(erf) = vpow2.f32 v11;
	_ =	sdelay $0x4  }
0xfd: {  	v11 =	vld [tilespmem:s12+$0x2960];
	_ =	sdelay $0x3  }
0xfe: {  	v63 =	vpop (erf)  }
0xff: {  	v11 =	vmul.f32 v63, v11  }
0x100: {  	s11 =	simm.s32 $0x7940  }
0x101: {  	[tilespmem:s11+$0xFFFFFFC0] =	vst v11  }
0x102: {  	v11 =	vld [tilespmem:s12+$0x2970];
	_ =	sdelay $0x4  }
0x103: {  	v11 =	vmul.f32 v63, v11;
	_ =	sdelay $0x1  }
0x104: {  	[tilespmem:s11+$0xFFFFFFD0] =	vst v11  }
0x105: {  	v11 =	vld [tilespmem:s12+$0x2D00];
	_ =	sdelay $0x4  }
0x106: {  	v11 =	vmul.f32 v11, v63;
	_ =	sdelay $0x1  }
0x107: {  	[tilespmem:s11+$0xFFFFFFE0] =	vst v11  }
0x108: {  	v11 =	vld [tilespmem:s12+$0x2D10];
	_ =	sdelay $0x4  }
0x109: {  	v11 =	vmul.f32 v11, v63;
	_ =	sdelay $0x1  }
0x10a: {  	[tilespmem:s11+$0xFFFFFFF0] =	vst v11  }
0x10b: {  	v11 =	vld [tilespmem:s12+$0x2D20];
	_ =	sdelay $0x4  }
0x10c: {  	v11 =	vmul.f32 v11, v63;
	_ =	sdelay $0x1  }
0x10d: {  	[tilespmem:s11+$0x0] =	vst v11  }
0x10e: {  	v11 =	vld [tilespmem:s12+$0x2D30];
	_ =	sdelay $0x3  }
0x10f: {  	[tilespmem:s11+$0x20] =	vst v63  }
0x110: {  	s25 =	simm.s32 $0x0;
	s26 =	simm.s32 $0x7940;
	s12 =	simm.s32 $0x80;
	[tilespmem:s11+$0x30] =	vst v0;
	v11 =	vmul.f32 v11, v63  }
.LBB2_5:
0x111: {  	s25 =	sadd.s32 $0x100, s25  }
0x112: {  	s10 =	sadd.s32 $0x80, s10;
	s11 =	sadd.s32 $0x80, s11;
	s22 =	smov.u32 s12  }
0x113: {  	p1 =	sne.s32 s12, $0x2780;
	s12 =	sadd.s32 $0x80, s12;
	[tilespmem:s26+$0x10] =	vst v11;
	s26 =	smov.u32 s11  }
0x114: {  	v11 =	vld [tilespmem:s10+$0xFFFFFFF0]  }
0x115: {  	s28 =	sand.u32 $0x7800, s25;
	s22 =	sand.u32 $0x380, s22;
	v12 =	vld [tilespmem:s10+$0xFFFFFFD0]  }
0x116: {  	s22 =	sor.u32 s22, s28;
	v13 =	vld [tilespmem:s10+$0xFFFFFFE0]  }
0x117: {  	v14 =	vld [tilespmem:s22+$0x2900]  }
0x118: {  	v15 =	vld [tilespmem:s22+$0x2910]  }
0x119: {  	v16 =	vld [tilespmem:s22+$0x2920]  }
0x11a: {  	v17 =	vld [tilespmem:s10+$0x0]  }
0x11b: {  	v18 =	vld [tilespmem:s22+$0x2930]  }
0x11c: {  	v12 =	vmul.f32 v14, v12;
	v14 =	vld [tilespmem:s10+$0x10]  }
0x11d: {  	v13 =	vmul.f32 v15, v13;
	v15 =	vld [tilespmem:s22+$0x2940]  }
0x11e: {  	v11 =	vmul.f32 v16, v11;
	v16 =	vld [tilespmem:s10+$0x20]  }
0x11f: {  	v12 =	vadd.f32 v13, v12;
	v13 =	vld [tilespmem:s22+$0x2950]  }
0x120: {  	v17 =	vmul.f32 v18, v17  }
0x121: {  	v11 =	vadd.f32 v11, v12  }
0x122: {  	v12 =	vmul.f32 v15, v14  }
0x123: {  	v11 =	vadd.f32 v17, v11  }
0x124: {  	v13 =	vmul.f32 v13, v16  }
0x125: {  	v11 =	vadd.f32 v12, v11;
	_ =	sdelay $0x1  }
0x126: {  	v11 =	vadd.f32 v13, v11;
	_ =	sdelay $0x1  }
0x127: {  	[tilespmem:$0xA100] =	vst v11  }
0x128: {  	v12 =	vld.idx.msk [tilespmem:v5+s18+$0x0], $0xffff;
	_ =	sdelay $0x5  }
0x129: {  	v11 =	vadd.f32 v12, v11;
	_ =	sdelay $0x1  }
0x12a: {  	[tilespmem:$0xA100] =	vst v11  }
0x12b: {  	v12 =	vld.idx.msk [tilespmem:v6+s18+$0x0], $0xffff;
	_ =	sdelay $0x5  }
0x12c: {  	v11 =	vadd.f32 v12, v11;
	_ =	sdelay $0x1  }
0x12d: {  	v11 =	vmul.f32 $1.442695020e+00, v11;
	_ =	sdelay $0x1  }
0x12e: {  	(erf) = vpow2.f32 v11;
	_ =	sdelay $0x3  }
0x12f: {  	v11 =	vld [tilespmem:s22+$0x2960];
	_ =	sdelay $0x4  }
0x130: {  	v12 =	vpop (erf)  }
0x131: {  	v11 =	vmul.f32 v12, v11;
	_ =	sdelay $0x1  }
0x132: {  	[tilespmem:s11+$0xFFFFFFC0] =	vst v11  }
0x133: {  	v11 =	vld [tilespmem:s22+$0x2970];
	_ =	sdelay $0x4  }
0x134: {  	v11 =	vmul.f32 v12, v11;
	_ =	sdelay $0x1  }
0x135: {  	[tilespmem:s11+$0xFFFFFFD0] =	vst v11  }
0x136: {  	v11 =	vld [tilespmem:s22+$0x2D00];
	_ =	sdelay $0x4  }
0x137: {  	v11 =	vmul.f32 v11, v12;
	_ =	sdelay $0x1  }
0x138: {  	[tilespmem:s11+$0xFFFFFFE0] =	vst v11  }
0x139: {  	v11 =	vld [tilespmem:s22+$0x2D10];
	_ =	sdelay $0x4  }
0x13a: {  	v11 =	vmul.f32 v11, v12;
	_ =	sdelay $0x1  }
0x13b: {  	[tilespmem:s11+$0xFFFFFFF0] =	vst v11  }
0x13c: {  	v11 =	vld [tilespmem:s22+$0x2D20];
	_ =	sdelay $0x4  }
0x13d: {  	v11 =	vmul.f32 v11, v12;
	_ =	sdelay $0x1  }
0x13e: {  	[tilespmem:s11+$0x0] =	vst v11  }
0x13f: {  	v11 =	vld [tilespmem:s22+$0x2D30]  }
.Ltmp5:
0x140: {  	[tilespmem:s11+$0x20] =	vst v12;
	(pc) =	sbr.rel @p1 .LBB2_5-.Ltmp5, $2  }
0x141: {  	[tilespmem:s11+$0x30] =	vst v0;
	_ =	sdelay $0x2  }
0x142: {  	v11 =	vmul.f32 v11, v12  }
0x143: {  	_ = 	snop  }
0x144: {  	[tilespmem:s26+$0x10] =	vst v11  }
0x145: {  	v11 =	vld [tilespmem:$0x0];
	_ =	sdelay $0x4  }
0x146: {  	v12 =	vxor.u32 $0x80000000, v11  }
0x147: {  	(xrf1) =	vsort.ascd.msk.u32 $0xffff, v12, v1;
	_ =	sdelay $0xd  }
0x148: {  	v13, v14, _ =	vpop (xrf1)  }
0x149: {  	v13 =	vxor.u32 $0x80000000, v13  }
0x14a: {  	[tilespmem:$0xA180] =	vst v13  }
0x14b: {  	v15 =	vld.idx.msk [tilespmem:v7+s19+$0x0], $0xffff;
	_ =	sdelay $0x4  }
0x14c: {  	vm2 =	veq.s32 v13, v15  }
0x14d: {  	vm2 =	vmand vm2, vm1  }
0x14e: {  	v13 =	vsel vm2, $0x1, v8  }
0x14f: {  	[tilespmem:v14+s20+$0x0] =	vst.idx.msk $0xffff, v13  }
0x150: {  	v13 =	vld [tilespmem:$0xA200];
	_ =	sdelay $0x4  }
0x151: {  	vm2 =	veq.s32 v13, $0x1  }
0x152: {  	v13 =	vsel vm2, $0x3F800000, v0  }
0x153: {  	(xrf0) =	vmax.scan.msk.f32 $0xffff, v13;
	_ =	sdelay $0x5  }
0x154: {  	v13, _, _ =	vpop (xrf0)  }
0x155: {  	(v2sf) =	vpush v13, $0xF;
	_ =	sdelay $0xe  }
0x156: {  	s28 =	spop (v2sf)  }
0x157: {  	p1 =	sgt.f32 s28, $0.0e+00  }
.Ltmp6:
0x158: {  	_ = 	snop;
	(pc) =	sbr.rel @!p1 .LBB2_8-.Ltmp6, $4  }
0x159: {  	_ = 	snop  }
0x15a: {  	v13 =	vsel vm2, v9, v11  }
0x15b: {  	s10 =	simm.s32 $0xA280;
	[tilespmem:$0xA280] =	vst v13  }
0x15c: {  	[spmem:s3] =	stream.indirect.scatter.add.f32 [tilespmem:s29], [sflag:$0x3], $0x80, s10, s21, $0xb8;
	[tilespmem:$0x1E000] =	vst v63  }
.LBB2_7:
0x15d: {  	v13 =	vsel vm2, v12, v10  }
0x15e: {  	(xrf1) =	vsort.ascd.msk.u32 $0xffff, v13, v1;
	_ =	sdelay $0xd  }
0x15f: {  	v13, v14, _ =	vpop (xrf1)  }
0x160: {  	v13 =	vxor.u32 $0x80000000, v13  }
0x161: {  	[tilespmem:$0xA180] =	vst v13  }
0x162: {  	v15 =	vld.idx.msk [tilespmem:v7+s19+$0x0], $0xffff;
	_ =	sdelay $0x4  }
0x163: {  	vm3 =	veq.s32 v13, v15  }
0x164: {  	vm3 =	vmand vm3, vm1  }
0x165: {  	v13 =	vsel vm3, $0x1, v8  }
0x166: {  	[tilespmem:v14+s20+$0x0] =	vst.idx.msk $0xffff, v13  }
0x167: {  	v13 =	vld [tilespmem:$0xA200];
	_ =	sdelay $0x4  }
0x168: {  	vm3 =	vne.s32 v13, $0x1  }
0x169: {  	vm3 =	vmand vm2, vm3  }
0x16a: {  	v14 =	vsel vm3, v11, v9  }
0x16b: {  	vm3 =	veq.s32 v13, $0x1;
	[tilespmem:$0xA680] =	vst v14  }
0x16c: {  	vm2 =	vmand vm2, vm3;
	[spmem:s3] =	stream.indirect.scatter.add.f32 [tilespmem:s29], [sflag:$0x4], $0x80, s23, s21, $0xb8;
	[tilespmem:$0x1E000] =	vst v63  }
0x16d: {  	v13 =	vsel vm2, $0x3F800000, v0;
	_ =	swait.ge [sflag:s30], $0x800  }
0x16e: {  	(xrf0) =	vmax.scan.msk.f32 $0xffff, v13;
	_ =	sdelay $0x5  }
0x16f: {  	v13, _, _ =	vpop (xrf0)  }
0x170: {  	(v2sf) =	vpush v13, $0xF;
	_ =	sdelay $0xe  }
0x171: {  	s10 =	spop (v2sf)  }
0x172: {  	p1 =	sgt.f32 s10, $0.0e+00  }
.Ltmp7:
0x173: {  	_ = 	snop;
	(pc) =	sbr.rel @p1 .LBB2_7-.Ltmp7, $3  }
0x174: {  	_ =	sdelay $0x1  }
0x175: {  	[sflag:s30] =	ssyncset.done $0x0  }
0x176: {  	[sflag:s30] =	ssyncadd.s32 $0xFFFFF800  }
.LBB2_8:
0x177: {  	v11 =	vld [tilespmem:$0x10];
	_ =	sdelay $0x4  }
0x178: {  	v12 =	vxor.u32 $0x80000000, v11  }
0x179: {  	(xrf1) =	vsort.ascd.msk.u32 $0xffff, v12, v1;
	_ =	sdelay $0xd  }
0x17a: {  	v13, v14, _ =	vpop (xrf1)  }
0x17b: {  	v13 =	vxor.u32 $0x80000000, v13  }
0x17c: {  	[tilespmem:$0xA180] =	vst v13  }
0x17d: {  	v15 =	vld.idx.msk [tilespmem:v7+s19+$0x0], $0xffff;
	_ =	sdelay $0x4  }
0x17e: {  	vm2 =	veq.s32 v13, v15  }
0x17f: {  	vm2 =	vmand vm2, vm1  }
0x180: {  	v13 =	vsel vm2, $0x1, v8  }
0x181: {  	[tilespmem:v14+s20+$0x0] =	vst.idx.msk $0xffff, v13  }
0x182: {  	v13 =	vld [tilespmem:$0xA200];
	_ =	sdelay $0x4  }
0x183: {  	vm2 =	veq.s32 v13, $0x1  }
0x184: {  	v13 =	vsel vm2, $0x3F800000, v0  }
0x185: {  	(xrf0) =	vmax.scan.msk.f32 $0xffff, v13;
	_ =	sdelay $0x5  }
0x186: {  	v13, _, _ =	vpop (xrf0)  }
0x187: {  	(v2sf) =	vpush v13, $0xF;
	_ =	sdelay $0xe  }
0x188: {  	s28 =	spop (v2sf)  }
0x189: {  	p1 =	sgt.f32 s28, $0.0e+00  }
.Ltmp8:
0x18a: {  	_ = 	snop;
	(pc) =	sbr.rel @!p1 .LBB2_10-.Ltmp8, $4  }
0x18b: {  	_ = 	snop  }
0x18c: {  	v13 =	vsel vm2, v9, v11  }
0x18d: {  	s10 =	simm.s32 $0xA300;
	[tilespmem:$0xA300] =	vst v13  }
0x18e: {  	[spmem:s3] =	stream.indirect.scatter.add.f32 [tilespmem:s4], [sflag:$0x3], $0x80, s10, s21, $0xb8;
	[tilespmem:$0x1E000] =	vst v63  }
.LBB2_9:
0x18f: {  	v13 =	vsel vm2, v12, v10  }
0x190: {  	(xrf1) =	vsort.ascd.msk.u32 $0xffff, v13, v1;
	_ =	sdelay $0xd  }
0x191: {  	v13, v14, _ =	vpop (xrf1)  }
0x192: {  	v13 =	vxor.u32 $0x80000000, v13  }
0x193: {  	[tilespmem:$0xA180] =	vst v13  }
0x194: {  	v15 =	vld.idx.msk [tilespmem:v7+s19+$0x0], $0xffff;
	_ =	sdelay $0x4  }
0x195: {  	vm3 =	veq.s32 v13, v15  }
0x196: {  	vm3 =	vmand vm3, vm1  }
0x197: {  	v13 =	vsel vm3, $0x1, v8  }
0x198: {  	[tilespmem:v14+s20+$0x0] =	vst.idx.msk $0xffff, v13  }
0x199: {  	v13 =	vld [tilespmem:$0xA200];
	_ =	sdelay $0x4  }
0x19a: {  	vm3 =	vne.s32 v13, $0x1  }
0x19b: {  	vm3 =	vmand vm2, vm3  }
0x19c: {  	v14 =	vsel vm3, v11, v9  }
0x19d: {  	vm3 =	veq.s32 v13, $0x1;
	[tilespmem:$0xA680] =	vst v14  }
0x19e: {  	vm2 =	vmand vm2, vm3;
	[spmem:s3] =	stream.indirect.scatter.add.f32 [tilespmem:s4], [sflag:$0x4], $0x80, s23, s21, $0xb8;
	[tilespmem:$0x1E000] =	vst v63  }
0x19f: {  	v13 =	vsel vm2, $0x3F800000, v0;
	_ =	swait.ge [sflag:s30], $0x800  }
0x1a0: {  	(xrf0) =	vmax.scan.msk.f32 $0xffff, v13;
	_ =	sdelay $0x5  }
0x1a1: {  	v13, _, _ =	vpop (xrf0)  }
0x1a2: {  	(v2sf) =	vpush v13, $0xF;
	_ =	sdelay $0xe  }
0x1a3: {  	s10 =	spop (v2sf)  }
0x1a4: {  	p1 =	sgt.f32 s10, $0.0e+00  }
.Ltmp9:
0x1a5: {  	_ = 	snop;
	(pc) =	sbr.rel @p1 .LBB2_9-.Ltmp9, $3  }
0x1a6: {  	_ =	sdelay $0x1  }
0x1a7: {  	[sflag:s30] =	ssyncset.done $0x0  }
0x1a8: {  	[sflag:s30] =	ssyncadd.s32 $0xFFFFF800  }
.LBB2_10:
0x1a9: {  	v11 =	vld [tilespmem:$0x20];
	_ =	sdelay $0x4  }
0x1aa: {  	v12 =	vxor.u32 $0x80000000, v11  }
0x1ab: {  	(xrf1) =	vsort.ascd.msk.u32 $0xffff, v12, v1;
	_ =	sdelay $0xd  }
0x1ac: {  	v13, v14, _ =	vpop (xrf1)  }
0x1ad: {  	v13 =	vxor.u32 $0x80000000, v13  }
0x1ae: {  	[tilespmem:$0xA180] =	vst v13  }
0x1af: {  	v15 =	vld.idx.msk [tilespmem:v7+s19+$0x0], $0xffff;
	_ =	sdelay $0x4  }
0x1b0: {  	vm2 =	veq.s32 v13, v15  }
0x1b1: {  	vm2 =	vmand vm2, vm1  }
0x1b2: {  	v13 =	vsel vm2, $0x1, v8  }
0x1b3: {  	[tilespmem:v14+s20+$0x0] =	vst.idx.msk $0xffff, v13  }
0x1b4: {  	v13 =	vld [tilespmem:$0xA200];
	_ =	sdelay $0x4  }
0x1b5: {  	vm2 =	veq.s32 v13, $0x1  }
0x1b6: {  	v13 =	vsel vm2, $0x3F800000, v0  }
0x1b7: {  	(xrf0) =	vmax.scan.msk.f32 $0xffff, v13;
	_ =	sdelay $0x5  }
0x1b8: {  	v13, _, _ =	vpop (xrf0)  }
0x1b9: {  	(v2sf) =	vpush v13, $0xF;
	_ =	sdelay $0xe  }
0x1ba: {  	s10 =	spop (v2sf)  }
0x1bb: {  	p1 =	sgt.f32 s10, $0.0e+00  }
.Ltmp10:
0x1bc: {  	_ = 	snop;
	(pc) =	sbr.rel @!p1 .LBB2_12-.Ltmp10, $4  }
0x1bd: {  	_ = 	snop  }
0x1be: {  	v13 =	vsel vm2, v9, v11  }
0x1bf: {  	[tilespmem:$0xA380] =	vst v13  }
0x1c0: {  	[spmem:s3] =	stream.indirect.scatter.add.f32 [tilespmem:s31], [sflag:$0x3], $0x80, s1, s21, $0xb8;
	[tilespmem:$0x1E000] =	vst v63  }
.LBB2_11:
0x1c1: {  	v13 =	vsel vm2, v12, v10  }
0x1c2: {  	(xrf1) =	vsort.ascd.msk.u32 $0xffff, v13, v1;
	_ =	sdelay $0xd  }
0x1c3: {  	v13, v14, _ =	vpop (xrf1)  }
0x1c4: {  	v13 =	vxor.u32 $0x80000000, v13  }
0x1c5: {  	[tilespmem:$0xA180] =	vst v13  }
0x1c6: {  	v15 =	vld.idx.msk [tilespmem:v7+s19+$0x0], $0xffff;
	_ =	sdelay $0x4  }
0x1c7: {  	vm3 =	veq.s32 v13, v15  }
0x1c8: {  	vm3 =	vmand vm3, vm1  }
0x1c9: {  	v13 =	vsel vm3, $0x1, v8  }
0x1ca: {  	[tilespmem:v14+s20+$0x0] =	vst.idx.msk $0xffff, v13  }
0x1cb: {  	v13 =	vld [tilespmem:$0xA200];
	_ =	sdelay $0x4  }
0x1cc: {  	vm3 =	vne.s32 v13, $0x1  }
0x1cd: {  	vm3 =	vmand vm2, vm3  }
0x1ce: {  	v14 =	vsel vm3, v11, v9  }
0x1cf: {  	vm3 =	veq.s32 v13, $0x1;
	[tilespmem:$0xA680] =	vst v14  }
0x1d0: {  	vm2 =	vmand vm2, vm3;
	[spmem:s3] =	stream.indirect.scatter.add.f32 [tilespmem:s31], [sflag:$0x4], $0x80, s23, s21, $0xb8;
	[tilespmem:$0x1E000] =	vst v63  }
0x1d1: {  	v13 =	vsel vm2, $0x3F800000, v0;
	_ =	swait.ge [sflag:s30], $0x800  }
0x1d2: {  	(xrf0) =	vmax.scan.msk.f32 $0xffff, v13;
	_ =	sdelay $0x5  }
0x1d3: {  	v13, _, _ =	vpop (xrf0)  }
0x1d4: {  	(v2sf) =	vpush v13, $0xF;
	_ =	sdelay $0xe  }
0x1d5: {  	s10 =	spop (v2sf)  }
0x1d6: {  	p1 =	sgt.f32 s10, $0.0e+00  }
.Ltmp11:
0x1d7: {  	_ = 	snop;
	(pc) =	sbr.rel @p1 .LBB2_11-.Ltmp11, $3  }
0x1d8: {  	_ =	sdelay $0x1  }
0x1d9: {  	[sflag:s30] =	ssyncset.done $0x0  }
0x1da: {  	[sflag:s30] =	ssyncadd.s32 $0xFFFFF800  }
.LBB2_12:
0x1db: {  	v11 =	vld [tilespmem:$0x30];
	_ =	sdelay $0x4  }
0x1dc: {  	v12 =	vxor.u32 $0x80000000, v11  }
0x1dd: {  	(xrf1) =	vsort.ascd.msk.u32 $0xffff, v12, v1;
	_ =	sdelay $0xd  }
0x1de: {  	v13, v14, _ =	vpop (xrf1)  }
0x1df: {  	v13 =	vxor.u32 $0x80000000, v13  }
0x1e0: {  	[tilespmem:$0xA180] =	vst v13  }
0x1e1: {  	v15 =	vld.idx.msk [tilespmem:v7+s19+$0x0], $0xffff;
	_ =	sdelay $0x4  }
0x1e2: {  	vm2 =	veq.s32 v13, v15  }
0x1e3: {  	vm2 =	vmand vm2, vm1  }
0x1e4: {  	v13 =	vsel vm2, $0x1, v8  }
0x1e5: {  	[tilespmem:v14+s20+$0x0] =	vst.idx.msk $0xffff, v13  }
0x1e6: {  	v13 =	vld [tilespmem:$0xA200];
	_ =	sdelay $0x4  }
0x1e7: {  	vm2 =	veq.s32 v13, $0x1  }
0x1e8: {  	v13 =	vsel vm2, $0x3F800000, v0  }
0x1e9: {  	(xrf0) =	vmax.scan.msk.f32 $0xffff, v13;
	_ =	sdelay $0x5  }
0x1ea: {  	v13, _, _ =	vpop (xrf0)  }
0x1eb: {  	(v2sf) =	vpush v13, $0xF;
	_ =	sdelay $0xe  }
0x1ec: {  	s10 =	spop (v2sf)  }
0x1ed: {  	p1 =	sgt.f32 s10, $0.0e+00  }
.Ltmp12:
0x1ee: {  	_ = 	snop;
	(pc) =	sbr.rel @!p1 .LBB2_14-.Ltmp12, $4  }
0x1ef: {  	_ = 	snop  }
0x1f0: {  	v13 =	vsel vm2, v9, v11  }
0x1f1: {  	[tilespmem:$0xA400] =	vst v13  }
0x1f2: {  	[spmem:s3] =	stream.indirect.scatter.add.f32 [tilespmem:s2], [sflag:$0x3], $0x80, s0, s21, $0xb8;
	[tilespmem:$0x1E000] =	vst v63  }
.LBB2_13:
0x1f3: {  	v13 =	vsel vm2, v12, v10  }
0x1f4: {  	(xrf1) =	vsort.ascd.msk.u32 $0xffff, v13, v1;
	_ =	sdelay $0xd  }
0x1f5: {  	v13, v14, _ =	vpop (xrf1)  }
0x1f6: {  	v13 =	vxor.u32 $0x80000000, v13  }
0x1f7: {  	[tilespmem:$0xA180] =	vst v13  }
0x1f8: {  	v15 =	vld.idx.msk [tilespmem:v7+s19+$0x0], $0xffff;
	_ =	sdelay $0x4  }
0x1f9: {  	vm3 =	veq.s32 v13, v15  }
0x1fa: {  	vm3 =	vmand vm3, vm1  }
0x1fb: {  	v13 =	vsel vm3, $0x1, v8  }
0x1fc: {  	[tilespmem:v14+s20+$0x0] =	vst.idx.msk $0xffff, v13  }
0x1fd: {  	v13 =	vld [tilespmem:$0xA200];
	_ =	sdelay $0x4  }
0x1fe: {  	vm3 =	vne.s32 v13, $0x1  }
0x1ff: {  	vm3 =	vmand vm2, vm3  }
0x200: {  	v14 =	vsel vm3, v11, v9  }
0x201: {  	vm3 =	veq.s32 v13, $0x1;
	[tilespmem:$0xA680] =	vst v14  }
0x202: {  	vm2 =	vmand vm2, vm3;
	[spmem:s3] =	stream.indirect.scatter.add.f32 [tilespmem:s2], [sflag:$0x4], $0x80, s23, s21, $0xb8;
	[tilespmem:$0x1E000] =	vst v63  }
0x203: {  	v13 =	vsel vm2, $0x3F800000, v0;
	_ =	swait.ge [sflag:s30], $0x800  }
0x204: {  	(xrf0) =	vmax.scan.msk.f32 $0xffff, v13;
	_ =	sdelay $0x5  }
0x205: {  	v13, _, _ =	vpop (xrf0)  }
0x206: {  	(v2sf) =	vpush v13, $0xF;
	_ =	sdelay $0xe  }
0x207: {  	s10 =	spop (v2sf)  }
0x208: {  	p1 =	sgt.f32 s10, $0.0e+00  }
.Ltmp13:
0x209: {  	_ = 	snop;
	(pc) =	sbr.rel @p1 .LBB2_13-.Ltmp13, $3  }
0x20a: {  	_ =	sdelay $0x1  }
0x20b: {  	[sflag:s30] =	ssyncset.done $0x0  }
0x20c: {  	[sflag:s30] =	ssyncadd.s32 $0xFFFFF800  }
.LBB2_14:
0x20d: {  	v11 =	vld [tilespmem:$0x40];
	_ =	sdelay $0x4  }
0x20e: {  	v12 =	vxor.u32 $0x80000000, v11  }
0x20f: {  	(xrf1) =	vsort.ascd.msk.u32 $0xffff, v12, v1;
	_ =	sdelay $0xd  }
0x210: {  	v13, v14, _ =	vpop (xrf1)  }
0x211: {  	v13 =	vxor.u32 $0x80000000, v13  }
0x212: {  	[tilespmem:$0xA180] =	vst v13  }
0x213: {  	v15 =	vld.idx.msk [tilespmem:v7+s19+$0x0], $0xffff;
	_ =	sdelay $0x4  }
0x214: {  	vm2 =	veq.s32 v13, v15  }
0x215: {  	vm2 =	vmand vm2, vm1  }
0x216: {  	v13 =	vsel vm2, $0x1, v8  }
0x217: {  	[tilespmem:v14+s20+$0x0] =	vst.idx.msk $0xffff, v13  }
0x218: {  	v13 =	vld [tilespmem:$0xA200];
	_ =	sdelay $0x4  }
0x219: {  	vm2 =	veq.s32 v13, $0x1  }
0x21a: {  	v13 =	vsel vm2, $0x3F800000, v0  }
0x21b: {  	(xrf0) =	vmax.scan.msk.f32 $0xffff, v13;
	_ =	sdelay $0x5  }
0x21c: {  	v13, _, _ =	vpop (xrf0)  }
0x21d: {  	(v2sf) =	vpush v13, $0xF;
	_ =	sdelay $0xe  }
0x21e: {  	s10 =	spop (v2sf)  }
0x21f: {  	p1 =	sgt.f32 s10, $0.0e+00  }
.Ltmp14:
0x220: {  	_ = 	snop;
	(pc) =	sbr.rel @!p1 .LBB2_16-.Ltmp14, $4  }
0x221: {  	_ = 	snop  }
0x222: {  	v13 =	vsel vm2, v9, v11  }
0x223: {  	[tilespmem:$0xA480] =	vst v13  }
0x224: {  	[spmem:s3] =	stream.indirect.scatter.add.f32 [tilespmem:s6], [sflag:$0x3], $0x80, s5, s21, $0xb8;
	[tilespmem:$0x1E000] =	vst v63  }
.LBB2_15:
0x225: {  	v13 =	vsel vm2, v12, v10  }
0x226: {  	(xrf1) =	vsort.ascd.msk.u32 $0xffff, v13, v1;
	_ =	sdelay $0xd  }
0x227: {  	v13, v14, _ =	vpop (xrf1)  }
0x228: {  	v13 =	vxor.u32 $0x80000000, v13  }
0x229: {  	[tilespmem:$0xA180] =	vst v13  }
0x22a: {  	v15 =	vld.idx.msk [tilespmem:v7+s19+$0x0], $0xffff;
	_ =	sdelay $0x4  }
0x22b: {  	vm3 =	veq.s32 v13, v15  }
0x22c: {  	vm3 =	vmand vm3, vm1  }
0x22d: {  	v13 =	vsel vm3, $0x1, v8  }
0x22e: {  	[tilespmem:v14+s20+$0x0] =	vst.idx.msk $0xffff, v13  }
0x22f: {  	v13 =	vld [tilespmem:$0xA200];
	_ =	sdelay $0x4  }
0x230: {  	vm3 =	vne.s32 v13, $0x1  }
0x231: {  	vm3 =	vmand vm2, vm3  }
0x232: {  	v14 =	vsel vm3, v11, v9  }
0x233: {  	vm3 =	veq.s32 v13, $0x1;
	[tilespmem:$0xA680] =	vst v14  }
0x234: {  	vm2 =	vmand vm2, vm3;
	[spmem:s3] =	stream.indirect.scatter.add.f32 [tilespmem:s6], [sflag:$0x4], $0x80, s23, s21, $0xb8;
	[tilespmem:$0x1E000] =	vst v63  }
0x235: {  	v13 =	vsel vm2, $0x3F800000, v0;
	_ =	swait.ge [sflag:s30], $0x800  }
0x236: {  	(xrf0) =	vmax.scan.msk.f32 $0xffff, v13;
	_ =	sdelay $0x5  }
0x237: {  	v13, _, _ =	vpop (xrf0)  }
0x238: {  	(v2sf) =	vpush v13, $0xF;
	_ =	sdelay $0xe  }
0x239: {  	s10 =	spop (v2sf)  }
0x23a: {  	p1 =	sgt.f32 s10, $0.0e+00  }
.Ltmp15:
0x23b: {  	_ = 	snop;
	(pc) =	sbr.rel @p1 .LBB2_15-.Ltmp15, $3  }
0x23c: {  	_ =	sdelay $0x1  }
0x23d: {  	[sflag:s30] =	ssyncset.done $0x0  }
0x23e: {  	[sflag:s30] =	ssyncadd.s32 $0xFFFFF800  }
.Ltmp16:
0x23f: {  	_ = 	snop;
	(pc) =	sbr.rel .LBB2_16-.Ltmp16, $1  }
0x240: {  	_ =	sdelay $0x3  }
.LBB2_18:
0x241: {  	_ =	sfence.sel $0x180000  }
0x242: {  	[bflag:$0x0] =	sbarrier.arrive $0xFFFF  }
0x243: {  	_ =	strace $0x90000047  }
0x244: {  	s0 =	stileid.u32;
	[bflag:$0x2] =	sbarrier.arrive $0xFFFF  }
0x245: {  	p0 =	sne.s32 s0, $0x0;
	s0 =	rddreg [dreg:$0x3]  }
0x246: {  	s0 =	sadd.s32 @!p0 $0x100000, s0  }
0x247: {  	[sflag:s0] =	ssyncadd.tile.s32 @!p0 $0x1;
	_ =	shalt  }
.Lfunc_end2:
_tile_overlayer_lowered:
.L_overlay_start_2:
0x248: {  	(tag) =	ssettag $0x2  }
0x249: {  	s0 =	rddreg [dreg:$0x0];
	s2 =	stileid.u32  }
0x24a: {  	s1 =	rddreg [dreg:$0x1];
	p0 =	sne.s32 s2, $0x0  }
0x24b: {  	s3 =	rddreg [dreg:$0x2];
	[bflag:$0x3] =	sbarrier.arrive $0xFFFF;
	s2 =	simm.s32 @!p0 $0x1C04  }
0x24c: {  	[timem:s3], [sflag:s2] =	dma.local @!p0 [hbm:s0], s1  }
0x24d: {  	s0 =	simm.s32 @!p0 $0x4  }
0x24e: {  	_ =	swait.ge @!p0 [sflag:s0], s1  }
0x24f: {  	s1 =	ssub.s32 @!p0 $0x0, s1;
	[sflag:s0] =	ssyncset.done @!p0 $0x0  }
0x250: {  	[sflag:s0] =	ssyncadd.s32 @!p0 s1  }
0x251: {  	[bflag:$0x3] =	sbarrier.arrive $0xFFFF  }
0x252: {  	_ =	shalt  }

</sc_bundles>
